<compile_context>
chip_gen: v7x
topology: tpu7x:2x2x1
jax: 0.10.2.dev20260603
libtpu: 0.0.44.dev20260713+nightly
codegen_flags: <defaults>
</compile_context>

<pallas_src>
import functools

import jax
import jax.numpy as jnp
from jax import lax
from jax.experimental import pallas as pl
from jax.experimental.pallas import tpu as pltpu
from jax.experimental.pallas import tpu_sc as plsc

N = 10000
E = 320000
D = 128

NC = 2
NS = 16
BATCH = 64
NB_F = 160
NB_S = 160
NBUF = 4
H = 2
QROWS = 16
E_F = NS * NB_F * BATCH
E_PAD = NS * (NB_F + NB_S) * BATCH
ROWS_PER_TILE = 632
N_PAD = NS * ROWS_PER_TILE

_MESH = plsc.VectorSubcoreMesh(core_axis_name="c", subcore_axis_name="s")


@functools.partial(
    pl.kernel,
    mesh=_MESH,
    out_type=jax.ShapeDtypeStruct((NC, N_PAD, D), jnp.float32),
    scratch_types=[
        pltpu.VMEM((2, QROWS, BATCH), jnp.int32),
        pltpu.VMEM((2, QROWS, BATCH), jnp.int32),
        pltpu.VMEM((NBUF, BATCH, D), jnp.float32),
        pltpu.VMEM_SHARED((N_PAD, D), jnp.float32),
        pltpu.SemaphoreType.DMA((NBUF,)),
        pltpu.SemaphoreType.DMA((NBUF,)),
        pltpu.SemaphoreType.DMA,
    ],
)
def _sc_aggregate(srcf_hbm, dstf_hbm, srcs_hbm, dsts_hbm, feat_hbm,
                  zeros_hbm, out_hbm,
                  src_v, dst_v, rows_v, agg_sh, gsem, ssem, isem):
    c = lax.axis_index("c")
    s = lax.axis_index("s")
    rows = pl.ds(s * ROWS_PER_TILE, ROWS_PER_TILE)

    def pipe(src_hbm, dst_hbm, nb):
        nq = nb // QROWS
        rpc = nb // NBUF // nq

        def src_row(j):
            return src_v.at[(j // QROWS) % 2, j % QROWS]

        def dst_row(j):
            return dst_v.at[(j // QROWS) % 2, j % QROWS]

        def gather(j, b):
            return pltpu.make_async_copy(
                feat_hbm.at[src_row(j)], rows_v.at[b], gsem.at[b])

        def scatter(j, b):
            return pltpu.make_async_copy(
                rows_v.at[b], agg_sh.at[dst_row(j)], ssem.at[b])

        def load_chunk(q, slot):
            return (
                pltpu.make_async_copy(
                    src_hbm.at[s, pl.ds(q * QROWS, QROWS)], src_v.at[slot],
                    isem),
                pltpu.make_async_copy(
                    dst_hbm.at[s, pl.ds(q * QROWS, QROWS)], dst_v.at[slot],
                    isem),
            )

        for cp in load_chunk(0, 0):
            cp.start()
        for cp in load_chunk(0, 0):
            cp.wait()

        for t in range(NBUF):
            if t >= H:
                gather(t - H, t - H).wait()
                scatter(t - H, t - H).start(add=True)
            gather(t, t).start()

        def body(o, carry):
            nxt = o // rpc + 1

            @pl.when(jnp.logical_and(o % rpc == 1, nxt < nq))
            def _():
                for cp in load_chunk(nxt, nxt % 2):
                    cp.start()

            @pl.when(o % rpc == 0)
            def _():
                q = o // rpc
                for cp in load_chunk(q, q % 2):
                    cp.wait()

            for b in range(NBUF):
                t = o * NBUF + b
                b2 = (b - H) % NBUF
                gather(t - H, b2).wait()
                scatter(t - H, b2).start(add=True)
                scatter(t - NBUF, b).wait()
                gather(t, b).start()
            return carry

        lax.fori_loop(1, nb // NBUF, body, 0)
        for t in range(nb, nb + H):
            b2 = (t - H) % NBUF
            gather(t - H, b2).wait()
            scatter(t - H, b2).start(add=True)
            scatter(t - NBUF, t % NBUF).wait()
        for j in range(nb - H, nb):
            scatter(j, j % NBUF).wait()

    pltpu.sync_copy(zeros_hbm, agg_sh.at[rows])
    plsc.subcore_barrier()

    @pl.when(c == 0)
    def _():
        pipe(srcf_hbm, dstf_hbm, NB_F)

    @pl.when(c == 1)
    def _():
        pipe(srcs_hbm, dsts_hbm, NB_S)

    plsc.subcore_barrier()

    pltpu.sync_copy(agg_sh.at[rows], out_hbm.at[c, rows])


_BLK = 1000


def _linear_body(p_ref, wt_ref, b_ref, o_ref):
    acc = p_ref[0] + p_ref[1]
    y = jnp.dot(acc, wt_ref[...], preferred_element_type=jnp.float32)
    o_ref[...] = jnp.maximum(y + b_ref[...], 0.0)


_tc_linear = pl.pallas_call(
    _linear_body,
    grid=(N // _BLK,),
    in_specs=[
        pl.BlockSpec((NC, _BLK, D), lambda i: (0, i, 0)),
        pl.BlockSpec((D, D), lambda i: (0, 0)),
        pl.BlockSpec((1, D), lambda i: (0, 0)),
    ],
    out_specs=pl.BlockSpec((_BLK, D), lambda i: (i, 0)),
    out_shape=jax.ShapeDtypeStruct((N, D), jnp.float32),
)


def kernel(feature, edge_index, W, b):
    pad = E_PAD - E
    pad_src = jnp.arange(pad, dtype=jnp.int32) % N
    pad_dst = N + (jnp.arange(pad, dtype=jnp.int32) % (N_PAD - N))
    src = jnp.concatenate([edge_index[0], pad_src])
    dst = jnp.concatenate([edge_index[1], pad_dst])
    srcf = src[:E_F].reshape(NS, NB_F, BATCH)
    dstf = dst[:E_F].reshape(NS, NB_F, BATCH)
    srcs = src[E_F:].reshape(NS, NB_S, BATCH) + N
    dsts = dst[E_F:].reshape(NS, NB_S, BATCH)
    feat2 = jnp.concatenate([feature, feature])
    zeros = jnp.zeros((ROWS_PER_TILE, D), jnp.float32)
    partials = _sc_aggregate(srcf, dstf, srcs, dsts, feat2, zeros)
    return _tc_linear(partials, W.T, b.reshape(1, D))

# --- scband reference (transcript-rebuilt; emitter-appended) ---
"""Pipeline reference for scband-gcnlayer-40535901340214 (READ-ONLY COPY).

The authoritative reference and input builder live on the scoring server;
editing this copy changes nothing except your own understanding.
"""

import jax, jax.numpy as jnp
import numpy as np

N = 10000
E = 320000
D_IN = 128
D_OUT = 128


def setup_inputs(seed: int = 0) -> dict:
    key = jax.random.key(seed)
    k1, k2, k3, k4 = jax.random.split(key, 4)
    feature = jax.random.normal(k1, (N, D_IN), dtype=jnp.float32)
    edge_index = jax.random.randint(k2, (2, E), 0, N, dtype=jnp.int32)
    # nn.Linear(in_feats, out_feats): weight [out, in], bias [out]
    bound = 1.0 / np.sqrt(D_IN)
    W = jax.random.uniform(k3, (D_OUT, D_IN), dtype=jnp.float32, minval=-bound, maxval=bound)
    b = jax.random.uniform(k4, (D_OUT,), dtype=jnp.float32, minval=-bound, maxval=bound)
    return {"feature": feature, "edge_index": edge_index, "W": W, "b": b}


def reference(feature, edge_index, W, b):
    # DGL block full-graph semantics: num_dst_nodes == N
    src = edge_index[0]
    dst = edge_index[1]
    # gcn_message: m = src['h'] -> gather source features per edge
    msgs = jnp.take(feature, src, axis=0)
    # gcn_reduce: h = sum over mailbox -> scatter-add into dst nodes
    agg = jax.ops.segment_sum(msgs, dst, num_segments=feature.shape[0])
    # apply: h = relu(Linear(h))
    h = jax.nn.relu(agg @ W.T + b)
    # last=False -> return dst node features
    return h

if __name__ == "__main__":
    import jax
    _d = setup_inputs()
    print(jax.jit(kernel)(*tuple(_d.values())))

</pallas_src>

<mosaic_0001>
#map = affine_map<(d0, d1) -> (0, 0, 0)>
#map1 = affine_map<(d0, d1) -> (0, 0)>
module attributes {stable_mosaic.version = 14 : i64} {
  func.func @_sc_aggregate(%arg0: i32, %arg1: i32, %arg2: memref<16x160x64xi32, #tpu.memory_space<hbm>>, %arg3: memref<16x160x64xi32, #tpu.memory_space<hbm>>, %arg4: memref<16x160x64xi32, #tpu.memory_space<hbm>>, %arg5: memref<16x160x64xi32, #tpu.memory_space<hbm>>, %arg6: memref<20000x128xf32, #tpu.memory_space<hbm>>, %arg7: memref<632x128xf32, #tpu.memory_space<hbm>>, %arg8: memref<2x10112x128xf32, #tpu.memory_space<hbm>>, %arg9: memref<2x16x64xi32, #tpu.memory_space<vmem>>, %arg10: memref<2x16x64xi32, #tpu.memory_space<vmem>>, %arg11: memref<4x64x128xf32, #tpu.memory_space<vmem>>, %arg12: memref<10112x128xf32, #tpu.memory_space<vmem_shared>>, %arg13: memref<4x!tpu.dma_semaphore, #tpu.memory_space<semaphore_mem>>, %arg14: memref<4x!tpu.dma_semaphore, #tpu.memory_space<semaphore_mem>>, %arg15: memref<!tpu.dma_semaphore, #tpu.memory_space<semaphore_mem>>) attributes {dimension_semantics = [#tpu.dimension_semantics<core_parallel>, #tpu.dimension_semantics<subcore_parallel>], iteration_bounds = array<i64: 2, 16>, scalar_prefetch = 0 : i64, scratch_operands = 7 : i64, tpu.core_type = #tpu.core_type<sc_vector_subcore>, window_params = [{transform_indices = #map}, {transform_indices = #map}, {transform_indices = #map}, {transform_indices = #map}, {transform_indices = #map1}, {transform_indices = #map1}, {transform_indices = #map}]} {
    %mul3A = arith.constant 632 : i32
    %mul3A_0 = arith.muli %arg1, %mul3A : i32
    "tpu.region"() ({
      %run_scoped3A = tpu.sem_alloc : memref<!tpu.dma_semaphore, #tpu.memory_space<semaphore_mem>>
      %dma_start3A = arith.constant 0 : i32
      %dma_start3A_9 = tpu.memref_slice %arg12[%mul3A_0, %dma_start3A] : memref<10112x128xf32, #tpu.memory_space<vmem_shared>> -> memref<632x128xf32, #tpu.memory_space<vmem_shared>>
      tpu.enqueue_dma source(%arg7 : memref<632x128xf32, #tpu.memory_space<hbm>>) target(%dma_start3A_9 : memref<632x128xf32, #tpu.memory_space<vmem_shared>>) target_semaphore(%run_scoped3A : memref<!tpu.dma_semaphore, #tpu.memory_space<semaphore_mem>>)
      %dma_wait3A = arith.constant 0 : i32
      %dma_wait3A_10 = tpu.memref_slice %arg12[%mul3A_0, %dma_wait3A] : memref<10112x128xf32, #tpu.memory_space<vmem_shared>> -> memref<632x128xf32, #tpu.memory_space<vmem_shared>>
      tpu.wait_dma2 semaphore(%run_scoped3A : memref<!tpu.dma_semaphore, #tpu.memory_space<semaphore_mem>>) src(%arg7 : memref<632x128xf32, #tpu.memory_space<hbm>>) dst(%dma_wait3A_10 : memref<632x128xf32, #tpu.memory_space<vmem_shared>>)
      tpu.yield
    }) : () -> ()
    %barrier3A = arith.constant 0 : index
    tpu.barrier barrier_id(%barrier3A)
    %eq3A = arith.constant 0 : i32
    %eq3A_1 = arith.cmpi eq, %arg0, %eq3A : i32
    %convert_element_type3A = arith.extui %eq3A_1 : i1 to i32
    %cond3A = arith.constant 0 : i32
    %cond3A_2 = arith.cmpi ne, %convert_element_type3A, %cond3A : i32
    scf.if %cond3A_2 {
      %dma_start3A = arith.constant 0 : i32
      %dma_start3A_9 = arith.constant 0 : i32
      %dma_start3A_10 = arith.constant 0 : i32
      %dma_start3A_11 = tpu.memref_slice %arg9[%dma_start3A, %dma_start3A_9, %dma_start3A_10] : memref<2x16x64xi32, #tpu.memory_space<vmem>> -> memref<1x16x64xi32, #tpu.memory_space<vmem>>
      %dma_start3A_12 = tpu.memref_squeeze %dma_start3A_11 : memref<1x16x64xi32, #tpu.memory_space<vmem>> -> memref<16x64xi32, #tpu.memory_space<vmem>>
      %dma_start3A_13 = arith.constant 0 : i32
      %dma_start3A_14 = arith.constant 0 : i32
      %dma_start3A_15 = tpu.memref_slice %arg2[%arg1, %dma_start3A_13, %dma_start3A_14] : memref<16x160x64xi32, #tpu.memory_space<hbm>> -> memref<1x16x64xi32, #tpu.memory_space<hbm>>
      %dma_start3A_16 = tpu.memref_squeeze %dma_start3A_15 : memref<1x16x64xi32, #tpu.memory_space<hbm>> -> memref<16x64xi32, #tpu.memory_space<hbm>>
      %dma_start3A_17 = arith.constant 0 : i32
      %dma_start3A_18 = arith.constant 0 : i32
      %dma_start3A_19 = tpu.memref_slice %arg9[%dma_start3A, %dma_start3A_17, %dma_start3A_18] : memref<2x16x64xi32, #tpu.memory_space<vmem>> -> memref<1x16x64xi32, #tpu.memory_space<vmem>>
      %dma_start3A_20 = tpu.memref_squeeze %dma_start3A_19 : memref<1x16x64xi32, #tpu.memory_space<vmem>> -> memref<16x64xi32, #tpu.memory_space<vmem>>
      %dma_start3A_21 = arith.constant 0 : i32
      %dma_start3A_22 = arith.constant 0 : i32
      %dma_start3A_23 = tpu.memref_slice %arg2[%arg1, %dma_start3A_21, %dma_start3A_22] : memref<16x160x64xi32, #tpu.memory_space<hbm>> -> memref<1x16x64xi32, #tpu.memory_space<hbm>>
      %dma_start3A_24 = tpu.memref_squeeze %dma_start3A_23 : memref<1x16x64xi32, #tpu.memory_space<hbm>> -> memref<16x64xi32, #tpu.memory_space<hbm>>
      tpu.enqueue_dma source(%dma_start3A_24 : memref<16x64xi32, #tpu.memory_space<hbm>>) target(%dma_start3A_20 : memref<16x64xi32, #tpu.memory_space<vmem>>) target_semaphore(%arg15 : memref<!tpu.dma_semaphore, #tpu.memory_space<semaphore_mem>>)
      %dma_start3A_25 = arith.constant 0 : i32
      %dma_start3A_26 = arith.constant 0 : i32
      %dma_start3A_27 = arith.constant 0 : i32
      %dma_start3A_28 = tpu.memref_slice %arg10[%dma_start3A_25, %dma_start3A_26, %dma_start3A_27] : memref<2x16x64xi32, #tpu.memory_space<vmem>> -> memref<1x16x64xi32, #tpu.memory_space<vmem>>
      %dma_start3A_29 = tpu.memref_squeeze %dma_start3A_28 : memref<1x16x64xi32, #tpu.memory_space<vmem>> -> memref<16x64xi32, #tpu.memory_space<vmem>>
      %dma_start3A_30 = arith.constant 0 : i32
      %dma_start3A_31 = arith.constant 0 : i32
      %dma_start3A_32 = tpu.memref_slice %arg3[%arg1, %dma_start3A_30, %dma_start3A_31] : memref<16x160x64xi32, #tpu.memory_space<hbm>> -> memref<1x16x64xi32, #tpu.memory_space<hbm>>
      %dma_start3A_33 = tpu.memref_squeeze %dma_start3A_32 : memref<1x16x64xi32, #tpu.memory_space<hbm>> -> memref<16x64xi32, #tpu.memory_space<hbm>>
      %dma_start3A_34 = arith.constant 0 : i32
      %dma_start3A_35 = arith.constant 0 : i32
      %dma_start3A_36 = tpu.memref_slice %arg10[%dma_start3A_25, %dma_start3A_34, %dma_start3A_35] : memref<2x16x64xi32, #tpu.memory_space<vmem>> -> memref<1x16x64xi32, #tpu.memory_space<vmem>>
      %dma_start3A_37 = tpu.memref_squeeze %dma_start3A_36 : memref<1x16x64xi32, #tpu.memory_space<vmem>> -> memref<16x64xi32, #tpu.memory_space<vmem>>
      %dma_start3A_38 = arith.constant 0 : i32
      %dma_start3A_39 = arith.constant 0 : i32
      %dma_start3A_40 = tpu.memref_slice %arg3[%arg1, %dma_start3A_38, %dma_start3A_39] : memref<16x160x64xi32, #tpu.memory_space<hbm>> -> memref<1x16x64xi32, #tpu.memory_space<hbm>>
      %dma_start3A_41 = tpu.memref_squeeze %dma_start3A_40 : memref<1x16x64xi32, #tpu.memory_space<hbm>> -> memref<16x64xi32, #tpu.memory_space<hbm>>
      tpu.enqueue_dma source(%dma_start3A_41 : memref<16x64xi32, #tpu.memory_space<hbm>>) target(%dma_start3A_37 : memref<16x64xi32, #tpu.memory_space<vmem>>) target_semaphore(%arg15 : memref<!tpu.dma_semaphore, #tpu.memory_space<semaphore_mem>>)
      %dma_wait3A = arith.constant 0 : i32
      %dma_wait3A_42 = arith.constant 0 : i32
      %dma_wait3A_43 = arith.constant 0 : i32
      %dma_wait3A_44 = tpu.memref_slice %arg9[%dma_wait3A, %dma_wait3A_42, %dma_wait3A_43] : memref<2x16x64xi32, #tpu.memory_space<vmem>> -> memref<1x16x64xi32, #tpu.memory_space<vmem>>
      %dma_wait3A_45 = tpu.memref_squeeze %dma_wait3A_44 : memref<1x16x64xi32, #tpu.memory_space<vmem>> -> memref<16x64xi32, #tpu.memory_space<vmem>>
      %dma_wait3A_46 = arith.constant 0 : i32
      %dma_wait3A_47 = arith.constant 0 : i32
      %dma_wait3A_48 = tpu.memref_slice %arg2[%arg1, %dma_wait3A_46, %dma_wait3A_47] : memref<16x160x64xi32, #tpu.memory_space<hbm>> -> memref<1x16x64xi32, #tpu.memory_space<hbm>>
      %dma_wait3A_49 = tpu.memref_squeeze %dma_wait3A_48 : memref<1x16x64xi32, #tpu.memory_space<hbm>> -> memref<16x64xi32, #tpu.memory_space<hbm>>
      %dma_wait3A_50 = arith.constant 0 : i32
      %dma_wait3A_51 = arith.constant 0 : i32
      %dma_wait3A_52 = tpu.memref_slice %arg9[%dma_wait3A, %dma_wait3A_50, %dma_wait3A_51] : memref<2x16x64xi32, #tpu.memory_space<vmem>> -> memref<1x16x64xi32, #tpu.memory_space<vmem>>
      %dma_wait3A_53 = tpu.memref_squeeze %dma_wait3A_52 : memref<1x16x64xi32, #tpu.memory_space<vmem>> -> memref<16x64xi32, #tpu.memory_space<vmem>>
      %dma_wait3A_54 = arith.constant 0 : i32
      %dma_wait3A_55 = arith.constant 0 : i32
      %dma_wait3A_56 = tpu.memref_slice %arg2[%arg1, %dma_wait3A_54, %dma_wait3A_55] : memref<16x160x64xi32, #tpu.memory_space<hbm>> -> memref<1x16x64xi32, #tpu.memory_space<hbm>>
      %dma_wait3A_57 = tpu.memref_squeeze %dma_wait3A_56 : memref<1x16x64xi32, #tpu.memory_space<hbm>> -> memref<16x64xi32, #tpu.memory_space<hbm>>
      tpu.wait_dma2 semaphore(%arg15 : memref<!tpu.dma_semaphore, #tpu.memory_space<semaphore_mem>>) src(%dma_wait3A_57 : memref<16x64xi32, #tpu.memory_space<hbm>>) dst(%dma_wait3A_53 : memref<16x64xi32, #tpu.memory_space<vmem>>)
      %dma_wait3A_58 = arith.constant 0 : i32
      %dma_wait3A_59 = arith.constant 0 : i32
      %dma_wait3A_60 = arith.constant 0 : i32
      %dma_wait3A_61 = tpu.memref_slice %arg10[%dma_wait3A_58, %dma_wait3A_59, %dma_wait3A_60] : memref<2x16x64xi32, #tpu.memory_space<vmem>> -> memref<1x16x64xi32, #tpu.memory_space<vmem>>
      %dma_wait3A_62 = tpu.memref_squeeze %dma_wait3A_61 : memref<1x16x64xi32, #tpu.memory_space<vmem>> -> memref<16x64xi32, #tpu.memory_space<vmem>>
      %dma_wait3A_63 = arith.constant 0 : i32
      %dma_wait3A_64 = arith.constant 0 : i32
      %dma_wait3A_65 = tpu.memref_slice %arg3[%arg1, %dma_wait3A_63, %dma_wait3A_64] : memref<16x160x64xi32, #tpu.memory_space<hbm>> -> memref<1x16x64xi32, #tpu.memory_space<hbm>>
      %dma_wait3A_66 = tpu.memref_squeeze %dma_wait3A_65 : memref<1x16x64xi32, #tpu.memory_space<hbm>> -> memref<16x64xi32, #tpu.memory_space<hbm>>
      %dma_wait3A_67 = arith.constant 0 : i32
      %dma_wait3A_68 = arith.constant 0 : i32
      %dma_wait3A_69 = tpu.memref_slice %arg10[%dma_wait3A_58, %dma_wait3A_67, %dma_wait3A_68] : memref<2x16x64xi32, #tpu.memory_space<vmem>> -> memref<1x16x64xi32, #tpu.memory_space<vmem>>
      %dma_wait3A_70 = tpu.memref_squeeze %dma_wait3A_69 : memref<1x16x64xi32, #tpu.memory_space<vmem>> -> memref<16x64xi32, #tpu.memory_space<vmem>>
      %dma_wait3A_71 = arith.constant 0 : i32
      %dma_wait3A_72 = arith.constant 0 : i32
      %dma_wait3A_73 = tpu.memref_slice %arg3[%arg1, %dma_wait3A_71, %dma_wait3A_72] : memref<16x160x64xi32, #tpu.memory_space<hbm>> -> memref<1x16x64xi32, #tpu.memory_space<hbm>>
      %dma_wait3A_74 = tpu.memref_squeeze %dma_wait3A_73 : memref<1x16x64xi32, #tpu.memory_space<hbm>> -> memref<16x64xi32, #tpu.memory_space<hbm>>
      tpu.wait_dma2 semaphore(%arg15 : memref<!tpu.dma_semaphore, #tpu.memory_space<semaphore_mem>>) src(%dma_wait3A_74 : memref<16x64xi32, #tpu.memory_space<hbm>>) dst(%dma_wait3A_70 : memref<16x64xi32, #tpu.memory_space<vmem>>)
      %dma_start3A_75 = arith.constant 0 : i32
      %dma_start3A_76 = arith.constant 0 : i32
      %dma_start3A_77 = arith.constant 0 : i32
      %dma_start3A_78 = arith.constant 0 : i32
      %dma_start3A_79 = arith.constant 0 : i32
      %dma_start3A_80 = arith.constant 0 : i32
      %dma_start3A_81 = tpu.memref_slice %arg11[%dma_start3A_77, %dma_start3A_79, %dma_start3A_80] : memref<4x64x128xf32, #tpu.memory_space<vmem>> -> memref<1x64x128xf32, #tpu.memory_space<vmem>>
      %dma_start3A_82 = tpu.memref_squeeze %dma_start3A_81 : memref<1x64x128xf32, #tpu.memory_space<vmem>> -> memref<64x128xf32, #tpu.memory_space<vmem>>
      %dma_start3A_83 = arith.constant 0 : i32
      %dma_start3A_84 = tpu.memref_slice %arg9[%dma_start3A_75, %dma_start3A_76, %dma_start3A_83] : memref<2x16x64xi32, #tpu.memory_space<vmem>> -> memref<1x1x64xi32, #tpu.memory_space<vmem>>
      %dma_start3A_85 = tpu.memref_squeeze %dma_start3A_84 : memref<1x1x64xi32, #tpu.memory_space<vmem>> -> memref<64xi32, #tpu.memory_space<vmem>>
      %dma_start3A_86 = arith.constant 0 : i32
      %dma_start3A_87 = arith.constant 0 : i32
      %dma_start3A_88 = tpu.memref_slice %arg6[%dma_start3A_86, %dma_start3A_87] : memref<20000x128xf32, #tpu.memory_space<hbm>> -> memref<20000x128xf32, #tpu.memory_space<hbm>>
      %dma_start3A_89 = tpu.memref_slice %arg13[%dma_start3A_78] : memref<4x!tpu.dma_semaphore, #tpu.memory_space<semaphore_mem>> -> memref<1x!tpu.dma_semaphore, #tpu.memory_space<semaphore_mem>>
      %dma_start3A_90 = tpu.memref_squeeze %dma_start3A_89 : memref<1x!tpu.dma_semaphore, #tpu.memory_space<semaphore_mem>> -> memref<!tpu.dma_semaphore, #tpu.memory_space<semaphore_mem>>
      tpu.enqueue_indirect_dma source(%dma_start3A_88 : memref<20000x128xf32, #tpu.memory_space<hbm>>) target(%dma_start3A_82 : memref<64x128xf32, #tpu.memory_space<vmem>>) offsets(%dma_start3A_85 : memref<64xi32, #tpu.memory_space<vmem>>) semaphore(%dma_start3A_90 : memref<!tpu.dma_semaphore, #tpu.memory_space<semaphore_mem>>)
      %dma_start3A_91 = arith.constant 0 : i32
      %dma_start3A_92 = arith.constant 1 : i32
      %dma_start3A_93 = arith.constant 1 : i32
      %dma_start3A_94 = arith.constant 1 : i32
      %dma_start3A_95 = arith.constant 0 : i32
      %dma_start3A_96 = arith.constant 0 : i32
      %dma_start3A_97 = tpu.memref_slice %arg11[%dma_start3A_93, %dma_start3A_95, %dma_start3A_96] : memref<4x64x128xf32, #tpu.memory_space<vmem>> -> memref<1x64x128xf32, #tpu.memory_space<vmem>>
      %dma_start3A_98 = tpu.memref_squeeze %dma_start3A_97 : memref<1x64x128xf32, #tpu.memory_space<vmem>> -> memref<64x128xf32, #tpu.memory_space<vmem>>
      %dma_start3A_99 = arith.constant 0 : i32
      %dma_start3A_100 = tpu.memref_slice %arg9[%dma_start3A_91, %dma_start3A_92, %dma_start3A_99] : memref<2x16x64xi32, #tpu.memory_space<vmem>> -> memref<1x1x64xi32, #tpu.memory_space<vmem>>
      %dma_start3A_101 = tpu.memref_squeeze %dma_start3A_100 : memref<1x1x64xi32, #tpu.memory_space<vmem>> -> memref<64xi32, #tpu.memory_space<vmem>>
      %dma_start3A_102 = arith.constant 0 : i32
      %dma_start3A_103 = arith.constant 0 : i32
      %dma_start3A_104 = tpu.memref_slice %arg6[%dma_start3A_102, %dma_start3A_103] : memref<20000x128xf32, #tpu.memory_space<hbm>> -> memref<20000x128xf32, #tpu.memory_space<hbm>>
      %dma_start3A_105 = tpu.memref_slice %arg13[%dma_start3A_94] : memref<4x!tpu.dma_semaphore, #tpu.memory_space<semaphore_mem>> -> memref<1x!tpu.dma_semaphore, #tpu.memory_space<semaphore_mem>>
      %dma_start3A_106 = tpu.memref_squeeze %dma_start3A_105 : memref<1x!tpu.dma_semaphore, #tpu.memory_space<semaphore_mem>> -> memref<!tpu.dma_semaphore, #tpu.memory_space<semaphore_mem>>
      tpu.enqueue_indirect_dma source(%dma_start3A_104 : memref<20000x128xf32, #tpu.memory_space<hbm>>) target(%dma_start3A_98 : memref<64x128xf32, #tpu.memory_space<vmem>>) offsets(%dma_start3A_101 : memref<64xi32, #tpu.memory_space<vmem>>) semaphore(%dma_start3A_106 : memref<!tpu.dma_semaphore, #tpu.memory_space<semaphore_mem>>)
      %dma_wait3A_107 = arith.constant 0 : i32
      %dma_wait3A_108 = arith.constant 0 : i32
      %dma_wait3A_109 = arith.constant 0 : i32
      %dma_wait3A_110 = arith.constant 0 : i32
      %dma_wait3A_111 = arith.constant 0 : i32
      %dma_wait3A_112 = arith.constant 0 : i32
      %dma_wait3A_113 = tpu.memref_slice %arg11[%dma_wait3A_109, %dma_wait3A_111, %dma_wait3A_112] : memref<4x64x128xf32, #tpu.memory_space<vmem>> -> memref<1x64x128xf32, #tpu.memory_space<vmem>>
      %dma_wait3A_114 = tpu.memref_squeeze %dma_wait3A_113 : memref<1x64x128xf32, #tpu.memory_space<vmem>> -> memref<64x128xf32, #tpu.memory_space<vmem>>
      %dma_wait3A_115 = arith.constant 0 : i32
      %dma_wait3A_116 = tpu.memref_slice %arg9[%dma_wait3A_107, %dma_wait3A_108, %dma_wait3A_115] : memref<2x16x64xi32, #tpu.memory_space<vmem>> -> memref<1x1x64xi32, #tpu.memory_space<vmem>>
      %dma_wait3A_117 = tpu.memref_squeeze %dma_wait3A_116 : memref<1x1x64xi32, #tpu.memory_space<vmem>> -> memref<64xi32, #tpu.memory_space<vmem>>
      %dma_wait3A_118 = arith.constant 0 : i32
      %dma_wait3A_119 = arith.constant 0 : i32
      %dma_wait3A_120 = tpu.memref_slice %arg6[%dma_wait3A_118, %dma_wait3A_119] : memref<20000x128xf32, #tpu.memory_space<hbm>> -> memref<20000x128xf32, #tpu.memory_space<hbm>>
      %dma_wait3A_121 = tpu.memref_slice %arg13[%dma_wait3A_110] : memref<4x!tpu.dma_semaphore, #tpu.memory_space<semaphore_mem>> -> memref<1x!tpu.dma_semaphore, #tpu.memory_space<semaphore_mem>>
      %dma_wait3A_122 = tpu.memref_squeeze %dma_wait3A_121 : memref<1x!tpu.dma_semaphore, #tpu.memory_space<semaphore_mem>> -> memref<!tpu.dma_semaphore, #tpu.memory_space<semaphore_mem>>
      tpu.wait_indirect_dma semaphore(%dma_wait3A_122 : memref<!tpu.dma_semaphore, #tpu.memory_space<semaphore_mem>>) src(%dma_wait3A_120 : memref<20000x128xf32, #tpu.memory_space<hbm>>) dst(%dma_wait3A_114 : memref<64x128xf32, #tpu.memory_space<vmem>>)
      %dma_start3A_123 = arith.constant 0 : i32
      %dma_start3A_124 = arith.constant 0 : i32
      %dma_start3A_125 = arith.constant 0 : i32
      %dma_start3A_126 = arith.constant 0 : i32
      %dma_start3A_127 = arith.constant 0 : i32
      %dma_start3A_128 = arith.constant 0 : i32
      %dma_start3A_129 = tpu.memref_slice %arg11[%dma_start3A_123, %dma_start3A_127, %dma_start3A_128] : memref<4x64x128xf32, #tpu.memory_space<vmem>> -> memref<1x64x128xf32, #tpu.memory_space<vmem>>
      %dma_start3A_130 = tpu.memref_squeeze %dma_start3A_129 : memref<1x64x128xf32, #tpu.memory_space<vmem>> -> memref<64x128xf32, #tpu.memory_space<vmem>>
      %dma_start3A_131 = arith.constant 0 : i32
      %dma_start3A_132 = tpu.memref_slice %arg10[%dma_start3A_124, %dma_start3A_125, %dma_start3A_131] : memref<2x16x64xi32, #tpu.memory_space<vmem>> -> memref<1x1x64xi32, #tpu.memory_space<vmem>>
      %dma_start3A_133 = tpu.memref_squeeze %dma_start3A_132 : memref<1x1x64xi32, #tpu.memory_space<vmem>> -> memref<64xi32, #tpu.memory_space<vmem>>
      %dma_start3A_134 = arith.constant 0 : i32
      %dma_start3A_135 = arith.constant 0 : i32
      %dma_start3A_136 = tpu.memref_slice %arg12[%dma_start3A_134, %dma_start3A_135] : memref<10112x128xf32, #tpu.memory_space<vmem_shared>> -> memref<10112x128xf32, #tpu.memory_space<vmem_shared>>
      %dma_start3A_137 = tpu.memref_slice %arg14[%dma_start3A_126] : memref<4x!tpu.dma_semaphore, #tpu.memory_space<semaphore_mem>> -> memref<1x!tpu.dma_semaphore, #tpu.memory_space<semaphore_mem>>
      %dma_start3A_138 = tpu.memref_squeeze %dma_start3A_137 : memref<1x!tpu.dma_semaphore, #tpu.memory_space<semaphore_mem>> -> memref<!tpu.dma_semaphore, #tpu.memory_space<semaphore_mem>>
      tpu.enqueue_indirect_dma source(%dma_start3A_130 : memref<64x128xf32, #tpu.memory_space<vmem>>) target(%dma_start3A_136 : memref<10112x128xf32, #tpu.memory_space<vmem_shared>>) offsets(%dma_start3A_133 : memref<64xi32, #tpu.memory_space<vmem>>) semaphore(%dma_start3A_138 : memref<!tpu.dma_semaphore, #tpu.memory_space<semaphore_mem>>) {add = true}
      %dma_start3A_139 = arith.constant 0 : i32
      %dma_start3A_140 = arith.constant 2 : i32
      %dma_start3A_141 = arith.constant 2 : i32
      %dma_start3A_142 = arith.constant 2 : i32
      %dma_start3A_143 = arith.constant 0 : i32
      %dma_start3A_144 = arith.constant 0 : i32
      %dma_start3A_145 = tpu.memref_slice %arg11[%dma_start3A_141, %dma_start3A_143, %dma_start3A_144] : memref<4x64x128xf32, #tpu.memory_space<vmem>> -> memref<1x64x128xf32, #tpu.memory_space<vmem>>
      %dma_start3A_146 = tpu.memref_squeeze %dma_start3A_145 : memref<1x64x128xf32, #tpu.memory_space<vmem>> -> memref<64x128xf32, #tpu.memory_space<vmem>>
      %dma_start3A_147 = arith.constant 0 : i32
      %dma_start3A_148 = tpu.memref_slice %arg9[%dma_start3A_139, %dma_start3A_140, %dma_start3A_147] : memref<2x16x64xi32, #tpu.memory_space<vmem>> -> memref<1x1x64xi32, #tpu.memory_space<vmem>>
      %dma_start3A_149 = tpu.memref_squeeze %dma_start3A_148 : memref<1x1x64xi32, #tpu.memory_space<vmem>> -> memref<64xi32, #tpu.memory_space<vmem>>
      %dma_start3A_150 = arith.constant 0 : i32
      %dma_start3A_151 = arith.constant 0 : i32
      %dma_start3A_152 = tpu.memref_slice %arg6[%dma_start3A_150, %dma_start3A_151] : memref<20000x128xf32, #tpu.memory_space<hbm>> -> memref<20000x128xf32, #tpu.memory_space<hbm>>
      %dma_start3A_153 = tpu.memref_slice %arg13[%dma_start3A_142] : memref<4x!tpu.dma_semaphore, #tpu.memory_space<semaphore_mem>> -> memref<1x!tpu.dma_semaphore, #tpu.memory_space<semaphore_mem>>
      %dma_start3A_154 = tpu.memref_squeeze %dma_start3A_153 : memref<1x!tpu.dma_semaphore, #tpu.memory_space<semaphore_mem>> -> memref<!tpu.dma_semaphore, #tpu.memory_space<semaphore_mem>>
      tpu.enqueue_indirect_dma source(%dma_start3A_152 : memref<20000x128xf32, #tpu.memory_space<hbm>>) target(%dma_start3A_146 : memref<64x128xf32, #tpu.memory_space<vmem>>) offsets(%dma_start3A_149 : memref<64xi32, #tpu.memory_space<vmem>>) semaphore(%dma_start3A_154 : memref<!tpu.dma_semaphore, #tpu.memory_space<semaphore_mem>>)
      %dma_wait3A_155 = arith.constant 0 : i32
      %dma_wait3A_156 = arith.constant 1 : i32
      %dma_wait3A_157 = arith.constant 1 : i32
      %dma_wait3A_158 = arith.constant 1 : i32
      %dma_wait3A_159 = arith.constant 0 : i32
      %dma_wait3A_160 = arith.constant 0 : i32
      %dma_wait3A_161 = tpu.memref_slice %arg11[%dma_wait3A_157, %dma_wait3A_159, %dma_wait3A_160] : memref<4x64x128xf32, #tpu.memory_space<vmem>> -> memref<1x64x128xf32, #tpu.memory_space<vmem>>
      %dma_wait3A_162 = tpu.memref_squeeze %dma_wait3A_161 : memref<1x64x128xf32, #tpu.memory_space<vmem>> -> memref<64x128xf32, #tpu.memory_space<vmem>>
      %dma_wait3A_163 = arith.constant 0 : i32
      %dma_wait3A_164 = tpu.memref_slice %arg9[%dma_wait3A_155, %dma_wait3A_156, %dma_wait3A_163] : memref<2x16x64xi32, #tpu.memory_space<vmem>> -> memref<1x1x64xi32, #tpu.memory_space<vmem>>
      %dma_wait3A_165 = tpu.memref_squeeze %dma_wait3A_164 : memref<1x1x64xi32, #tpu.memory_space<vmem>> -> memref<64xi32, #tpu.memory_space<vmem>>
      %dma_wait3A_166 = arith.constant 0 : i32
      %dma_wait3A_167 = arith.constant 0 : i32
      %dma_wait3A_168 = tpu.memref_slice %arg6[%dma_wait3A_166, %dma_wait3A_167] : memref<20000x128xf32, #tpu.memory_space<hbm>> -> memref<20000x128xf32, #tpu.memory_space<hbm>>
      %dma_wait3A_169 = tpu.memref_slice %arg13[%dma_wait3A_158] : memref<4x!tpu.dma_semaphore, #tpu.memory_space<semaphore_mem>> -> memref<1x!tpu.dma_semaphore, #tpu.memory_space<semaphore_mem>>
      %dma_wait3A_170 = tpu.memref_squeeze %dma_wait3A_169 : memref<1x!tpu.dma_semaphore, #tpu.memory_space<semaphore_mem>> -> memref<!tpu.dma_semaphore, #tpu.memory_space<semaphore_mem>>
      tpu.wait_indirect_dma semaphore(%dma_wait3A_170 : memref<!tpu.dma_semaphore, #tpu.memory_space<semaphore_mem>>) src(%dma_wait3A_168 : memref<20000x128xf32, #tpu.memory_space<hbm>>) dst(%dma_wait3A_162 : memref<64x128xf32, #tpu.memory_space<vmem>>)
      %dma_start3A_171 = arith.constant 1 : i32
      %dma_start3A_172 = arith.constant 0 : i32
      %dma_start3A_173 = arith.constant 1 : i32
      %dma_start3A_174 = arith.constant 1 : i32
      %dma_start3A_175 = arith.constant 0 : i32
      %dma_start3A_176 = arith.constant 0 : i32
      %dma_start3A_177 = tpu.memref_slice %arg11[%dma_start3A_171, %dma_start3A_175, %dma_start3A_176] : memref<4x64x128xf32, #tpu.memory_space<vmem>> -> memref<1x64x128xf32, #tpu.memory_space<vmem>>
      %dma_start3A_178 = tpu.memref_squeeze %dma_start3A_177 : memref<1x64x128xf32, #tpu.memory_space<vmem>> -> memref<64x128xf32, #tpu.memory_space<vmem>>
      %dma_start3A_179 = arith.constant 0 : i32
      %dma_start3A_180 = tpu.memref_slice %arg10[%dma_start3A_172, %dma_start3A_173, %dma_start3A_179] : memref<2x16x64xi32, #tpu.memory_space<vmem>> -> memref<1x1x64xi32, #tpu.memory_space<vmem>>
      %dma_start3A_181 = tpu.memref_squeeze %dma_start3A_180 : memref<1x1x64xi32, #tpu.memory_space<vmem>> -> memref<64xi32, #tpu.memory_space<vmem>>
      %dma_start3A_182 = arith.constant 0 : i32
      %dma_start3A_183 = arith.constant 0 : i32
      %dma_start3A_184 = tpu.memref_slice %arg12[%dma_start3A_182, %dma_start3A_183] : memref<10112x128xf32, #tpu.memory_space<vmem_shared>> -> memref<10112x128xf32, #tpu.memory_space<vmem_shared>>
      %dma_start3A_185 = tpu.memref_slice %arg14[%dma_start3A_174] : memref<4x!tpu.dma_semaphore, #tpu.memory_space<semaphore_mem>> -> memref<1x!tpu.dma_semaphore, #tpu.memory_space<semaphore_mem>>
      %dma_start3A_186 = tpu.memref_squeeze %dma_start3A_185 : memref<1x!tpu.dma_semaphore, #tpu.memory_space<semaphore_mem>> -> memref<!tpu.dma_semaphore, #tpu.memory_space<semaphore_mem>>
      tpu.enqueue_indirect_dma source(%dma_start3A_178 : memref<64x128xf32, #tpu.memory_space<vmem>>) target(%dma_start3A_184 : memref<10112x128xf32, #tpu.memory_space<vmem_shared>>) offsets(%dma_start3A_181 : memref<64xi32, #tpu.memory_space<vmem>>) semaphore(%dma_start3A_186 : memref<!tpu.dma_semaphore, #tpu.memory_space<semaphore_mem>>) {add = true}
      %dma_start3A_187 = arith.constant 0 : i32
      %dma_start3A_188 = arith.constant 3 : i32
      %dma_start3A_189 = arith.constant 3 : i32
      %dma_start3A_190 = arith.constant 3 : i32
      %dma_start3A_191 = arith.constant 0 : i32
      %dma_start3A_192 = arith.constant 0 : i32
      %dma_start3A_193 = tpu.memref_slice %arg11[%dma_start3A_189, %dma_start3A_191, %dma_start3A_192] : memref<4x64x128xf32, #tpu.memory_space<vmem>> -> memref<1x64x128xf32, #tpu.memory_space<vmem>>
      %dma_start3A_194 = tpu.memref_squeeze %dma_start3A_193 : memref<1x64x128xf32, #tpu.memory_space<vmem>> -> memref<64x128xf32, #tpu.memory_space<vmem>>
      %dma_start3A_195 = arith.constant 0 : i32
      %dma_start3A_196 = tpu.memref_slice %arg9[%dma_start3A_187, %dma_start3A_188, %dma_start3A_195] : memref<2x16x64xi32, #tpu.memory_space<vmem>> -> memref<1x1x64xi32, #tpu.memory_space<vmem>>
      %dma_start3A_197 = tpu.memref_squeeze %dma_start3A_196 : memref<1x1x64xi32, #tpu.memory_space<vmem>> -> memref<64xi32, #tpu.memory_space<vmem>>
      %dma_start3A_198 = arith.constant 0 : i32
      %dma_start3A_199 = arith.constant 0 : i32
      %dma_start3A_200 = tpu.memref_slice %arg6[%dma_start3A_198, %dma_start3A_199] : memref<20000x128xf32, #tpu.memory_space<hbm>> -> memref<20000x128xf32, #tpu.memory_space<hbm>>
      %dma_start3A_201 = tpu.memref_slice %arg13[%dma_start3A_190] : memref<4x!tpu.dma_semaphore, #tpu.memory_space<semaphore_mem>> -> memref<1x!tpu.dma_semaphore, #tpu.memory_space<semaphore_mem>>
      %dma_start3A_202 = tpu.memref_squeeze %dma_start3A_201 : memref<1x!tpu.dma_semaphore, #tpu.memory_space<semaphore_mem>> -> memref<!tpu.dma_semaphore, #tpu.memory_space<semaphore_mem>>
      tpu.enqueue_indirect_dma source(%dma_start3A_200 : memref<20000x128xf32, #tpu.memory_space<hbm>>) target(%dma_start3A_194 : memref<64x128xf32, #tpu.memory_space<vmem>>) offsets(%dma_start3A_197 : memref<64xi32, #tpu.memory_space<vmem>>) semaphore(%dma_start3A_202 : memref<!tpu.dma_semaphore, #tpu.memory_space<semaphore_mem>>)
      %scan3A = arith.constant 0 : i32
      %scan3A_203 = arith.constant 1 : i32
      %scan3A_204 = arith.constant 39 : i32
      %scan3A_205 = arith.addi %scan3A_203, %scan3A_204 : i32
      %scan3A_206 = arith.constant 1 : i32
      scf.for %scan3A_336 = %scan3A_203 to %scan3A_205 step %scan3A_206  : i32 {
        %jit3A = arith.constant 4 : i32
        %div3A = arith.divsi %scan3A_336, %jit3A : i32
        %sign3A = arith.constant 0 : i32
        %sign3A_337 = arith.cmpi sgt, %scan3A_336, %sign3A : i32
        %sign3A_338 = arith.extui %sign3A_337 : i1 to i32
        %sign3A_339 = arith.constant 0 : i32
        %sign3A_340 = arith.cmpi slt, %scan3A_336, %sign3A_339 : i32
        %sign3A_341 = arith.extui %sign3A_340 : i1 to i32
        %sign3A_342 = arith.subi %sign3A_338, %sign3A_341 : i32
        %sign3A_343 = arith.constant 0 : i32
        %sign3A_344 = arith.cmpi sgt, %jit3A, %sign3A_343 : i32
        %sign3A_345 = arith.extui %sign3A_344 : i1 to i32
        %sign3A_346 = arith.constant 0 : i32
        %sign3A_347 = arith.cmpi slt, %jit3A, %sign3A_346 : i32
        %sign3A_348 = arith.extui %sign3A_347 : i1 to i32
        %sign3A_349 = arith.subi %sign3A_345, %sign3A_348 : i32
        %ne3A = arith.cmpi ne, %sign3A_342, %sign3A_349 : i32
        %rem3A = arith.remsi %scan3A_336, %jit3A : i32
        %ne3A_350 = arith.constant 0 : i32
        %ne3A_351 = arith.cmpi ne, %rem3A, %ne3A_350 : i32
        %and3A = arith.andi %ne3A, %ne3A_351 : i1
        %sub3A = arith.constant 1 : i32
        %sub3A_352 = arith.subi %div3A, %sub3A : i32
        %select_n3A = arith.select %and3A, %sub3A_352, %div3A : i32
        %add3A = arith.constant 1 : i32
        %add3A_353 = arith.addi %select_n3A, %add3A : i32
        %jit3A_354 = arith.constant 4 : i32
        %eq3A_355 = arith.constant 0 : i32
        %eq3A_356 = arith.cmpi eq, %jit3A_354, %eq3A_355 : i32
        %jit3A_357 = arith.constant 1 : i32
        %select_n3A_358 = arith.select %eq3A_356, %jit3A_357, %jit3A_354 : i32
        %rem3A_359 = arith.remsi %scan3A_336, %select_n3A_358 : i32
        %ne3A_360 = arith.constant 0 : i32
        %ne3A_361 = arith.cmpi ne, %rem3A_359, %ne3A_360 : i32
        %lt3A = arith.constant 0 : i32
        %lt3A_362 = arith.cmpi slt, %rem3A_359, %lt3A : i32
        %lt3A_363 = arith.constant 0 : i32
        %lt3A_364 = arith.cmpi slt, %select_n3A_358, %lt3A_363 : i32
        %ne3A_365 = arith.xori %lt3A_362, %lt3A_364 : i1
        %and3A_366 = arith.andi %ne3A_365, %ne3A_361 : i1
        %add3A_367 = arith.addi %rem3A_359, %select_n3A_358 : i32
        %select_n3A_368 = arith.select %and3A_366, %add3A_367, %rem3A_359 : i32
        %eq3A_369 = arith.constant 1 : i32
        %eq3A_370 = arith.cmpi eq, %select_n3A_368, %eq3A_369 : i32
        %lt3A_371 = arith.constant 10 : i32
        %lt3A_372 = arith.cmpi slt, %add3A_353, %lt3A_371 : i32
        %and3A_373 = arith.andi %eq3A_370, %lt3A_372 : i1
        %convert_element_type3A_374 = arith.extui %and3A_373 : i1 to i32
        %cond3A_375 = arith.constant 0 : i32
        %cond3A_376 = arith.cmpi ne, %convert_element_type3A_374, %cond3A_375 : i32
        scf.if %cond3A_376 {
          %jit3A_1558 = arith.constant 2 : i32
          %eq3A_1559 = arith.constant 0 : i32
          %eq3A_1560 = arith.cmpi eq, %jit3A_1558, %eq3A_1559 : i32
          %jit3A_1561 = arith.constant 1 : i32
          %select_n3A_1562 = arith.select %eq3A_1560, %jit3A_1561, %jit3A_1558 : i32
          %rem3A_1563 = arith.remsi %add3A_353, %select_n3A_1562 : i32
          %ne3A_1564 = arith.constant 0 : i32
          %ne3A_1565 = arith.cmpi ne, %rem3A_1563, %ne3A_1564 : i32
          %lt3A_1566 = arith.constant 0 : i32
          %lt3A_1567 = arith.cmpi slt, %rem3A_1563, %lt3A_1566 : i32
          %lt3A_1568 = arith.constant 0 : i32
          %lt3A_1569 = arith.cmpi slt, %select_n3A_1562, %lt3A_1568 : i32
          %ne3A_1570 = arith.xori %lt3A_1567, %lt3A_1569 : i1
          %and3A_1571 = arith.andi %ne3A_1570, %ne3A_1565 : i1
          %add3A_1572 = arith.addi %rem3A_1563, %select_n3A_1562 : i32
          %select_n3A_1573 = arith.select %and3A_1571, %add3A_1572, %rem3A_1563 : i32
          %mul3A_1574 = arith.constant 16 : i32
          %mul3A_1575 = arith.muli %add3A_353, %mul3A_1574 : i32
          %mul3A_1576 = arith.constant 16 : i32
          %mul3A_1577 = arith.muli %add3A_353, %mul3A_1576 : i32
          %dma_start3A_1578 = arith.constant 0 : i32
          %dma_start3A_1579 = arith.constant 0 : i32
          %dma_start3A_1580 = tpu.memref_slice %arg9[%select_n3A_1573, %dma_start3A_1578, %dma_start3A_1579] : memref<2x16x64xi32, #tpu.memory_space<vmem>> -> memref<1x16x64xi32, #tpu.memory_space<vmem>>
          %dma_start3A_1581 = tpu.memref_squeeze %dma_start3A_1580 : memref<1x16x64xi32, #tpu.memory_space<vmem>> -> memref<16x64xi32, #tpu.memory_space<vmem>>
          %dma_start3A_1582 = arith.constant 0 : i32
          %dma_start3A_1583 = tpu.memref_slice %arg2[%arg1, %mul3A_1575, %dma_start3A_1582] : memref<16x160x64xi32, #tpu.memory_space<hbm>> -> memref<1x16x64xi32, #tpu.memory_space<hbm>>
          %dma_start3A_1584 = tpu.memref_squeeze %dma_start3A_1583 : memref<1x16x64xi32, #tpu.memory_space<hbm>> -> memref<16x64xi32, #tpu.memory_space<hbm>>
          %dma_start3A_1585 = arith.constant 0 : i32
          %dma_start3A_1586 = arith.constant 0 : i32
          %dma_start3A_1587 = tpu.memref_slice %arg9[%select_n3A_1573, %dma_start3A_1585, %dma_start3A_1586] : memref<2x16x64xi32, #tpu.memory_space<vmem>> -> memref<1x16x64xi32, #tpu.memory_space<vmem>>
          %dma_start3A_1588 = tpu.memref_squeeze %dma_start3A_1587 : memref<1x16x64xi32, #tpu.memory_space<vmem>> -> memref<16x64xi32, #tpu.memory_space<vmem>>
          %dma_start3A_1589 = arith.constant 0 : i32
          %dma_start3A_1590 = tpu.memref_slice %arg2[%arg1, %mul3A_1575, %dma_start3A_1589] : memref<16x160x64xi32, #tpu.memory_space<hbm>> -> memref<1x16x64xi32, #tpu.memory_space<hbm>>
          %dma_start3A_1591 = tpu.memref_squeeze %dma_start3A_1590 : memref<1x16x64xi32, #tpu.memory_space<hbm>> -> memref<16x64xi32, #tpu.memory_space<hbm>>
          tpu.enqueue_dma source(%dma_start3A_1591 : memref<16x64xi32, #tpu.memory_space<hbm>>) target(%dma_start3A_1588 : memref<16x64xi32, #tpu.memory_space<vmem>>) target_semaphore(%arg15 : memref<!tpu.dma_semaphore, #tpu.memory_space<semaphore_mem>>)
          %dma_start3A_1592 = arith.constant 0 : i32
          %dma_start3A_1593 = arith.constant 0 : i32
          %dma_start3A_1594 = tpu.memref_slice %arg10[%select_n3A_1573, %dma_start3A_1592, %dma_start3A_1593] : memref<2x16x64xi32, #tpu.memory_space<vmem>> -> memref<1x16x64xi32, #tpu.memory_space<vmem>>
          %dma_start3A_1595 = tpu.memref_squeeze %dma_start3A_1594 : memref<1x16x64xi32, #tpu.memory_space<vmem>> -> memref<16x64xi32, #tpu.memory_space<vmem>>
          %dma_start3A_1596 = arith.constant 0 : i32
          %dma_start3A_1597 = tpu.memref_slice %arg3[%arg1, %mul3A_1577, %dma_start3A_1596] : memref<16x160x64xi32, #tpu.memory_space<hbm>> -> memref<1x16x64xi32, #tpu.memory_space<hbm>>
          %dma_start3A_1598 = tpu.memref_squeeze %dma_start3A_1597 : memref<1x16x64xi32, #tpu.memory_space<hbm>> -> memref<16x64xi32, #tpu.memory_space<hbm>>
          %dma_start3A_1599 = arith.constant 0 : i32
          %dma_start3A_1600 = arith.constant 0 : i32
          %dma_start3A_1601 = tpu.memref_slice %arg10[%select_n3A_1573, %dma_start3A_1599, %dma_start3A_1600] : memref<2x16x64xi32, #tpu.memory_space<vmem>> -> memref<1x16x64xi32, #tpu.memory_space<vmem>>
          %dma_start3A_1602 = tpu.memref_squeeze %dma_start3A_1601 : memref<1x16x64xi32, #tpu.memory_space<vmem>> -> memref<16x64xi32, #tpu.memory_space<vmem>>
          %dma_start3A_1603 = arith.constant 0 : i32
          %dma_start3A_1604 = tpu.memref_slice %arg3[%arg1, %mul3A_1577, %dma_start3A_1603] : memref<16x160x64xi32, #tpu.memory_space<hbm>> -> memref<1x16x64xi32, #tpu.memory_space<hbm>>
          %dma_start3A_1605 = tpu.memref_squeeze %dma_start3A_1604 : memref<1x16x64xi32, #tpu.memory_space<hbm>> -> memref<16x64xi32, #tpu.memory_space<hbm>>
          tpu.enqueue_dma source(%dma_start3A_1605 : memref<16x64xi32, #tpu.memory_space<hbm>>) target(%dma_start3A_1602 : memref<16x64xi32, #tpu.memory_space<vmem>>) target_semaphore(%arg15 : memref<!tpu.dma_semaphore, #tpu.memory_space<semaphore_mem>>)
        } else {
        }
        %jit3A_377 = arith.constant 4 : i32
        %eq3A_378 = arith.constant 0 : i32
        %eq3A_379 = arith.cmpi eq, %jit3A_377, %eq3A_378 : i32
        %jit3A_380 = arith.constant 1 : i32
        %select_n3A_381 = arith.select %eq3A_379, %jit3A_380, %jit3A_377 : i32
        %rem3A_382 = arith.remsi %scan3A_336, %select_n3A_381 : i32
        %ne3A_383 = arith.constant 0 : i32
        %ne3A_384 = arith.cmpi ne, %rem3A_382, %ne3A_383 : i32
        %lt3A_385 = arith.constant 0 : i32
        %lt3A_386 = arith.cmpi slt, %rem3A_382, %lt3A_385 : i32
        %lt3A_387 = arith.constant 0 : i32
        %lt3A_388 = arith.cmpi slt, %select_n3A_381, %lt3A_387 : i32
        %ne3A_389 = arith.xori %lt3A_386, %lt3A_388 : i1
        %and3A_390 = arith.andi %ne3A_389, %ne3A_384 : i1
        %add3A_391 = arith.addi %rem3A_382, %select_n3A_381 : i32
        %select_n3A_392 = arith.select %and3A_390, %add3A_391, %rem3A_382 : i32
        %eq3A_393 = arith.constant 0 : i32
        %eq3A_394 = arith.cmpi eq, %select_n3A_392, %eq3A_393 : i32
        %convert_element_type3A_395 = arith.extui %eq3A_394 : i1 to i32
        %cond3A_396 = arith.constant 0 : i32
        %cond3A_397 = arith.cmpi ne, %convert_element_type3A_395, %cond3A_396 : i32
        scf.if %cond3A_397 {
          %jit3A_1558 = arith.constant 4 : i32
          %div3A_1559 = arith.divsi %scan3A_336, %jit3A_1558 : i32
          %sign3A_1560 = arith.constant 0 : i32
          %sign3A_1561 = arith.cmpi sgt, %scan3A_336, %sign3A_1560 : i32
          %sign3A_1562 = arith.extui %sign3A_1561 : i1 to i32
          %sign3A_1563 = arith.constant 0 : i32
          %sign3A_1564 = arith.cmpi slt, %scan3A_336, %sign3A_1563 : i32
          %sign3A_1565 = arith.extui %sign3A_1564 : i1 to i32
          %sign3A_1566 = arith.subi %sign3A_1562, %sign3A_1565 : i32
          %sign3A_1567 = arith.constant 0 : i32
          %sign3A_1568 = arith.cmpi sgt, %jit3A_1558, %sign3A_1567 : i32
          %sign3A_1569 = arith.extui %sign3A_1568 : i1 to i32
          %sign3A_1570 = arith.constant 0 : i32
          %sign3A_1571 = arith.cmpi slt, %jit3A_1558, %sign3A_1570 : i32
          %sign3A_1572 = arith.extui %sign3A_1571 : i1 to i32
          %sign3A_1573 = arith.subi %sign3A_1569, %sign3A_1572 : i32
          %ne3A_1574 = arith.cmpi ne, %sign3A_1566, %sign3A_1573 : i32
          %rem3A_1575 = arith.remsi %scan3A_336, %jit3A_1558 : i32
          %ne3A_1576 = arith.constant 0 : i32
          %ne3A_1577 = arith.cmpi ne, %rem3A_1575, %ne3A_1576 : i32
          %and3A_1578 = arith.andi %ne3A_1574, %ne3A_1577 : i1
          %sub3A_1579 = arith.constant 1 : i32
          %sub3A_1580 = arith.subi %div3A_1559, %sub3A_1579 : i32
          %select_n3A_1581 = arith.select %and3A_1578, %sub3A_1580, %div3A_1559 : i32
          %jit3A_1582 = arith.constant 2 : i32
          %eq3A_1583 = arith.constant 0 : i32
          %eq3A_1584 = arith.cmpi eq, %jit3A_1582, %eq3A_1583 : i32
          %jit3A_1585 = arith.constant 1 : i32
          %select_n3A_1586 = arith.select %eq3A_1584, %jit3A_1585, %jit3A_1582 : i32
          %rem3A_1587 = arith.remsi %select_n3A_1581, %select_n3A_1586 : i32
          %ne3A_1588 = arith.constant 0 : i32
          %ne3A_1589 = arith.cmpi ne, %rem3A_1587, %ne3A_1588 : i32
          %lt3A_1590 = arith.constant 0 : i32
          %lt3A_1591 = arith.cmpi slt, %rem3A_1587, %lt3A_1590 : i32
          %lt3A_1592 = arith.constant 0 : i32
          %lt3A_1593 = arith.cmpi slt, %select_n3A_1586, %lt3A_1592 : i32
          %ne3A_1594 = arith.xori %lt3A_1591, %lt3A_1593 : i1
          %and3A_1595 = arith.andi %ne3A_1594, %ne3A_1589 : i1
          %add3A_1596 = arith.addi %rem3A_1587, %select_n3A_1586 : i32
          %select_n3A_1597 = arith.select %and3A_1595, %add3A_1596, %rem3A_1587 : i32
          %mul3A_1598 = arith.constant 16 : i32
          %mul3A_1599 = arith.muli %select_n3A_1581, %mul3A_1598 : i32
          %mul3A_1600 = arith.constant 16 : i32
          %mul3A_1601 = arith.muli %select_n3A_1581, %mul3A_1600 : i32
          %dma_wait3A_1602 = arith.constant 0 : i32
          %dma_wait3A_1603 = arith.constant 0 : i32
          %dma_wait3A_1604 = tpu.memref_slice %arg9[%select_n3A_1597, %dma_wait3A_1602, %dma_wait3A_1603] : memref<2x16x64xi32, #tpu.memory_space<vmem>> -> memref<1x16x64xi32, #tpu.memory_space<vmem>>
          %dma_wait3A_1605 = tpu.memref_squeeze %dma_wait3A_1604 : memref<1x16x64xi32, #tpu.memory_space<vmem>> -> memref<16x64xi32, #tpu.memory_space<vmem>>
          %dma_wait3A_1606 = arith.constant 0 : i32
          %dma_wait3A_1607 = tpu.memref_slice %arg2[%arg1, %mul3A_1599, %dma_wait3A_1606] : memref<16x160x64xi32, #tpu.memory_space<hbm>> -> memref<1x16x64xi32, #tpu.memory_space<hbm>>
          %dma_wait3A_1608 = tpu.memref_squeeze %dma_wait3A_1607 : memref<1x16x64xi32, #tpu.memory_space<hbm>> -> memref<16x64xi32, #tpu.memory_space<hbm>>
          %dma_wait3A_1609 = arith.constant 0 : i32
          %dma_wait3A_1610 = arith.constant 0 : i32
          %dma_wait3A_1611 = tpu.memref_slice %arg9[%select_n3A_1597, %dma_wait3A_1609, %dma_wait3A_1610] : memref<2x16x64xi32, #tpu.memory_space<vmem>> -> memref<1x16x64xi32, #tpu.memory_space<vmem>>
          %dma_wait3A_1612 = tpu.memref_squeeze %dma_wait3A_1611 : memref<1x16x64xi32, #tpu.memory_space<vmem>> -> memref<16x64xi32, #tpu.memory_space<vmem>>
          %dma_wait3A_1613 = arith.constant 0 : i32
          %dma_wait3A_1614 = tpu.memref_slice %arg2[%arg1, %mul3A_1599, %dma_wait3A_1613] : memref<16x160x64xi32, #tpu.memory_space<hbm>> -> memref<1x16x64xi32, #tpu.memory_space<hbm>>
          %dma_wait3A_1615 = tpu.memref_squeeze %dma_wait3A_1614 : memref<1x16x64xi32, #tpu.memory_space<hbm>> -> memref<16x64xi32, #tpu.memory_space<hbm>>
          tpu.wait_dma2 semaphore(%arg15 : memref<!tpu.dma_semaphore, #tpu.memory_space<semaphore_mem>>) src(%dma_wait3A_1615 : memref<16x64xi32, #tpu.memory_space<hbm>>) dst(%dma_wait3A_1612 : memref<16x64xi32, #tpu.memory_space<vmem>>)
          %dma_wait3A_1616 = arith.constant 0 : i32
          %dma_wait3A_1617 = arith.constant 0 : i32
          %dma_wait3A_1618 = tpu.memref_slice %arg10[%select_n3A_1597, %dma_wait3A_1616, %dma_wait3A_1617] : memref<2x16x64xi32, #tpu.memory_space<vmem>> -> memref<1x16x64xi32, #tpu.memory_space<vmem>>
          %dma_wait3A_1619 = tpu.memref_squeeze %dma_wait3A_1618 : memref<1x16x64xi32, #tpu.memory_space<vmem>> -> memref<16x64xi32, #tpu.memory_space<vmem>>
          %dma_wait3A_1620 = arith.constant 0 : i32
          %dma_wait3A_1621 = tpu.memref_slice %arg3[%arg1, %mul3A_1601, %dma_wait3A_1620] : memref<16x160x64xi32, #tpu.memory_space<hbm>> -> memref<1x16x64xi32, #tpu.memory_space<hbm>>
          %dma_wait3A_1622 = tpu.memref_squeeze %dma_wait3A_1621 : memref<1x16x64xi32, #tpu.memory_space<hbm>> -> memref<16x64xi32, #tpu.memory_space<hbm>>
          %dma_wait3A_1623 = arith.constant 0 : i32
          %dma_wait3A_1624 = arith.constant 0 : i32
          %dma_wait3A_1625 = tpu.memref_slice %arg10[%select_n3A_1597, %dma_wait3A_1623, %dma_wait3A_1624] : memref<2x16x64xi32, #tpu.memory_space<vmem>> -> memref<1x16x64xi32, #tpu.memory_space<vmem>>
          %dma_wait3A_1626 = tpu.memref_squeeze %dma_wait3A_1625 : memref<1x16x64xi32, #tpu.memory_space<vmem>> -> memref<16x64xi32, #tpu.memory_space<vmem>>
          %dma_wait3A_1627 = arith.constant 0 : i32
          %dma_wait3A_1628 = tpu.memref_slice %arg3[%arg1, %mul3A_1601, %dma_wait3A_1627] : memref<16x160x64xi32, #tpu.memory_space<hbm>> -> memref<1x16x64xi32, #tpu.memory_space<hbm>>
          %dma_wait3A_1629 = tpu.memref_squeeze %dma_wait3A_1628 : memref<1x16x64xi32, #tpu.memory_space<hbm>> -> memref<16x64xi32, #tpu.memory_space<hbm>>
          tpu.wait_dma2 semaphore(%arg15 : memref<!tpu.dma_semaphore, #tpu.memory_space<semaphore_mem>>) src(%dma_wait3A_1629 : memref<16x64xi32, #tpu.memory_space<hbm>>) dst(%dma_wait3A_1626 : memref<16x64xi32, #tpu.memory_space<vmem>>)
        } else {
        }
        %mul3A_398 = arith.constant 4 : i32
        %mul3A_399 = arith.muli %scan3A_336, %mul3A_398 : i32
        %add3A_400 = arith.constant 0 : i32
        %add3A_401 = arith.addi %mul3A_399, %add3A_400 : i32
        %sub3A_402 = arith.constant 2 : i32
        %sub3A_403 = arith.subi %add3A_401, %sub3A_402 : i32
        %jit3A_404 = arith.constant 16 : i32
        %div3A_405 = arith.divsi %sub3A_403, %jit3A_404 : i32
        %sign3A_406 = arith.constant 0 : i32
        %sign3A_407 = arith.cmpi sgt, %sub3A_403, %sign3A_406 : i32
        %sign3A_408 = arith.extui %sign3A_407 : i1 to i32
        %sign3A_409 = arith.constant 0 : i32
        %sign3A_410 = arith.cmpi slt, %sub3A_403, %sign3A_409 : i32
        %sign3A_411 = arith.extui %sign3A_410 : i1 to i32
        %sign3A_412 = arith.subi %sign3A_408, %sign3A_411 : i32
        %sign3A_413 = arith.constant 0 : i32
        %sign3A_414 = arith.cmpi sgt, %jit3A_404, %sign3A_413 : i32
        %sign3A_415 = arith.extui %sign3A_414 : i1 to i32
        %sign3A_416 = arith.constant 0 : i32
        %sign3A_417 = arith.cmpi slt, %jit3A_404, %sign3A_416 : i32
        %sign3A_418 = arith.extui %sign3A_417 : i1 to i32
        %sign3A_419 = arith.subi %sign3A_415, %sign3A_418 : i32
        %ne3A_420 = arith.cmpi ne, %sign3A_412, %sign3A_419 : i32
        %rem3A_421 = arith.remsi %sub3A_403, %jit3A_404 : i32
        %ne3A_422 = arith.constant 0 : i32
        %ne3A_423 = arith.cmpi ne, %rem3A_421, %ne3A_422 : i32
        %and3A_424 = arith.andi %ne3A_420, %ne3A_423 : i1
        %sub3A_425 = arith.constant 1 : i32
        %sub3A_426 = arith.subi %div3A_405, %sub3A_425 : i32
        %select_n3A_427 = arith.select %and3A_424, %sub3A_426, %div3A_405 : i32
        %jit3A_428 = arith.constant 2 : i32
        %eq3A_429 = arith.constant 0 : i32
        %eq3A_430 = arith.cmpi eq, %jit3A_428, %eq3A_429 : i32
        %jit3A_431 = arith.constant 1 : i32
        %select_n3A_432 = arith.select %eq3A_430, %jit3A_431, %jit3A_428 : i32
        %rem3A_433 = arith.remsi %select_n3A_427, %select_n3A_432 : i32
        %ne3A_434 = arith.constant 0 : i32
        %ne3A_435 = arith.cmpi ne, %rem3A_433, %ne3A_434 : i32
        %lt3A_436 = arith.constant 0 : i32
        %lt3A_437 = arith.cmpi slt, %rem3A_433, %lt3A_436 : i32
        %lt3A_438 = arith.constant 0 : i32
        %lt3A_439 = arith.cmpi slt, %select_n3A_432, %lt3A_438 : i32
        %ne3A_440 = arith.xori %lt3A_437, %lt3A_439 : i1
        %and3A_441 = arith.andi %ne3A_440, %ne3A_435 : i1
        %add3A_442 = arith.addi %rem3A_433, %select_n3A_432 : i32
        %select_n3A_443 = arith.select %and3A_441, %add3A_442, %rem3A_433 : i32
        %jit3A_444 = arith.constant 16 : i32
        %eq3A_445 = arith.constant 0 : i32
        %eq3A_446 = arith.cmpi eq, %jit3A_444, %eq3A_445 : i32
        %jit3A_447 = arith.constant 1 : i32
        %select_n3A_448 = arith.select %eq3A_446, %jit3A_447, %jit3A_444 : i32
        %rem3A_449 = arith.remsi %sub3A_403, %select_n3A_448 : i32
        %ne3A_450 = arith.constant 0 : i32
        %ne3A_451 = arith.cmpi ne, %rem3A_449, %ne3A_450 : i32
        %lt3A_452 = arith.constant 0 : i32
        %lt3A_453 = arith.cmpi slt, %rem3A_449, %lt3A_452 : i32
        %lt3A_454 = arith.constant 0 : i32
        %lt3A_455 = arith.cmpi slt, %select_n3A_448, %lt3A_454 : i32
        %ne3A_456 = arith.xori %lt3A_453, %lt3A_455 : i1
        %and3A_457 = arith.andi %ne3A_456, %ne3A_451 : i1
        %add3A_458 = arith.addi %rem3A_449, %select_n3A_448 : i32
        %select_n3A_459 = arith.select %and3A_457, %add3A_458, %rem3A_449 : i32
        %dma_wait3A_460 = arith.constant 2 : i32
        %dma_wait3A_461 = arith.constant 2 : i32
        %dma_wait3A_462 = arith.constant 0 : i32
        %dma_wait3A_463 = arith.constant 0 : i32
        %dma_wait3A_464 = tpu.memref_slice %arg11[%dma_wait3A_460, %dma_wait3A_462, %dma_wait3A_463] : memref<4x64x128xf32, #tpu.memory_space<vmem>> -> memref<1x64x128xf32, #tpu.memory_space<vmem>>
        %dma_wait3A_465 = tpu.memref_squeeze %dma_wait3A_464 : memref<1x64x128xf32, #tpu.memory_space<vmem>> -> memref<64x128xf32, #tpu.memory_space<vmem>>
        %dma_wait3A_466 = arith.constant 0 : i32
        %dma_wait3A_467 = tpu.memref_slice %arg9[%select_n3A_443, %select_n3A_459, %dma_wait3A_466] : memref<2x16x64xi32, #tpu.memory_space<vmem>> -> memref<1x1x64xi32, #tpu.memory_space<vmem>>
        %dma_wait3A_468 = tpu.memref_squeeze %dma_wait3A_467 : memref<1x1x64xi32, #tpu.memory_space<vmem>> -> memref<64xi32, #tpu.memory_space<vmem>>
        %dma_wait3A_469 = arith.constant 0 : i32
        %dma_wait3A_470 = arith.constant 0 : i32
        %dma_wait3A_471 = tpu.memref_slice %arg6[%dma_wait3A_469, %dma_wait3A_470] : memref<20000x128xf32, #tpu.memory_space<hbm>> -> memref<20000x128xf32, #tpu.memory_space<hbm>>
        %dma_wait3A_472 = tpu.memref_slice %arg13[%dma_wait3A_461] : memref<4x!tpu.dma_semaphore, #tpu.memory_space<semaphore_mem>> -> memref<1x!tpu.dma_semaphore, #tpu.memory_space<semaphore_mem>>
        %dma_wait3A_473 = tpu.memref_squeeze %dma_wait3A_472 : memref<1x!tpu.dma_semaphore, #tpu.memory_space<semaphore_mem>> -> memref<!tpu.dma_semaphore, #tpu.memory_space<semaphore_mem>>
        tpu.wait_indirect_dma semaphore(%dma_wait3A_473 : memref<!tpu.dma_semaphore, #tpu.memory_space<semaphore_mem>>) src(%dma_wait3A_471 : memref<20000x128xf32, #tpu.memory_space<hbm>>) dst(%dma_wait3A_465 : memref<64x128xf32, #tpu.memory_space<vmem>>)
        %sub3A_474 = arith.constant 2 : i32
        %sub3A_475 = arith.subi %add3A_401, %sub3A_474 : i32
        %jit3A_476 = arith.constant 16 : i32
        %div3A_477 = arith.divsi %sub3A_475, %jit3A_476 : i32
        %sign3A_478 = arith.constant 0 : i32
        %sign3A_479 = arith.cmpi sgt, %sub3A_475, %sign3A_478 : i32
        %sign3A_480 = arith.extui %sign3A_479 : i1 to i32
        %sign3A_481 = arith.constant 0 : i32
        %sign3A_482 = arith.cmpi slt, %sub3A_475, %sign3A_481 : i32
        %sign3A_483 = arith.extui %sign3A_482 : i1 to i32
        %sign3A_484 = arith.subi %sign3A_480, %sign3A_483 : i32
        %sign3A_485 = arith.constant 0 : i32
        %sign3A_486 = arith.cmpi sgt, %jit3A_476, %sign3A_485 : i32
        %sign3A_487 = arith.extui %sign3A_486 : i1 to i32
        %sign3A_488 = arith.constant 0 : i32
        %sign3A_489 = arith.cmpi slt, %jit3A_476, %sign3A_488 : i32
        %sign3A_490 = arith.extui %sign3A_489 : i1 to i32
        %sign3A_491 = arith.subi %sign3A_487, %sign3A_490 : i32
        %ne3A_492 = arith.cmpi ne, %sign3A_484, %sign3A_491 : i32
        %rem3A_493 = arith.remsi %sub3A_475, %jit3A_476 : i32
        %ne3A_494 = arith.constant 0 : i32
        %ne3A_495 = arith.cmpi ne, %rem3A_493, %ne3A_494 : i32
        %and3A_496 = arith.andi %ne3A_492, %ne3A_495 : i1
        %sub3A_497 = arith.constant 1 : i32
        %sub3A_498 = arith.subi %div3A_477, %sub3A_497 : i32
        %select_n3A_499 = arith.select %and3A_496, %sub3A_498, %div3A_477 : i32
        %jit3A_500 = arith.constant 2 : i32
        %eq3A_501 = arith.constant 0 : i32
        %eq3A_502 = arith.cmpi eq, %jit3A_500, %eq3A_501 : i32
        %jit3A_503 = arith.constant 1 : i32
        %select_n3A_504 = arith.select %eq3A_502, %jit3A_503, %jit3A_500 : i32
        %rem3A_505 = arith.remsi %select_n3A_499, %select_n3A_504 : i32
        %ne3A_506 = arith.constant 0 : i32
        %ne3A_507 = arith.cmpi ne, %rem3A_505, %ne3A_506 : i32
        %lt3A_508 = arith.constant 0 : i32
        %lt3A_509 = arith.cmpi slt, %rem3A_505, %lt3A_508 : i32
        %lt3A_510 = arith.constant 0 : i32
        %lt3A_511 = arith.cmpi slt, %select_n3A_504, %lt3A_510 : i32
        %ne3A_512 = arith.xori %lt3A_509, %lt3A_511 : i1
        %and3A_513 = arith.andi %ne3A_512, %ne3A_507 : i1
        %add3A_514 = arith.addi %rem3A_505, %select_n3A_504 : i32
        %select_n3A_515 = arith.select %and3A_513, %add3A_514, %rem3A_505 : i32
        %jit3A_516 = arith.constant 16 : i32
        %eq3A_517 = arith.constant 0 : i32
        %eq3A_518 = arith.cmpi eq, %jit3A_516, %eq3A_517 : i32
        %jit3A_519 = arith.constant 1 : i32
        %select_n3A_520 = arith.select %eq3A_518, %jit3A_519, %jit3A_516 : i32
        %rem3A_521 = arith.remsi %sub3A_475, %select_n3A_520 : i32
        %ne3A_522 = arith.constant 0 : i32
        %ne3A_523 = arith.cmpi ne, %rem3A_521, %ne3A_522 : i32
        %lt3A_524 = arith.constant 0 : i32
        %lt3A_525 = arith.cmpi slt, %rem3A_521, %lt3A_524 : i32
        %lt3A_526 = arith.constant 0 : i32
        %lt3A_527 = arith.cmpi slt, %select_n3A_520, %lt3A_526 : i32
        %ne3A_528 = arith.xori %lt3A_525, %lt3A_527 : i1
        %and3A_529 = arith.andi %ne3A_528, %ne3A_523 : i1
        %add3A_530 = arith.addi %rem3A_521, %select_n3A_520 : i32
        %select_n3A_531 = arith.select %and3A_529, %add3A_530, %rem3A_521 : i32
        %dma_start3A_532 = arith.constant 2 : i32
        %dma_start3A_533 = arith.constant 2 : i32
        %dma_start3A_534 = arith.constant 0 : i32
        %dma_start3A_535 = arith.constant 0 : i32
        %dma_start3A_536 = tpu.memref_slice %arg11[%dma_start3A_532, %dma_start3A_534, %dma_start3A_535] : memref<4x64x128xf32, #tpu.memory_space<vmem>> -> memref<1x64x128xf32, #tpu.memory_space<vmem>>
        %dma_start3A_537 = tpu.memref_squeeze %dma_start3A_536 : memref<1x64x128xf32, #tpu.memory_space<vmem>> -> memref<64x128xf32, #tpu.memory_space<vmem>>
        %dma_start3A_538 = arith.constant 0 : i32
        %dma_start3A_539 = tpu.memref_slice %arg10[%select_n3A_515, %select_n3A_531, %dma_start3A_538] : memref<2x16x64xi32, #tpu.memory_space<vmem>> -> memref<1x1x64xi32, #tpu.memory_space<vmem>>
        %dma_start3A_540 = tpu.memref_squeeze %dma_start3A_539 : memref<1x1x64xi32, #tpu.memory_space<vmem>> -> memref<64xi32, #tpu.memory_space<vmem>>
        %dma_start3A_541 = arith.constant 0 : i32
        %dma_start3A_542 = arith.constant 0 : i32
        %dma_start3A_543 = tpu.memref_slice %arg12[%dma_start3A_541, %dma_start3A_542] : memref<10112x128xf32, #tpu.memory_space<vmem_shared>> -> memref<10112x128xf32, #tpu.memory_space<vmem_shared>>
        %dma_start3A_544 = tpu.memref_slice %arg14[%dma_start3A_533] : memref<4x!tpu.dma_semaphore, #tpu.memory_space<semaphore_mem>> -> memref<1x!tpu.dma_semaphore, #tpu.memory_space<semaphore_mem>>
        %dma_start3A_545 = tpu.memref_squeeze %dma_start3A_544 : memref<1x!tpu.dma_semaphore, #tpu.memory_space<semaphore_mem>> -> memref<!tpu.dma_semaphore, #tpu.memory_space<semaphore_mem>>
        tpu.enqueue_indirect_dma source(%dma_start3A_537 : memref<64x128xf32, #tpu.memory_space<vmem>>) target(%dma_start3A_543 : memref<10112x128xf32, #tpu.memory_space<vmem_shared>>) offsets(%dma_start3A_540 : memref<64xi32, #tpu.memory_space<vmem>>) semaphore(%dma_start3A_545 : memref<!tpu.dma_semaphore, #tpu.memory_space<semaphore_mem>>) {add = true}
        %sub3A_546 = arith.constant 4 : i32
        %sub3A_547 = arith.subi %add3A_401, %sub3A_546 : i32
        %jit3A_548 = arith.constant 16 : i32
        %div3A_549 = arith.divsi %sub3A_547, %jit3A_548 : i32
        %sign3A_550 = arith.constant 0 : i32
        %sign3A_551 = arith.cmpi sgt, %sub3A_547, %sign3A_550 : i32
        %sign3A_552 = arith.extui %sign3A_551 : i1 to i32
        %sign3A_553 = arith.constant 0 : i32
        %sign3A_554 = arith.cmpi slt, %sub3A_547, %sign3A_553 : i32
        %sign3A_555 = arith.extui %sign3A_554 : i1 to i32
        %sign3A_556 = arith.subi %sign3A_552, %sign3A_555 : i32
        %sign3A_557 = arith.constant 0 : i32
        %sign3A_558 = arith.cmpi sgt, %jit3A_548, %sign3A_557 : i32
        %sign3A_559 = arith.extui %sign3A_558 : i1 to i32
        %sign3A_560 = arith.constant 0 : i32
        %sign3A_561 = arith.cmpi slt, %jit3A_548, %sign3A_560 : i32
        %sign3A_562 = arith.extui %sign3A_561 : i1 to i32
        %sign3A_563 = arith.subi %sign3A_559, %sign3A_562 : i32
        %ne3A_564 = arith.cmpi ne, %sign3A_556, %sign3A_563 : i32
        %rem3A_565 = arith.remsi %sub3A_547, %jit3A_548 : i32
        %ne3A_566 = arith.constant 0 : i32
        %ne3A_567 = arith.cmpi ne, %rem3A_565, %ne3A_566 : i32
        %and3A_568 = arith.andi %ne3A_564, %ne3A_567 : i1
        %sub3A_569 = arith.constant 1 : i32
        %sub3A_570 = arith.subi %div3A_549, %sub3A_569 : i32
        %select_n3A_571 = arith.select %and3A_568, %sub3A_570, %div3A_549 : i32
        %jit3A_572 = arith.constant 2 : i32
        %eq3A_573 = arith.constant 0 : i32
        %eq3A_574 = arith.cmpi eq, %jit3A_572, %eq3A_573 : i32
        %jit3A_575 = arith.constant 1 : i32
        %select_n3A_576 = arith.select %eq3A_574, %jit3A_575, %jit3A_572 : i32
        %rem3A_577 = arith.remsi %select_n3A_571, %select_n3A_576 : i32
        %ne3A_578 = arith.constant 0 : i32
        %ne3A_579 = arith.cmpi ne, %rem3A_577, %ne3A_578 : i32
        %lt3A_580 = arith.constant 0 : i32
        %lt3A_581 = arith.cmpi slt, %rem3A_577, %lt3A_580 : i32
        %lt3A_582 = arith.constant 0 : i32
        %lt3A_583 = arith.cmpi slt, %select_n3A_576, %lt3A_582 : i32
        %ne3A_584 = arith.xori %lt3A_581, %lt3A_583 : i1
        %and3A_585 = arith.andi %ne3A_584, %ne3A_579 : i1
        %add3A_586 = arith.addi %rem3A_577, %select_n3A_576 : i32
        %select_n3A_587 = arith.select %and3A_585, %add3A_586, %rem3A_577 : i32
        %jit3A_588 = arith.constant 16 : i32
        %eq3A_589 = arith.constant 0 : i32
        %eq3A_590 = arith.cmpi eq, %jit3A_588, %eq3A_589 : i32
        %jit3A_591 = arith.constant 1 : i32
        %select_n3A_592 = arith.select %eq3A_590, %jit3A_591, %jit3A_588 : i32
        %rem3A_593 = arith.remsi %sub3A_547, %select_n3A_592 : i32
        %ne3A_594 = arith.constant 0 : i32
        %ne3A_595 = arith.cmpi ne, %rem3A_593, %ne3A_594 : i32
        %lt3A_596 = arith.constant 0 : i32
        %lt3A_597 = arith.cmpi slt, %rem3A_593, %lt3A_596 : i32
        %lt3A_598 = arith.constant 0 : i32
        %lt3A_599 = arith.cmpi slt, %select_n3A_592, %lt3A_598 : i32
        %ne3A_600 = arith.xori %lt3A_597, %lt3A_599 : i1
        %and3A_601 = arith.andi %ne3A_600, %ne3A_595 : i1
        %add3A_602 = arith.addi %rem3A_593, %select_n3A_592 : i32
        %select_n3A_603 = arith.select %and3A_601, %add3A_602, %rem3A_593 : i32
        %dma_wait3A_604 = arith.constant 0 : i32
        %dma_wait3A_605 = arith.constant 0 : i32
        %dma_wait3A_606 = arith.constant 0 : i32
        %dma_wait3A_607 = arith.constant 0 : i32
        %dma_wait3A_608 = tpu.memref_slice %arg11[%dma_wait3A_604, %dma_wait3A_606, %dma_wait3A_607] : memref<4x64x128xf32, #tpu.memory_space<vmem>> -> memref<1x64x128xf32, #tpu.memory_space<vmem>>
        %dma_wait3A_609 = tpu.memref_squeeze %dma_wait3A_608 : memref<1x64x128xf32, #tpu.memory_space<vmem>> -> memref<64x128xf32, #tpu.memory_space<vmem>>
        %dma_wait3A_610 = arith.constant 0 : i32
        %dma_wait3A_611 = tpu.memref_slice %arg10[%select_n3A_587, %select_n3A_603, %dma_wait3A_610] : memref<2x16x64xi32, #tpu.memory_space<vmem>> -> memref<1x1x64xi32, #tpu.memory_space<vmem>>
        %dma_wait3A_612 = tpu.memref_squeeze %dma_wait3A_611 : memref<1x1x64xi32, #tpu.memory_space<vmem>> -> memref<64xi32, #tpu.memory_space<vmem>>
        %dma_wait3A_613 = arith.constant 0 : i32
        %dma_wait3A_614 = arith.constant 0 : i32
        %dma_wait3A_615 = tpu.memref_slice %arg12[%dma_wait3A_613, %dma_wait3A_614] : memref<10112x128xf32, #tpu.memory_space<vmem_shared>> -> memref<10112x128xf32, #tpu.memory_space<vmem_shared>>
        %dma_wait3A_616 = tpu.memref_slice %arg14[%dma_wait3A_605] : memref<4x!tpu.dma_semaphore, #tpu.memory_space<semaphore_mem>> -> memref<1x!tpu.dma_semaphore, #tpu.memory_space<semaphore_mem>>
        %dma_wait3A_617 = tpu.memref_squeeze %dma_wait3A_616 : memref<1x!tpu.dma_semaphore, #tpu.memory_space<semaphore_mem>> -> memref<!tpu.dma_semaphore, #tpu.memory_space<semaphore_mem>>
        tpu.wait_indirect_dma semaphore(%dma_wait3A_617 : memref<!tpu.dma_semaphore, #tpu.memory_space<semaphore_mem>>) src(%dma_wait3A_609 : memref<64x128xf32, #tpu.memory_space<vmem>>) dst(%dma_wait3A_615 : memref<10112x128xf32, #tpu.memory_space<vmem_shared>>)
        %jit3A_618 = arith.constant 16 : i32
        %div3A_619 = arith.divsi %add3A_401, %jit3A_618 : i32
        %sign3A_620 = arith.constant 0 : i32
        %sign3A_621 = arith.cmpi sgt, %add3A_401, %sign3A_620 : i32
        %sign3A_622 = arith.extui %sign3A_621 : i1 to i32
        %sign3A_623 = arith.constant 0 : i32
        %sign3A_624 = arith.cmpi slt, %add3A_401, %sign3A_623 : i32
        %sign3A_625 = arith.extui %sign3A_624 : i1 to i32
        %sign3A_626 = arith.subi %sign3A_622, %sign3A_625 : i32
        %sign3A_627 = arith.constant 0 : i32
        %sign3A_628 = arith.cmpi sgt, %jit3A_618, %sign3A_627 : i32
        %sign3A_629 = arith.extui %sign3A_628 : i1 to i32
        %sign3A_630 = arith.constant 0 : i32
        %sign3A_631 = arith.cmpi slt, %jit3A_618, %sign3A_630 : i32
        %sign3A_632 = arith.extui %sign3A_631 : i1 to i32
        %sign3A_633 = arith.subi %sign3A_629, %sign3A_632 : i32
        %ne3A_634 = arith.cmpi ne, %sign3A_626, %sign3A_633 : i32
        %rem3A_635 = arith.remsi %add3A_401, %jit3A_618 : i32
        %ne3A_636 = arith.constant 0 : i32
        %ne3A_637 = arith.cmpi ne, %rem3A_635, %ne3A_636 : i32
        %and3A_638 = arith.andi %ne3A_634, %ne3A_637 : i1
        %sub3A_639 = arith.constant 1 : i32
        %sub3A_640 = arith.subi %div3A_619, %sub3A_639 : i32
        %select_n3A_641 = arith.select %and3A_638, %sub3A_640, %div3A_619 : i32
        %jit3A_642 = arith.constant 2 : i32
        %eq3A_643 = arith.constant 0 : i32
        %eq3A_644 = arith.cmpi eq, %jit3A_642, %eq3A_643 : i32
        %jit3A_645 = arith.constant 1 : i32
        %select_n3A_646 = arith.select %eq3A_644, %jit3A_645, %jit3A_642 : i32
        %rem3A_647 = arith.remsi %select_n3A_641, %select_n3A_646 : i32
        %ne3A_648 = arith.constant 0 : i32
        %ne3A_649 = arith.cmpi ne, %rem3A_647, %ne3A_648 : i32
        %lt3A_650 = arith.constant 0 : i32
        %lt3A_651 = arith.cmpi slt, %rem3A_647, %lt3A_650 : i32
        %lt3A_652 = arith.constant 0 : i32
        %lt3A_653 = arith.cmpi slt, %select_n3A_646, %lt3A_652 : i32
        %ne3A_654 = arith.xori %lt3A_651, %lt3A_653 : i1
        %and3A_655 = arith.andi %ne3A_654, %ne3A_649 : i1
        %add3A_656 = arith.addi %rem3A_647, %select_n3A_646 : i32
        %select_n3A_657 = arith.select %and3A_655, %add3A_656, %rem3A_647 : i32
        %jit3A_658 = arith.constant 16 : i32
        %eq3A_659 = arith.constant 0 : i32
        %eq3A_660 = arith.cmpi eq, %jit3A_658, %eq3A_659 : i32
        %jit3A_661 = arith.constant 1 : i32
        %select_n3A_662 = arith.select %eq3A_660, %jit3A_661, %jit3A_658 : i32
        %rem3A_663 = arith.remsi %add3A_401, %select_n3A_662 : i32
        %ne3A_664 = arith.constant 0 : i32
        %ne3A_665 = arith.cmpi ne, %rem3A_663, %ne3A_664 : i32
        %lt3A_666 = arith.constant 0 : i32
        %lt3A_667 = arith.cmpi slt, %rem3A_663, %lt3A_666 : i32
        %lt3A_668 = arith.constant 0 : i32
        %lt3A_669 = arith.cmpi slt, %select_n3A_662, %lt3A_668 : i32
        %ne3A_670 = arith.xori %lt3A_667, %lt3A_669 : i1
        %and3A_671 = arith.andi %ne3A_670, %ne3A_665 : i1
        %add3A_672 = arith.addi %rem3A_663, %select_n3A_662 : i32
        %select_n3A_673 = arith.select %and3A_671, %add3A_672, %rem3A_663 : i32
        %dma_start3A_674 = arith.constant 0 : i32
        %dma_start3A_675 = arith.constant 0 : i32
        %dma_start3A_676 = arith.constant 0 : i32
        %dma_start3A_677 = arith.constant 0 : i32
        %dma_start3A_678 = tpu.memref_slice %arg11[%dma_start3A_674, %dma_start3A_676, %dma_start3A_677] : memref<4x64x128xf32, #tpu.memory_space<vmem>> -> memref<1x64x128xf32, #tpu.memory_space<vmem>>
        %dma_start3A_679 = tpu.memref_squeeze %dma_start3A_678 : memref<1x64x128xf32, #tpu.memory_space<vmem>> -> memref<64x128xf32, #tpu.memory_space<vmem>>
        %dma_start3A_680 = arith.constant 0 : i32
        %dma_start3A_681 = tpu.memref_slice %arg9[%select_n3A_657, %select_n3A_673, %dma_start3A_680] : memref<2x16x64xi32, #tpu.memory_space<vmem>> -> memref<1x1x64xi32, #tpu.memory_space<vmem>>
        %dma_start3A_682 = tpu.memref_squeeze %dma_start3A_681 : memref<1x1x64xi32, #tpu.memory_space<vmem>> -> memref<64xi32, #tpu.memory_space<vmem>>
        %dma_start3A_683 = arith.constant 0 : i32
        %dma_start3A_684 = arith.constant 0 : i32
        %dma_start3A_685 = tpu.memref_slice %arg6[%dma_start3A_683, %dma_start3A_684] : memref<20000x128xf32, #tpu.memory_space<hbm>> -> memref<20000x128xf32, #tpu.memory_space<hbm>>
        %dma_start3A_686 = tpu.memref_slice %arg13[%dma_start3A_675] : memref<4x!tpu.dma_semaphore, #tpu.memory_space<semaphore_mem>> -> memref<1x!tpu.dma_semaphore, #tpu.memory_space<semaphore_mem>>
        %dma_start3A_687 = tpu.memref_squeeze %dma_start3A_686 : memref<1x!tpu.dma_semaphore, #tpu.memory_space<semaphore_mem>> -> memref<!tpu.dma_semaphore, #tpu.memory_space<semaphore_mem>>
        tpu.enqueue_indirect_dma source(%dma_start3A_685 : memref<20000x128xf32, #tpu.memory_space<hbm>>) target(%dma_start3A_679 : memref<64x128xf32, #tpu.memory_space<vmem>>) offsets(%dma_start3A_682 : memref<64xi32, #tpu.memory_space<vmem>>) semaphore(%dma_start3A_687 : memref<!tpu.dma_semaphore, #tpu.memory_space<semaphore_mem>>)
        %mul3A_688 = arith.constant 4 : i32
        %mul3A_689 = arith.muli %scan3A_336, %mul3A_688 : i32
        %add3A_690 = arith.constant 1 : i32
        %add3A_691 = arith.addi %mul3A_689, %add3A_690 : i32
        %sub3A_692 = arith.constant 2 : i32
        %sub3A_693 = arith.subi %add3A_691, %sub3A_692 : i32
        %jit3A_694 = arith.constant 16 : i32
        %div3A_695 = arith.divsi %sub3A_693, %jit3A_694 : i32
        %sign3A_696 = arith.constant 0 : i32
        %sign3A_697 = arith.cmpi sgt, %sub3A_693, %sign3A_696 : i32
        %sign3A_698 = arith.extui %sign3A_697 : i1 to i32
        %sign3A_699 = arith.constant 0 : i32
        %sign3A_700 = arith.cmpi slt, %sub3A_693, %sign3A_699 : i32
        %sign3A_701 = arith.extui %sign3A_700 : i1 to i32
        %sign3A_702 = arith.subi %sign3A_698, %sign3A_701 : i32
        %sign3A_703 = arith.constant 0 : i32
        %sign3A_704 = arith.cmpi sgt, %jit3A_694, %sign3A_703 : i32
        %sign3A_705 = arith.extui %sign3A_704 : i1 to i32
        %sign3A_706 = arith.constant 0 : i32
        %sign3A_707 = arith.cmpi slt, %jit3A_694, %sign3A_706 : i32
        %sign3A_708 = arith.extui %sign3A_707 : i1 to i32
        %sign3A_709 = arith.subi %sign3A_705, %sign3A_708 : i32
        %ne3A_710 = arith.cmpi ne, %sign3A_702, %sign3A_709 : i32
        %rem3A_711 = arith.remsi %sub3A_693, %jit3A_694 : i32
        %ne3A_712 = arith.constant 0 : i32
        %ne3A_713 = arith.cmpi ne, %rem3A_711, %ne3A_712 : i32
        %and3A_714 = arith.andi %ne3A_710, %ne3A_713 : i1
        %sub3A_715 = arith.constant 1 : i32
        %sub3A_716 = arith.subi %div3A_695, %sub3A_715 : i32
        %select_n3A_717 = arith.select %and3A_714, %sub3A_716, %div3A_695 : i32
        %jit3A_718 = arith.constant 2 : i32
        %eq3A_719 = arith.constant 0 : i32
        %eq3A_720 = arith.cmpi eq, %jit3A_718, %eq3A_719 : i32
        %jit3A_721 = arith.constant 1 : i32
        %select_n3A_722 = arith.select %eq3A_720, %jit3A_721, %jit3A_718 : i32
        %rem3A_723 = arith.remsi %select_n3A_717, %select_n3A_722 : i32
        %ne3A_724 = arith.constant 0 : i32
        %ne3A_725 = arith.cmpi ne, %rem3A_723, %ne3A_724 : i32
        %lt3A_726 = arith.constant 0 : i32
        %lt3A_727 = arith.cmpi slt, %rem3A_723, %lt3A_726 : i32
        %lt3A_728 = arith.constant 0 : i32
        %lt3A_729 = arith.cmpi slt, %select_n3A_722, %lt3A_728 : i32
        %ne3A_730 = arith.xori %lt3A_727, %lt3A_729 : i1
        %and3A_731 = arith.andi %ne3A_730, %ne3A_725 : i1
        %add3A_732 = arith.addi %rem3A_723, %select_n3A_722 : i32
        %select_n3A_733 = arith.select %and3A_731, %add3A_732, %rem3A_723 : i32
        %jit3A_734 = arith.constant 16 : i32
        %eq3A_735 = arith.constant 0 : i32
        %eq3A_736 = arith.cmpi eq, %jit3A_734, %eq3A_735 : i32
        %jit3A_737 = arith.constant 1 : i32
        %select_n3A_738 = arith.select %eq3A_736, %jit3A_737, %jit3A_734 : i32
        %rem3A_739 = arith.remsi %sub3A_693, %select_n3A_738 : i32
        %ne3A_740 = arith.constant 0 : i32
        %ne3A_741 = arith.cmpi ne, %rem3A_739, %ne3A_740 : i32
        %lt3A_742 = arith.constant 0 : i32
        %lt3A_743 = arith.cmpi slt, %rem3A_739, %lt3A_742 : i32
        %lt3A_744 = arith.constant 0 : i32
        %lt3A_745 = arith.cmpi slt, %select_n3A_738, %lt3A_744 : i32
        %ne3A_746 = arith.xori %lt3A_743, %lt3A_745 : i1
        %and3A_747 = arith.andi %ne3A_746, %ne3A_741 : i1
        %add3A_748 = arith.addi %rem3A_739, %select_n3A_738 : i32
        %select_n3A_749 = arith.select %and3A_747, %add3A_748, %rem3A_739 : i32
        %dma_wait3A_750 = arith.constant 3 : i32
        %dma_wait3A_751 = arith.constant 3 : i32
        %dma_wait3A_752 = arith.constant 0 : i32
        %dma_wait3A_753 = arith.constant 0 : i32
        %dma_wait3A_754 = tpu.memref_slice %arg11[%dma_wait3A_750, %dma_wait3A_752, %dma_wait3A_753] : memref<4x64x128xf32, #tpu.memory_space<vmem>> -> memref<1x64x128xf32, #tpu.memory_space<vmem>>
        %dma_wait3A_755 = tpu.memref_squeeze %dma_wait3A_754 : memref<1x64x128xf32, #tpu.memory_space<vmem>> -> memref<64x128xf32, #tpu.memory_space<vmem>>
        %dma_wait3A_756 = arith.constant 0 : i32
        %dma_wait3A_757 = tpu.memref_slice %arg9[%select_n3A_733, %select_n3A_749, %dma_wait3A_756] : memref<2x16x64xi32, #tpu.memory_space<vmem>> -> memref<1x1x64xi32, #tpu.memory_space<vmem>>
        %dma_wait3A_758 = tpu.memref_squeeze %dma_wait3A_757 : memref<1x1x64xi32, #tpu.memory_space<vmem>> -> memref<64xi32, #tpu.memory_space<vmem>>
        %dma_wait3A_759 = arith.constant 0 : i32
        %dma_wait3A_760 = arith.constant 0 : i32
        %dma_wait3A_761 = tpu.memref_slice %arg6[%dma_wait3A_759, %dma_wait3A_760] : memref<20000x128xf32, #tpu.memory_space<hbm>> -> memref<20000x128xf32, #tpu.memory_space<hbm>>
        %dma_wait3A_762 = tpu.memref_slice %arg13[%dma_wait3A_751] : memref<4x!tpu.dma_semaphore, #tpu.memory_space<semaphore_mem>> -> memref<1x!tpu.dma_semaphore, #tpu.memory_space<semaphore_mem>>
        %dma_wait3A_763 = tpu.memref_squeeze %dma_wait3A_762 : memref<1x!tpu.dma_semaphore, #tpu.memory_space<semaphore_mem>> -> memref<!tpu.dma_semaphore, #tpu.memory_space<semaphore_mem>>
        tpu.wait_indirect_dma semaphore(%dma_wait3A_763 : memref<!tpu.dma_semaphore, #tpu.memory_space<semaphore_mem>>) src(%dma_wait3A_761 : memref<20000x128xf32, #tpu.memory_space<hbm>>) dst(%dma_wait3A_755 : memref<64x128xf32, #tpu.memory_space<vmem>>)
        %sub3A_764 = arith.constant 2 : i32
        %sub3A_765 = arith.subi %add3A_691, %sub3A_764 : i32
        %jit3A_766 = arith.constant 16 : i32
        %div3A_767 = arith.divsi %sub3A_765, %jit3A_766 : i32
        %sign3A_768 = arith.constant 0 : i32
        %sign3A_769 = arith.cmpi sgt, %sub3A_765, %sign3A_768 : i32
        %sign3A_770 = arith.extui %sign3A_769 : i1 to i32
        %sign3A_771 = arith.constant 0 : i32
        %sign3A_772 = arith.cmpi slt, %sub3A_765, %sign3A_771 : i32
        %sign3A_773 = arith.extui %sign3A_772 : i1 to i32
        %sign3A_774 = arith.subi %sign3A_770, %sign3A_773 : i32
        %sign3A_775 = arith.constant 0 : i32
        %sign3A_776 = arith.cmpi sgt, %jit3A_766, %sign3A_775 : i32
        %sign3A_777 = arith.extui %sign3A_776 : i1 to i32
        %sign3A_778 = arith.constant 0 : i32
        %sign3A_779 = arith.cmpi slt, %jit3A_766, %sign3A_778 : i32
        %sign3A_780 = arith.extui %sign3A_779 : i1 to i32
        %sign3A_781 = arith.subi %sign3A_777, %sign3A_780 : i32
        %ne3A_782 = arith.cmpi ne, %sign3A_774, %sign3A_781 : i32
        %rem3A_783 = arith.remsi %sub3A_765, %jit3A_766 : i32
        %ne3A_784 = arith.constant 0 : i32
        %ne3A_785 = arith.cmpi ne, %rem3A_783, %ne3A_784 : i32
        %and3A_786 = arith.andi %ne3A_782, %ne3A_785 : i1
        %sub3A_787 = arith.constant 1 : i32
        %sub3A_788 = arith.subi %div3A_767, %sub3A_787 : i32
        %select_n3A_789 = arith.select %and3A_786, %sub3A_788, %div3A_767 : i32
        %jit3A_790 = arith.constant 2 : i32
        %eq3A_791 = arith.constant 0 : i32
        %eq3A_792 = arith.cmpi eq, %jit3A_790, %eq3A_791 : i32
        %jit3A_793 = arith.constant 1 : i32
        %select_n3A_794 = arith.select %eq3A_792, %jit3A_793, %jit3A_790 : i32
        %rem3A_795 = arith.remsi %select_n3A_789, %select_n3A_794 : i32
        %ne3A_796 = arith.constant 0 : i32
        %ne3A_797 = arith.cmpi ne, %rem3A_795, %ne3A_796 : i32
        %lt3A_798 = arith.constant 0 : i32
        %lt3A_799 = arith.cmpi slt, %rem3A_795, %lt3A_798 : i32
        %lt3A_800 = arith.constant 0 : i32
        %lt3A_801 = arith.cmpi slt, %select_n3A_794, %lt3A_800 : i32
        %ne3A_802 = arith.xori %lt3A_799, %lt3A_801 : i1
        %and3A_803 = arith.andi %ne3A_802, %ne3A_797 : i1
        %add3A_804 = arith.addi %rem3A_795, %select_n3A_794 : i32
        %select_n3A_805 = arith.select %and3A_803, %add3A_804, %rem3A_795 : i32
        %jit3A_806 = arith.constant 16 : i32
        %eq3A_807 = arith.constant 0 : i32
        %eq3A_808 = arith.cmpi eq, %jit3A_806, %eq3A_807 : i32
        %jit3A_809 = arith.constant 1 : i32
        %select_n3A_810 = arith.select %eq3A_808, %jit3A_809, %jit3A_806 : i32
        %rem3A_811 = arith.remsi %sub3A_765, %select_n3A_810 : i32
        %ne3A_812 = arith.constant 0 : i32
        %ne3A_813 = arith.cmpi ne, %rem3A_811, %ne3A_812 : i32
        %lt3A_814 = arith.constant 0 : i32
        %lt3A_815 = arith.cmpi slt, %rem3A_811, %lt3A_814 : i32
        %lt3A_816 = arith.constant 0 : i32
        %lt3A_817 = arith.cmpi slt, %select_n3A_810, %lt3A_816 : i32
        %ne3A_818 = arith.xori %lt3A_815, %lt3A_817 : i1
        %and3A_819 = arith.andi %ne3A_818, %ne3A_813 : i1
        %add3A_820 = arith.addi %rem3A_811, %select_n3A_810 : i32
        %select_n3A_821 = arith.select %and3A_819, %add3A_820, %rem3A_811 : i32
        %dma_start3A_822 = arith.constant 3 : i32
        %dma_start3A_823 = arith.constant 3 : i32
        %dma_start3A_824 = arith.constant 0 : i32
        %dma_start3A_825 = arith.constant 0 : i32
        %dma_start3A_826 = tpu.memref_slice %arg11[%dma_start3A_822, %dma_start3A_824, %dma_start3A_825] : memref<4x64x128xf32, #tpu.memory_space<vmem>> -> memref<1x64x128xf32, #tpu.memory_space<vmem>>
        %dma_start3A_827 = tpu.memref_squeeze %dma_start3A_826 : memref<1x64x128xf32, #tpu.memory_space<vmem>> -> memref<64x128xf32, #tpu.memory_space<vmem>>
        %dma_start3A_828 = arith.constant 0 : i32
        %dma_start3A_829 = tpu.memref_slice %arg10[%select_n3A_805, %select_n3A_821, %dma_start3A_828] : memref<2x16x64xi32, #tpu.memory_space<vmem>> -> memref<1x1x64xi32, #tpu.memory_space<vmem>>
        %dma_start3A_830 = tpu.memref_squeeze %dma_start3A_829 : memref<1x1x64xi32, #tpu.memory_space<vmem>> -> memref<64xi32, #tpu.memory_space<vmem>>
        %dma_start3A_831 = arith.constant 0 : i32
        %dma_start3A_832 = arith.constant 0 : i32
        %dma_start3A_833 = tpu.memref_slice %arg12[%dma_start3A_831, %dma_start3A_832] : memref<10112x128xf32, #tpu.memory_space<vmem_shared>> -> memref<10112x128xf32, #tpu.memory_space<vmem_shared>>
        %dma_start3A_834 = tpu.memref_slice %arg14[%dma_start3A_823] : memref<4x!tpu.dma_semaphore, #tpu.memory_space<semaphore_mem>> -> memref<1x!tpu.dma_semaphore, #tpu.memory_space<semaphore_mem>>
        %dma_start3A_835 = tpu.memref_squeeze %dma_start3A_834 : memref<1x!tpu.dma_semaphore, #tpu.memory_space<semaphore_mem>> -> memref<!tpu.dma_semaphore, #tpu.memory_space<semaphore_mem>>
        tpu.enqueue_indirect_dma source(%dma_start3A_827 : memref<64x128xf32, #tpu.memory_space<vmem>>) target(%dma_start3A_833 : memref<10112x128xf32, #tpu.memory_space<vmem_shared>>) offsets(%dma_start3A_830 : memref<64xi32, #tpu.memory_space<vmem>>) semaphore(%dma_start3A_835 : memref<!tpu.dma_semaphore, #tpu.memory_space<semaphore_mem>>) {add = true}
        %sub3A_836 = arith.constant 4 : i32
        %sub3A_837 = arith.subi %add3A_691, %sub3A_836 : i32
        %jit3A_838 = arith.constant 16 : i32
        %div3A_839 = arith.divsi %sub3A_837, %jit3A_838 : i32
        %sign3A_840 = arith.constant 0 : i32
        %sign3A_841 = arith.cmpi sgt, %sub3A_837, %sign3A_840 : i32
        %sign3A_842 = arith.extui %sign3A_841 : i1 to i32
        %sign3A_843 = arith.constant 0 : i32
        %sign3A_844 = arith.cmpi slt, %sub3A_837, %sign3A_843 : i32
        %sign3A_845 = arith.extui %sign3A_844 : i1 to i32
        %sign3A_846 = arith.subi %sign3A_842, %sign3A_845 : i32
        %sign3A_847 = arith.constant 0 : i32
        %sign3A_848 = arith.cmpi sgt, %jit3A_838, %sign3A_847 : i32
        %sign3A_849 = arith.extui %sign3A_848 : i1 to i32
        %sign3A_850 = arith.constant 0 : i32
        %sign3A_851 = arith.cmpi slt, %jit3A_838, %sign3A_850 : i32
        %sign3A_852 = arith.extui %sign3A_851 : i1 to i32
        %sign3A_853 = arith.subi %sign3A_849, %sign3A_852 : i32
        %ne3A_854 = arith.cmpi ne, %sign3A_846, %sign3A_853 : i32
        %rem3A_855 = arith.remsi %sub3A_837, %jit3A_838 : i32
        %ne3A_856 = arith.constant 0 : i32
        %ne3A_857 = arith.cmpi ne, %rem3A_855, %ne3A_856 : i32
        %and3A_858 = arith.andi %ne3A_854, %ne3A_857 : i1
        %sub3A_859 = arith.constant 1 : i32
        %sub3A_860 = arith.subi %div3A_839, %sub3A_859 : i32
        %select_n3A_861 = arith.select %and3A_858, %sub3A_860, %div3A_839 : i32
        %jit3A_862 = arith.constant 2 : i32
        %eq3A_863 = arith.constant 0 : i32
        %eq3A_864 = arith.cmpi eq, %jit3A_862, %eq3A_863 : i32
        %jit3A_865 = arith.constant 1 : i32
        %select_n3A_866 = arith.select %eq3A_864, %jit3A_865, %jit3A_862 : i32
        %rem3A_867 = arith.remsi %select_n3A_861, %select_n3A_866 : i32
        %ne3A_868 = arith.constant 0 : i32
        %ne3A_869 = arith.cmpi ne, %rem3A_867, %ne3A_868 : i32
        %lt3A_870 = arith.constant 0 : i32
        %lt3A_871 = arith.cmpi slt, %rem3A_867, %lt3A_870 : i32
        %lt3A_872 = arith.constant 0 : i32
        %lt3A_873 = arith.cmpi slt, %select_n3A_866, %lt3A_872 : i32
        %ne3A_874 = arith.xori %lt3A_871, %lt3A_873 : i1
        %and3A_875 = arith.andi %ne3A_874, %ne3A_869 : i1
        %add3A_876 = arith.addi %rem3A_867, %select_n3A_866 : i32
        %select_n3A_877 = arith.select %and3A_875, %add3A_876, %rem3A_867 : i32
        %jit3A_878 = arith.constant 16 : i32
        %eq3A_879 = arith.constant 0 : i32
        %eq3A_880 = arith.cmpi eq, %jit3A_878, %eq3A_879 : i32
        %jit3A_881 = arith.constant 1 : i32
        %select_n3A_882 = arith.select %eq3A_880, %jit3A_881, %jit3A_878 : i32
        %rem3A_883 = arith.remsi %sub3A_837, %select_n3A_882 : i32
        %ne3A_884 = arith.constant 0 : i32
        %ne3A_885 = arith.cmpi ne, %rem3A_883, %ne3A_884 : i32
        %lt3A_886 = arith.constant 0 : i32
        %lt3A_887 = arith.cmpi slt, %rem3A_883, %lt3A_886 : i32
        %lt3A_888 = arith.constant 0 : i32
        %lt3A_889 = arith.cmpi slt, %select_n3A_882, %lt3A_888 : i32
        %ne3A_890 = arith.xori %lt3A_887, %lt3A_889 : i1
        %and3A_891 = arith.andi %ne3A_890, %ne3A_885 : i1
        %add3A_892 = arith.addi %rem3A_883, %select_n3A_882 : i32
        %select_n3A_893 = arith.select %and3A_891, %add3A_892, %rem3A_883 : i32
        %dma_wait3A_894 = arith.constant 1 : i32
        %dma_wait3A_895 = arith.constant 1 : i32
        %dma_wait3A_896 = arith.constant 0 : i32
        %dma_wait3A_897 = arith.constant 0 : i32
        %dma_wait3A_898 = tpu.memref_slice %arg11[%dma_wait3A_894, %dma_wait3A_896, %dma_wait3A_897] : memref<4x64x128xf32, #tpu.memory_space<vmem>> -> memref<1x64x128xf32, #tpu.memory_space<vmem>>
        %dma_wait3A_899 = tpu.memref_squeeze %dma_wait3A_898 : memref<1x64x128xf32, #tpu.memory_space<vmem>> -> memref<64x128xf32, #tpu.memory_space<vmem>>
        %dma_wait3A_900 = arith.constant 0 : i32
        %dma_wait3A_901 = tpu.memref_slice %arg10[%select_n3A_877, %select_n3A_893, %dma_wait3A_900] : memref<2x16x64xi32, #tpu.memory_space<vmem>> -> memref<1x1x64xi32, #tpu.memory_space<vmem>>
        %dma_wait3A_902 = tpu.memref_squeeze %dma_wait3A_901 : memref<1x1x64xi32, #tpu.memory_space<vmem>> -> memref<64xi32, #tpu.memory_space<vmem>>
        %dma_wait3A_903 = arith.constant 0 : i32
        %dma_wait3A_904 = arith.constant 0 : i32
        %dma_wait3A_905 = tpu.memref_slice %arg12[%dma_wait3A_903, %dma_wait3A_904] : memref<10112x128xf32, #tpu.memory_space<vmem_shared>> -> memref<10112x128xf32, #tpu.memory_space<vmem_shared>>
        %dma_wait3A_906 = tpu.memref_slice %arg14[%dma_wait3A_895] : memref<4x!tpu.dma_semaphore, #tpu.memory_space<semaphore_mem>> -> memref<1x!tpu.dma_semaphore, #tpu.memory_space<semaphore_mem>>
        %dma_wait3A_907 = tpu.memref_squeeze %dma_wait3A_906 : memref<1x!tpu.dma_semaphore, #tpu.memory_space<semaphore_mem>> -> memref<!tpu.dma_semaphore, #tpu.memory_space<semaphore_mem>>
        tpu.wait_indirect_dma semaphore(%dma_wait3A_907 : memref<!tpu.dma_semaphore, #tpu.memory_space<semaphore_mem>>) src(%dma_wait3A_899 : memref<64x128xf32, #tpu.memory_space<vmem>>) dst(%dma_wait3A_905 : memref<10112x128xf32, #tpu.memory_space<vmem_shared>>)
        %jit3A_908 = arith.constant 16 : i32
        %div3A_909 = arith.divsi %add3A_691, %jit3A_908 : i32
        %sign3A_910 = arith.constant 0 : i32
        %sign3A_911 = arith.cmpi sgt, %add3A_691, %sign3A_910 : i32
        %sign3A_912 = arith.extui %sign3A_911 : i1 to i32
        %sign3A_913 = arith.constant 0 : i32
        %sign3A_914 = arith.cmpi slt, %add3A_691, %sign3A_913 : i32
        %sign3A_915 = arith.extui %sign3A_914 : i1 to i32
        %sign3A_916 = arith.subi %sign3A_912, %sign3A_915 : i32
        %sign3A_917 = arith.constant 0 : i32
        %sign3A_918 = arith.cmpi sgt, %jit3A_908, %sign3A_917 : i32
        %sign3A_919 = arith.extui %sign3A_918 : i1 to i32
        %sign3A_920 = arith.constant 0 : i32
        %sign3A_921 = arith.cmpi slt, %jit3A_908, %sign3A_920 : i32
        %sign3A_922 = arith.extui %sign3A_921 : i1 to i32
        %sign3A_923 = arith.subi %sign3A_919, %sign3A_922 : i32
        %ne3A_924 = arith.cmpi ne, %sign3A_916, %sign3A_923 : i32
        %rem3A_925 = arith.remsi %add3A_691, %jit3A_908 : i32
        %ne3A_926 = arith.constant 0 : i32
        %ne3A_927 = arith.cmpi ne, %rem3A_925, %ne3A_926 : i32
        %and3A_928 = arith.andi %ne3A_924, %ne3A_927 : i1
        %sub3A_929 = arith.constant 1 : i32
        %sub3A_930 = arith.subi %div3A_909, %sub3A_929 : i32
        %select_n3A_931 = arith.select %and3A_928, %sub3A_930, %div3A_909 : i32
        %jit3A_932 = arith.constant 2 : i32
        %eq3A_933 = arith.constant 0 : i32
        %eq3A_934 = arith.cmpi eq, %jit3A_932, %eq3A_933 : i32
        %jit3A_935 = arith.constant 1 : i32
        %select_n3A_936 = arith.select %eq3A_934, %jit3A_935, %jit3A_932 : i32
        %rem3A_937 = arith.remsi %select_n3A_931, %select_n3A_936 : i32
        %ne3A_938 = arith.constant 0 : i32
        %ne3A_939 = arith.cmpi ne, %rem3A_937, %ne3A_938 : i32
        %lt3A_940 = arith.constant 0 : i32
        %lt3A_941 = arith.cmpi slt, %rem3A_937, %lt3A_940 : i32
        %lt3A_942 = arith.constant 0 : i32
        %lt3A_943 = arith.cmpi slt, %select_n3A_936, %lt3A_942 : i32
        %ne3A_944 = arith.xori %lt3A_941, %lt3A_943 : i1
        %and3A_945 = arith.andi %ne3A_944, %ne3A_939 : i1
        %add3A_946 = arith.addi %rem3A_937, %select_n3A_936 : i32
        %select_n3A_947 = arith.select %and3A_945, %add3A_946, %rem3A_937 : i32
        %jit3A_948 = arith.constant 16 : i32
        %eq3A_949 = arith.constant 0 : i32
        %eq3A_950 = arith.cmpi eq, %jit3A_948, %eq3A_949 : i32
        %jit3A_951 = arith.constant 1 : i32
        %select_n3A_952 = arith.select %eq3A_950, %jit3A_951, %jit3A_948 : i32
        %rem3A_953 = arith.remsi %add3A_691, %select_n3A_952 : i32
        %ne3A_954 = arith.constant 0 : i32
        %ne3A_955 = arith.cmpi ne, %rem3A_953, %ne3A_954 : i32
        %lt3A_956 = arith.constant 0 : i32
        %lt3A_957 = arith.cmpi slt, %rem3A_953, %lt3A_956 : i32
        %lt3A_958 = arith.constant 0 : i32
        %lt3A_959 = arith.cmpi slt, %select_n3A_952, %lt3A_958 : i32
        %ne3A_960 = arith.xori %lt3A_957, %lt3A_959 : i1
        %and3A_961 = arith.andi %ne3A_960, %ne3A_955 : i1
        %add3A_962 = arith.addi %rem3A_953, %select_n3A_952 : i32
        %select_n3A_963 = arith.select %and3A_961, %add3A_962, %rem3A_953 : i32
        %dma_start3A_964 = arith.constant 1 : i32
        %dma_start3A_965 = arith.constant 1 : i32
        %dma_start3A_966 = arith.constant 0 : i32
        %dma_start3A_967 = arith.constant 0 : i32
        %dma_start3A_968 = tpu.memref_slice %arg11[%dma_start3A_964, %dma_start3A_966, %dma_start3A_967] : memref<4x64x128xf32, #tpu.memory_space<vmem>> -> memref<1x64x128xf32, #tpu.memory_space<vmem>>
        %dma_start3A_969 = tpu.memref_squeeze %dma_start3A_968 : memref<1x64x128xf32, #tpu.memory_space<vmem>> -> memref<64x128xf32, #tpu.memory_space<vmem>>
        %dma_start3A_970 = arith.constant 0 : i32
        %dma_start3A_971 = tpu.memref_slice %arg9[%select_n3A_947, %select_n3A_963, %dma_start3A_970] : memref<2x16x64xi32, #tpu.memory_space<vmem>> -> memref<1x1x64xi32, #tpu.memory_space<vmem>>
        %dma_start3A_972 = tpu.memref_squeeze %dma_start3A_971 : memref<1x1x64xi32, #tpu.memory_space<vmem>> -> memref<64xi32, #tpu.memory_space<vmem>>
        %dma_start3A_973 = arith.constant 0 : i32
        %dma_start3A_974 = arith.constant 0 : i32
        %dma_start3A_975 = tpu.memref_slice %arg6[%dma_start3A_973, %dma_start3A_974] : memref<20000x128xf32, #tpu.memory_space<hbm>> -> memref<20000x128xf32, #tpu.memory_space<hbm>>
        %dma_start3A_976 = tpu.memref_slice %arg13[%dma_start3A_965] : memref<4x!tpu.dma_semaphore, #tpu.memory_space<semaphore_mem>> -> memref<1x!tpu.dma_semaphore, #tpu.memory_space<semaphore_mem>>
        %dma_start3A_977 = tpu.memref_squeeze %dma_start3A_976 : memref<1x!tpu.dma_semaphore, #tpu.memory_space<semaphore_mem>> -> memref<!tpu.dma_semaphore, #tpu.memory_space<semaphore_mem>>
        tpu.enqueue_indirect_dma source(%dma_start3A_975 : memref<20000x128xf32, #tpu.memory_space<hbm>>) target(%dma_start3A_969 : memref<64x128xf32, #tpu.memory_space<vmem>>) offsets(%dma_start3A_972 : memref<64xi32, #tpu.memory_space<vmem>>) semaphore(%dma_start3A_977 : memref<!tpu.dma_semaphore, #tpu.memory_space<semaphore_mem>>)
        %mul3A_978 = arith.constant 4 : i32
        %mul3A_979 = arith.muli %scan3A_336, %mul3A_978 : i32
        %add3A_980 = arith.constant 2 : i32
        %add3A_981 = arith.addi %mul3A_979, %add3A_980 : i32
        %sub3A_982 = arith.constant 2 : i32
        %sub3A_983 = arith.subi %add3A_981, %sub3A_982 : i32
        %jit3A_984 = arith.constant 16 : i32
        %div3A_985 = arith.divsi %sub3A_983, %jit3A_984 : i32
        %sign3A_986 = arith.constant 0 : i32
        %sign3A_987 = arith.cmpi sgt, %sub3A_983, %sign3A_986 : i32
        %sign3A_988 = arith.extui %sign3A_987 : i1 to i32
        %sign3A_989 = arith.constant 0 : i32
        %sign3A_990 = arith.cmpi slt, %sub3A_983, %sign3A_989 : i32
        %sign3A_991 = arith.extui %sign3A_990 : i1 to i32
        %sign3A_992 = arith.subi %sign3A_988, %sign3A_991 : i32
        %sign3A_993 = arith.constant 0 : i32
        %sign3A_994 = arith.cmpi sgt, %jit3A_984, %sign3A_993 : i32
        %sign3A_995 = arith.extui %sign3A_994 : i1 to i32
        %sign3A_996 = arith.constant 0 : i32
        %sign3A_997 = arith.cmpi slt, %jit3A_984, %sign3A_996 : i32
        %sign3A_998 = arith.extui %sign3A_997 : i1 to i32
        %sign3A_999 = arith.subi %sign3A_995, %sign3A_998 : i32
        %ne3A_1000 = arith.cmpi ne, %sign3A_992, %sign3A_999 : i32
        %rem3A_1001 = arith.remsi %sub3A_983, %jit3A_984 : i32
        %ne3A_1002 = arith.constant 0 : i32
        %ne3A_1003 = arith.cmpi ne, %rem3A_1001, %ne3A_1002 : i32
        %and3A_1004 = arith.andi %ne3A_1000, %ne3A_1003 : i1
        %sub3A_1005 = arith.constant 1 : i32
        %sub3A_1006 = arith.subi %div3A_985, %sub3A_1005 : i32
        %select_n3A_1007 = arith.select %and3A_1004, %sub3A_1006, %div3A_985 : i32
        %jit3A_1008 = arith.constant 2 : i32
        %eq3A_1009 = arith.constant 0 : i32
        %eq3A_1010 = arith.cmpi eq, %jit3A_1008, %eq3A_1009 : i32
        %jit3A_1011 = arith.constant 1 : i32
        %select_n3A_1012 = arith.select %eq3A_1010, %jit3A_1011, %jit3A_1008 : i32
        %rem3A_1013 = arith.remsi %select_n3A_1007, %select_n3A_1012 : i32
        %ne3A_1014 = arith.constant 0 : i32
        %ne3A_1015 = arith.cmpi ne, %rem3A_1013, %ne3A_1014 : i32
        %lt3A_1016 = arith.constant 0 : i32
        %lt3A_1017 = arith.cmpi slt, %rem3A_1013, %lt3A_1016 : i32
        %lt3A_1018 = arith.constant 0 : i32
        %lt3A_1019 = arith.cmpi slt, %select_n3A_1012, %lt3A_1018 : i32
        %ne3A_1020 = arith.xori %lt3A_1017, %lt3A_1019 : i1
        %and3A_1021 = arith.andi %ne3A_1020, %ne3A_1015 : i1
        %add3A_1022 = arith.addi %rem3A_1013, %select_n3A_1012 : i32
        %select_n3A_1023 = arith.select %and3A_1021, %add3A_1022, %rem3A_1013 : i32
        %jit3A_1024 = arith.constant 16 : i32
        %eq3A_1025 = arith.constant 0 : i32
        %eq3A_1026 = arith.cmpi eq, %jit3A_1024, %eq3A_1025 : i32
        %jit3A_1027 = arith.constant 1 : i32
        %select_n3A_1028 = arith.select %eq3A_1026, %jit3A_1027, %jit3A_1024 : i32
        %rem3A_1029 = arith.remsi %sub3A_983, %select_n3A_1028 : i32
        %ne3A_1030 = arith.constant 0 : i32
        %ne3A_1031 = arith.cmpi ne, %rem3A_1029, %ne3A_1030 : i32
        %lt3A_1032 = arith.constant 0 : i32
        %lt3A_1033 = arith.cmpi slt, %rem3A_1029, %lt3A_1032 : i32
        %lt3A_1034 = arith.constant 0 : i32
        %lt3A_1035 = arith.cmpi slt, %select_n3A_1028, %lt3A_1034 : i32
        %ne3A_1036 = arith.xori %lt3A_1033, %lt3A_1035 : i1
        %and3A_1037 = arith.andi %ne3A_1036, %ne3A_1031 : i1
        %add3A_1038 = arith.addi %rem3A_1029, %select_n3A_1028 : i32
        %select_n3A_1039 = arith.select %and3A_1037, %add3A_1038, %rem3A_1029 : i32
        %dma_wait3A_1040 = arith.constant 0 : i32
        %dma_wait3A_1041 = arith.constant 0 : i32
        %dma_wait3A_1042 = arith.constant 0 : i32
        %dma_wait3A_1043 = arith.constant 0 : i32
        %dma_wait3A_1044 = tpu.memref_slice %arg11[%dma_wait3A_1040, %dma_wait3A_1042, %dma_wait3A_1043] : memref<4x64x128xf32, #tpu.memory_space<vmem>> -> memref<1x64x128xf32, #tpu.memory_space<vmem>>
        %dma_wait3A_1045 = tpu.memref_squeeze %dma_wait3A_1044 : memref<1x64x128xf32, #tpu.memory_space<vmem>> -> memref<64x128xf32, #tpu.memory_space<vmem>>
        %dma_wait3A_1046 = arith.constant 0 : i32
        %dma_wait3A_1047 = tpu.memref_slice %arg9[%select_n3A_1023, %select_n3A_1039, %dma_wait3A_1046] : memref<2x16x64xi32, #tpu.memory_space<vmem>> -> memref<1x1x64xi32, #tpu.memory_space<vmem>>
        %dma_wait3A_1048 = tpu.memref_squeeze %dma_wait3A_1047 : memref<1x1x64xi32, #tpu.memory_space<vmem>> -> memref<64xi32, #tpu.memory_space<vmem>>
        %dma_wait3A_1049 = arith.constant 0 : i32
        %dma_wait3A_1050 = arith.constant 0 : i32
        %dma_wait3A_1051 = tpu.memref_slice %arg6[%dma_wait3A_1049, %dma_wait3A_1050] : memref<20000x128xf32, #tpu.memory_space<hbm>> -> memref<20000x128xf32, #tpu.memory_space<hbm>>
        %dma_wait3A_1052 = tpu.memref_slice %arg13[%dma_wait3A_1041] : memref<4x!tpu.dma_semaphore, #tpu.memory_space<semaphore_mem>> -> memref<1x!tpu.dma_semaphore, #tpu.memory_space<semaphore_mem>>
        %dma_wait3A_1053 = tpu.memref_squeeze %dma_wait3A_1052 : memref<1x!tpu.dma_semaphore, #tpu.memory_space<semaphore_mem>> -> memref<!tpu.dma_semaphore, #tpu.memory_space<semaphore_mem>>
        tpu.wait_indirect_dma semaphore(%dma_wait3A_1053 : memref<!tpu.dma_semaphore, #tpu.memory_space<semaphore_mem>>) src(%dma_wait3A_1051 : memref<20000x128xf32, #tpu.memory_space<hbm>>) dst(%dma_wait3A_1045 : memref<64x128xf32, #tpu.memory_space<vmem>>)
        %sub3A_1054 = arith.constant 2 : i32
        %sub3A_1055 = arith.subi %add3A_981, %sub3A_1054 : i32
        %jit3A_1056 = arith.constant 16 : i32
        %div3A_1057 = arith.divsi %sub3A_1055, %jit3A_1056 : i32
        %sign3A_1058 = arith.constant 0 : i32
        %sign3A_1059 = arith.cmpi sgt, %sub3A_1055, %sign3A_1058 : i32
        %sign3A_1060 = arith.extui %sign3A_1059 : i1 to i32
        %sign3A_1061 = arith.constant 0 : i32
        %sign3A_1062 = arith.cmpi slt, %sub3A_1055, %sign3A_1061 : i32
        %sign3A_1063 = arith.extui %sign3A_1062 : i1 to i32
        %sign3A_1064 = arith.subi %sign3A_1060, %sign3A_1063 : i32
        %sign3A_1065 = arith.constant 0 : i32
        %sign3A_1066 = arith.cmpi sgt, %jit3A_1056, %sign3A_1065 : i32
        %sign3A_1067 = arith.extui %sign3A_1066 : i1 to i32
        %sign3A_1068 = arith.constant 0 : i32
        %sign3A_1069 = arith.cmpi slt, %jit3A_1056, %sign3A_1068 : i32
        %sign3A_1070 = arith.extui %sign3A_1069 : i1 to i32
        %sign3A_1071 = arith.subi %sign3A_1067, %sign3A_1070 : i32
        %ne3A_1072 = arith.cmpi ne, %sign3A_1064, %sign3A_1071 : i32
        %rem3A_1073 = arith.remsi %sub3A_1055, %jit3A_1056 : i32
        %ne3A_1074 = arith.constant 0 : i32
        %ne3A_1075 = arith.cmpi ne, %rem3A_1073, %ne3A_1074 : i32
        %and3A_1076 = arith.andi %ne3A_1072, %ne3A_1075 : i1
        %sub3A_1077 = arith.constant 1 : i32
        %sub3A_1078 = arith.subi %div3A_1057, %sub3A_1077 : i32
        %select_n3A_1079 = arith.select %and3A_1076, %sub3A_1078, %div3A_1057 : i32
        %jit3A_1080 = arith.constant 2 : i32
        %eq3A_1081 = arith.constant 0 : i32
        %eq3A_1082 = arith.cmpi eq, %jit3A_1080, %eq3A_1081 : i32
        %jit3A_1083 = arith.constant 1 : i32
        %select_n3A_1084 = arith.select %eq3A_1082, %jit3A_1083, %jit3A_1080 : i32
        %rem3A_1085 = arith.remsi %select_n3A_1079, %select_n3A_1084 : i32
        %ne3A_1086 = arith.constant 0 : i32
        %ne3A_1087 = arith.cmpi ne, %rem3A_1085, %ne3A_1086 : i32
        %lt3A_1088 = arith.constant 0 : i32
        %lt3A_1089 = arith.cmpi slt, %rem3A_1085, %lt3A_1088 : i32
        %lt3A_1090 = arith.constant 0 : i32
        %lt3A_1091 = arith.cmpi slt, %select_n3A_1084, %lt3A_1090 : i32
        %ne3A_1092 = arith.xori %lt3A_1089, %lt3A_1091 : i1
        %and3A_1093 = arith.andi %ne3A_1092, %ne3A_1087 : i1
        %add3A_1094 = arith.addi %rem3A_1085, %select_n3A_1084 : i32
        %select_n3A_1095 = arith.select %and3A_1093, %add3A_1094, %rem3A_1085 : i32
        %jit3A_1096 = arith.constant 16 : i32
        %eq3A_1097 = arith.constant 0 : i32
        %eq3A_1098 = arith.cmpi eq, %jit3A_1096, %eq3A_1097 : i32
        %jit3A_1099 = arith.constant 1 : i32
        %select_n3A_1100 = arith.select %eq3A_1098, %jit3A_1099, %jit3A_1096 : i32
        %rem3A_1101 = arith.remsi %sub3A_1055, %select_n3A_1100 : i32
        %ne3A_1102 = arith.constant 0 : i32
        %ne3A_1103 = arith.cmpi ne, %rem3A_1101, %ne3A_1102 : i32
        %lt3A_1104 = arith.constant 0 : i32
        %lt3A_1105 = arith.cmpi slt, %rem3A_1101, %lt3A_1104 : i32
        %lt3A_1106 = arith.constant 0 : i32
        %lt3A_1107 = arith.cmpi slt, %select_n3A_1100, %lt3A_1106 : i32
        %ne3A_1108 = arith.xori %lt3A_1105, %lt3A_1107 : i1
        %and3A_1109 = arith.andi %ne3A_1108, %ne3A_1103 : i1
        %add3A_1110 = arith.addi %rem3A_1101, %select_n3A_1100 : i32
        %select_n3A_1111 = arith.select %and3A_1109, %add3A_1110, %rem3A_1101 : i32
        %dma_start3A_1112 = arith.constant 0 : i32
        %dma_start3A_1113 = arith.constant 0 : i32
        %dma_start3A_1114 = arith.constant 0 : i32
        %dma_start3A_1115 = arith.constant 0 : i32
        %dma_start3A_1116 = tpu.memref_slice %arg11[%dma_start3A_1112, %dma_start3A_1114, %dma_start3A_1115] : memref<4x64x128xf32, #tpu.memory_space<vmem>> -> memref<1x64x128xf32, #tpu.memory_space<vmem>>
        %dma_start3A_1117 = tpu.memref_squeeze %dma_start3A_1116 : memref<1x64x128xf32, #tpu.memory_space<vmem>> -> memref<64x128xf32, #tpu.memory_space<vmem>>
        %dma_start3A_1118 = arith.constant 0 : i32
        %dma_start3A_1119 = tpu.memref_slice %arg10[%select_n3A_1095, %select_n3A_1111, %dma_start3A_1118] : memref<2x16x64xi32, #tpu.memory_space<vmem>> -> memref<1x1x64xi32, #tpu.memory_space<vmem>>
        %dma_start3A_1120 = tpu.memref_squeeze %dma_start3A_1119 : memref<1x1x64xi32, #tpu.memory_space<vmem>> -> memref<64xi32, #tpu.memory_space<vmem>>
        %dma_start3A_1121 = arith.constant 0 : i32
        %dma_start3A_1122 = arith.constant 0 : i32
        %dma_start3A_1123 = tpu.memref_slice %arg12[%dma_start3A_1121, %dma_start3A_1122] : memref<10112x128xf32, #tpu.memory_space<vmem_shared>> -> memref<10112x128xf32, #tpu.memory_space<vmem_shared>>
        %dma_start3A_1124 = tpu.memref_slice %arg14[%dma_start3A_1113] : memref<4x!tpu.dma_semaphore, #tpu.memory_space<semaphore_mem>> -> memref<1x!tpu.dma_semaphore, #tpu.memory_space<semaphore_mem>>
        %dma_start3A_1125 = tpu.memref_squeeze %dma_start3A_1124 : memref<1x!tpu.dma_semaphore, #tpu.memory_space<semaphore_mem>> -> memref<!tpu.dma_semaphore, #tpu.memory_space<semaphore_mem>>
        tpu.enqueue_indirect_dma source(%dma_start3A_1117 : memref<64x128xf32, #tpu.memory_space<vmem>>) target(%dma_start3A_1123 : memref<10112x128xf32, #tpu.memory_space<vmem_shared>>) offsets(%dma_start3A_1120 : memref<64xi32, #tpu.memory_space<vmem>>) semaphore(%dma_start3A_1125 : memref<!tpu.dma_semaphore, #tpu.memory_space<semaphore_mem>>) {add = true}
        %sub3A_1126 = arith.constant 4 : i32
        %sub3A_1127 = arith.subi %add3A_981, %sub3A_1126 : i32
        %jit3A_1128 = arith.constant 16 : i32
        %div3A_1129 = arith.divsi %sub3A_1127, %jit3A_1128 : i32
        %sign3A_1130 = arith.constant 0 : i32
        %sign3A_1131 = arith.cmpi sgt, %sub3A_1127, %sign3A_1130 : i32
        %sign3A_1132 = arith.extui %sign3A_1131 : i1 to i32
        %sign3A_1133 = arith.constant 0 : i32
        %sign3A_1134 = arith.cmpi slt, %sub3A_1127, %sign3A_1133 : i32
        %sign3A_1135 = arith.extui %sign3A_1134 : i1 to i32
        %sign3A_1136 = arith.subi %sign3A_1132, %sign3A_1135 : i32
        %sign3A_1137 = arith.constant 0 : i32
        %sign3A_1138 = arith.cmpi sgt, %jit3A_1128, %sign3A_1137 : i32
        %sign3A_1139 = arith.extui %sign3A_1138 : i1 to i32
        %sign3A_1140 = arith.constant 0 : i32
        %sign3A_1141 = arith.cmpi slt, %jit3A_1128, %sign3A_1140 : i32
        %sign3A_1142 = arith.extui %sign3A_1141 : i1 to i32
        %sign3A_1143 = arith.subi %sign3A_1139, %sign3A_1142 : i32
        %ne3A_1144 = arith.cmpi ne, %sign3A_1136, %sign3A_1143 : i32
        %rem3A_1145 = arith.remsi %sub3A_1127, %jit3A_1128 : i32
        %ne3A_1146 = arith.constant 0 : i32
        %ne3A_1147 = arith.cmpi ne, %rem3A_1145, %ne3A_1146 : i32
        %and3A_1148 = arith.andi %ne3A_1144, %ne3A_1147 : i1
        %sub3A_1149 = arith.constant 1 : i32
        %sub3A_1150 = arith.subi %div3A_1129, %sub3A_1149 : i32
        %select_n3A_1151 = arith.select %and3A_1148, %sub3A_1150, %div3A_1129 : i32
        %jit3A_1152 = arith.constant 2 : i32
        %eq3A_1153 = arith.constant 0 : i32
        %eq3A_1154 = arith.cmpi eq, %jit3A_1152, %eq3A_1153 : i32
        %jit3A_1155 = arith.constant 1 : i32
        %select_n3A_1156 = arith.select %eq3A_1154, %jit3A_1155, %jit3A_1152 : i32
        %rem3A_1157 = arith.remsi %select_n3A_1151, %select_n3A_1156 : i32
        %ne3A_1158 = arith.constant 0 : i32
        %ne3A_1159 = arith.cmpi ne, %rem3A_1157, %ne3A_1158 : i32
        %lt3A_1160 = arith.constant 0 : i32
        %lt3A_1161 = arith.cmpi slt, %rem3A_1157, %lt3A_1160 : i32
        %lt3A_1162 = arith.constant 0 : i32
        %lt3A_1163 = arith.cmpi slt, %select_n3A_1156, %lt3A_1162 : i32
        %ne3A_1164 = arith.xori %lt3A_1161, %lt3A_1163 : i1
        %and3A_1165 = arith.andi %ne3A_1164, %ne3A_1159 : i1
        %add3A_1166 = arith.addi %rem3A_1157, %select_n3A_1156 : i32
        %select_n3A_1167 = arith.select %and3A_1165, %add3A_1166, %rem3A_1157 : i32
        %jit3A_1168 = arith.constant 16 : i32
        %eq3A_1169 = arith.constant 0 : i32
        %eq3A_1170 = arith.cmpi eq, %jit3A_1168, %eq3A_1169 : i32
        %jit3A_1171 = arith.constant 1 : i32
        %select_n3A_1172 = arith.select %eq3A_1170, %jit3A_1171, %jit3A_1168 : i32
        %rem3A_1173 = arith.remsi %sub3A_1127, %select_n3A_1172 : i32
        %ne3A_1174 = arith.constant 0 : i32
        %ne3A_1175 = arith.cmpi ne, %rem3A_1173, %ne3A_1174 : i32
        %lt3A_1176 = arith.constant 0 : i32
        %lt3A_1177 = arith.cmpi slt, %rem3A_1173, %lt3A_1176 : i32
        %lt3A_1178 = arith.constant 0 : i32
        %lt3A_1179 = arith.cmpi slt, %select_n3A_1172, %lt3A_1178 : i32
        %ne3A_1180 = arith.xori %lt3A_1177, %lt3A_1179 : i1
        %and3A_1181 = arith.andi %ne3A_1180, %ne3A_1175 : i1
        %add3A_1182 = arith.addi %rem3A_1173, %select_n3A_1172 : i32
        %select_n3A_1183 = arith.select %and3A_1181, %add3A_1182, %rem3A_1173 : i32
        %dma_wait3A_1184 = arith.constant 2 : i32
        %dma_wait3A_1185 = arith.constant 2 : i32
        %dma_wait3A_1186 = arith.constant 0 : i32
        %dma_wait3A_1187 = arith.constant 0 : i32
        %dma_wait3A_1188 = tpu.memref_slice %arg11[%dma_wait3A_1184, %dma_wait3A_1186, %dma_wait3A_1187] : memref<4x64x128xf32, #tpu.memory_space<vmem>> -> memref<1x64x128xf32, #tpu.memory_space<vmem>>
        %dma_wait3A_1189 = tpu.memref_squeeze %dma_wait3A_1188 : memref<1x64x128xf32, #tpu.memory_space<vmem>> -> memref<64x128xf32, #tpu.memory_space<vmem>>
        %dma_wait3A_1190 = arith.constant 0 : i32
        %dma_wait3A_1191 = tpu.memref_slice %arg10[%select_n3A_1167, %select_n3A_1183, %dma_wait3A_1190] : memref<2x16x64xi32, #tpu.memory_space<vmem>> -> memref<1x1x64xi32, #tpu.memory_space<vmem>>
        %dma_wait3A_1192 = tpu.memref_squeeze %dma_wait3A_1191 : memref<1x1x64xi32, #tpu.memory_space<vmem>> -> memref<64xi32, #tpu.memory_space<vmem>>
        %dma_wait3A_1193 = arith.constant 0 : i32
        %dma_wait3A_1194 = arith.constant 0 : i32
        %dma_wait3A_1195 = tpu.memref_slice %arg12[%dma_wait3A_1193, %dma_wait3A_1194] : memref<10112x128xf32, #tpu.memory_space<vmem_shared>> -> memref<10112x128xf32, #tpu.memory_space<vmem_shared>>
        %dma_wait3A_1196 = tpu.memref_slice %arg14[%dma_wait3A_1185] : memref<4x!tpu.dma_semaphore, #tpu.memory_space<semaphore_mem>> -> memref<1x!tpu.dma_semaphore, #tpu.memory_space<semaphore_mem>>
        %dma_wait3A_1197 = tpu.memref_squeeze %dma_wait3A_1196 : memref<1x!tpu.dma_semaphore, #tpu.memory_space<semaphore_mem>> -> memref<!tpu.dma_semaphore, #tpu.memory_space<semaphore_mem>>
        tpu.wait_indirect_dma semaphore(%dma_wait3A_1197 : memref<!tpu.dma_semaphore, #tpu.memory_space<semaphore_mem>>) src(%dma_wait3A_1189 : memref<64x128xf32, #tpu.memory_space<vmem>>) dst(%dma_wait3A_1195 : memref<10112x128xf32, #tpu.memory_space<vmem_shared>>)
        %jit3A_1198 = arith.constant 16 : i32
        %div3A_1199 = arith.divsi %add3A_981, %jit3A_1198 : i32
        %sign3A_1200 = arith.constant 0 : i32
        %sign3A_1201 = arith.cmpi sgt, %add3A_981, %sign3A_1200 : i32
        %sign3A_1202 = arith.extui %sign3A_1201 : i1 to i32
        %sign3A_1203 = arith.constant 0 : i32
        %sign3A_1204 = arith.cmpi slt, %add3A_981, %sign3A_1203 : i32
        %sign3A_1205 = arith.extui %sign3A_1204 : i1 to i32
        %sign3A_1206 = arith.subi %sign3A_1202, %sign3A_1205 : i32
        %sign3A_1207 = arith.constant 0 : i32
        %sign3A_1208 = arith.cmpi sgt, %jit3A_1198, %sign3A_1207 : i32
        %sign3A_1209 = arith.extui %sign3A_1208 : i1 to i32
        %sign3A_1210 = arith.constant 0 : i32
        %sign3A_1211 = arith.cmpi slt, %jit3A_1198, %sign3A_1210 : i32
        %sign3A_1212 = arith.extui %sign3A_1211 : i1 to i32
        %sign3A_1213 = arith.subi %sign3A_1209, %sign3A_1212 : i32
        %ne3A_1214 = arith.cmpi ne, %sign3A_1206, %sign3A_1213 : i32
        %rem3A_1215 = arith.remsi %add3A_981, %jit3A_1198 : i32
        %ne3A_1216 = arith.constant 0 : i32
        %ne3A_1217 = arith.cmpi ne, %rem3A_1215, %ne3A_1216 : i32
        %and3A_1218 = arith.andi %ne3A_1214, %ne3A_1217 : i1
        %sub3A_1219 = arith.constant 1 : i32
        %sub3A_1220 = arith.subi %div3A_1199, %sub3A_1219 : i32
        %select_n3A_1221 = arith.select %and3A_1218, %sub3A_1220, %div3A_1199 : i32
        %jit3A_1222 = arith.constant 2 : i32
        %eq3A_1223 = arith.constant 0 : i32
        %eq3A_1224 = arith.cmpi eq, %jit3A_1222, %eq3A_1223 : i32
        %jit3A_1225 = arith.constant 1 : i32
        %select_n3A_1226 = arith.select %eq3A_1224, %jit3A_1225, %jit3A_1222 : i32
        %rem3A_1227 = arith.remsi %select_n3A_1221, %select_n3A_1226 : i32
        %ne3A_1228 = arith.constant 0 : i32
        %ne3A_1229 = arith.cmpi ne, %rem3A_1227, %ne3A_1228 : i32
        %lt3A_1230 = arith.constant 0 : i32
        %lt3A_1231 = arith.cmpi slt, %rem3A_1227, %lt3A_1230 : i32
        %lt3A_1232 = arith.constant 0 : i32
        %lt3A_1233 = arith.cmpi slt, %select_n3A_1226, %lt3A_1232 : i32
        %ne3A_1234 = arith.xori %lt3A_1231, %lt3A_1233 : i1
        %and3A_1235 = arith.andi %ne3A_1234, %ne3A_1229 : i1
        %add3A_1236 = arith.addi %rem3A_1227, %select_n3A_1226 : i32
        %select_n3A_1237 = arith.select %and3A_1235, %add3A_1236, %rem3A_1227 : i32
        %jit3A_1238 = arith.constant 16 : i32
        %eq3A_1239 = arith.constant 0 : i32
        %eq3A_1240 = arith.cmpi eq, %jit3A_1238, %eq3A_1239 : i32
        %jit3A_1241 = arith.constant 1 : i32
        %select_n3A_1242 = arith.select %eq3A_1240, %jit3A_1241, %jit3A_1238 : i32
        %rem3A_1243 = arith.remsi %add3A_981, %select_n3A_1242 : i32
        %ne3A_1244 = arith.constant 0 : i32
        %ne3A_1245 = arith.cmpi ne, %rem3A_1243, %ne3A_1244 : i32
        %lt3A_1246 = arith.constant 0 : i32
        %lt3A_1247 = arith.cmpi slt, %rem3A_1243, %lt3A_1246 : i32
        %lt3A_1248 = arith.constant 0 : i32
        %lt3A_1249 = arith.cmpi slt, %select_n3A_1242, %lt3A_1248 : i32
        %ne3A_1250 = arith.xori %lt3A_1247, %lt3A_1249 : i1
        %and3A_1251 = arith.andi %ne3A_1250, %ne3A_1245 : i1
        %add3A_1252 = arith.addi %rem3A_1243, %select_n3A_1242 : i32
        %select_n3A_1253 = arith.select %and3A_1251, %add3A_1252, %rem3A_1243 : i32
        %dma_start3A_1254 = arith.constant 2 : i32
        %dma_start3A_1255 = arith.constant 2 : i32
        %dma_start3A_1256 = arith.constant 0 : i32
        %dma_start3A_1257 = arith.constant 0 : i32
        %dma_start3A_1258 = tpu.memref_slice %arg11[%dma_start3A_1254, %dma_start3A_1256, %dma_start3A_1257] : memref<4x64x128xf32, #tpu.memory_space<vmem>> -> memref<1x64x128xf32, #tpu.memory_space<vmem>>
        %dma_start3A_1259 = tpu.memref_squeeze %dma_start3A_1258 : memref<1x64x128xf32, #tpu.memory_space<vmem>> -> memref<64x128xf32, #tpu.memory_space<vmem>>
        %dma_start3A_1260 = arith.constant 0 : i32
        %dma_start3A_1261 = tpu.memref_slice %arg9[%select_n3A_1237, %select_n3A_1253, %dma_start3A_1260] : memref<2x16x64xi32, #tpu.memory_space<vmem>> -> memref<1x1x64xi32, #tpu.memory_space<vmem>>
        %dma_start3A_1262 = tpu.memref_squeeze %dma_start3A_1261 : memref<1x1x64xi32, #tpu.memory_space<vmem>> -> memref<64xi32, #tpu.memory_space<vmem>>
        %dma_start3A_1263 = arith.constant 0 : i32
        %dma_start3A_1264 = arith.constant 0 : i32
        %dma_start3A_1265 = tpu.memref_slice %arg6[%dma_start3A_1263, %dma_start3A_1264] : memref<20000x128xf32, #tpu.memory_space<hbm>> -> memref<20000x128xf32, #tpu.memory_space<hbm>>
        %dma_start3A_1266 = tpu.memref_slice %arg13[%dma_start3A_1255] : memref<4x!tpu.dma_semaphore, #tpu.memory_space<semaphore_mem>> -> memref<1x!tpu.dma_semaphore, #tpu.memory_space<semaphore_mem>>
        %dma_start3A_1267 = tpu.memref_squeeze %dma_start3A_1266 : memref<1x!tpu.dma_semaphore, #tpu.memory_space<semaphore_mem>> -> memref<!tpu.dma_semaphore, #tpu.memory_space<semaphore_mem>>
        tpu.enqueue_indirect_dma source(%dma_start3A_1265 : memref<20000x128xf32, #tpu.memory_space<hbm>>) target(%dma_start3A_1259 : memref<64x128xf32, #tpu.memory_space<vmem>>) offsets(%dma_start3A_1262 : memref<64xi32, #tpu.memory_space<vmem>>) semaphore(%dma_start3A_1267 : memref<!tpu.dma_semaphore, #tpu.memory_space<semaphore_mem>>)
        %mul3A_1268 = arith.constant 4 : i32
        %mul3A_1269 = arith.muli %scan3A_336, %mul3A_1268 : i32
        %add3A_1270 = arith.constant 3 : i32
        %add3A_1271 = arith.addi %mul3A_1269, %add3A_1270 : i32
        %sub3A_1272 = arith.constant 2 : i32
        %sub3A_1273 = arith.subi %add3A_1271, %sub3A_1272 : i32
        %jit3A_1274 = arith.constant 16 : i32
        %div3A_1275 = arith.divsi %sub3A_1273, %jit3A_1274 : i32
        %sign3A_1276 = arith.constant 0 : i32
        %sign3A_1277 = arith.cmpi sgt, %sub3A_1273, %sign3A_1276 : i32
        %sign3A_1278 = arith.extui %sign3A_1277 : i1 to i32
        %sign3A_1279 = arith.constant 0 : i32
        %sign3A_1280 = arith.cmpi slt, %sub3A_1273, %sign3A_1279 : i32
        %sign3A_1281 = arith.extui %sign3A_1280 : i1 to i32
        %sign3A_1282 = arith.subi %sign3A_1278, %sign3A_1281 : i32
        %sign3A_1283 = arith.constant 0 : i32
        %sign3A_1284 = arith.cmpi sgt, %jit3A_1274, %sign3A_1283 : i32
        %sign3A_1285 = arith.extui %sign3A_1284 : i1 to i32
        %sign3A_1286 = arith.constant 0 : i32
        %sign3A_1287 = arith.cmpi slt, %jit3A_1274, %sign3A_1286 : i32
        %sign3A_1288 = arith.extui %sign3A_1287 : i1 to i32
        %sign3A_1289 = arith.subi %sign3A_1285, %sign3A_1288 : i32
        %ne3A_1290 = arith.cmpi ne, %sign3A_1282, %sign3A_1289 : i32
        %rem3A_1291 = arith.remsi %sub3A_1273, %jit3A_1274 : i32
        %ne3A_1292 = arith.constant 0 : i32
        %ne3A_1293 = arith.cmpi ne, %rem3A_1291, %ne3A_1292 : i32
        %and3A_1294 = arith.andi %ne3A_1290, %ne3A_1293 : i1
        %sub3A_1295 = arith.constant 1 : i32
        %sub3A_1296 = arith.subi %div3A_1275, %sub3A_1295 : i32
        %select_n3A_1297 = arith.select %and3A_1294, %sub3A_1296, %div3A_1275 : i32
        %jit3A_1298 = arith.constant 2 : i32
        %eq3A_1299 = arith.constant 0 : i32
        %eq3A_1300 = arith.cmpi eq, %jit3A_1298, %eq3A_1299 : i32
        %jit3A_1301 = arith.constant 1 : i32
        %select_n3A_1302 = arith.select %eq3A_1300, %jit3A_1301, %jit3A_1298 : i32
        %rem3A_1303 = arith.remsi %select_n3A_1297, %select_n3A_1302 : i32
        %ne3A_1304 = arith.constant 0 : i32
        %ne3A_1305 = arith.cmpi ne, %rem3A_1303, %ne3A_1304 : i32
        %lt3A_1306 = arith.constant 0 : i32
        %lt3A_1307 = arith.cmpi slt, %rem3A_1303, %lt3A_1306 : i32
        %lt3A_1308 = arith.constant 0 : i32
        %lt3A_1309 = arith.cmpi slt, %select_n3A_1302, %lt3A_1308 : i32
        %ne3A_1310 = arith.xori %lt3A_1307, %lt3A_1309 : i1
        %and3A_1311 = arith.andi %ne3A_1310, %ne3A_1305 : i1
        %add3A_1312 = arith.addi %rem3A_1303, %select_n3A_1302 : i32
        %select_n3A_1313 = arith.select %and3A_1311, %add3A_1312, %rem3A_1303 : i32
        %jit3A_1314 = arith.constant 16 : i32
        %eq3A_1315 = arith.constant 0 : i32
        %eq3A_1316 = arith.cmpi eq, %jit3A_1314, %eq3A_1315 : i32
        %jit3A_1317 = arith.constant 1 : i32
        %select_n3A_1318 = arith.select %eq3A_1316, %jit3A_1317, %jit3A_1314 : i32
        %rem3A_1319 = arith.remsi %sub3A_1273, %select_n3A_1318 : i32
        %ne3A_1320 = arith.constant 0 : i32
        %ne3A_1321 = arith.cmpi ne, %rem3A_1319, %ne3A_1320 : i32
        %lt3A_1322 = arith.constant 0 : i32
        %lt3A_1323 = arith.cmpi slt, %rem3A_1319, %lt3A_1322 : i32
        %lt3A_1324 = arith.constant 0 : i32
        %lt3A_1325 = arith.cmpi slt, %select_n3A_1318, %lt3A_1324 : i32
        %ne3A_1326 = arith.xori %lt3A_1323, %lt3A_1325 : i1
        %and3A_1327 = arith.andi %ne3A_1326, %ne3A_1321 : i1
        %add3A_1328 = arith.addi %rem3A_1319, %select_n3A_1318 : i32
        %select_n3A_1329 = arith.select %and3A_1327, %add3A_1328, %rem3A_1319 : i32
        %dma_wait3A_1330 = arith.constant 1 : i32
        %dma_wait3A_1331 = arith.constant 1 : i32
        %dma_wait3A_1332 = arith.constant 0 : i32
        %dma_wait3A_1333 = arith.constant 0 : i32
        %dma_wait3A_1334 = tpu.memref_slice %arg11[%dma_wait3A_1330, %dma_wait3A_1332, %dma_wait3A_1333] : memref<4x64x128xf32, #tpu.memory_space<vmem>> -> memref<1x64x128xf32, #tpu.memory_space<vmem>>
        %dma_wait3A_1335 = tpu.memref_squeeze %dma_wait3A_1334 : memref<1x64x128xf32, #tpu.memory_space<vmem>> -> memref<64x128xf32, #tpu.memory_space<vmem>>
        %dma_wait3A_1336 = arith.constant 0 : i32
        %dma_wait3A_1337 = tpu.memref_slice %arg9[%select_n3A_1313, %select_n3A_1329, %dma_wait3A_1336] : memref<2x16x64xi32, #tpu.memory_space<vmem>> -> memref<1x1x64xi32, #tpu.memory_space<vmem>>
        %dma_wait3A_1338 = tpu.memref_squeeze %dma_wait3A_1337 : memref<1x1x64xi32, #tpu.memory_space<vmem>> -> memref<64xi32, #tpu.memory_space<vmem>>
        %dma_wait3A_1339 = arith.constant 0 : i32
        %dma_wait3A_1340 = arith.constant 0 : i32
        %dma_wait3A_1341 = tpu.memref_slice %arg6[%dma_wait3A_1339, %dma_wait3A_1340] : memref<20000x128xf32, #tpu.memory_space<hbm>> -> memref<20000x128xf32, #tpu.memory_space<hbm>>
        %dma_wait3A_1342 = tpu.memref_slice %arg13[%dma_wait3A_1331] : memref<4x!tpu.dma_semaphore, #tpu.memory_space<semaphore_mem>> -> memref<1x!tpu.dma_semaphore, #tpu.memory_space<semaphore_mem>>
        %dma_wait3A_1343 = tpu.memref_squeeze %dma_wait3A_1342 : memref<1x!tpu.dma_semaphore, #tpu.memory_space<semaphore_mem>> -> memref<!tpu.dma_semaphore, #tpu.memory_space<semaphore_mem>>
        tpu.wait_indirect_dma semaphore(%dma_wait3A_1343 : memref<!tpu.dma_semaphore, #tpu.memory_space<semaphore_mem>>) src(%dma_wait3A_1341 : memref<20000x128xf32, #tpu.memory_space<hbm>>) dst(%dma_wait3A_1335 : memref<64x128xf32, #tpu.memory_space<vmem>>)
        %sub3A_1344 = arith.constant 2 : i32
        %sub3A_1345 = arith.subi %add3A_1271, %sub3A_1344 : i32
        %jit3A_1346 = arith.constant 16 : i32
        %div3A_1347 = arith.divsi %sub3A_1345, %jit3A_1346 : i32
        %sign3A_1348 = arith.constant 0 : i32
        %sign3A_1349 = arith.cmpi sgt, %sub3A_1345, %sign3A_1348 : i32
        %sign3A_1350 = arith.extui %sign3A_1349 : i1 to i32
        %sign3A_1351 = arith.constant 0 : i32
        %sign3A_1352 = arith.cmpi slt, %sub3A_1345, %sign3A_1351 : i32
        %sign3A_1353 = arith.extui %sign3A_1352 : i1 to i32
        %sign3A_1354 = arith.subi %sign3A_1350, %sign3A_1353 : i32
        %sign3A_1355 = arith.constant 0 : i32
        %sign3A_1356 = arith.cmpi sgt, %jit3A_1346, %sign3A_1355 : i32
        %sign3A_1357 = arith.extui %sign3A_1356 : i1 to i32
        %sign3A_1358 = arith.constant 0 : i32
        %sign3A_1359 = arith.cmpi slt, %jit3A_1346, %sign3A_1358 : i32
        %sign3A_1360 = arith.extui %sign3A_1359 : i1 to i32
        %sign3A_1361 = arith.subi %sign3A_1357, %sign3A_1360 : i32
        %ne3A_1362 = arith.cmpi ne, %sign3A_1354, %sign3A_1361 : i32
        %rem3A_1363 = arith.remsi %sub3A_1345, %jit3A_1346 : i32
        %ne3A_1364 = arith.constant 0 : i32
        %ne3A_1365 = arith.cmpi ne, %rem3A_1363, %ne3A_1364 : i32
        %and3A_1366 = arith.andi %ne3A_1362, %ne3A_1365 : i1
        %sub3A_1367 = arith.constant 1 : i32
        %sub3A_1368 = arith.subi %div3A_1347, %sub3A_1367 : i32
        %select_n3A_1369 = arith.select %and3A_1366, %sub3A_1368, %div3A_1347 : i32
        %jit3A_1370 = arith.constant 2 : i32
        %eq3A_1371 = arith.constant 0 : i32
        %eq3A_1372 = arith.cmpi eq, %jit3A_1370, %eq3A_1371 : i32
        %jit3A_1373 = arith.constant 1 : i32
        %select_n3A_1374 = arith.select %eq3A_1372, %jit3A_1373, %jit3A_1370 : i32
        %rem3A_1375 = arith.remsi %select_n3A_1369, %select_n3A_1374 : i32
        %ne3A_1376 = arith.constant 0 : i32
        %ne3A_1377 = arith.cmpi ne, %rem3A_1375, %ne3A_1376 : i32
        %lt3A_1378 = arith.constant 0 : i32
        %lt3A_1379 = arith.cmpi slt, %rem3A_1375, %lt3A_1378 : i32
        %lt3A_1380 = arith.constant 0 : i32
        %lt3A_1381 = arith.cmpi slt, %select_n3A_1374, %lt3A_1380 : i32
        %ne3A_1382 = arith.xori %lt3A_1379, %lt3A_1381 : i1
        %and3A_1383 = arith.andi %ne3A_1382, %ne3A_1377 : i1
        %add3A_1384 = arith.addi %rem3A_1375, %select_n3A_1374 : i32
        %select_n3A_1385 = arith.select %and3A_1383, %add3A_1384, %rem3A_1375 : i32
        %jit3A_1386 = arith.constant 16 : i32
        %eq3A_1387 = arith.constant 0 : i32
        %eq3A_1388 = arith.cmpi eq, %jit3A_1386, %eq3A_1387 : i32
        %jit3A_1389 = arith.constant 1 : i32
        %select_n3A_1390 = arith.select %eq3A_1388, %jit3A_1389, %jit3A_1386 : i32
        %rem3A_1391 = arith.remsi %sub3A_1345, %select_n3A_1390 : i32
        %ne3A_1392 = arith.constant 0 : i32
        %ne3A_1393 = arith.cmpi ne, %rem3A_1391, %ne3A_1392 : i32
        %lt3A_1394 = arith.constant 0 : i32
        %lt3A_1395 = arith.cmpi slt, %rem3A_1391, %lt3A_1394 : i32
        %lt3A_1396 = arith.constant 0 : i32
        %lt3A_1397 = arith.cmpi slt, %select_n3A_1390, %lt3A_1396 : i32
        %ne3A_1398 = arith.xori %lt3A_1395, %lt3A_1397 : i1
        %and3A_1399 = arith.andi %ne3A_1398, %ne3A_1393 : i1
        %add3A_1400 = arith.addi %rem3A_1391, %select_n3A_1390 : i32
        %select_n3A_1401 = arith.select %and3A_1399, %add3A_1400, %rem3A_1391 : i32
        %dma_start3A_1402 = arith.constant 1 : i32
        %dma_start3A_1403 = arith.constant 1 : i32
        %dma_start3A_1404 = arith.constant 0 : i32
        %dma_start3A_1405 = arith.constant 0 : i32
        %dma_start3A_1406 = tpu.memref_slice %arg11[%dma_start3A_1402, %dma_start3A_1404, %dma_start3A_1405] : memref<4x64x128xf32, #tpu.memory_space<vmem>> -> memref<1x64x128xf32, #tpu.memory_space<vmem>>
        %dma_start3A_1407 = tpu.memref_squeeze %dma_start3A_1406 : memref<1x64x128xf32, #tpu.memory_space<vmem>> -> memref<64x128xf32, #tpu.memory_space<vmem>>
        %dma_start3A_1408 = arith.constant 0 : i32
        %dma_start3A_1409 = tpu.memref_slice %arg10[%select_n3A_1385, %select_n3A_1401, %dma_start3A_1408] : memref<2x16x64xi32, #tpu.memory_space<vmem>> -> memref<1x1x64xi32, #tpu.memory_space<vmem>>
        %dma_start3A_1410 = tpu.memref_squeeze %dma_start3A_1409 : memref<1x1x64xi32, #tpu.memory_space<vmem>> -> memref<64xi32, #tpu.memory_space<vmem>>
        %dma_start3A_1411 = arith.constant 0 : i32
        %dma_start3A_1412 = arith.constant 0 : i32
        %dma_start3A_1413 = tpu.memref_slice %arg12[%dma_start3A_1411, %dma_start3A_1412] : memref<10112x128xf32, #tpu.memory_space<vmem_shared>> -> memref<10112x128xf32, #tpu.memory_space<vmem_shared>>
        %dma_start3A_1414 = tpu.memref_slice %arg14[%dma_start3A_1403] : memref<4x!tpu.dma_semaphore, #tpu.memory_space<semaphore_mem>> -> memref<1x!tpu.dma_semaphore, #tpu.memory_space<semaphore_mem>>
        %dma_start3A_1415 = tpu.memref_squeeze %dma_start3A_1414 : memref<1x!tpu.dma_semaphore, #tpu.memory_space<semaphore_mem>> -> memref<!tpu.dma_semaphore, #tpu.memory_space<semaphore_mem>>
        tpu.enqueue_indirect_dma source(%dma_start3A_1407 : memref<64x128xf32, #tpu.memory_space<vmem>>) target(%dma_start3A_1413 : memref<10112x128xf32, #tpu.memory_space<vmem_shared>>) offsets(%dma_start3A_1410 : memref<64xi32, #tpu.memory_space<vmem>>) semaphore(%dma_start3A_1415 : memref<!tpu.dma_semaphore, #tpu.memory_space<semaphore_mem>>) {add = true}
        %sub3A_1416 = arith.constant 4 : i32
        %sub3A_1417 = arith.subi %add3A_1271, %sub3A_1416 : i32
        %jit3A_1418 = arith.constant 16 : i32
        %div3A_1419 = arith.divsi %sub3A_1417, %jit3A_1418 : i32
        %sign3A_1420 = arith.constant 0 : i32
        %sign3A_1421 = arith.cmpi sgt, %sub3A_1417, %sign3A_1420 : i32
        %sign3A_1422 = arith.extui %sign3A_1421 : i1 to i32
        %sign3A_1423 = arith.constant 0 : i32
        %sign3A_1424 = arith.cmpi slt, %sub3A_1417, %sign3A_1423 : i32
        %sign3A_1425 = arith.extui %sign3A_1424 : i1 to i32
        %sign3A_1426 = arith.subi %sign3A_1422, %sign3A_1425 : i32
        %sign3A_1427 = arith.constant 0 : i32
        %sign3A_1428 = arith.cmpi sgt, %jit3A_1418, %sign3A_1427 : i32
        %sign3A_1429 = arith.extui %sign3A_1428 : i1 to i32
        %sign3A_1430 = arith.constant 0 : i32
        %sign3A_1431 = arith.cmpi slt, %jit3A_1418, %sign3A_1430 : i32
        %sign3A_1432 = arith.extui %sign3A_1431 : i1 to i32
        %sign3A_1433 = arith.subi %sign3A_1429, %sign3A_1432 : i32
        %ne3A_1434 = arith.cmpi ne, %sign3A_1426, %sign3A_1433 : i32
        %rem3A_1435 = arith.remsi %sub3A_1417, %jit3A_1418 : i32
        %ne3A_1436 = arith.constant 0 : i32
        %ne3A_1437 = arith.cmpi ne, %rem3A_1435, %ne3A_1436 : i32
        %and3A_1438 = arith.andi %ne3A_1434, %ne3A_1437 : i1
        %sub3A_1439 = arith.constant 1 : i32
        %sub3A_1440 = arith.subi %div3A_1419, %sub3A_1439 : i32
        %select_n3A_1441 = arith.select %and3A_1438, %sub3A_1440, %div3A_1419 : i32
        %jit3A_1442 = arith.constant 2 : i32
        %eq3A_1443 = arith.constant 0 : i32
        %eq3A_1444 = arith.cmpi eq, %jit3A_1442, %eq3A_1443 : i32
        %jit3A_1445 = arith.constant 1 : i32
        %select_n3A_1446 = arith.select %eq3A_1444, %jit3A_1445, %jit3A_1442 : i32
        %rem3A_1447 = arith.remsi %select_n3A_1441, %select_n3A_1446 : i32
        %ne3A_1448 = arith.constant 0 : i32
        %ne3A_1449 = arith.cmpi ne, %rem3A_1447, %ne3A_1448 : i32
        %lt3A_1450 = arith.constant 0 : i32
        %lt3A_1451 = arith.cmpi slt, %rem3A_1447, %lt3A_1450 : i32
        %lt3A_1452 = arith.constant 0 : i32
        %lt3A_1453 = arith.cmpi slt, %select_n3A_1446, %lt3A_1452 : i32
        %ne3A_1454 = arith.xori %lt3A_1451, %lt3A_1453 : i1
        %and3A_1455 = arith.andi %ne3A_1454, %ne3A_1449 : i1
        %add3A_1456 = arith.addi %rem3A_1447, %select_n3A_1446 : i32
        %select_n3A_1457 = arith.select %and3A_1455, %add3A_1456, %rem3A_1447 : i32
        %jit3A_1458 = arith.constant 16 : i32
        %eq3A_1459 = arith.constant 0 : i32
        %eq3A_1460 = arith.cmpi eq, %jit3A_1458, %eq3A_1459 : i32
        %jit3A_1461 = arith.constant 1 : i32
        %select_n3A_1462 = arith.select %eq3A_1460, %jit3A_1461, %jit3A_1458 : i32
        %rem3A_1463 = arith.remsi %sub3A_1417, %select_n3A_1462 : i32
        %ne3A_1464 = arith.constant 0 : i32
        %ne3A_1465 = arith.cmpi ne, %rem3A_1463, %ne3A_1464 : i32
        %lt3A_1466 = arith.constant 0 : i32
        %lt3A_1467 = arith.cmpi slt, %rem3A_1463, %lt3A_1466 : i32
        %lt3A_1468 = arith.constant 0 : i32
        %lt3A_1469 = arith.cmpi slt, %select_n3A_1462, %lt3A_1468 : i32
        %ne3A_1470 = arith.xori %lt3A_1467, %lt3A_1469 : i1
        %and3A_1471 = arith.andi %ne3A_1470, %ne3A_1465 : i1
        %add3A_1472 = arith.addi %rem3A_1463, %select_n3A_1462 : i32
        %select_n3A_1473 = arith.select %and3A_1471, %add3A_1472, %rem3A_1463 : i32
        %dma_wait3A_1474 = arith.constant 3 : i32
        %dma_wait3A_1475 = arith.constant 3 : i32
        %dma_wait3A_1476 = arith.constant 0 : i32
        %dma_wait3A_1477 = arith.constant 0 : i32
        %dma_wait3A_1478 = tpu.memref_slice %arg11[%dma_wait3A_1474, %dma_wait3A_1476, %dma_wait3A_1477] : memref<4x64x128xf32, #tpu.memory_space<vmem>> -> memref<1x64x128xf32, #tpu.memory_space<vmem>>
        %dma_wait3A_1479 = tpu.memref_squeeze %dma_wait3A_1478 : memref<1x64x128xf32, #tpu.memory_space<vmem>> -> memref<64x128xf32, #tpu.memory_space<vmem>>
        %dma_wait3A_1480 = arith.constant 0 : i32
        %dma_wait3A_1481 = tpu.memref_slice %arg10[%select_n3A_1457, %select_n3A_1473, %dma_wait3A_1480] : memref<2x16x64xi32, #tpu.memory_space<vmem>> -> memref<1x1x64xi32, #tpu.memory_space<vmem>>
        %dma_wait3A_1482 = tpu.memref_squeeze %dma_wait3A_1481 : memref<1x1x64xi32, #tpu.memory_space<vmem>> -> memref<64xi32, #tpu.memory_space<vmem>>
        %dma_wait3A_1483 = arith.constant 0 : i32
        %dma_wait3A_1484 = arith.constant 0 : i32
        %dma_wait3A_1485 = tpu.memref_slice %arg12[%dma_wait3A_1483, %dma_wait3A_1484] : memref<10112x128xf32, #tpu.memory_space<vmem_shared>> -> memref<10112x128xf32, #tpu.memory_space<vmem_shared>>
        %dma_wait3A_1486 = tpu.memref_slice %arg14[%dma_wait3A_1475] : memref<4x!tpu.dma_semaphore, #tpu.memory_space<semaphore_mem>> -> memref<1x!tpu.dma_semaphore, #tpu.memory_space<semaphore_mem>>
        %dma_wait3A_1487 = tpu.memref_squeeze %dma_wait3A_1486 : memref<1x!tpu.dma_semaphore, #tpu.memory_space<semaphore_mem>> -> memref<!tpu.dma_semaphore, #tpu.memory_space<semaphore_mem>>
        tpu.wait_indirect_dma semaphore(%dma_wait3A_1487 : memref<!tpu.dma_semaphore, #tpu.memory_space<semaphore_mem>>) src(%dma_wait3A_1479 : memref<64x128xf32, #tpu.memory_space<vmem>>) dst(%dma_wait3A_1485 : memref<10112x128xf32, #tpu.memory_space<vmem_shared>>)
        %jit3A_1488 = arith.constant 16 : i32
        %div3A_1489 = arith.divsi %add3A_1271, %jit3A_1488 : i32
        %sign3A_1490 = arith.constant 0 : i32
        %sign3A_1491 = arith.cmpi sgt, %add3A_1271, %sign3A_1490 : i32
        %sign3A_1492 = arith.extui %sign3A_1491 : i1 to i32
        %sign3A_1493 = arith.constant 0 : i32
        %sign3A_1494 = arith.cmpi slt, %add3A_1271, %sign3A_1493 : i32
        %sign3A_1495 = arith.extui %sign3A_1494 : i1 to i32
        %sign3A_1496 = arith.subi %sign3A_1492, %sign3A_1495 : i32
        %sign3A_1497 = arith.constant 0 : i32
        %sign3A_1498 = arith.cmpi sgt, %jit3A_1488, %sign3A_1497 : i32
        %sign3A_1499 = arith.extui %sign3A_1498 : i1 to i32
        %sign3A_1500 = arith.constant 0 : i32
        %sign3A_1501 = arith.cmpi slt, %jit3A_1488, %sign3A_1500 : i32
        %sign3A_1502 = arith.extui %sign3A_1501 : i1 to i32
        %sign3A_1503 = arith.subi %sign3A_1499, %sign3A_1502 : i32
        %ne3A_1504 = arith.cmpi ne, %sign3A_1496, %sign3A_1503 : i32
        %rem3A_1505 = arith.remsi %add3A_1271, %jit3A_1488 : i32
        %ne3A_1506 = arith.constant 0 : i32
        %ne3A_1507 = arith.cmpi ne, %rem3A_1505, %ne3A_1506 : i32
        %and3A_1508 = arith.andi %ne3A_1504, %ne3A_1507 : i1
        %sub3A_1509 = arith.constant 1 : i32
        %sub3A_1510 = arith.subi %div3A_1489, %sub3A_1509 : i32
        %select_n3A_1511 = arith.select %and3A_1508, %sub3A_1510, %div3A_1489 : i32
        %jit3A_1512 = arith.constant 2 : i32
        %eq3A_1513 = arith.constant 0 : i32
        %eq3A_1514 = arith.cmpi eq, %jit3A_1512, %eq3A_1513 : i32
        %jit3A_1515 = arith.constant 1 : i32
        %select_n3A_1516 = arith.select %eq3A_1514, %jit3A_1515, %jit3A_1512 : i32
        %rem3A_1517 = arith.remsi %select_n3A_1511, %select_n3A_1516 : i32
        %ne3A_1518 = arith.constant 0 : i32
        %ne3A_1519 = arith.cmpi ne, %rem3A_1517, %ne3A_1518 : i32
        %lt3A_1520 = arith.constant 0 : i32
        %lt3A_1521 = arith.cmpi slt, %rem3A_1517, %lt3A_1520 : i32
        %lt3A_1522 = arith.constant 0 : i32
        %lt3A_1523 = arith.cmpi slt, %select_n3A_1516, %lt3A_1522 : i32
        %ne3A_1524 = arith.xori %lt3A_1521, %lt3A_1523 : i1
        %and3A_1525 = arith.andi %ne3A_1524, %ne3A_1519 : i1
        %add3A_1526 = arith.addi %rem3A_1517, %select_n3A_1516 : i32
        %select_n3A_1527 = arith.select %and3A_1525, %add3A_1526, %rem3A_1517 : i32
        %jit3A_1528 = arith.constant 16 : i32
        %eq3A_1529 = arith.constant 0 : i32
        %eq3A_1530 = arith.cmpi eq, %jit3A_1528, %eq3A_1529 : i32
        %jit3A_1531 = arith.constant 1 : i32
        %select_n3A_1532 = arith.select %eq3A_1530, %jit3A_1531, %jit3A_1528 : i32
        %rem3A_1533 = arith.remsi %add3A_1271, %select_n3A_1532 : i32
        %ne3A_1534 = arith.constant 0 : i32
        %ne3A_1535 = arith.cmpi ne, %rem3A_1533, %ne3A_1534 : i32
        %lt3A_1536 = arith.constant 0 : i32
        %lt3A_1537 = arith.cmpi slt, %rem3A_1533, %lt3A_1536 : i32
        %lt3A_1538 = arith.constant 0 : i32
        %lt3A_1539 = arith.cmpi slt, %select_n3A_1532, %lt3A_1538 : i32
        %ne3A_1540 = arith.xori %lt3A_1537, %lt3A_1539 : i1
        %and3A_1541 = arith.andi %ne3A_1540, %ne3A_1535 : i1
        %add3A_1542 = arith.addi %rem3A_1533, %select_n3A_1532 : i32
        %select_n3A_1543 = arith.select %and3A_1541, %add3A_1542, %rem3A_1533 : i32
        %dma_start3A_1544 = arith.constant 3 : i32
        %dma_start3A_1545 = arith.constant 3 : i32
        %dma_start3A_1546 = arith.constant 0 : i32
        %dma_start3A_1547 = arith.constant 0 : i32
        %dma_start3A_1548 = tpu.memref_slice %arg11[%dma_start3A_1544, %dma_start3A_1546, %dma_start3A_1547] : memref<4x64x128xf32, #tpu.memory_space<vmem>> -> memref<1x64x128xf32, #tpu.memory_space<vmem>>
        %dma_start3A_1549 = tpu.memref_squeeze %dma_start3A_1548 : memref<1x64x128xf32, #tpu.memory_space<vmem>> -> memref<64x128xf32, #tpu.memory_space<vmem>>
        %dma_start3A_1550 = arith.constant 0 : i32
        %dma_start3A_1551 = tpu.memref_slice %arg9[%select_n3A_1527, %select_n3A_1543, %dma_start3A_1550] : memref<2x16x64xi32, #tpu.memory_space<vmem>> -> memref<1x1x64xi32, #tpu.memory_space<vmem>>
        %dma_start3A_1552 = tpu.memref_squeeze %dma_start3A_1551 : memref<1x1x64xi32, #tpu.memory_space<vmem>> -> memref<64xi32, #tpu.memory_space<vmem>>
        %dma_start3A_1553 = arith.constant 0 : i32
        %dma_start3A_1554 = arith.constant 0 : i32
        %dma_start3A_1555 = tpu.memref_slice %arg6[%dma_start3A_1553, %dma_start3A_1554] : memref<20000x128xf32, #tpu.memory_space<hbm>> -> memref<20000x128xf32, #tpu.memory_space<hbm>>
        %dma_start3A_1556 = tpu.memref_slice %arg13[%dma_start3A_1545] : memref<4x!tpu.dma_semaphore, #tpu.memory_space<semaphore_mem>> -> memref<1x!tpu.dma_semaphore, #tpu.memory_space<semaphore_mem>>
        %dma_start3A_1557 = tpu.memref_squeeze %dma_start3A_1556 : memref<1x!tpu.dma_semaphore, #tpu.memory_space<semaphore_mem>> -> memref<!tpu.dma_semaphore, #tpu.memory_space<semaphore_mem>>
        tpu.enqueue_indirect_dma source(%dma_start3A_1555 : memref<20000x128xf32, #tpu.memory_space<hbm>>) target(%dma_start3A_1549 : memref<64x128xf32, #tpu.memory_space<vmem>>) offsets(%dma_start3A_1552 : memref<64xi32, #tpu.memory_space<vmem>>) semaphore(%dma_start3A_1557 : memref<!tpu.dma_semaphore, #tpu.memory_space<semaphore_mem>>)
      }
      %scan3A_207 = arith.constant 39 : i32
      %dma_wait3A_208 = arith.constant 1 : i32
      %dma_wait3A_209 = arith.constant 14 : i32
      %dma_wait3A_210 = arith.constant 2 : i32
      %dma_wait3A_211 = arith.constant 2 : i32
      %dma_wait3A_212 = arith.constant 0 : i32
      %dma_wait3A_213 = arith.constant 0 : i32
      %dma_wait3A_214 = tpu.memref_slice %arg11[%dma_wait3A_210, %dma_wait3A_212, %dma_wait3A_213] : memref<4x64x128xf32, #tpu.memory_space<vmem>> -> memref<1x64x128xf32, #tpu.memory_space<vmem>>
      %dma_wait3A_215 = tpu.memref_squeeze %dma_wait3A_214 : memref<1x64x128xf32, #tpu.memory_space<vmem>> -> memref<64x128xf32, #tpu.memory_space<vmem>>
      %dma_wait3A_216 = arith.constant 0 : i32
      %dma_wait3A_217 = tpu.memref_slice %arg9[%dma_wait3A_208, %dma_wait3A_209, %dma_wait3A_216] : memref<2x16x64xi32, #tpu.memory_space<vmem>> -> memref<1x1x64xi32, #tpu.memory_space<vmem>>
      %dma_wait3A_218 = tpu.memref_squeeze %dma_wait3A_217 : memref<1x1x64xi32, #tpu.memory_space<vmem>> -> memref<64xi32, #tpu.memory_space<vmem>>
      %dma_wait3A_219 = arith.constant 0 : i32
      %dma_wait3A_220 = arith.constant 0 : i32
      %dma_wait3A_221 = tpu.memref_slice %arg6[%dma_wait3A_219, %dma_wait3A_220] : memref<20000x128xf32, #tpu.memory_space<hbm>> -> memref<20000x128xf32, #tpu.memory_space<hbm>>
      %dma_wait3A_222 = tpu.memref_slice %arg13[%dma_wait3A_211] : memref<4x!tpu.dma_semaphore, #tpu.memory_space<semaphore_mem>> -> memref<1x!tpu.dma_semaphore, #tpu.memory_space<semaphore_mem>>
      %dma_wait3A_223 = tpu.memref_squeeze %dma_wait3A_222 : memref<1x!tpu.dma_semaphore, #tpu.memory_space<semaphore_mem>> -> memref<!tpu.dma_semaphore, #tpu.memory_space<semaphore_mem>>
      tpu.wait_indirect_dma semaphore(%dma_wait3A_223 : memref<!tpu.dma_semaphore, #tpu.memory_space<semaphore_mem>>) src(%dma_wait3A_221 : memref<20000x128xf32, #tpu.memory_space<hbm>>) dst(%dma_wait3A_215 : memref<64x128xf32, #tpu.memory_space<vmem>>)
      %dma_start3A_224 = arith.constant 2 : i32
      %dma_start3A_225 = arith.constant 1 : i32
      %dma_start3A_226 = arith.constant 14 : i32
      %dma_start3A_227 = arith.constant 2 : i32
      %dma_start3A_228 = arith.constant 0 : i32
      %dma_start3A_229 = arith.constant 0 : i32
      %dma_start3A_230 = tpu.memref_slice %arg11[%dma_start3A_224, %dma_start3A_228, %dma_start3A_229] : memref<4x64x128xf32, #tpu.memory_space<vmem>> -> memref<1x64x128xf32, #tpu.memory_space<vmem>>
      %dma_start3A_231 = tpu.memref_squeeze %dma_start3A_230 : memref<1x64x128xf32, #tpu.memory_space<vmem>> -> memref<64x128xf32, #tpu.memory_space<vmem>>
      %dma_start3A_232 = arith.constant 0 : i32
      %dma_start3A_233 = tpu.memref_slice %arg10[%dma_start3A_225, %dma_start3A_226, %dma_start3A_232] : memref<2x16x64xi32, #tpu.memory_space<vmem>> -> memref<1x1x64xi32, #tpu.memory_space<vmem>>
      %dma_start3A_234 = tpu.memref_squeeze %dma_start3A_233 : memref<1x1x64xi32, #tpu.memory_space<vmem>> -> memref<64xi32, #tpu.memory_space<vmem>>
      %dma_start3A_235 = arith.constant 0 : i32
      %dma_start3A_236 = arith.constant 0 : i32
      %dma_start3A_237 = tpu.memref_slice %arg12[%dma_start3A_235, %dma_start3A_236] : memref<10112x128xf32, #tpu.memory_space<vmem_shared>> -> memref<10112x128xf32, #tpu.memory_space<vmem_shared>>
      %dma_start3A_238 = tpu.memref_slice %arg14[%dma_start3A_227] : memref<4x!tpu.dma_semaphore, #tpu.memory_space<semaphore_mem>> -> memref<1x!tpu.dma_semaphore, #tpu.memory_space<semaphore_mem>>
      %dma_start3A_239 = tpu.memref_squeeze %dma_start3A_238 : memref<1x!tpu.dma_semaphore, #tpu.memory_space<semaphore_mem>> -> memref<!tpu.dma_semaphore, #tpu.memory_space<semaphore_mem>>
      tpu.enqueue_indirect_dma source(%dma_start3A_231 : memref<64x128xf32, #tpu.memory_space<vmem>>) target(%dma_start3A_237 : memref<10112x128xf32, #tpu.memory_space<vmem_shared>>) offsets(%dma_start3A_234 : memref<64xi32, #tpu.memory_space<vmem>>) semaphore(%dma_start3A_239 : memref<!tpu.dma_semaphore, #tpu.memory_space<semaphore_mem>>) {add = true}
      %dma_wait3A_240 = arith.constant 0 : i32
      %dma_wait3A_241 = arith.constant 1 : i32
      %dma_wait3A_242 = arith.constant 12 : i32
      %dma_wait3A_243 = arith.constant 0 : i32
      %dma_wait3A_244 = arith.constant 0 : i32
      %dma_wait3A_245 = arith.constant 0 : i32
      %dma_wait3A_246 = tpu.memref_slice %arg11[%dma_wait3A_240, %dma_wait3A_244, %dma_wait3A_245] : memref<4x64x128xf32, #tpu.memory_space<vmem>> -> memref<1x64x128xf32, #tpu.memory_space<vmem>>
      %dma_wait3A_247 = tpu.memref_squeeze %dma_wait3A_246 : memref<1x64x128xf32, #tpu.memory_space<vmem>> -> memref<64x128xf32, #tpu.memory_space<vmem>>
      %dma_wait3A_248 = arith.constant 0 : i32
      %dma_wait3A_249 = tpu.memref_slice %arg10[%dma_wait3A_241, %dma_wait3A_242, %dma_wait3A_248] : memref<2x16x64xi32, #tpu.memory_space<vmem>> -> memref<1x1x64xi32, #tpu.memory_space<vmem>>
      %dma_wait3A_250 = tpu.memref_squeeze %dma_wait3A_249 : memref<1x1x64xi32, #tpu.memory_space<vmem>> -> memref<64xi32, #tpu.memory_space<vmem>>
      %dma_wait3A_251 = arith.constant 0 : i32
      %dma_wait3A_252 = arith.constant 0 : i32
      %dma_wait3A_253 = tpu.memref_slice %arg12[%dma_wait3A_251, %dma_wait3A_252] : memref<10112x128xf32, #tpu.memory_space<vmem_shared>> -> memref<10112x128xf32, #tpu.memory_space<vmem_shared>>
      %dma_wait3A_254 = tpu.memref_slice %arg14[%dma_wait3A_243] : memref<4x!tpu.dma_semaphore, #tpu.memory_space<semaphore_mem>> -> memref<1x!tpu.dma_semaphore, #tpu.memory_space<semaphore_mem>>
      %dma_wait3A_255 = tpu.memref_squeeze %dma_wait3A_254 : memref<1x!tpu.dma_semaphore, #tpu.memory_space<semaphore_mem>> -> memref<!tpu.dma_semaphore, #tpu.memory_space<semaphore_mem>>
      tpu.wait_indirect_dma semaphore(%dma_wait3A_255 : memref<!tpu.dma_semaphore, #tpu.memory_space<semaphore_mem>>) src(%dma_wait3A_247 : memref<64x128xf32, #tpu.memory_space<vmem>>) dst(%dma_wait3A_253 : memref<10112x128xf32, #tpu.memory_space<vmem_shared>>)
      %dma_wait3A_256 = arith.constant 1 : i32
      %dma_wait3A_257 = arith.constant 15 : i32
      %dma_wait3A_258 = arith.constant 3 : i32
      %dma_wait3A_259 = arith.constant 3 : i32
      %dma_wait3A_260 = arith.constant 0 : i32
      %dma_wait3A_261 = arith.constant 0 : i32
      %dma_wait3A_262 = tpu.memref_slice %arg11[%dma_wait3A_258, %dma_wait3A_260, %dma_wait3A_261] : memref<4x64x128xf32, #tpu.memory_space<vmem>> -> memref<1x64x128xf32, #tpu.memory_space<vmem>>
      %dma_wait3A_263 = tpu.memref_squeeze %dma_wait3A_262 : memref<1x64x128xf32, #tpu.memory_space<vmem>> -> memref<64x128xf32, #tpu.memory_space<vmem>>
      %dma_wait3A_264 = arith.constant 0 : i32
      %dma_wait3A_265 = tpu.memref_slice %arg9[%dma_wait3A_256, %dma_wait3A_257, %dma_wait3A_264] : memref<2x16x64xi32, #tpu.memory_space<vmem>> -> memref<1x1x64xi32, #tpu.memory_space<vmem>>
      %dma_wait3A_266 = tpu.memref_squeeze %dma_wait3A_265 : memref<1x1x64xi32, #tpu.memory_space<vmem>> -> memref<64xi32, #tpu.memory_space<vmem>>
      %dma_wait3A_267 = arith.constant 0 : i32
      %dma_wait3A_268 = arith.constant 0 : i32
      %dma_wait3A_269 = tpu.memref_slice %arg6[%dma_wait3A_267, %dma_wait3A_268] : memref<20000x128xf32, #tpu.memory_space<hbm>> -> memref<20000x128xf32, #tpu.memory_space<hbm>>
      %dma_wait3A_270 = tpu.memref_slice %arg13[%dma_wait3A_259] : memref<4x!tpu.dma_semaphore, #tpu.memory_space<semaphore_mem>> -> memref<1x!tpu.dma_semaphore, #tpu.memory_space<semaphore_mem>>
      %dma_wait3A_271 = tpu.memref_squeeze %dma_wait3A_270 : memref<1x!tpu.dma_semaphore, #tpu.memory_space<semaphore_mem>> -> memref<!tpu.dma_semaphore, #tpu.memory_space<semaphore_mem>>
      tpu.wait_indirect_dma semaphore(%dma_wait3A_271 : memref<!tpu.dma_semaphore, #tpu.memory_space<semaphore_mem>>) src(%dma_wait3A_269 : memref<20000x128xf32, #tpu.memory_space<hbm>>) dst(%dma_wait3A_263 : memref<64x128xf32, #tpu.memory_space<vmem>>)
      %dma_start3A_272 = arith.constant 3 : i32
      %dma_start3A_273 = arith.constant 1 : i32
      %dma_start3A_274 = arith.constant 15 : i32
      %dma_start3A_275 = arith.constant 3 : i32
      %dma_start3A_276 = arith.constant 0 : i32
      %dma_start3A_277 = arith.constant 0 : i32
      %dma_start3A_278 = tpu.memref_slice %arg11[%dma_start3A_272, %dma_start3A_276, %dma_start3A_277] : memref<4x64x128xf32, #tpu.memory_space<vmem>> -> memref<1x64x128xf32, #tpu.memory_space<vmem>>
      %dma_start3A_279 = tpu.memref_squeeze %dma_start3A_278 : memref<1x64x128xf32, #tpu.memory_space<vmem>> -> memref<64x128xf32, #tpu.memory_space<vmem>>
      %dma_start3A_280 = arith.constant 0 : i32
      %dma_start3A_281 = tpu.memref_slice %arg10[%dma_start3A_273, %dma_start3A_274, %dma_start3A_280] : memref<2x16x64xi32, #tpu.memory_space<vmem>> -> memref<1x1x64xi32, #tpu.memory_space<vmem>>
      %dma_start3A_282 = tpu.memref_squeeze %dma_start3A_281 : memref<1x1x64xi32, #tpu.memory_space<vmem>> -> memref<64xi32, #tpu.memory_space<vmem>>
      %dma_start3A_283 = arith.constant 0 : i32
      %dma_start3A_284 = arith.constant 0 : i32
      %dma_start3A_285 = tpu.memref_slice %arg12[%dma_start3A_283, %dma_start3A_284] : memref<10112x128xf32, #tpu.memory_space<vmem_shared>> -> memref<10112x128xf32, #tpu.memory_space<vmem_shared>>
      %dma_start3A_286 = tpu.memref_slice %arg14[%dma_start3A_275] : memref<4x!tpu.dma_semaphore, #tpu.memory_space<semaphore_mem>> -> memref<1x!tpu.dma_semaphore, #tpu.memory_space<semaphore_mem>>
      %dma_start3A_287 = tpu.memref_squeeze %dma_start3A_286 : memref<1x!tpu.dma_semaphore, #tpu.memory_space<semaphore_mem>> -> memref<!tpu.dma_semaphore, #tpu.memory_space<semaphore_mem>>
      tpu.enqueue_indirect_dma source(%dma_start3A_279 : memref<64x128xf32, #tpu.memory_space<vmem>>) target(%dma_start3A_285 : memref<10112x128xf32, #tpu.memory_space<vmem_shared>>) offsets(%dma_start3A_282 : memref<64xi32, #tpu.memory_space<vmem>>) semaphore(%dma_start3A_287 : memref<!tpu.dma_semaphore, #tpu.memory_space<semaphore_mem>>) {add = true}
      %dma_wait3A_288 = arith.constant 1 : i32
      %dma_wait3A_289 = arith.constant 1 : i32
      %dma_wait3A_290 = arith.constant 13 : i32
      %dma_wait3A_291 = arith.constant 1 : i32
      %dma_wait3A_292 = arith.constant 0 : i32
      %dma_wait3A_293 = arith.constant 0 : i32
      %dma_wait3A_294 = tpu.memref_slice %arg11[%dma_wait3A_288, %dma_wait3A_292, %dma_wait3A_293] : memref<4x64x128xf32, #tpu.memory_space<vmem>> -> memref<1x64x128xf32, #tpu.memory_space<vmem>>
      %dma_wait3A_295 = tpu.memref_squeeze %dma_wait3A_294 : memref<1x64x128xf32, #tpu.memory_space<vmem>> -> memref<64x128xf32, #tpu.memory_space<vmem>>
      %dma_wait3A_296 = arith.constant 0 : i32
      %dma_wait3A_297 = tpu.memref_slice %arg10[%dma_wait3A_289, %dma_wait3A_290, %dma_wait3A_296] : memref<2x16x64xi32, #tpu.memory_space<vmem>> -> memref<1x1x64xi32, #tpu.memory_space<vmem>>
      %dma_wait3A_298 = tpu.memref_squeeze %dma_wait3A_297 : memref<1x1x64xi32, #tpu.memory_space<vmem>> -> memref<64xi32, #tpu.memory_space<vmem>>
      %dma_wait3A_299 = arith.constant 0 : i32
      %dma_wait3A_300 = arith.constant 0 : i32
      %dma_wait3A_301 = tpu.memref_slice %arg12[%dma_wait3A_299, %dma_wait3A_300] : memref<10112x128xf32, #tpu.memory_space<vmem_shared>> -> memref<10112x128xf32, #tpu.memory_space<vmem_shared>>
      %dma_wait3A_302 = tpu.memref_slice %arg14[%dma_wait3A_291] : memref<4x!tpu.dma_semaphore, #tpu.memory_space<semaphore_mem>> -> memref<1x!tpu.dma_semaphore, #tpu.memory_space<semaphore_mem>>
      %dma_wait3A_303 = tpu.memref_squeeze %dma_wait3A_302 : memref<1x!tpu.dma_semaphore, #tpu.memory_space<semaphore_mem>> -> memref<!tpu.dma_semaphore, #tpu.memory_space<semaphore_mem>>
      tpu.wait_indirect_dma semaphore(%dma_wait3A_303 : memref<!tpu.dma_semaphore, #tpu.memory_space<semaphore_mem>>) src(%dma_wait3A_295 : memref<64x128xf32, #tpu.memory_space<vmem>>) dst(%dma_wait3A_301 : memref<10112x128xf32, #tpu.memory_space<vmem_shared>>)
      %dma_wait3A_304 = arith.constant 2 : i32
      %dma_wait3A_305 = arith.constant 1 : i32
      %dma_wait3A_306 = arith.constant 14 : i32
      %dma_wait3A_307 = arith.constant 2 : i32
      %dma_wait3A_308 = arith.constant 0 : i32
      %dma_wait3A_309 = arith.constant 0 : i32
      %dma_wait3A_310 = tpu.memref_slice %arg11[%dma_wait3A_304, %dma_wait3A_308, %dma_wait3A_309] : memref<4x64x128xf32, #tpu.memory_space<vmem>> -> memref<1x64x128xf32, #tpu.memory_space<vmem>>
      %dma_wait3A_311 = tpu.memref_squeeze %dma_wait3A_310 : memref<1x64x128xf32, #tpu.memory_space<vmem>> -> memref<64x128xf32, #tpu.memory_space<vmem>>
      %dma_wait3A_312 = arith.constant 0 : i32
      %dma_wait3A_313 = tpu.memref_slice %arg10[%dma_wait3A_305, %dma_wait3A_306, %dma_wait3A_312] : memref<2x16x64xi32, #tpu.memory_space<vmem>> -> memref<1x1x64xi32, #tpu.memory_space<vmem>>
      %dma_wait3A_314 = tpu.memref_squeeze %dma_wait3A_313 : memref<1x1x64xi32, #tpu.memory_space<vmem>> -> memref<64xi32, #tpu.memory_space<vmem>>
      %dma_wait3A_315 = arith.constant 0 : i32
      %dma_wait3A_316 = arith.constant 0 : i32
      %dma_wait3A_317 = tpu.memref_slice %arg12[%dma_wait3A_315, %dma_wait3A_316] : memref<10112x128xf32, #tpu.memory_space<vmem_shared>> -> memref<10112x128xf32, #tpu.memory_space<vmem_shared>>
      %dma_wait3A_318 = tpu.memref_slice %arg14[%dma_wait3A_307] : memref<4x!tpu.dma_semaphore, #tpu.memory_space<semaphore_mem>> -> memref<1x!tpu.dma_semaphore, #tpu.memory_space<semaphore_mem>>
      %dma_wait3A_319 = tpu.memref_squeeze %dma_wait3A_318 : memref<1x!tpu.dma_semaphore, #tpu.memory_space<semaphore_mem>> -> memref<!tpu.dma_semaphore, #tpu.memory_space<semaphore_mem>>
      tpu.wait_indirect_dma semaphore(%dma_wait3A_319 : memref<!tpu.dma_semaphore, #tpu.memory_space<semaphore_mem>>) src(%dma_wait3A_311 : memref<64x128xf32, #tpu.memory_space<vmem>>) dst(%dma_wait3A_317 : memref<10112x128xf32, #tpu.memory_space<vmem_shared>>)
      %dma_wait3A_320 = arith.constant 3 : i32
      %dma_wait3A_321 = arith.constant 1 : i32
      %dma_wait3A_322 = arith.constant 15 : i32
      %dma_wait3A_323 = arith.constant 3 : i32
      %dma_wait3A_324 = arith.constant 0 : i32
      %dma_wait3A_325 = arith.constant 0 : i32
      %dma_wait3A_326 = tpu.memref_slice %arg11[%dma_wait3A_320, %dma_wait3A_324, %dma_wait3A_325] : memref<4x64x128xf32, #tpu.memory_space<vmem>> -> memref<1x64x128xf32, #tpu.memory_space<vmem>>
      %dma_wait3A_327 = tpu.memref_squeeze %dma_wait3A_326 : memref<1x64x128xf32, #tpu.memory_space<vmem>> -> memref<64x128xf32, #tpu.memory_space<vmem>>
      %dma_wait3A_328 = arith.constant 0 : i32
      %dma_wait3A_329 = tpu.memref_slice %arg10[%dma_wait3A_321, %dma_wait3A_322, %dma_wait3A_328] : memref<2x16x64xi32, #tpu.memory_space<vmem>> -> memref<1x1x64xi32, #tpu.memory_space<vmem>>
      %dma_wait3A_330 = tpu.memref_squeeze %dma_wait3A_329 : memref<1x1x64xi32, #tpu.memory_space<vmem>> -> memref<64xi32, #tpu.memory_space<vmem>>
      %dma_wait3A_331 = arith.constant 0 : i32
      %dma_wait3A_332 = arith.constant 0 : i32
      %dma_wait3A_333 = tpu.memref_slice %arg12[%dma_wait3A_331, %dma_wait3A_332] : memref<10112x128xf32, #tpu.memory_space<vmem_shared>> -> memref<10112x128xf32, #tpu.memory_space<vmem_shared>>
      %dma_wait3A_334 = tpu.memref_slice %arg14[%dma_wait3A_323] : memref<4x!tpu.dma_semaphore, #tpu.memory_space<semaphore_mem>> -> memref<1x!tpu.dma_semaphore, #tpu.memory_space<semaphore_mem>>
      %dma_wait3A_335 = tpu.memref_squeeze %dma_wait3A_334 : memref<1x!tpu.dma_semaphore, #tpu.memory_space<semaphore_mem>> -> memref<!tpu.dma_semaphore, #tpu.memory_space<semaphore_mem>>
      tpu.wait_indirect_dma semaphore(%dma_wait3A_335 : memref<!tpu.dma_semaphore, #tpu.memory_space<semaphore_mem>>) src(%dma_wait3A_327 : memref<64x128xf32, #tpu.memory_space<vmem>>) dst(%dma_wait3A_333 : memref<10112x128xf32, #tpu.memory_space<vmem_shared>>)
    } else {
    }
    %eq3A_3 = arith.constant 1 : i32
    %eq3A_4 = arith.cmpi eq, %arg0, %eq3A_3 : i32
    %convert_element_type3A_5 = arith.extui %eq3A_4 : i1 to i32
    %cond3A_6 = arith.constant 0 : i32
    %cond3A_7 = arith.cmpi ne, %convert_element_type3A_5, %cond3A_6 : i32
    scf.if %cond3A_7 {
      %dma_start3A = arith.constant 0 : i32
      %dma_start3A_9 = arith.constant 0 : i32
      %dma_start3A_10 = arith.constant 0 : i32
      %dma_start3A_11 = tpu.memref_slice %arg9[%dma_start3A, %dma_start3A_9, %dma_start3A_10] : memref<2x16x64xi32, #tpu.memory_space<vmem>> -> memref<1x16x64xi32, #tpu.memory_space<vmem>>
      %dma_start3A_12 = tpu.memref_squeeze %dma_start3A_11 : memref<1x16x64xi32, #tpu.memory_space<vmem>> -> memref<16x64xi32, #tpu.memory_space<vmem>>
      %dma_start3A_13 = arith.constant 0 : i32
      %dma_start3A_14 = arith.constant 0 : i32
      %dma_start3A_15 = tpu.memref_slice %arg4[%arg1, %dma_start3A_13, %dma_start3A_14] : memref<16x160x64xi32, #tpu.memory_space<hbm>> -> memref<1x16x64xi32, #tpu.memory_space<hbm>>
      %dma_start3A_16 = tpu.memref_squeeze %dma_start3A_15 : memref<1x16x64xi32, #tpu.memory_space<hbm>> -> memref<16x64xi32, #tpu.memory_space<hbm>>
      %dma_start3A_17 = arith.constant 0 : i32
      %dma_start3A_18 = arith.constant 0 : i32
      %dma_start3A_19 = tpu.memref_slice %arg9[%dma_start3A, %dma_start3A_17, %dma_start3A_18] : memref<2x16x64xi32, #tpu.memory_space<vmem>> -> memref<1x16x64xi32, #tpu.memory_space<vmem>>
      %dma_start3A_20 = tpu.memref_squeeze %dma_start3A_19 : memref<1x16x64xi32, #tpu.memory_space<vmem>> -> memref<16x64xi32, #tpu.memory_space<vmem>>
      %dma_start3A_21 = arith.constant 0 : i32
      %dma_start3A_22 = arith.constant 0 : i32
      %dma_start3A_23 = tpu.memref_slice %arg4[%arg1, %dma_start3A_21, %dma_start3A_22] : memref<16x160x64xi32, #tpu.memory_space<hbm>> -> memref<1x16x64xi32, #tpu.memory_space<hbm>>
      %dma_start3A_24 = tpu.memref_squeeze %dma_start3A_23 : memref<1x16x64xi32, #tpu.memory_space<hbm>> -> memref<16x64xi32, #tpu.memory_space<hbm>>
      tpu.enqueue_dma source(%dma_start3A_24 : memref<16x64xi32, #tpu.memory_space<hbm>>) target(%dma_start3A_20 : memref<16x64xi32, #tpu.memory_space<vmem>>) target_semaphore(%arg15 : memref<!tpu.dma_semaphore, #tpu.memory_space<semaphore_mem>>)
      %dma_start3A_25 = arith.constant 0 : i32
      %dma_start3A_26 = arith.constant 0 : i32
      %dma_start3A_27 = arith.constant 0 : i32
      %dma_start3A_28 = tpu.memref_slice %arg10[%dma_start3A_25, %dma_start3A_26, %dma_start3A_27] : memref<2x16x64xi32, #tpu.memory_space<vmem>> -> memref<1x16x64xi32, #tpu.memory_space<vmem>>
      %dma_start3A_29 = tpu.memref_squeeze %dma_start3A_28 : memref<1x16x64xi32, #tpu.memory_space<vmem>> -> memref<16x64xi32, #tpu.memory_space<vmem>>
      %dma_start3A_30 = arith.constant 0 : i32
      %dma_start3A_31 = arith.constant 0 : i32
      %dma_start3A_32 = tpu.memref_slice %arg5[%arg1, %dma_start3A_30, %dma_start3A_31] : memref<16x160x64xi32, #tpu.memory_space<hbm>> -> memref<1x16x64xi32, #tpu.memory_space<hbm>>
      %dma_start3A_33 = tpu.memref_squeeze %dma_start3A_32 : memref<1x16x64xi32, #tpu.memory_space<hbm>> -> memref<16x64xi32, #tpu.memory_space<hbm>>
      %dma_start3A_34 = arith.constant 0 : i32
      %dma_start3A_35 = arith.constant 0 : i32
      %dma_start3A_36 = tpu.memref_slice %arg10[%dma_start3A_25, %dma_start3A_34, %dma_start3A_35] : memref<2x16x64xi32, #tpu.memory_space<vmem>> -> memref<1x16x64xi32, #tpu.memory_space<vmem>>
      %dma_start3A_37 = tpu.memref_squeeze %dma_start3A_36 : memref<1x16x64xi32, #tpu.memory_space<vmem>> -> memref<16x64xi32, #tpu.memory_space<vmem>>
      %dma_start3A_38 = arith.constant 0 : i32
      %dma_start3A_39 = arith.constant 0 : i32
      %dma_start3A_40 = tpu.memref_slice %arg5[%arg1, %dma_start3A_38, %dma_start3A_39] : memref<16x160x64xi32, #tpu.memory_space<hbm>> -> memref<1x16x64xi32, #tpu.memory_space<hbm>>
      %dma_start3A_41 = tpu.memref_squeeze %dma_start3A_40 : memref<1x16x64xi32, #tpu.memory_space<hbm>> -> memref<16x64xi32, #tpu.memory_space<hbm>>
      tpu.enqueue_dma source(%dma_start3A_41 : memref<16x64xi32, #tpu.memory_space<hbm>>) target(%dma_start3A_37 : memref<16x64xi32, #tpu.memory_space<vmem>>) target_semaphore(%arg15 : memref<!tpu.dma_semaphore, #tpu.memory_space<semaphore_mem>>)
      %dma_wait3A = arith.constant 0 : i32
      %dma_wait3A_42 = arith.constant 0 : i32
      %dma_wait3A_43 = arith.constant 0 : i32
      %dma_wait3A_44 = tpu.memref_slice %arg9[%dma_wait3A, %dma_wait3A_42, %dma_wait3A_43] : memref<2x16x64xi32, #tpu.memory_space<vmem>> -> memref<1x16x64xi32, #tpu.memory_space<vmem>>
      %dma_wait3A_45 = tpu.memref_squeeze %dma_wait3A_44 : memref<1x16x64xi32, #tpu.memory_space<vmem>> -> memref<16x64xi32, #tpu.memory_space<vmem>>
      %dma_wait3A_46 = arith.constant 0 : i32
      %dma_wait3A_47 = arith.constant 0 : i32
      %dma_wait3A_48 = tpu.memref_slice %arg4[%arg1, %dma_wait3A_46, %dma_wait3A_47] : memref<16x160x64xi32, #tpu.memory_space<hbm>> -> memref<1x16x64xi32, #tpu.memory_space<hbm>>
      %dma_wait3A_49 = tpu.memref_squeeze %dma_wait3A_48 : memref<1x16x64xi32, #tpu.memory_space<hbm>> -> memref<16x64xi32, #tpu.memory_space<hbm>>
      %dma_wait3A_50 = arith.constant 0 : i32
      %dma_wait3A_51 = arith.constant 0 : i32
      %dma_wait3A_52 = tpu.memref_slice %arg9[%dma_wait3A, %dma_wait3A_50, %dma_wait3A_51] : memref<2x16x64xi32, #tpu.memory_space<vmem>> -> memref<1x16x64xi32, #tpu.memory_space<vmem>>
      %dma_wait3A_53 = tpu.memref_squeeze %dma_wait3A_52 : memref<1x16x64xi32, #tpu.memory_space<vmem>> -> memref<16x64xi32, #tpu.memory_space<vmem>>
      %dma_wait3A_54 = arith.constant 0 : i32
      %dma_wait3A_55 = arith.constant 0 : i32
      %dma_wait3A_56 = tpu.memref_slice %arg4[%arg1, %dma_wait3A_54, %dma_wait3A_55] : memref<16x160x64xi32, #tpu.memory_space<hbm>> -> memref<1x16x64xi32, #tpu.memory_space<hbm>>
      %dma_wait3A_57 = tpu.memref_squeeze %dma_wait3A_56 : memref<1x16x64xi32, #tpu.memory_space<hbm>> -> memref<16x64xi32, #tpu.memory_space<hbm>>
      tpu.wait_dma2 semaphore(%arg15 : memref<!tpu.dma_semaphore, #tpu.memory_space<semaphore_mem>>) src(%dma_wait3A_57 : memref<16x64xi32, #tpu.memory_space<hbm>>) dst(%dma_wait3A_53 : memref<16x64xi32, #tpu.memory_space<vmem>>)
      %dma_wait3A_58 = arith.constant 0 : i32
      %dma_wait3A_59 = arith.constant 0 : i32
      %dma_wait3A_60 = arith.constant 0 : i32
      %dma_wait3A_61 = tpu.memref_slice %arg10[%dma_wait3A_58, %dma_wait3A_59, %dma_wait3A_60] : memref<2x16x64xi32, #tpu.memory_space<vmem>> -> memref<1x16x64xi32, #tpu.memory_space<vmem>>
      %dma_wait3A_62 = tpu.memref_squeeze %dma_wait3A_61 : memref<1x16x64xi32, #tpu.memory_space<vmem>> -> memref<16x64xi32, #tpu.memory_space<vmem>>
      %dma_wait3A_63 = arith.constant 0 : i32
      %dma_wait3A_64 = arith.constant 0 : i32
      %dma_wait3A_65 = tpu.memref_slice %arg5[%arg1, %dma_wait3A_63, %dma_wait3A_64] : memref<16x160x64xi32, #tpu.memory_space<hbm>> -> memref<1x16x64xi32, #tpu.memory_space<hbm>>
      %dma_wait3A_66 = tpu.memref_squeeze %dma_wait3A_65 : memref<1x16x64xi32, #tpu.memory_space<hbm>> -> memref<16x64xi32, #tpu.memory_space<hbm>>
      %dma_wait3A_67 = arith.constant 0 : i32
      %dma_wait3A_68 = arith.constant 0 : i32
      %dma_wait3A_69 = tpu.memref_slice %arg10[%dma_wait3A_58, %dma_wait3A_67, %dma_wait3A_68] : memref<2x16x64xi32, #tpu.memory_space<vmem>> -> memref<1x16x64xi32, #tpu.memory_space<vmem>>
      %dma_wait3A_70 = tpu.memref_squeeze %dma_wait3A_69 : memref<1x16x64xi32, #tpu.memory_space<vmem>> -> memref<16x64xi32, #tpu.memory_space<vmem>>
      %dma_wait3A_71 = arith.constant 0 : i32
      %dma_wait3A_72 = arith.constant 0 : i32
      %dma_wait3A_73 = tpu.memref_slice %arg5[%arg1, %dma_wait3A_71, %dma_wait3A_72] : memref<16x160x64xi32, #tpu.memory_space<hbm>> -> memref<1x16x64xi32, #tpu.memory_space<hbm>>
      %dma_wait3A_74 = tpu.memref_squeeze %dma_wait3A_73 : memref<1x16x64xi32, #tpu.memory_space<hbm>> -> memref<16x64xi32, #tpu.memory_space<hbm>>
      tpu.wait_dma2 semaphore(%arg15 : memref<!tpu.dma_semaphore, #tpu.memory_space<semaphore_mem>>) src(%dma_wait3A_74 : memref<16x64xi32, #tpu.memory_space<hbm>>) dst(%dma_wait3A_70 : memref<16x64xi32, #tpu.memory_space<vmem>>)
      %dma_start3A_75 = arith.constant 0 : i32
      %dma_start3A_76 = arith.constant 0 : i32
      %dma_start3A_77 = arith.constant 0 : i32
      %dma_start3A_78 = arith.constant 0 : i32
      %dma_start3A_79 = arith.constant 0 : i32
      %dma_start3A_80 = arith.constant 0 : i32
      %dma_start3A_81 = tpu.memref_slice %arg11[%dma_start3A_77, %dma_start3A_79, %dma_start3A_80] : memref<4x64x128xf32, #tpu.memory_space<vmem>> -> memref<1x64x128xf32, #tpu.memory_space<vmem>>
      %dma_start3A_82 = tpu.memref_squeeze %dma_start3A_81 : memref<1x64x128xf32, #tpu.memory_space<vmem>> -> memref<64x128xf32, #tpu.memory_space<vmem>>
      %dma_start3A_83 = arith.constant 0 : i32
      %dma_start3A_84 = tpu.memref_slice %arg9[%dma_start3A_75, %dma_start3A_76, %dma_start3A_83] : memref<2x16x64xi32, #tpu.memory_space<vmem>> -> memref<1x1x64xi32, #tpu.memory_space<vmem>>
      %dma_start3A_85 = tpu.memref_squeeze %dma_start3A_84 : memref<1x1x64xi32, #tpu.memory_space<vmem>> -> memref<64xi32, #tpu.memory_space<vmem>>
      %dma_start3A_86 = arith.constant 0 : i32
      %dma_start3A_87 = arith.constant 0 : i32
      %dma_start3A_88 = tpu.memref_slice %arg6[%dma_start3A_86, %dma_start3A_87] : memref<20000x128xf32, #tpu.memory_space<hbm>> -> memref<20000x128xf32, #tpu.memory_space<hbm>>
      %dma_start3A_89 = tpu.memref_slice %arg13[%dma_start3A_78] : memref<4x!tpu.dma_semaphore, #tpu.memory_space<semaphore_mem>> -> memref<1x!tpu.dma_semaphore, #tpu.memory_space<semaphore_mem>>
      %dma_start3A_90 = tpu.memref_squeeze %dma_start3A_89 : memref<1x!tpu.dma_semaphore, #tpu.memory_space<semaphore_mem>> -> memref<!tpu.dma_semaphore, #tpu.memory_space<semaphore_mem>>
      tpu.enqueue_indirect_dma source(%dma_start3A_88 : memref<20000x128xf32, #tpu.memory_space<hbm>>) target(%dma_start3A_82 : memref<64x128xf32, #tpu.memory_space<vmem>>) offsets(%dma_start3A_85 : memref<64xi32, #tpu.memory_space<vmem>>) semaphore(%dma_start3A_90 : memref<!tpu.dma_semaphore, #tpu.memory_space<semaphore_mem>>)
      %dma_start3A_91 = arith.constant 0 : i32
      %dma_start3A_92 = arith.constant 1 : i32
      %dma_start3A_93 = arith.constant 1 : i32
      %dma_start3A_94 = arith.constant 1 : i32
      %dma_start3A_95 = arith.constant 0 : i32
      %dma_start3A_96 = arith.constant 0 : i32
      %dma_start3A_97 = tpu.memref_slice %arg11[%dma_start3A_93, %dma_start3A_95, %dma_start3A_96] : memref<4x64x128xf32, #tpu.memory_space<vmem>> -> memref<1x64x128xf32, #tpu.memory_space<vmem>>
      %dma_start3A_98 = tpu.memref_squeeze %dma_start3A_97 : memref<1x64x128xf32, #tpu.memory_space<vmem>> -> memref<64x128xf32, #tpu.memory_space<vmem>>
      %dma_start3A_99 = arith.constant 0 : i32
      %dma_start3A_100 = tpu.memref_slice %arg9[%dma_start3A_91, %dma_start3A_92, %dma_start3A_99] : memref<2x16x64xi32, #tpu.memory_space<vmem>> -> memref<1x1x64xi32, #tpu.memory_space<vmem>>
      %dma_start3A_101 = tpu.memref_squeeze %dma_start3A_100 : memref<1x1x64xi32, #tpu.memory_space<vmem>> -> memref<64xi32, #tpu.memory_space<vmem>>
      %dma_start3A_102 = arith.constant 0 : i32
      %dma_start3A_103 = arith.constant 0 : i32
      %dma_start3A_104 = tpu.memref_slice %arg6[%dma_start3A_102, %dma_start3A_103] : memref<20000x128xf32, #tpu.memory_space<hbm>> -> memref<20000x128xf32, #tpu.memory_space<hbm>>
      %dma_start3A_105 = tpu.memref_slice %arg13[%dma_start3A_94] : memref<4x!tpu.dma_semaphore, #tpu.memory_space<semaphore_mem>> -> memref<1x!tpu.dma_semaphore, #tpu.memory_space<semaphore_mem>>
      %dma_start3A_106 = tpu.memref_squeeze %dma_start3A_105 : memref<1x!tpu.dma_semaphore, #tpu.memory_space<semaphore_mem>> -> memref<!tpu.dma_semaphore, #tpu.memory_space<semaphore_mem>>
      tpu.enqueue_indirect_dma source(%dma_start3A_104 : memref<20000x128xf32, #tpu.memory_space<hbm>>) target(%dma_start3A_98 : memref<64x128xf32, #tpu.memory_space<vmem>>) offsets(%dma_start3A_101 : memref<64xi32, #tpu.memory_space<vmem>>) semaphore(%dma_start3A_106 : memref<!tpu.dma_semaphore, #tpu.memory_space<semaphore_mem>>)
      %dma_wait3A_107 = arith.constant 0 : i32
      %dma_wait3A_108 = arith.constant 0 : i32
      %dma_wait3A_109 = arith.constant 0 : i32
      %dma_wait3A_110 = arith.constant 0 : i32
      %dma_wait3A_111 = arith.constant 0 : i32
      %dma_wait3A_112 = arith.constant 0 : i32
      %dma_wait3A_113 = tpu.memref_slice %arg11[%dma_wait3A_109, %dma_wait3A_111, %dma_wait3A_112] : memref<4x64x128xf32, #tpu.memory_space<vmem>> -> memref<1x64x128xf32, #tpu.memory_space<vmem>>
      %dma_wait3A_114 = tpu.memref_squeeze %dma_wait3A_113 : memref<1x64x128xf32, #tpu.memory_space<vmem>> -> memref<64x128xf32, #tpu.memory_space<vmem>>
      %dma_wait3A_115 = arith.constant 0 : i32
      %dma_wait3A_116 = tpu.memref_slice %arg9[%dma_wait3A_107, %dma_wait3A_108, %dma_wait3A_115] : memref<2x16x64xi32, #tpu.memory_space<vmem>> -> memref<1x1x64xi32, #tpu.memory_space<vmem>>
      %dma_wait3A_117 = tpu.memref_squeeze %dma_wait3A_116 : memref<1x1x64xi32, #tpu.memory_space<vmem>> -> memref<64xi32, #tpu.memory_space<vmem>>
      %dma_wait3A_118 = arith.constant 0 : i32
      %dma_wait3A_119 = arith.constant 0 : i32
      %dma_wait3A_120 = tpu.memref_slice %arg6[%dma_wait3A_118, %dma_wait3A_119] : memref<20000x128xf32, #tpu.memory_space<hbm>> -> memref<20000x128xf32, #tpu.memory_space<hbm>>
      %dma_wait3A_121 = tpu.memref_slice %arg13[%dma_wait3A_110] : memref<4x!tpu.dma_semaphore, #tpu.memory_space<semaphore_mem>> -> memref<1x!tpu.dma_semaphore, #tpu.memory_space<semaphore_mem>>
      %dma_wait3A_122 = tpu.memref_squeeze %dma_wait3A_121 : memref<1x!tpu.dma_semaphore, #tpu.memory_space<semaphore_mem>> -> memref<!tpu.dma_semaphore, #tpu.memory_space<semaphore_mem>>
      tpu.wait_indirect_dma semaphore(%dma_wait3A_122 : memref<!tpu.dma_semaphore, #tpu.memory_space<semaphore_mem>>) src(%dma_wait3A_120 : memref<20000x128xf32, #tpu.memory_space<hbm>>) dst(%dma_wait3A_114 : memref<64x128xf32, #tpu.memory_space<vmem>>)
      %dma_start3A_123 = arith.constant 0 : i32
      %dma_start3A_124 = arith.constant 0 : i32
      %dma_start3A_125 = arith.constant 0 : i32
      %dma_start3A_126 = arith.constant 0 : i32
      %dma_start3A_127 = arith.constant 0 : i32
      %dma_start3A_128 = arith.constant 0 : i32
      %dma_start3A_129 = tpu.memref_slice %arg11[%dma_start3A_123, %dma_start3A_127, %dma_start3A_128] : memref<4x64x128xf32, #tpu.memory_space<vmem>> -> memref<1x64x128xf32, #tpu.memory_space<vmem>>
      %dma_start3A_130 = tpu.memref_squeeze %dma_start3A_129 : memref<1x64x128xf32, #tpu.memory_space<vmem>> -> memref<64x128xf32, #tpu.memory_space<vmem>>
      %dma_start3A_131 = arith.constant 0 : i32
      %dma_start3A_132 = tpu.memref_slice %arg10[%dma_start3A_124, %dma_start3A_125, %dma_start3A_131] : memref<2x16x64xi32, #tpu.memory_space<vmem>> -> memref<1x1x64xi32, #tpu.memory_space<vmem>>
      %dma_start3A_133 = tpu.memref_squeeze %dma_start3A_132 : memref<1x1x64xi32, #tpu.memory_space<vmem>> -> memref<64xi32, #tpu.memory_space<vmem>>
      %dma_start3A_134 = arith.constant 0 : i32
      %dma_start3A_135 = arith.constant 0 : i32
      %dma_start3A_136 = tpu.memref_slice %arg12[%dma_start3A_134, %dma_start3A_135] : memref<10112x128xf32, #tpu.memory_space<vmem_shared>> -> memref<10112x128xf32, #tpu.memory_space<vmem_shared>>
      %dma_start3A_137 = tpu.memref_slice %arg14[%dma_start3A_126] : memref<4x!tpu.dma_semaphore, #tpu.memory_space<semaphore_mem>> -> memref<1x!tpu.dma_semaphore, #tpu.memory_space<semaphore_mem>>
      %dma_start3A_138 = tpu.memref_squeeze %dma_start3A_137 : memref<1x!tpu.dma_semaphore, #tpu.memory_space<semaphore_mem>> -> memref<!tpu.dma_semaphore, #tpu.memory_space<semaphore_mem>>
      tpu.enqueue_indirect_dma source(%dma_start3A_130 : memref<64x128xf32, #tpu.memory_space<vmem>>) target(%dma_start3A_136 : memref<10112x128xf32, #tpu.memory_space<vmem_shared>>) offsets(%dma_start3A_133 : memref<64xi32, #tpu.memory_space<vmem>>) semaphore(%dma_start3A_138 : memref<!tpu.dma_semaphore, #tpu.memory_space<semaphore_mem>>) {add = true}
      %dma_start3A_139 = arith.constant 0 : i32
      %dma_start3A_140 = arith.constant 2 : i32
      %dma_start3A_141 = arith.constant 2 : i32
      %dma_start3A_142 = arith.constant 2 : i32
      %dma_start3A_143 = arith.constant 0 : i32
      %dma_start3A_144 = arith.constant 0 : i32
      %dma_start3A_145 = tpu.memref_slice %arg11[%dma_start3A_141, %dma_start3A_143, %dma_start3A_144] : memref<4x64x128xf32, #tpu.memory_space<vmem>> -> memref<1x64x128xf32, #tpu.memory_space<vmem>>
      %dma_start3A_146 = tpu.memref_squeeze %dma_start3A_145 : memref<1x64x128xf32, #tpu.memory_space<vmem>> -> memref<64x128xf32, #tpu.memory_space<vmem>>
      %dma_start3A_147 = arith.constant 0 : i32
      %dma_start3A_148 = tpu.memref_slice %arg9[%dma_start3A_139, %dma_start3A_140, %dma_start3A_147] : memref<2x16x64xi32, #tpu.memory_space<vmem>> -> memref<1x1x64xi32, #tpu.memory_space<vmem>>
      %dma_start3A_149 = tpu.memref_squeeze %dma_start3A_148 : memref<1x1x64xi32, #tpu.memory_space<vmem>> -> memref<64xi32, #tpu.memory_space<vmem>>
      %dma_start3A_150 = arith.constant 0 : i32
      %dma_start3A_151 = arith.constant 0 : i32
      %dma_start3A_152 = tpu.memref_slice %arg6[%dma_start3A_150, %dma_start3A_151] : memref<20000x128xf32, #tpu.memory_space<hbm>> -> memref<20000x128xf32, #tpu.memory_space<hbm>>
      %dma_start3A_153 = tpu.memref_slice %arg13[%dma_start3A_142] : memref<4x!tpu.dma_semaphore, #tpu.memory_space<semaphore_mem>> -> memref<1x!tpu.dma_semaphore, #tpu.memory_space<semaphore_mem>>
      %dma_start3A_154 = tpu.memref_squeeze %dma_start3A_153 : memref<1x!tpu.dma_semaphore, #tpu.memory_space<semaphore_mem>> -> memref<!tpu.dma_semaphore, #tpu.memory_space<semaphore_mem>>
      tpu.enqueue_indirect_dma source(%dma_start3A_152 : memref<20000x128xf32, #tpu.memory_space<hbm>>) target(%dma_start3A_146 : memref<64x128xf32, #tpu.memory_space<vmem>>) offsets(%dma_start3A_149 : memref<64xi32, #tpu.memory_space<vmem>>) semaphore(%dma_start3A_154 : memref<!tpu.dma_semaphore, #tpu.memory_space<semaphore_mem>>)
      %dma_wait3A_155 = arith.constant 0 : i32
      %dma_wait3A_156 = arith.constant 1 : i32
      %dma_wait3A_157 = arith.constant 1 : i32
      %dma_wait3A_158 = arith.constant 1 : i32
      %dma_wait3A_159 = arith.constant 0 : i32
      %dma_wait3A_160 = arith.constant 0 : i32
      %dma_wait3A_161 = tpu.memref_slice %arg11[%dma_wait3A_157, %dma_wait3A_159, %dma_wait3A_160] : memref<4x64x128xf32, #tpu.memory_space<vmem>> -> memref<1x64x128xf32, #tpu.memory_space<vmem>>
      %dma_wait3A_162 = tpu.memref_squeeze %dma_wait3A_161 : memref<1x64x128xf32, #tpu.memory_space<vmem>> -> memref<64x128xf32, #tpu.memory_space<vmem>>
      %dma_wait3A_163 = arith.constant 0 : i32
      %dma_wait3A_164 = tpu.memref_slice %arg9[%dma_wait3A_155, %dma_wait3A_156, %dma_wait3A_163] : memref<2x16x64xi32, #tpu.memory_space<vmem>> -> memref<1x1x64xi32, #tpu.memory_space<vmem>>
      %dma_wait3A_165 = tpu.memref_squeeze %dma_wait3A_164 : memref<1x1x64xi32, #tpu.memory_space<vmem>> -> memref<64xi32, #tpu.memory_space<vmem>>
      %dma_wait3A_166 = arith.constant 0 : i32
      %dma_wait3A_167 = arith.constant 0 : i32
      %dma_wait3A_168 = tpu.memref_slice %arg6[%dma_wait3A_166, %dma_wait3A_167] : memref<20000x128xf32, #tpu.memory_space<hbm>> -> memref<20000x128xf32, #tpu.memory_space<hbm>>
      %dma_wait3A_169 = tpu.memref_slice %arg13[%dma_wait3A_158] : memref<4x!tpu.dma_semaphore, #tpu.memory_space<semaphore_mem>> -> memref<1x!tpu.dma_semaphore, #tpu.memory_space<semaphore_mem>>
      %dma_wait3A_170 = tpu.memref_squeeze %dma_wait3A_169 : memref<1x!tpu.dma_semaphore, #tpu.memory_space<semaphore_mem>> -> memref<!tpu.dma_semaphore, #tpu.memory_space<semaphore_mem>>
      tpu.wait_indirect_dma semaphore(%dma_wait3A_170 : memref<!tpu.dma_semaphore, #tpu.memory_space<semaphore_mem>>) src(%dma_wait3A_168 : memref<20000x128xf32, #tpu.memory_space<hbm>>) dst(%dma_wait3A_162 : memref<64x128xf32, #tpu.memory_space<vmem>>)
      %dma_start3A_171 = arith.constant 1 : i32
      %dma_start3A_172 = arith.constant 0 : i32
      %dma_start3A_173 = arith.constant 1 : i32
      %dma_start3A_174 = arith.constant 1 : i32
      %dma_start3A_175 = arith.constant 0 : i32
      %dma_start3A_176 = arith.constant 0 : i32
      %dma_start3A_177 = tpu.memref_slice %arg11[%dma_start3A_171, %dma_start3A_175, %dma_start3A_176] : memref<4x64x128xf32, #tpu.memory_space<vmem>> -> memref<1x64x128xf32, #tpu.memory_space<vmem>>
      %dma_start3A_178 = tpu.memref_squeeze %dma_start3A_177 : memref<1x64x128xf32, #tpu.memory_space<vmem>> -> memref<64x128xf32, #tpu.memory_space<vmem>>
      %dma_start3A_179 = arith.constant 0 : i32
      %dma_start3A_180 = tpu.memref_slice %arg10[%dma_start3A_172, %dma_start3A_173, %dma_start3A_179] : memref<2x16x64xi32, #tpu.memory_space<vmem>> -> memref<1x1x64xi32, #tpu.memory_space<vmem>>
      %dma_start3A_181 = tpu.memref_squeeze %dma_start3A_180 : memref<1x1x64xi32, #tpu.memory_space<vmem>> -> memref<64xi32, #tpu.memory_space<vmem>>
      %dma_start3A_182 = arith.constant 0 : i32
      %dma_start3A_183 = arith.constant 0 : i32
      %dma_start3A_184 = tpu.memref_slice %arg12[%dma_start3A_182, %dma_start3A_183] : memref<10112x128xf32, #tpu.memory_space<vmem_shared>> -> memref<10112x128xf32, #tpu.memory_space<vmem_shared>>
      %dma_start3A_185 = tpu.memref_slice %arg14[%dma_start3A_174] : memref<4x!tpu.dma_semaphore, #tpu.memory_space<semaphore_mem>> -> memref<1x!tpu.dma_semaphore, #tpu.memory_space<semaphore_mem>>
      %dma_start3A_186 = tpu.memref_squeeze %dma_start3A_185 : memref<1x!tpu.dma_semaphore, #tpu.memory_space<semaphore_mem>> -> memref<!tpu.dma_semaphore, #tpu.memory_space<semaphore_mem>>
      tpu.enqueue_indirect_dma source(%dma_start3A_178 : memref<64x128xf32, #tpu.memory_space<vmem>>) target(%dma_start3A_184 : memref<10112x128xf32, #tpu.memory_space<vmem_shared>>) offsets(%dma_start3A_181 : memref<64xi32, #tpu.memory_space<vmem>>) semaphore(%dma_start3A_186 : memref<!tpu.dma_semaphore, #tpu.memory_space<semaphore_mem>>) {add = true}
      %dma_start3A_187 = arith.constant 0 : i32
      %dma_start3A_188 = arith.constant 3 : i32
      %dma_start3A_189 = arith.constant 3 : i32
      %dma_start3A_190 = arith.constant 3 : i32
      %dma_start3A_191 = arith.constant 0 : i32
      %dma_start3A_192 = arith.constant 0 : i32
      %dma_start3A_193 = tpu.memref_slice %arg11[%dma_start3A_189, %dma_start3A_191, %dma_start3A_192] : memref<4x64x128xf32, #tpu.memory_space<vmem>> -> memref<1x64x128xf32, #tpu.memory_space<vmem>>
      %dma_start3A_194 = tpu.memref_squeeze %dma_start3A_193 : memref<1x64x128xf32, #tpu.memory_space<vmem>> -> memref<64x128xf32, #tpu.memory_space<vmem>>
      %dma_start3A_195 = arith.constant 0 : i32
      %dma_start3A_196 = tpu.memref_slice %arg9[%dma_start3A_187, %dma_start3A_188, %dma_start3A_195] : memref<2x16x64xi32, #tpu.memory_space<vmem>> -> memref<1x1x64xi32, #tpu.memory_space<vmem>>
      %dma_start3A_197 = tpu.memref_squeeze %dma_start3A_196 : memref<1x1x64xi32, #tpu.memory_space<vmem>> -> memref<64xi32, #tpu.memory_space<vmem>>
      %dma_start3A_198 = arith.constant 0 : i32
      %dma_start3A_199 = arith.constant 0 : i32
      %dma_start3A_200 = tpu.memref_slice %arg6[%dma_start3A_198, %dma_start3A_199] : memref<20000x128xf32, #tpu.memory_space<hbm>> -> memref<20000x128xf32, #tpu.memory_space<hbm>>
      %dma_start3A_201 = tpu.memref_slice %arg13[%dma_start3A_190] : memref<4x!tpu.dma_semaphore, #tpu.memory_space<semaphore_mem>> -> memref<1x!tpu.dma_semaphore, #tpu.memory_space<semaphore_mem>>
      %dma_start3A_202 = tpu.memref_squeeze %dma_start3A_201 : memref<1x!tpu.dma_semaphore, #tpu.memory_space<semaphore_mem>> -> memref<!tpu.dma_semaphore, #tpu.memory_space<semaphore_mem>>
      tpu.enqueue_indirect_dma source(%dma_start3A_200 : memref<20000x128xf32, #tpu.memory_space<hbm>>) target(%dma_start3A_194 : memref<64x128xf32, #tpu.memory_space<vmem>>) offsets(%dma_start3A_197 : memref<64xi32, #tpu.memory_space<vmem>>) semaphore(%dma_start3A_202 : memref<!tpu.dma_semaphore, #tpu.memory_space<semaphore_mem>>)
      %scan3A = arith.constant 0 : i32
      %scan3A_203 = arith.constant 1 : i32
      %scan3A_204 = arith.constant 39 : i32
      %scan3A_205 = arith.addi %scan3A_203, %scan3A_204 : i32
      %scan3A_206 = arith.constant 1 : i32
      scf.for %scan3A_336 = %scan3A_203 to %scan3A_205 step %scan3A_206  : i32 {
        %jit3A = arith.constant 4 : i32
        %div3A = arith.divsi %scan3A_336, %jit3A : i32
        %sign3A = arith.constant 0 : i32
        %sign3A_337 = arith.cmpi sgt, %scan3A_336, %sign3A : i32
        %sign3A_338 = arith.extui %sign3A_337 : i1 to i32
        %sign3A_339 = arith.constant 0 : i32
        %sign3A_340 = arith.cmpi slt, %scan3A_336, %sign3A_339 : i32
        %sign3A_341 = arith.extui %sign3A_340 : i1 to i32
        %sign3A_342 = arith.subi %sign3A_338, %sign3A_341 : i32
        %sign3A_343 = arith.constant 0 : i32
        %sign3A_344 = arith.cmpi sgt, %jit3A, %sign3A_343 : i32
        %sign3A_345 = arith.extui %sign3A_344 : i1 to i32
        %sign3A_346 = arith.constant 0 : i32
        %sign3A_347 = arith.cmpi slt, %jit3A, %sign3A_346 : i32
        %sign3A_348 = arith.extui %sign3A_347 : i1 to i32
        %sign3A_349 = arith.subi %sign3A_345, %sign3A_348 : i32
        %ne3A = arith.cmpi ne, %sign3A_342, %sign3A_349 : i32
        %rem3A = arith.remsi %scan3A_336, %jit3A : i32
        %ne3A_350 = arith.constant 0 : i32
        %ne3A_351 = arith.cmpi ne, %rem3A, %ne3A_350 : i32
        %and3A = arith.andi %ne3A, %ne3A_351 : i1
        %sub3A = arith.constant 1 : i32
        %sub3A_352 = arith.subi %div3A, %sub3A : i32
        %select_n3A = arith.select %and3A, %sub3A_352, %div3A : i32
        %add3A = arith.constant 1 : i32
        %add3A_353 = arith.addi %select_n3A, %add3A : i32
        %jit3A_354 = arith.constant 4 : i32
        %eq3A_355 = arith.constant 0 : i32
        %eq3A_356 = arith.cmpi eq, %jit3A_354, %eq3A_355 : i32
        %jit3A_357 = arith.constant 1 : i32
        %select_n3A_358 = arith.select %eq3A_356, %jit3A_357, %jit3A_354 : i32
        %rem3A_359 = arith.remsi %scan3A_336, %select_n3A_358 : i32
        %ne3A_360 = arith.constant 0 : i32
        %ne3A_361 = arith.cmpi ne, %rem3A_359, %ne3A_360 : i32
        %lt3A = arith.constant 0 : i32
        %lt3A_362 = arith.cmpi slt, %rem3A_359, %lt3A : i32
        %lt3A_363 = arith.constant 0 : i32
        %lt3A_364 = arith.cmpi slt, %select_n3A_358, %lt3A_363 : i32
        %ne3A_365 = arith.xori %lt3A_362, %lt3A_364 : i1
        %and3A_366 = arith.andi %ne3A_365, %ne3A_361 : i1
        %add3A_367 = arith.addi %rem3A_359, %select_n3A_358 : i32
        %select_n3A_368 = arith.select %and3A_366, %add3A_367, %rem3A_359 : i32
        %eq3A_369 = arith.constant 1 : i32
        %eq3A_370 = arith.cmpi eq, %select_n3A_368, %eq3A_369 : i32
        %lt3A_371 = arith.constant 10 : i32
        %lt3A_372 = arith.cmpi slt, %add3A_353, %lt3A_371 : i32
        %and3A_373 = arith.andi %eq3A_370, %lt3A_372 : i1
        %convert_element_type3A_374 = arith.extui %and3A_373 : i1 to i32
        %cond3A_375 = arith.constant 0 : i32
        %cond3A_376 = arith.cmpi ne, %convert_element_type3A_374, %cond3A_375 : i32
        scf.if %cond3A_376 {
          %jit3A_1558 = arith.constant 2 : i32
          %eq3A_1559 = arith.constant 0 : i32
          %eq3A_1560 = arith.cmpi eq, %jit3A_1558, %eq3A_1559 : i32
          %jit3A_1561 = arith.constant 1 : i32
          %select_n3A_1562 = arith.select %eq3A_1560, %jit3A_1561, %jit3A_1558 : i32
          %rem3A_1563 = arith.remsi %add3A_353, %select_n3A_1562 : i32
          %ne3A_1564 = arith.constant 0 : i32
          %ne3A_1565 = arith.cmpi ne, %rem3A_1563, %ne3A_1564 : i32
          %lt3A_1566 = arith.constant 0 : i32
          %lt3A_1567 = arith.cmpi slt, %rem3A_1563, %lt3A_1566 : i32
          %lt3A_1568 = arith.constant 0 : i32
          %lt3A_1569 = arith.cmpi slt, %select_n3A_1562, %lt3A_1568 : i32
          %ne3A_1570 = arith.xori %lt3A_1567, %lt3A_1569 : i1
          %and3A_1571 = arith.andi %ne3A_1570, %ne3A_1565 : i1
          %add3A_1572 = arith.addi %rem3A_1563, %select_n3A_1562 : i32
          %select_n3A_1573 = arith.select %and3A_1571, %add3A_1572, %rem3A_1563 : i32
          %mul3A_1574 = arith.constant 16 : i32
          %mul3A_1575 = arith.muli %add3A_353, %mul3A_1574 : i32
          %mul3A_1576 = arith.constant 16 : i32
          %mul3A_1577 = arith.muli %add3A_353, %mul3A_1576 : i32
          %dma_start3A_1578 = arith.constant 0 : i32
          %dma_start3A_1579 = arith.constant 0 : i32
          %dma_start3A_1580 = tpu.memref_slice %arg9[%select_n3A_1573, %dma_start3A_1578, %dma_start3A_1579] : memref<2x16x64xi32, #tpu.memory_space<vmem>> -> memref<1x16x64xi32, #tpu.memory_space<vmem>>
          %dma_start3A_1581 = tpu.memref_squeeze %dma_start3A_1580 : memref<1x16x64xi32, #tpu.memory_space<vmem>> -> memref<16x64xi32, #tpu.memory_space<vmem>>
          %dma_start3A_1582 = arith.constant 0 : i32
          %dma_start3A_1583 = tpu.memref_slice %arg4[%arg1, %mul3A_1575, %dma_start3A_1582] : memref<16x160x64xi32, #tpu.memory_space<hbm>> -> memref<1x16x64xi32, #tpu.memory_space<hbm>>
          %dma_start3A_1584 = tpu.memref_squeeze %dma_start3A_1583 : memref<1x16x64xi32, #tpu.memory_space<hbm>> -> memref<16x64xi32, #tpu.memory_space<hbm>>
          %dma_start3A_1585 = arith.constant 0 : i32
          %dma_start3A_1586 = arith.constant 0 : i32
          %dma_start3A_1587 = tpu.memref_slice %arg9[%select_n3A_1573, %dma_start3A_1585, %dma_start3A_1586] : memref<2x16x64xi32, #tpu.memory_space<vmem>> -> memref<1x16x64xi32, #tpu.memory_space<vmem>>
          %dma_start3A_1588 = tpu.memref_squeeze %dma_start3A_1587 : memref<1x16x64xi32, #tpu.memory_space<vmem>> -> memref<16x64xi32, #tpu.memory_space<vmem>>
          %dma_start3A_1589 = arith.constant 0 : i32
          %dma_start3A_1590 = tpu.memref_slice %arg4[%arg1, %mul3A_1575, %dma_start3A_1589] : memref<16x160x64xi32, #tpu.memory_space<hbm>> -> memref<1x16x64xi32, #tpu.memory_space<hbm>>
          %dma_start3A_1591 = tpu.memref_squeeze %dma_start3A_1590 : memref<1x16x64xi32, #tpu.memory_space<hbm>> -> memref<16x64xi32, #tpu.memory_space<hbm>>
          tpu.enqueue_dma source(%dma_start3A_1591 : memref<16x64xi32, #tpu.memory_space<hbm>>) target(%dma_start3A_1588 : memref<16x64xi32, #tpu.memory_space<vmem>>) target_semaphore(%arg15 : memref<!tpu.dma_semaphore, #tpu.memory_space<semaphore_mem>>)
          %dma_start3A_1592 = arith.constant 0 : i32
          %dma_start3A_1593 = arith.constant 0 : i32
          %dma_start3A_1594 = tpu.memref_slice %arg10[%select_n3A_1573, %dma_start3A_1592, %dma_start3A_1593] : memref<2x16x64xi32, #tpu.memory_space<vmem>> -> memref<1x16x64xi32, #tpu.memory_space<vmem>>
          %dma_start3A_1595 = tpu.memref_squeeze %dma_start3A_1594 : memref<1x16x64xi32, #tpu.memory_space<vmem>> -> memref<16x64xi32, #tpu.memory_space<vmem>>
          %dma_start3A_1596 = arith.constant 0 : i32
          %dma_start3A_1597 = tpu.memref_slice %arg5[%arg1, %mul3A_1577, %dma_start3A_1596] : memref<16x160x64xi32, #tpu.memory_space<hbm>> -> memref<1x16x64xi32, #tpu.memory_space<hbm>>
          %dma_start3A_1598 = tpu.memref_squeeze %dma_start3A_1597 : memref<1x16x64xi32, #tpu.memory_space<hbm>> -> memref<16x64xi32, #tpu.memory_space<hbm>>
          %dma_start3A_1599 = arith.constant 0 : i32
          %dma_start3A_1600 = arith.constant 0 : i32
          %dma_start3A_1601 = tpu.memref_slice %arg10[%select_n3A_1573, %dma_start3A_1599, %dma_start3A_1600] : memref<2x16x64xi32, #tpu.memory_space<vmem>> -> memref<1x16x64xi32, #tpu.memory_space<vmem>>
          %dma_start3A_1602 = tpu.memref_squeeze %dma_start3A_1601 : memref<1x16x64xi32, #tpu.memory_space<vmem>> -> memref<16x64xi32, #tpu.memory_space<vmem>>
          %dma_start3A_1603 = arith.constant 0 : i32
          %dma_start3A_1604 = tpu.memref_slice %arg5[%arg1, %mul3A_1577, %dma_start3A_1603] : memref<16x160x64xi32, #tpu.memory_space<hbm>> -> memref<1x16x64xi32, #tpu.memory_space<hbm>>
          %dma_start3A_1605 = tpu.memref_squeeze %dma_start3A_1604 : memref<1x16x64xi32, #tpu.memory_space<hbm>> -> memref<16x64xi32, #tpu.memory_space<hbm>>
          tpu.enqueue_dma source(%dma_start3A_1605 : memref<16x64xi32, #tpu.memory_space<hbm>>) target(%dma_start3A_1602 : memref<16x64xi32, #tpu.memory_space<vmem>>) target_semaphore(%arg15 : memref<!tpu.dma_semaphore, #tpu.memory_space<semaphore_mem>>)
        } else {
        }
        %jit3A_377 = arith.constant 4 : i32
        %eq3A_378 = arith.constant 0 : i32
        %eq3A_379 = arith.cmpi eq, %jit3A_377, %eq3A_378 : i32
        %jit3A_380 = arith.constant 1 : i32
        %select_n3A_381 = arith.select %eq3A_379, %jit3A_380, %jit3A_377 : i32
        %rem3A_382 = arith.remsi %scan3A_336, %select_n3A_381 : i32
        %ne3A_383 = arith.constant 0 : i32
        %ne3A_384 = arith.cmpi ne, %rem3A_382, %ne3A_383 : i32
        %lt3A_385 = arith.constant 0 : i32
        %lt3A_386 = arith.cmpi slt, %rem3A_382, %lt3A_385 : i32
        %lt3A_387 = arith.constant 0 : i32
        %lt3A_388 = arith.cmpi slt, %select_n3A_381, %lt3A_387 : i32
        %ne3A_389 = arith.xori %lt3A_386, %lt3A_388 : i1
        %and3A_390 = arith.andi %ne3A_389, %ne3A_384 : i1
        %add3A_391 = arith.addi %rem3A_382, %select_n3A_381 : i32
        %select_n3A_392 = arith.select %and3A_390, %add3A_391, %rem3A_382 : i32
        %eq3A_393 = arith.constant 0 : i32
        %eq3A_394 = arith.cmpi eq, %select_n3A_392, %eq3A_393 : i32
        %convert_element_type3A_395 = arith.extui %eq3A_394 : i1 to i32
        %cond3A_396 = arith.constant 0 : i32
        %cond3A_397 = arith.cmpi ne, %convert_element_type3A_395, %cond3A_396 : i32
        scf.if %cond3A_397 {
          %jit3A_1558 = arith.constant 4 : i32
          %div3A_1559 = arith.divsi %scan3A_336, %jit3A_1558 : i32
          %sign3A_1560 = arith.constant 0 : i32
          %sign3A_1561 = arith.cmpi sgt, %scan3A_336, %sign3A_1560 : i32
          %sign3A_1562 = arith.extui %sign3A_1561 : i1 to i32
          %sign3A_1563 = arith.constant 0 : i32
          %sign3A_1564 = arith.cmpi slt, %scan3A_336, %sign3A_1563 : i32
          %sign3A_1565 = arith.extui %sign3A_1564 : i1 to i32
          %sign3A_1566 = arith.subi %sign3A_1562, %sign3A_1565 : i32
          %sign3A_1567 = arith.constant 0 : i32
          %sign3A_1568 = arith.cmpi sgt, %jit3A_1558, %sign3A_1567 : i32
          %sign3A_1569 = arith.extui %sign3A_1568 : i1 to i32
          %sign3A_1570 = arith.constant 0 : i32
          %sign3A_1571 = arith.cmpi slt, %jit3A_1558, %sign3A_1570 : i32
          %sign3A_1572 = arith.extui %sign3A_1571 : i1 to i32
          %sign3A_1573 = arith.subi %sign3A_1569, %sign3A_1572 : i32
          %ne3A_1574 = arith.cmpi ne, %sign3A_1566, %sign3A_1573 : i32
          %rem3A_1575 = arith.remsi %scan3A_336, %jit3A_1558 : i32
          %ne3A_1576 = arith.constant 0 : i32
          %ne3A_1577 = arith.cmpi ne, %rem3A_1575, %ne3A_1576 : i32
          %and3A_1578 = arith.andi %ne3A_1574, %ne3A_1577 : i1
          %sub3A_1579 = arith.constant 1 : i32
          %sub3A_1580 = arith.subi %div3A_1559, %sub3A_1579 : i32
          %select_n3A_1581 = arith.select %and3A_1578, %sub3A_1580, %div3A_1559 : i32
          %jit3A_1582 = arith.constant 2 : i32
          %eq3A_1583 = arith.constant 0 : i32
          %eq3A_1584 = arith.cmpi eq, %jit3A_1582, %eq3A_1583 : i32
          %jit3A_1585 = arith.constant 1 : i32
          %select_n3A_1586 = arith.select %eq3A_1584, %jit3A_1585, %jit3A_1582 : i32
          %rem3A_1587 = arith.remsi %select_n3A_1581, %select_n3A_1586 : i32
          %ne3A_1588 = arith.constant 0 : i32
          %ne3A_1589 = arith.cmpi ne, %rem3A_1587, %ne3A_1588 : i32
          %lt3A_1590 = arith.constant 0 : i32
          %lt3A_1591 = arith.cmpi slt, %rem3A_1587, %lt3A_1590 : i32
          %lt3A_1592 = arith.constant 0 : i32
          %lt3A_1593 = arith.cmpi slt, %select_n3A_1586, %lt3A_1592 : i32
          %ne3A_1594 = arith.xori %lt3A_1591, %lt3A_1593 : i1
          %and3A_1595 = arith.andi %ne3A_1594, %ne3A_1589 : i1
          %add3A_1596 = arith.addi %rem3A_1587, %select_n3A_1586 : i32
          %select_n3A_1597 = arith.select %and3A_1595, %add3A_1596, %rem3A_1587 : i32
          %mul3A_1598 = arith.constant 16 : i32
          %mul3A_1599 = arith.muli %select_n3A_1581, %mul3A_1598 : i32
          %mul3A_1600 = arith.constant 16 : i32
          %mul3A_1601 = arith.muli %select_n3A_1581, %mul3A_1600 : i32
          %dma_wait3A_1602 = arith.constant 0 : i32
          %dma_wait3A_1603 = arith.constant 0 : i32
          %dma_wait3A_1604 = tpu.memref_slice %arg9[%select_n3A_1597, %dma_wait3A_1602, %dma_wait3A_1603] : memref<2x16x64xi32, #tpu.memory_space<vmem>> -> memref<1x16x64xi32, #tpu.memory_space<vmem>>
          %dma_wait3A_1605 = tpu.memref_squeeze %dma_wait3A_1604 : memref<1x16x64xi32, #tpu.memory_space<vmem>> -> memref<16x64xi32, #tpu.memory_space<vmem>>
          %dma_wait3A_1606 = arith.constant 0 : i32
          %dma_wait3A_1607 = tpu.memref_slice %arg4[%arg1, %mul3A_1599, %dma_wait3A_1606] : memref<16x160x64xi32, #tpu.memory_space<hbm>> -> memref<1x16x64xi32, #tpu.memory_space<hbm>>
          %dma_wait3A_1608 = tpu.memref_squeeze %dma_wait3A_1607 : memref<1x16x64xi32, #tpu.memory_space<hbm>> -> memref<16x64xi32, #tpu.memory_space<hbm>>
          %dma_wait3A_1609 = arith.constant 0 : i32
          %dma_wait3A_1610 = arith.constant 0 : i32
          %dma_wait3A_1611 = tpu.memref_slice %arg9[%select_n3A_1597, %dma_wait3A_1609, %dma_wait3A_1610] : memref<2x16x64xi32, #tpu.memory_space<vmem>> -> memref<1x16x64xi32, #tpu.memory_space<vmem>>
          %dma_wait3A_1612 = tpu.memref_squeeze %dma_wait3A_1611 : memref<1x16x64xi32, #tpu.memory_space<vmem>> -> memref<16x64xi32, #tpu.memory_space<vmem>>
          %dma_wait3A_1613 = arith.constant 0 : i32
          %dma_wait3A_1614 = tpu.memref_slice %arg4[%arg1, %mul3A_1599, %dma_wait3A_1613] : memref<16x160x64xi32, #tpu.memory_space<hbm>> -> memref<1x16x64xi32, #tpu.memory_space<hbm>>
          %dma_wait3A_1615 = tpu.memref_squeeze %dma_wait3A_1614 : memref<1x16x64xi32, #tpu.memory_space<hbm>> -> memref<16x64xi32, #tpu.memory_space<hbm>>
          tpu.wait_dma2 semaphore(%arg15 : memref<!tpu.dma_semaphore, #tpu.memory_space<semaphore_mem>>) src(%dma_wait3A_1615 : memref<16x64xi32, #tpu.memory_space<hbm>>) dst(%dma_wait3A_1612 : memref<16x64xi32, #tpu.memory_space<vmem>>)
          %dma_wait3A_1616 = arith.constant 0 : i32
          %dma_wait3A_1617 = arith.constant 0 : i32
          %dma_wait3A_1618 = tpu.memref_slice %arg10[%select_n3A_1597, %dma_wait3A_1616, %dma_wait3A_1617] : memref<2x16x64xi32, #tpu.memory_space<vmem>> -> memref<1x16x64xi32, #tpu.memory_space<vmem>>
          %dma_wait3A_1619 = tpu.memref_squeeze %dma_wait3A_1618 : memref<1x16x64xi32, #tpu.memory_space<vmem>> -> memref<16x64xi32, #tpu.memory_space<vmem>>
          %dma_wait3A_1620 = arith.constant 0 : i32
          %dma_wait3A_1621 = tpu.memref_slice %arg5[%arg1, %mul3A_1601, %dma_wait3A_1620] : memref<16x160x64xi32, #tpu.memory_space<hbm>> -> memref<1x16x64xi32, #tpu.memory_space<hbm>>
          %dma_wait3A_1622 = tpu.memref_squeeze %dma_wait3A_1621 : memref<1x16x64xi32, #tpu.memory_space<hbm>> -> memref<16x64xi32, #tpu.memory_space<hbm>>
          %dma_wait3A_1623 = arith.constant 0 : i32
          %dma_wait3A_1624 = arith.constant 0 : i32
          %dma_wait3A_1625 = tpu.memref_slice %arg10[%select_n3A_1597, %dma_wait3A_1623, %dma_wait3A_1624] : memref<2x16x64xi32, #tpu.memory_space<vmem>> -> memref<1x16x64xi32, #tpu.memory_space<vmem>>
          %dma_wait3A_1626 = tpu.memref_squeeze %dma_wait3A_1625 : memref<1x16x64xi32, #tpu.memory_space<vmem>> -> memref<16x64xi32, #tpu.memory_space<vmem>>
          %dma_wait3A_1627 = arith.constant 0 : i32
          %dma_wait3A_1628 = tpu.memref_slice %arg5[%arg1, %mul3A_1601, %dma_wait3A_1627] : memref<16x160x64xi32, #tpu.memory_space<hbm>> -> memref<1x16x64xi32, #tpu.memory_space<hbm>>
          %dma_wait3A_1629 = tpu.memref_squeeze %dma_wait3A_1628 : memref<1x16x64xi32, #tpu.memory_space<hbm>> -> memref<16x64xi32, #tpu.memory_space<hbm>>
          tpu.wait_dma2 semaphore(%arg15 : memref<!tpu.dma_semaphore, #tpu.memory_space<semaphore_mem>>) src(%dma_wait3A_1629 : memref<16x64xi32, #tpu.memory_space<hbm>>) dst(%dma_wait3A_1626 : memref<16x64xi32, #tpu.memory_space<vmem>>)
        } else {
        }
        %mul3A_398 = arith.constant 4 : i32
        %mul3A_399 = arith.muli %scan3A_336, %mul3A_398 : i32
        %add3A_400 = arith.constant 0 : i32
        %add3A_401 = arith.addi %mul3A_399, %add3A_400 : i32
        %sub3A_402 = arith.constant 2 : i32
        %sub3A_403 = arith.subi %add3A_401, %sub3A_402 : i32
        %jit3A_404 = arith.constant 16 : i32
        %div3A_405 = arith.divsi %sub3A_403, %jit3A_404 : i32
        %sign3A_406 = arith.constant 0 : i32
        %sign3A_407 = arith.cmpi sgt, %sub3A_403, %sign3A_406 : i32
        %sign3A_408 = arith.extui %sign3A_407 : i1 to i32
        %sign3A_409 = arith.constant 0 : i32
        %sign3A_410 = arith.cmpi slt, %sub3A_403, %sign3A_409 : i32
        %sign3A_411 = arith.extui %sign3A_410 : i1 to i32
        %sign3A_412 = arith.subi %sign3A_408, %sign3A_411 : i32
        %sign3A_413 = arith.constant 0 : i32
        %sign3A_414 = arith.cmpi sgt, %jit3A_404, %sign3A_413 : i32
        %sign3A_415 = arith.extui %sign3A_414 : i1 to i32
        %sign3A_416 = arith.constant 0 : i32
        %sign3A_417 = arith.cmpi slt, %jit3A_404, %sign3A_416 : i32
        %sign3A_418 = arith.extui %sign3A_417 : i1 to i32
        %sign3A_419 = arith.subi %sign3A_415, %sign3A_418 : i32
        %ne3A_420 = arith.cmpi ne, %sign3A_412, %sign3A_419 : i32
        %rem3A_421 = arith.remsi %sub3A_403, %jit3A_404 : i32
        %ne3A_422 = arith.constant 0 : i32
        %ne3A_423 = arith.cmpi ne, %rem3A_421, %ne3A_422 : i32
        %and3A_424 = arith.andi %ne3A_420, %ne3A_423 : i1
        %sub3A_425 = arith.constant 1 : i32
        %sub3A_426 = arith.subi %div3A_405, %sub3A_425 : i32
        %select_n3A_427 = arith.select %and3A_424, %sub3A_426, %div3A_405 : i32
        %jit3A_428 = arith.constant 2 : i32
        %eq3A_429 = arith.constant 0 : i32
        %eq3A_430 = arith.cmpi eq, %jit3A_428, %eq3A_429 : i32
        %jit3A_431 = arith.constant 1 : i32
        %select_n3A_432 = arith.select %eq3A_430, %jit3A_431, %jit3A_428 : i32
        %rem3A_433 = arith.remsi %select_n3A_427, %select_n3A_432 : i32
        %ne3A_434 = arith.constant 0 : i32
        %ne3A_435 = arith.cmpi ne, %rem3A_433, %ne3A_434 : i32
        %lt3A_436 = arith.constant 0 : i32
        %lt3A_437 = arith.cmpi slt, %rem3A_433, %lt3A_436 : i32
        %lt3A_438 = arith.constant 0 : i32
        %lt3A_439 = arith.cmpi slt, %select_n3A_432, %lt3A_438 : i32
        %ne3A_440 = arith.xori %lt3A_437, %lt3A_439 : i1
        %and3A_441 = arith.andi %ne3A_440, %ne3A_435 : i1
        %add3A_442 = arith.addi %rem3A_433, %select_n3A_432 : i32
        %select_n3A_443 = arith.select %and3A_441, %add3A_442, %rem3A_433 : i32
        %jit3A_444 = arith.constant 16 : i32
        %eq3A_445 = arith.constant 0 : i32
        %eq3A_446 = arith.cmpi eq, %jit3A_444, %eq3A_445 : i32
        %jit3A_447 = arith.constant 1 : i32
        %select_n3A_448 = arith.select %eq3A_446, %jit3A_447, %jit3A_444 : i32
        %rem3A_449 = arith.remsi %sub3A_403, %select_n3A_448 : i32
        %ne3A_450 = arith.constant 0 : i32
        %ne3A_451 = arith.cmpi ne, %rem3A_449, %ne3A_450 : i32
        %lt3A_452 = arith.constant 0 : i32
        %lt3A_453 = arith.cmpi slt, %rem3A_449, %lt3A_452 : i32
        %lt3A_454 = arith.constant 0 : i32
        %lt3A_455 = arith.cmpi slt, %select_n3A_448, %lt3A_454 : i32
        %ne3A_456 = arith.xori %lt3A_453, %lt3A_455 : i1
        %and3A_457 = arith.andi %ne3A_456, %ne3A_451 : i1
        %add3A_458 = arith.addi %rem3A_449, %select_n3A_448 : i32
        %select_n3A_459 = arith.select %and3A_457, %add3A_458, %rem3A_449 : i32
        %dma_wait3A_460 = arith.constant 2 : i32
        %dma_wait3A_461 = arith.constant 2 : i32
        %dma_wait3A_462 = arith.constant 0 : i32
        %dma_wait3A_463 = arith.constant 0 : i32
        %dma_wait3A_464 = tpu.memref_slice %arg11[%dma_wait3A_460, %dma_wait3A_462, %dma_wait3A_463] : memref<4x64x128xf32, #tpu.memory_space<vmem>> -> memref<1x64x128xf32, #tpu.memory_space<vmem>>
        %dma_wait3A_465 = tpu.memref_squeeze %dma_wait3A_464 : memref<1x64x128xf32, #tpu.memory_space<vmem>> -> memref<64x128xf32, #tpu.memory_space<vmem>>
        %dma_wait3A_466 = arith.constant 0 : i32
        %dma_wait3A_467 = tpu.memref_slice %arg9[%select_n3A_443, %select_n3A_459, %dma_wait3A_466] : memref<2x16x64xi32, #tpu.memory_space<vmem>> -> memref<1x1x64xi32, #tpu.memory_space<vmem>>
        %dma_wait3A_468 = tpu.memref_squeeze %dma_wait3A_467 : memref<1x1x64xi32, #tpu.memory_space<vmem>> -> memref<64xi32, #tpu.memory_space<vmem>>
        %dma_wait3A_469 = arith.constant 0 : i32
        %dma_wait3A_470 = arith.constant 0 : i32
        %dma_wait3A_471 = tpu.memref_slice %arg6[%dma_wait3A_469, %dma_wait3A_470] : memref<20000x128xf32, #tpu.memory_space<hbm>> -> memref<20000x128xf32, #tpu.memory_space<hbm>>
        %dma_wait3A_472 = tpu.memref_slice %arg13[%dma_wait3A_461] : memref<4x!tpu.dma_semaphore, #tpu.memory_space<semaphore_mem>> -> memref<1x!tpu.dma_semaphore, #tpu.memory_space<semaphore_mem>>
        %dma_wait3A_473 = tpu.memref_squeeze %dma_wait3A_472 : memref<1x!tpu.dma_semaphore, #tpu.memory_space<semaphore_mem>> -> memref<!tpu.dma_semaphore, #tpu.memory_space<semaphore_mem>>
        tpu.wait_indirect_dma semaphore(%dma_wait3A_473 : memref<!tpu.dma_semaphore, #tpu.memory_space<semaphore_mem>>) src(%dma_wait3A_471 : memref<20000x128xf32, #tpu.memory_space<hbm>>) dst(%dma_wait3A_465 : memref<64x128xf32, #tpu.memory_space<vmem>>)
        %sub3A_474 = arith.constant 2 : i32
        %sub3A_475 = arith.subi %add3A_401, %sub3A_474 : i32
        %jit3A_476 = arith.constant 16 : i32
        %div3A_477 = arith.divsi %sub3A_475, %jit3A_476 : i32
        %sign3A_478 = arith.constant 0 : i32
        %sign3A_479 = arith.cmpi sgt, %sub3A_475, %sign3A_478 : i32
        %sign3A_480 = arith.extui %sign3A_479 : i1 to i32
        %sign3A_481 = arith.constant 0 : i32
        %sign3A_482 = arith.cmpi slt, %sub3A_475, %sign3A_481 : i32
        %sign3A_483 = arith.extui %sign3A_482 : i1 to i32
        %sign3A_484 = arith.subi %sign3A_480, %sign3A_483 : i32
        %sign3A_485 = arith.constant 0 : i32
        %sign3A_486 = arith.cmpi sgt, %jit3A_476, %sign3A_485 : i32
        %sign3A_487 = arith.extui %sign3A_486 : i1 to i32
        %sign3A_488 = arith.constant 0 : i32
        %sign3A_489 = arith.cmpi slt, %jit3A_476, %sign3A_488 : i32
        %sign3A_490 = arith.extui %sign3A_489 : i1 to i32
        %sign3A_491 = arith.subi %sign3A_487, %sign3A_490 : i32
        %ne3A_492 = arith.cmpi ne, %sign3A_484, %sign3A_491 : i32
        %rem3A_493 = arith.remsi %sub3A_475, %jit3A_476 : i32
        %ne3A_494 = arith.constant 0 : i32
        %ne3A_495 = arith.cmpi ne, %rem3A_493, %ne3A_494 : i32
        %and3A_496 = arith.andi %ne3A_492, %ne3A_495 : i1
        %sub3A_497 = arith.constant 1 : i32
        %sub3A_498 = arith.subi %div3A_477, %sub3A_497 : i32
        %select_n3A_499 = arith.select %and3A_496, %sub3A_498, %div3A_477 : i32
        %jit3A_500 = arith.constant 2 : i32
        %eq3A_501 = arith.constant 0 : i32
        %eq3A_502 = arith.cmpi eq, %jit3A_500, %eq3A_501 : i32
        %jit3A_503 = arith.constant 1 : i32
        %select_n3A_504 = arith.select %eq3A_502, %jit3A_503, %jit3A_500 : i32
        %rem3A_505 = arith.remsi %select_n3A_499, %select_n3A_504 : i32
        %ne3A_506 = arith.constant 0 : i32
        %ne3A_507 = arith.cmpi ne, %rem3A_505, %ne3A_506 : i32
        %lt3A_508 = arith.constant 0 : i32
        %lt3A_509 = arith.cmpi slt, %rem3A_505, %lt3A_508 : i32
        %lt3A_510 = arith.constant 0 : i32
        %lt3A_511 = arith.cmpi slt, %select_n3A_504, %lt3A_510 : i32
        %ne3A_512 = arith.xori %lt3A_509, %lt3A_511 : i1
        %and3A_513 = arith.andi %ne3A_512, %ne3A_507 : i1
        %add3A_514 = arith.addi %rem3A_505, %select_n3A_504 : i32
        %select_n3A_515 = arith.select %and3A_513, %add3A_514, %rem3A_505 : i32
        %jit3A_516 = arith.constant 16 : i32
        %eq3A_517 = arith.constant 0 : i32
        %eq3A_518 = arith.cmpi eq, %jit3A_516, %eq3A_517 : i32
        %jit3A_519 = arith.constant 1 : i32
        %select_n3A_520 = arith.select %eq3A_518, %jit3A_519, %jit3A_516 : i32
        %rem3A_521 = arith.remsi %sub3A_475, %select_n3A_520 : i32
        %ne3A_522 = arith.constant 0 : i32
        %ne3A_523 = arith.cmpi ne, %rem3A_521, %ne3A_522 : i32
        %lt3A_524 = arith.constant 0 : i32
        %lt3A_525 = arith.cmpi slt, %rem3A_521, %lt3A_524 : i32
        %lt3A_526 = arith.constant 0 : i32
        %lt3A_527 = arith.cmpi slt, %select_n3A_520, %lt3A_526 : i32
        %ne3A_528 = arith.xori %lt3A_525, %lt3A_527 : i1
        %and3A_529 = arith.andi %ne3A_528, %ne3A_523 : i1
        %add3A_530 = arith.addi %rem3A_521, %select_n3A_520 : i32
        %select_n3A_531 = arith.select %and3A_529, %add3A_530, %rem3A_521 : i32
        %dma_start3A_532 = arith.constant 2 : i32
        %dma_start3A_533 = arith.constant 2 : i32
        %dma_start3A_534 = arith.constant 0 : i32
        %dma_start3A_535 = arith.constant 0 : i32
        %dma_start3A_536 = tpu.memref_slice %arg11[%dma_start3A_532, %dma_start3A_534, %dma_start3A_535] : memref<4x64x128xf32, #tpu.memory_space<vmem>> -> memref<1x64x128xf32, #tpu.memory_space<vmem>>
        %dma_start3A_537 = tpu.memref_squeeze %dma_start3A_536 : memref<1x64x128xf32, #tpu.memory_space<vmem>> -> memref<64x128xf32, #tpu.memory_space<vmem>>
        %dma_start3A_538 = arith.constant 0 : i32
        %dma_start3A_539 = tpu.memref_slice %arg10[%select_n3A_515, %select_n3A_531, %dma_start3A_538] : memref<2x16x64xi32, #tpu.memory_space<vmem>> -> memref<1x1x64xi32, #tpu.memory_space<vmem>>
        %dma_start3A_540 = tpu.memref_squeeze %dma_start3A_539 : memref<1x1x64xi32, #tpu.memory_space<vmem>> -> memref<64xi32, #tpu.memory_space<vmem>>
        %dma_start3A_541 = arith.constant 0 : i32
        %dma_start3A_542 = arith.constant 0 : i32
        %dma_start3A_543 = tpu.memref_slice %arg12[%dma_start3A_541, %dma_start3A_542] : memref<10112x128xf32, #tpu.memory_space<vmem_shared>> -> memref<10112x128xf32, #tpu.memory_space<vmem_shared>>
        %dma_start3A_544 = tpu.memref_slice %arg14[%dma_start3A_533] : memref<4x!tpu.dma_semaphore, #tpu.memory_space<semaphore_mem>> -> memref<1x!tpu.dma_semaphore, #tpu.memory_space<semaphore_mem>>
        %dma_start3A_545 = tpu.memref_squeeze %dma_start3A_544 : memref<1x!tpu.dma_semaphore, #tpu.memory_space<semaphore_mem>> -> memref<!tpu.dma_semaphore, #tpu.memory_space<semaphore_mem>>
        tpu.enqueue_indirect_dma source(%dma_start3A_537 : memref<64x128xf32, #tpu.memory_space<vmem>>) target(%dma_start3A_543 : memref<10112x128xf32, #tpu.memory_space<vmem_shared>>) offsets(%dma_start3A_540 : memref<64xi32, #tpu.memory_space<vmem>>) semaphore(%dma_start3A_545 : memref<!tpu.dma_semaphore, #tpu.memory_space<semaphore_mem>>) {add = true}
        %sub3A_546 = arith.constant 4 : i32
        %sub3A_547 = arith.subi %add3A_401, %sub3A_546 : i32
        %jit3A_548 = arith.constant 16 : i32
        %div3A_549 = arith.divsi %sub3A_547, %jit3A_548 : i32
        %sign3A_550 = arith.constant 0 : i32
        %sign3A_551 = arith.cmpi sgt, %sub3A_547, %sign3A_550 : i32
        %sign3A_552 = arith.extui %sign3A_551 : i1 to i32
        %sign3A_553 = arith.constant 0 : i32
        %sign3A_554 = arith.cmpi slt, %sub3A_547, %sign3A_553 : i32
        %sign3A_555 = arith.extui %sign3A_554 : i1 to i32
        %sign3A_556 = arith.subi %sign3A_552, %sign3A_555 : i32
        %sign3A_557 = arith.constant 0 : i32
        %sign3A_558 = arith.cmpi sgt, %jit3A_548, %sign3A_557 : i32
        %sign3A_559 = arith.extui %sign3A_558 : i1 to i32
        %sign3A_560 = arith.constant 0 : i32
        %sign3A_561 = arith.cmpi slt, %jit3A_548, %sign3A_560 : i32
        %sign3A_562 = arith.extui %sign3A_561 : i1 to i32
        %sign3A_563 = arith.subi %sign3A_559, %sign3A_562 : i32
        %ne3A_564 = arith.cmpi ne, %sign3A_556, %sign3A_563 : i32
        %rem3A_565 = arith.remsi %sub3A_547, %jit3A_548 : i32
        %ne3A_566 = arith.constant 0 : i32
        %ne3A_567 = arith.cmpi ne, %rem3A_565, %ne3A_566 : i32
        %and3A_568 = arith.andi %ne3A_564, %ne3A_567 : i1
        %sub3A_569 = arith.constant 1 : i32
        %sub3A_570 = arith.subi %div3A_549, %sub3A_569 : i32
        %select_n3A_571 = arith.select %and3A_568, %sub3A_570, %div3A_549 : i32
        %jit3A_572 = arith.constant 2 : i32
        %eq3A_573 = arith.constant 0 : i32
        %eq3A_574 = arith.cmpi eq, %jit3A_572, %eq3A_573 : i32
        %jit3A_575 = arith.constant 1 : i32
        %select_n3A_576 = arith.select %eq3A_574, %jit3A_575, %jit3A_572 : i32
        %rem3A_577 = arith.remsi %select_n3A_571, %select_n3A_576 : i32
        %ne3A_578 = arith.constant 0 : i32
        %ne3A_579 = arith.cmpi ne, %rem3A_577, %ne3A_578 : i32
        %lt3A_580 = arith.constant 0 : i32
        %lt3A_581 = arith.cmpi slt, %rem3A_577, %lt3A_580 : i32
        %lt3A_582 = arith.constant 0 : i32
        %lt3A_583 = arith.cmpi slt, %select_n3A_576, %lt3A_582 : i32
        %ne3A_584 = arith.xori %lt3A_581, %lt3A_583 : i1
        %and3A_585 = arith.andi %ne3A_584, %ne3A_579 : i1
        %add3A_586 = arith.addi %rem3A_577, %select_n3A_576 : i32
        %select_n3A_587 = arith.select %and3A_585, %add3A_586, %rem3A_577 : i32
        %jit3A_588 = arith.constant 16 : i32
        %eq3A_589 = arith.constant 0 : i32
        %eq3A_590 = arith.cmpi eq, %jit3A_588, %eq3A_589 : i32
        %jit3A_591 = arith.constant 1 : i32
        %select_n3A_592 = arith.select %eq3A_590, %jit3A_591, %jit3A_588 : i32
        %rem3A_593 = arith.remsi %sub3A_547, %select_n3A_592 : i32
        %ne3A_594 = arith.constant 0 : i32
        %ne3A_595 = arith.cmpi ne, %rem3A_593, %ne3A_594 : i32
        %lt3A_596 = arith.constant 0 : i32
        %lt3A_597 = arith.cmpi slt, %rem3A_593, %lt3A_596 : i32
        %lt3A_598 = arith.constant 0 : i32
        %lt3A_599 = arith.cmpi slt, %select_n3A_592, %lt3A_598 : i32
        %ne3A_600 = arith.xori %lt3A_597, %lt3A_599 : i1
        %and3A_601 = arith.andi %ne3A_600, %ne3A_595 : i1
        %add3A_602 = arith.addi %rem3A_593, %select_n3A_592 : i32
        %select_n3A_603 = arith.select %and3A_601, %add3A_602, %rem3A_593 : i32
        %dma_wait3A_604 = arith.constant 0 : i32
        %dma_wait3A_605 = arith.constant 0 : i32
        %dma_wait3A_606 = arith.constant 0 : i32
        %dma_wait3A_607 = arith.constant 0 : i32
        %dma_wait3A_608 = tpu.memref_slice %arg11[%dma_wait3A_604, %dma_wait3A_606, %dma_wait3A_607] : memref<4x64x128xf32, #tpu.memory_space<vmem>> -> memref<1x64x128xf32, #tpu.memory_space<vmem>>
        %dma_wait3A_609 = tpu.memref_squeeze %dma_wait3A_608 : memref<1x64x128xf32, #tpu.memory_space<vmem>> -> memref<64x128xf32, #tpu.memory_space<vmem>>
        %dma_wait3A_610 = arith.constant 0 : i32
        %dma_wait3A_611 = tpu.memref_slice %arg10[%select_n3A_587, %select_n3A_603, %dma_wait3A_610] : memref<2x16x64xi32, #tpu.memory_space<vmem>> -> memref<1x1x64xi32, #tpu.memory_space<vmem>>
        %dma_wait3A_612 = tpu.memref_squeeze %dma_wait3A_611 : memref<1x1x64xi32, #tpu.memory_space<vmem>> -> memref<64xi32, #tpu.memory_space<vmem>>
        %dma_wait3A_613 = arith.constant 0 : i32
        %dma_wait3A_614 = arith.constant 0 : i32
        %dma_wait3A_615 = tpu.memref_slice %arg12[%dma_wait3A_613, %dma_wait3A_614] : memref<10112x128xf32, #tpu.memory_space<vmem_shared>> -> memref<10112x128xf32, #tpu.memory_space<vmem_shared>>
        %dma_wait3A_616 = tpu.memref_slice %arg14[%dma_wait3A_605] : memref<4x!tpu.dma_semaphore, #tpu.memory_space<semaphore_mem>> -> memref<1x!tpu.dma_semaphore, #tpu.memory_space<semaphore_mem>>
        %dma_wait3A_617 = tpu.memref_squeeze %dma_wait3A_616 : memref<1x!tpu.dma_semaphore, #tpu.memory_space<semaphore_mem>> -> memref<!tpu.dma_semaphore, #tpu.memory_space<semaphore_mem>>
        tpu.wait_indirect_dma semaphore(%dma_wait3A_617 : memref<!tpu.dma_semaphore, #tpu.memory_space<semaphore_mem>>) src(%dma_wait3A_609 : memref<64x128xf32, #tpu.memory_space<vmem>>) dst(%dma_wait3A_615 : memref<10112x128xf32, #tpu.memory_space<vmem_shared>>)
        %jit3A_618 = arith.constant 16 : i32
        %div3A_619 = arith.divsi %add3A_401, %jit3A_618 : i32
        %sign3A_620 = arith.constant 0 : i32
        %sign3A_621 = arith.cmpi sgt, %add3A_401, %sign3A_620 : i32
        %sign3A_622 = arith.extui %sign3A_621 : i1 to i32
        %sign3A_623 = arith.constant 0 : i32
        %sign3A_624 = arith.cmpi slt, %add3A_401, %sign3A_623 : i32
        %sign3A_625 = arith.extui %sign3A_624 : i1 to i32
        %sign3A_626 = arith.subi %sign3A_622, %sign3A_625 : i32
        %sign3A_627 = arith.constant 0 : i32
        %sign3A_628 = arith.cmpi sgt, %jit3A_618, %sign3A_627 : i32
        %sign3A_629 = arith.extui %sign3A_628 : i1 to i32
        %sign3A_630 = arith.constant 0 : i32
        %sign3A_631 = arith.cmpi slt, %jit3A_618, %sign3A_630 : i32
        %sign3A_632 = arith.extui %sign3A_631 : i1 to i32
        %sign3A_633 = arith.subi %sign3A_629, %sign3A_632 : i32
        %ne3A_634 = arith.cmpi ne, %sign3A_626, %sign3A_633 : i32
        %rem3A_635 = arith.remsi %add3A_401, %jit3A_618 : i32
        %ne3A_636 = arith.constant 0 : i32
        %ne3A_637 = arith.cmpi ne, %rem3A_635, %ne3A_636 : i32
        %and3A_638 = arith.andi %ne3A_634, %ne3A_637 : i1
        %sub3A_639 = arith.constant 1 : i32
        %sub3A_640 = arith.subi %div3A_619, %sub3A_639 : i32
        %select_n3A_641 = arith.select %and3A_638, %sub3A_640, %div3A_619 : i32
        %jit3A_642 = arith.constant 2 : i32
        %eq3A_643 = arith.constant 0 : i32
        %eq3A_644 = arith.cmpi eq, %jit3A_642, %eq3A_643 : i32
        %jit3A_645 = arith.constant 1 : i32
        %select_n3A_646 = arith.select %eq3A_644, %jit3A_645, %jit3A_642 : i32
        %rem3A_647 = arith.remsi %select_n3A_641, %select_n3A_646 : i32
        %ne3A_648 = arith.constant 0 : i32
        %ne3A_649 = arith.cmpi ne, %rem3A_647, %ne3A_648 : i32
        %lt3A_650 = arith.constant 0 : i32
        %lt3A_651 = arith.cmpi slt, %rem3A_647, %lt3A_650 : i32
        %lt3A_652 = arith.constant 0 : i32
        %lt3A_653 = arith.cmpi slt, %select_n3A_646, %lt3A_652 : i32
        %ne3A_654 = arith.xori %lt3A_651, %lt3A_653 : i1
        %and3A_655 = arith.andi %ne3A_654, %ne3A_649 : i1
        %add3A_656 = arith.addi %rem3A_647, %select_n3A_646 : i32
        %select_n3A_657 = arith.select %and3A_655, %add3A_656, %rem3A_647 : i32
        %jit3A_658 = arith.constant 16 : i32
        %eq3A_659 = arith.constant 0 : i32
        %eq3A_660 = arith.cmpi eq, %jit3A_658, %eq3A_659 : i32
        %jit3A_661 = arith.constant 1 : i32
        %select_n3A_662 = arith.select %eq3A_660, %jit3A_661, %jit3A_658 : i32
        %rem3A_663 = arith.remsi %add3A_401, %select_n3A_662 : i32
        %ne3A_664 = arith.constant 0 : i32
        %ne3A_665 = arith.cmpi ne, %rem3A_663, %ne3A_664 : i32
        %lt3A_666 = arith.constant 0 : i32
        %lt3A_667 = arith.cmpi slt, %rem3A_663, %lt3A_666 : i32
        %lt3A_668 = arith.constant 0 : i32
        %lt3A_669 = arith.cmpi slt, %select_n3A_662, %lt3A_668 : i32
        %ne3A_670 = arith.xori %lt3A_667, %lt3A_669 : i1
        %and3A_671 = arith.andi %ne3A_670, %ne3A_665 : i1
        %add3A_672 = arith.addi %rem3A_663, %select_n3A_662 : i32
        %select_n3A_673 = arith.select %and3A_671, %add3A_672, %rem3A_663 : i32
        %dma_start3A_674 = arith.constant 0 : i32
        %dma_start3A_675 = arith.constant 0 : i32
        %dma_start3A_676 = arith.constant 0 : i32
        %dma_start3A_677 = arith.constant 0 : i32
        %dma_start3A_678 = tpu.memref_slice %arg11[%dma_start3A_674, %dma_start3A_676, %dma_start3A_677] : memref<4x64x128xf32, #tpu.memory_space<vmem>> -> memref<1x64x128xf32, #tpu.memory_space<vmem>>
        %dma_start3A_679 = tpu.memref_squeeze %dma_start3A_678 : memref<1x64x128xf32, #tpu.memory_space<vmem>> -> memref<64x128xf32, #tpu.memory_space<vmem>>
        %dma_start3A_680 = arith.constant 0 : i32
        %dma_start3A_681 = tpu.memref_slice %arg9[%select_n3A_657, %select_n3A_673, %dma_start3A_680] : memref<2x16x64xi32, #tpu.memory_space<vmem>> -> memref<1x1x64xi32, #tpu.memory_space<vmem>>
        %dma_start3A_682 = tpu.memref_squeeze %dma_start3A_681 : memref<1x1x64xi32, #tpu.memory_space<vmem>> -> memref<64xi32, #tpu.memory_space<vmem>>
        %dma_start3A_683 = arith.constant 0 : i32
        %dma_start3A_684 = arith.constant 0 : i32
        %dma_start3A_685 = tpu.memref_slice %arg6[%dma_start3A_683, %dma_start3A_684] : memref<20000x128xf32, #tpu.memory_space<hbm>> -> memref<20000x128xf32, #tpu.memory_space<hbm>>
        %dma_start3A_686 = tpu.memref_slice %arg13[%dma_start3A_675] : memref<4x!tpu.dma_semaphore, #tpu.memory_space<semaphore_mem>> -> memref<1x!tpu.dma_semaphore, #tpu.memory_space<semaphore_mem>>
        %dma_start3A_687 = tpu.memref_squeeze %dma_start3A_686 : memref<1x!tpu.dma_semaphore, #tpu.memory_space<semaphore_mem>> -> memref<!tpu.dma_semaphore, #tpu.memory_space<semaphore_mem>>
        tpu.enqueue_indirect_dma source(%dma_start3A_685 : memref<20000x128xf32, #tpu.memory_space<hbm>>) target(%dma_start3A_679 : memref<64x128xf32, #tpu.memory_space<vmem>>) offsets(%dma_start3A_682 : memref<64xi32, #tpu.memory_space<vmem>>) semaphore(%dma_start3A_687 : memref<!tpu.dma_semaphore, #tpu.memory_space<semaphore_mem>>)
        %mul3A_688 = arith.constant 4 : i32
        %mul3A_689 = arith.muli %scan3A_336, %mul3A_688 : i32
        %add3A_690 = arith.constant 1 : i32
        %add3A_691 = arith.addi %mul3A_689, %add3A_690 : i32
        %sub3A_692 = arith.constant 2 : i32
        %sub3A_693 = arith.subi %add3A_691, %sub3A_692 : i32
        %jit3A_694 = arith.constant 16 : i32
        %div3A_695 = arith.divsi %sub3A_693, %jit3A_694 : i32
        %sign3A_696 = arith.constant 0 : i32
        %sign3A_697 = arith.cmpi sgt, %sub3A_693, %sign3A_696 : i32
        %sign3A_698 = arith.extui %sign3A_697 : i1 to i32
        %sign3A_699 = arith.constant 0 : i32
        %sign3A_700 = arith.cmpi slt, %sub3A_693, %sign3A_699 : i32
        %sign3A_701 = arith.extui %sign3A_700 : i1 to i32
        %sign3A_702 = arith.subi %sign3A_698, %sign3A_701 : i32
        %sign3A_703 = arith.constant 0 : i32
        %sign3A_704 = arith.cmpi sgt, %jit3A_694, %sign3A_703 : i32
        %sign3A_705 = arith.extui %sign3A_704 : i1 to i32
        %sign3A_706 = arith.constant 0 : i32
        %sign3A_707 = arith.cmpi slt, %jit3A_694, %sign3A_706 : i32
        %sign3A_708 = arith.extui %sign3A_707 : i1 to i32
        %sign3A_709 = arith.subi %sign3A_705, %sign3A_708 : i32
        %ne3A_710 = arith.cmpi ne, %sign3A_702, %sign3A_709 : i32
        %rem3A_711 = arith.remsi %sub3A_693, %jit3A_694 : i32
        %ne3A_712 = arith.constant 0 : i32
        %ne3A_713 = arith.cmpi ne, %rem3A_711, %ne3A_712 : i32
        %and3A_714 = arith.andi %ne3A_710, %ne3A_713 : i1
        %sub3A_715 = arith.constant 1 : i32
        %sub3A_716 = arith.subi %div3A_695, %sub3A_715 : i32
        %select_n3A_717 = arith.select %and3A_714, %sub3A_716, %div3A_695 : i32
        %jit3A_718 = arith.constant 2 : i32
        %eq3A_719 = arith.constant 0 : i32
        %eq3A_720 = arith.cmpi eq, %jit3A_718, %eq3A_719 : i32
        %jit3A_721 = arith.constant 1 : i32
        %select_n3A_722 = arith.select %eq3A_720, %jit3A_721, %jit3A_718 : i32
        %rem3A_723 = arith.remsi %select_n3A_717, %select_n3A_722 : i32
        %ne3A_724 = arith.constant 0 : i32
        %ne3A_725 = arith.cmpi ne, %rem3A_723, %ne3A_724 : i32
        %lt3A_726 = arith.constant 0 : i32
        %lt3A_727 = arith.cmpi slt, %rem3A_723, %lt3A_726 : i32
        %lt3A_728 = arith.constant 0 : i32
        %lt3A_729 = arith.cmpi slt, %select_n3A_722, %lt3A_728 : i32
        %ne3A_730 = arith.xori %lt3A_727, %lt3A_729 : i1
        %and3A_731 = arith.andi %ne3A_730, %ne3A_725 : i1
        %add3A_732 = arith.addi %rem3A_723, %select_n3A_722 : i32
        %select_n3A_733 = arith.select %and3A_731, %add3A_732, %rem3A_723 : i32
        %jit3A_734 = arith.constant 16 : i32
        %eq3A_735 = arith.constant 0 : i32
        %eq3A_736 = arith.cmpi eq, %jit3A_734, %eq3A_735 : i32
        %jit3A_737 = arith.constant 1 : i32
        %select_n3A_738 = arith.select %eq3A_736, %jit3A_737, %jit3A_734 : i32
        %rem3A_739 = arith.remsi %sub3A_693, %select_n3A_738 : i32
        %ne3A_740 = arith.constant 0 : i32
        %ne3A_741 = arith.cmpi ne, %rem3A_739, %ne3A_740 : i32
        %lt3A_742 = arith.constant 0 : i32
        %lt3A_743 = arith.cmpi slt, %rem3A_739, %lt3A_742 : i32
        %lt3A_744 = arith.constant 0 : i32
        %lt3A_745 = arith.cmpi slt, %select_n3A_738, %lt3A_744 : i32
        %ne3A_746 = arith.xori %lt3A_743, %lt3A_745 : i1
        %and3A_747 = arith.andi %ne3A_746, %ne3A_741 : i1
        %add3A_748 = arith.addi %rem3A_739, %select_n3A_738 : i32
        %select_n3A_749 = arith.select %and3A_747, %add3A_748, %rem3A_739 : i32
        %dma_wait3A_750 = arith.constant 3 : i32
        %dma_wait3A_751 = arith.constant 3 : i32
        %dma_wait3A_752 = arith.constant 0 : i32
        %dma_wait3A_753 = arith.constant 0 : i32
        %dma_wait3A_754 = tpu.memref_slice %arg11[%dma_wait3A_750, %dma_wait3A_752, %dma_wait3A_753] : memref<4x64x128xf32, #tpu.memory_space<vmem>> -> memref<1x64x128xf32, #tpu.memory_space<vmem>>
        %dma_wait3A_755 = tpu.memref_squeeze %dma_wait3A_754 : memref<1x64x128xf32, #tpu.memory_space<vmem>> -> memref<64x128xf32, #tpu.memory_space<vmem>>
        %dma_wait3A_756 = arith.constant 0 : i32
        %dma_wait3A_757 = tpu.memref_slice %arg9[%select_n3A_733, %select_n3A_749, %dma_wait3A_756] : memref<2x16x64xi32, #tpu.memory_space<vmem>> -> memref<1x1x64xi32, #tpu.memory_space<vmem>>
        %dma_wait3A_758 = tpu.memref_squeeze %dma_wait3A_757 : memref<1x1x64xi32, #tpu.memory_space<vmem>> -> memref<64xi32, #tpu.memory_space<vmem>>
        %dma_wait3A_759 = arith.constant 0 : i32
        %dma_wait3A_760 = arith.constant 0 : i32
        %dma_wait3A_761 = tpu.memref_slice %arg6[%dma_wait3A_759, %dma_wait3A_760] : memref<20000x128xf32, #tpu.memory_space<hbm>> -> memref<20000x128xf32, #tpu.memory_space<hbm>>
        %dma_wait3A_762 = tpu.memref_slice %arg13[%dma_wait3A_751] : memref<4x!tpu.dma_semaphore, #tpu.memory_space<semaphore_mem>> -> memref<1x!tpu.dma_semaphore, #tpu.memory_space<semaphore_mem>>
        %dma_wait3A_763 = tpu.memref_squeeze %dma_wait3A_762 : memref<1x!tpu.dma_semaphore, #tpu.memory_space<semaphore_mem>> -> memref<!tpu.dma_semaphore, #tpu.memory_space<semaphore_mem>>
        tpu.wait_indirect_dma semaphore(%dma_wait3A_763 : memref<!tpu.dma_semaphore, #tpu.memory_space<semaphore_mem>>) src(%dma_wait3A_761 : memref<20000x128xf32, #tpu.memory_space<hbm>>) dst(%dma_wait3A_755 : memref<64x128xf32, #tpu.memory_space<vmem>>)
        %sub3A_764 = arith.constant 2 : i32
        %sub3A_765 = arith.subi %add3A_691, %sub3A_764 : i32
        %jit3A_766 = arith.constant 16 : i32
        %div3A_767 = arith.divsi %sub3A_765, %jit3A_766 : i32
        %sign3A_768 = arith.constant 0 : i32
        %sign3A_769 = arith.cmpi sgt, %sub3A_765, %sign3A_768 : i32
        %sign3A_770 = arith.extui %sign3A_769 : i1 to i32
        %sign3A_771 = arith.constant 0 : i32
        %sign3A_772 = arith.cmpi slt, %sub3A_765, %sign3A_771 : i32
        %sign3A_773 = arith.extui %sign3A_772 : i1 to i32
        %sign3A_774 = arith.subi %sign3A_770, %sign3A_773 : i32
        %sign3A_775 = arith.constant 0 : i32
        %sign3A_776 = arith.cmpi sgt, %jit3A_766, %sign3A_775 : i32
        %sign3A_777 = arith.extui %sign3A_776 : i1 to i32
        %sign3A_778 = arith.constant 0 : i32
        %sign3A_779 = arith.cmpi slt, %jit3A_766, %sign3A_778 : i32
        %sign3A_780 = arith.extui %sign3A_779 : i1 to i32
        %sign3A_781 = arith.subi %sign3A_777, %sign3A_780 : i32
        %ne3A_782 = arith.cmpi ne, %sign3A_774, %sign3A_781 : i32
        %rem3A_783 = arith.remsi %sub3A_765, %jit3A_766 : i32
        %ne3A_784 = arith.constant 0 : i32
        %ne3A_785 = arith.cmpi ne, %rem3A_783, %ne3A_784 : i32
        %and3A_786 = arith.andi %ne3A_782, %ne3A_785 : i1
        %sub3A_787 = arith.constant 1 : i32
        %sub3A_788 = arith.subi %div3A_767, %sub3A_787 : i32
        %select_n3A_789 = arith.select %and3A_786, %sub3A_788, %div3A_767 : i32
        %jit3A_790 = arith.constant 2 : i32
        %eq3A_791 = arith.constant 0 : i32
        %eq3A_792 = arith.cmpi eq, %jit3A_790, %eq3A_791 : i32
        %jit3A_793 = arith.constant 1 : i32
        %select_n3A_794 = arith.select %eq3A_792, %jit3A_793, %jit3A_790 : i32
        %rem3A_795 = arith.remsi %select_n3A_789, %select_n3A_794 : i32
        %ne3A_796 = arith.constant 0 : i32
        %ne3A_797 = arith.cmpi ne, %rem3A_795, %ne3A_796 : i32
        %lt3A_798 = arith.constant 0 : i32
        %lt3A_799 = arith.cmpi slt, %rem3A_795, %lt3A_798 : i32
        %lt3A_800 = arith.constant 0 : i32
        %lt3A_801 = arith.cmpi slt, %select_n3A_794, %lt3A_800 : i32
        %ne3A_802 = arith.xori %lt3A_799, %lt3A_801 : i1
        %and3A_803 = arith.andi %ne3A_802, %ne3A_797 : i1
        %add3A_804 = arith.addi %rem3A_795, %select_n3A_794 : i32
        %select_n3A_805 = arith.select %and3A_803, %add3A_804, %rem3A_795 : i32
        %jit3A_806 = arith.constant 16 : i32
        %eq3A_807 = arith.constant 0 : i32
        %eq3A_808 = arith.cmpi eq, %jit3A_806, %eq3A_807 : i32
        %jit3A_809 = arith.constant 1 : i32
        %select_n3A_810 = arith.select %eq3A_808, %jit3A_809, %jit3A_806 : i32
        %rem3A_811 = arith.remsi %sub3A_765, %select_n3A_810 : i32
        %ne3A_812 = arith.constant 0 : i32
        %ne3A_813 = arith.cmpi ne, %rem3A_811, %ne3A_812 : i32
        %lt3A_814 = arith.constant 0 : i32
        %lt3A_815 = arith.cmpi slt, %rem3A_811, %lt3A_814 : i32
        %lt3A_816 = arith.constant 0 : i32
        %lt3A_817 = arith.cmpi slt, %select_n3A_810, %lt3A_816 : i32
        %ne3A_818 = arith.xori %lt3A_815, %lt3A_817 : i1
        %and3A_819 = arith.andi %ne3A_818, %ne3A_813 : i1
        %add3A_820 = arith.addi %rem3A_811, %select_n3A_810 : i32
        %select_n3A_821 = arith.select %and3A_819, %add3A_820, %rem3A_811 : i32
        %dma_start3A_822 = arith.constant 3 : i32
        %dma_start3A_823 = arith.constant 3 : i32
        %dma_start3A_824 = arith.constant 0 : i32
        %dma_start3A_825 = arith.constant 0 : i32
        %dma_start3A_826 = tpu.memref_slice %arg11[%dma_start3A_822, %dma_start3A_824, %dma_start3A_825] : memref<4x64x128xf32, #tpu.memory_space<vmem>> -> memref<1x64x128xf32, #tpu.memory_space<vmem>>
        %dma_start3A_827 = tpu.memref_squeeze %dma_start3A_826 : memref<1x64x128xf32, #tpu.memory_space<vmem>> -> memref<64x128xf32, #tpu.memory_space<vmem>>
        %dma_start3A_828 = arith.constant 0 : i32
        %dma_start3A_829 = tpu.memref_slice %arg10[%select_n3A_805, %select_n3A_821, %dma_start3A_828] : memref<2x16x64xi32, #tpu.memory_space<vmem>> -> memref<1x1x64xi32, #tpu.memory_space<vmem>>
        %dma_start3A_830 = tpu.memref_squeeze %dma_start3A_829 : memref<1x1x64xi32, #tpu.memory_space<vmem>> -> memref<64xi32, #tpu.memory_space<vmem>>
        %dma_start3A_831 = arith.constant 0 : i32
        %dma_start3A_832 = arith.constant 0 : i32
        %dma_start3A_833 = tpu.memref_slice %arg12[%dma_start3A_831, %dma_start3A_832] : memref<10112x128xf32, #tpu.memory_space<vmem_shared>> -> memref<10112x128xf32, #tpu.memory_space<vmem_shared>>
        %dma_start3A_834 = tpu.memref_slice %arg14[%dma_start3A_823] : memref<4x!tpu.dma_semaphore, #tpu.memory_space<semaphore_mem>> -> memref<1x!tpu.dma_semaphore, #tpu.memory_space<semaphore_mem>>
        %dma_start3A_835 = tpu.memref_squeeze %dma_start3A_834 : memref<1x!tpu.dma_semaphore, #tpu.memory_space<semaphore_mem>> -> memref<!tpu.dma_semaphore, #tpu.memory_space<semaphore_mem>>
        tpu.enqueue_indirect_dma source(%dma_start3A_827 : memref<64x128xf32, #tpu.memory_space<vmem>>) target(%dma_start3A_833 : memref<10112x128xf32, #tpu.memory_space<vmem_shared>>) offsets(%dma_start3A_830 : memref<64xi32, #tpu.memory_space<vmem>>) semaphore(%dma_start3A_835 : memref<!tpu.dma_semaphore, #tpu.memory_space<semaphore_mem>>) {add = true}
        %sub3A_836 = arith.constant 4 : i32
        %sub3A_837 = arith.subi %add3A_691, %sub3A_836 : i32
        %jit3A_838 = arith.constant 16 : i32
        %div3A_839 = arith.divsi %sub3A_837, %jit3A_838 : i32
        %sign3A_840 = arith.constant 0 : i32
        %sign3A_841 = arith.cmpi sgt, %sub3A_837, %sign3A_840 : i32
        %sign3A_842 = arith.extui %sign3A_841 : i1 to i32
        %sign3A_843 = arith.constant 0 : i32
        %sign3A_844 = arith.cmpi slt, %sub3A_837, %sign3A_843 : i32
        %sign3A_845 = arith.extui %sign3A_844 : i1 to i32
        %sign3A_846 = arith.subi %sign3A_842, %sign3A_845 : i32
        %sign3A_847 = arith.constant 0 : i32
        %sign3A_848 = arith.cmpi sgt, %jit3A_838, %sign3A_847 : i32
        %sign3A_849 = arith.extui %sign3A_848 : i1 to i32
        %sign3A_850 = arith.constant 0 : i32
        %sign3A_851 = arith.cmpi slt, %jit3A_838, %sign3A_850 : i32
        %sign3A_852 = arith.extui %sign3A_851 : i1 to i32
        %sign3A_853 = arith.subi %sign3A_849, %sign3A_852 : i32
        %ne3A_854 = arith.cmpi ne, %sign3A_846, %sign3A_853 : i32
        %rem3A_855 = arith.remsi %sub3A_837, %jit3A_838 : i32
        %ne3A_856 = arith.constant 0 : i32
        %ne3A_857 = arith.cmpi ne, %rem3A_855, %ne3A_856 : i32
        %and3A_858 = arith.andi %ne3A_854, %ne3A_857 : i1
        %sub3A_859 = arith.constant 1 : i32
        %sub3A_860 = arith.subi %div3A_839, %sub3A_859 : i32
        %select_n3A_861 = arith.select %and3A_858, %sub3A_860, %div3A_839 : i32
        %jit3A_862 = arith.constant 2 : i32
        %eq3A_863 = arith.constant 0 : i32
        %eq3A_864 = arith.cmpi eq, %jit3A_862, %eq3A_863 : i32
        %jit3A_865 = arith.constant 1 : i32
        %select_n3A_866 = arith.select %eq3A_864, %jit3A_865, %jit3A_862 : i32
        %rem3A_867 = arith.remsi %select_n3A_861, %select_n3A_866 : i32
        %ne3A_868 = arith.constant 0 : i32
        %ne3A_869 = arith.cmpi ne, %rem3A_867, %ne3A_868 : i32
        %lt3A_870 = arith.constant 0 : i32
        %lt3A_871 = arith.cmpi slt, %rem3A_867, %lt3A_870 : i32
        %lt3A_872 = arith.constant 0 : i32
        %lt3A_873 = arith.cmpi slt, %select_n3A_866, %lt3A_872 : i32
        %ne3A_874 = arith.xori %lt3A_871, %lt3A_873 : i1
        %and3A_875 = arith.andi %ne3A_874, %ne3A_869 : i1
        %add3A_876 = arith.addi %rem3A_867, %select_n3A_866 : i32
        %select_n3A_877 = arith.select %and3A_875, %add3A_876, %rem3A_867 : i32
        %jit3A_878 = arith.constant 16 : i32
        %eq3A_879 = arith.constant 0 : i32
        %eq3A_880 = arith.cmpi eq, %jit3A_878, %eq3A_879 : i32
        %jit3A_881 = arith.constant 1 : i32
        %select_n3A_882 = arith.select %eq3A_880, %jit3A_881, %jit3A_878 : i32
        %rem3A_883 = arith.remsi %sub3A_837, %select_n3A_882 : i32
        %ne3A_884 = arith.constant 0 : i32
        %ne3A_885 = arith.cmpi ne, %rem3A_883, %ne3A_884 : i32
        %lt3A_886 = arith.constant 0 : i32
        %lt3A_887 = arith.cmpi slt, %rem3A_883, %lt3A_886 : i32
        %lt3A_888 = arith.constant 0 : i32
        %lt3A_889 = arith.cmpi slt, %select_n3A_882, %lt3A_888 : i32
        %ne3A_890 = arith.xori %lt3A_887, %lt3A_889 : i1
        %and3A_891 = arith.andi %ne3A_890, %ne3A_885 : i1
        %add3A_892 = arith.addi %rem3A_883, %select_n3A_882 : i32
        %select_n3A_893 = arith.select %and3A_891, %add3A_892, %rem3A_883 : i32
        %dma_wait3A_894 = arith.constant 1 : i32
        %dma_wait3A_895 = arith.constant 1 : i32
        %dma_wait3A_896 = arith.constant 0 : i32
        %dma_wait3A_897 = arith.constant 0 : i32
        %dma_wait3A_898 = tpu.memref_slice %arg11[%dma_wait3A_894, %dma_wait3A_896, %dma_wait3A_897] : memref<4x64x128xf32, #tpu.memory_space<vmem>> -> memref<1x64x128xf32, #tpu.memory_space<vmem>>
        %dma_wait3A_899 = tpu.memref_squeeze %dma_wait3A_898 : memref<1x64x128xf32, #tpu.memory_space<vmem>> -> memref<64x128xf32, #tpu.memory_space<vmem>>
        %dma_wait3A_900 = arith.constant 0 : i32
        %dma_wait3A_901 = tpu.memref_slice %arg10[%select_n3A_877, %select_n3A_893, %dma_wait3A_900] : memref<2x16x64xi32, #tpu.memory_space<vmem>> -> memref<1x1x64xi32, #tpu.memory_space<vmem>>
        %dma_wait3A_902 = tpu.memref_squeeze %dma_wait3A_901 : memref<1x1x64xi32, #tpu.memory_space<vmem>> -> memref<64xi32, #tpu.memory_space<vmem>>
        %dma_wait3A_903 = arith.constant 0 : i32
        %dma_wait3A_904 = arith.constant 0 : i32
        %dma_wait3A_905 = tpu.memref_slice %arg12[%dma_wait3A_903, %dma_wait3A_904] : memref<10112x128xf32, #tpu.memory_space<vmem_shared>> -> memref<10112x128xf32, #tpu.memory_space<vmem_shared>>
        %dma_wait3A_906 = tpu.memref_slice %arg14[%dma_wait3A_895] : memref<4x!tpu.dma_semaphore, #tpu.memory_space<semaphore_mem>> -> memref<1x!tpu.dma_semaphore, #tpu.memory_space<semaphore_mem>>
        %dma_wait3A_907 = tpu.memref_squeeze %dma_wait3A_906 : memref<1x!tpu.dma_semaphore, #tpu.memory_space<semaphore_mem>> -> memref<!tpu.dma_semaphore, #tpu.memory_space<semaphore_mem>>
        tpu.wait_indirect_dma semaphore(%dma_wait3A_907 : memref<!tpu.dma_semaphore, #tpu.memory_space<semaphore_mem>>) src(%dma_wait3A_899 : memref<64x128xf32, #tpu.memory_space<vmem>>) dst(%dma_wait3A_905 : memref<10112x128xf32, #tpu.memory_space<vmem_shared>>)
        %jit3A_908 = arith.constant 16 : i32
        %div3A_909 = arith.divsi %add3A_691, %jit3A_908 : i32
        %sign3A_910 = arith.constant 0 : i32
        %sign3A_911 = arith.cmpi sgt, %add3A_691, %sign3A_910 : i32
        %sign3A_912 = arith.extui %sign3A_911 : i1 to i32
        %sign3A_913 = arith.constant 0 : i32
        %sign3A_914 = arith.cmpi slt, %add3A_691, %sign3A_913 : i32
        %sign3A_915 = arith.extui %sign3A_914 : i1 to i32
        %sign3A_916 = arith.subi %sign3A_912, %sign3A_915 : i32
        %sign3A_917 = arith.constant 0 : i32
        %sign3A_918 = arith.cmpi sgt, %jit3A_908, %sign3A_917 : i32
        %sign3A_919 = arith.extui %sign3A_918 : i1 to i32
        %sign3A_920 = arith.constant 0 : i32
        %sign3A_921 = arith.cmpi slt, %jit3A_908, %sign3A_920 : i32
        %sign3A_922 = arith.extui %sign3A_921 : i1 to i32
        %sign3A_923 = arith.subi %sign3A_919, %sign3A_922 : i32
        %ne3A_924 = arith.cmpi ne, %sign3A_916, %sign3A_923 : i32
        %rem3A_925 = arith.remsi %add3A_691, %jit3A_908 : i32
        %ne3A_926 = arith.constant 0 : i32
        %ne3A_927 = arith.cmpi ne, %rem3A_925, %ne3A_926 : i32
        %and3A_928 = arith.andi %ne3A_924, %ne3A_927 : i1
        %sub3A_929 = arith.constant 1 : i32
        %sub3A_930 = arith.subi %div3A_909, %sub3A_929 : i32
        %select_n3A_931 = arith.select %and3A_928, %sub3A_930, %div3A_909 : i32
        %jit3A_932 = arith.constant 2 : i32
        %eq3A_933 = arith.constant 0 : i32
        %eq3A_934 = arith.cmpi eq, %jit3A_932, %eq3A_933 : i32
        %jit3A_935 = arith.constant 1 : i32
        %select_n3A_936 = arith.select %eq3A_934, %jit3A_935, %jit3A_932 : i32
        %rem3A_937 = arith.remsi %select_n3A_931, %select_n3A_936 : i32
        %ne3A_938 = arith.constant 0 : i32
        %ne3A_939 = arith.cmpi ne, %rem3A_937, %ne3A_938 : i32
        %lt3A_940 = arith.constant 0 : i32
        %lt3A_941 = arith.cmpi slt, %rem3A_937, %lt3A_940 : i32
        %lt3A_942 = arith.constant 0 : i32
        %lt3A_943 = arith.cmpi slt, %select_n3A_936, %lt3A_942 : i32
        %ne3A_944 = arith.xori %lt3A_941, %lt3A_943 : i1
        %and3A_945 = arith.andi %ne3A_944, %ne3A_939 : i1
        %add3A_946 = arith.addi %rem3A_937, %select_n3A_936 : i32
        %select_n3A_947 = arith.select %and3A_945, %add3A_946, %rem3A_937 : i32
        %jit3A_948 = arith.constant 16 : i32
        %eq3A_949 = arith.constant 0 : i32
        %eq3A_950 = arith.cmpi eq, %jit3A_948, %eq3A_949 : i32
        %jit3A_951 = arith.constant 1 : i32
        %select_n3A_952 = arith.select %eq3A_950, %jit3A_951, %jit3A_948 : i32
        %rem3A_953 = arith.remsi %add3A_691, %select_n3A_952 : i32
        %ne3A_954 = arith.constant 0 : i32
        %ne3A_955 = arith.cmpi ne, %rem3A_953, %ne3A_954 : i32
        %lt3A_956 = arith.constant 0 : i32
        %lt3A_957 = arith.cmpi slt, %rem3A_953, %lt3A_956 : i32
        %lt3A_958 = arith.constant 0 : i32
        %lt3A_959 = arith.cmpi slt, %select_n3A_952, %lt3A_958 : i32
        %ne3A_960 = arith.xori %lt3A_957, %lt3A_959 : i1
        %and3A_961 = arith.andi %ne3A_960, %ne3A_955 : i1
        %add3A_962 = arith.addi %rem3A_953, %select_n3A_952 : i32
        %select_n3A_963 = arith.select %and3A_961, %add3A_962, %rem3A_953 : i32
        %dma_start3A_964 = arith.constant 1 : i32
        %dma_start3A_965 = arith.constant 1 : i32
        %dma_start3A_966 = arith.constant 0 : i32
        %dma_start3A_967 = arith.constant 0 : i32
        %dma_start3A_968 = tpu.memref_slice %arg11[%dma_start3A_964, %dma_start3A_966, %dma_start3A_967] : memref<4x64x128xf32, #tpu.memory_space<vmem>> -> memref<1x64x128xf32, #tpu.memory_space<vmem>>
        %dma_start3A_969 = tpu.memref_squeeze %dma_start3A_968 : memref<1x64x128xf32, #tpu.memory_space<vmem>> -> memref<64x128xf32, #tpu.memory_space<vmem>>
        %dma_start3A_970 = arith.constant 0 : i32
        %dma_start3A_971 = tpu.memref_slice %arg9[%select_n3A_947, %select_n3A_963, %dma_start3A_970] : memref<2x16x64xi32, #tpu.memory_space<vmem>> -> memref<1x1x64xi32, #tpu.memory_space<vmem>>
        %dma_start3A_972 = tpu.memref_squeeze %dma_start3A_971 : memref<1x1x64xi32, #tpu.memory_space<vmem>> -> memref<64xi32, #tpu.memory_space<vmem>>
        %dma_start3A_973 = arith.constant 0 : i32
        %dma_start3A_974 = arith.constant 0 : i32
        %dma_start3A_975 = tpu.memref_slice %arg6[%dma_start3A_973, %dma_start3A_974] : memref<20000x128xf32, #tpu.memory_space<hbm>> -> memref<20000x128xf32, #tpu.memory_space<hbm>>
        %dma_start3A_976 = tpu.memref_slice %arg13[%dma_start3A_965] : memref<4x!tpu.dma_semaphore, #tpu.memory_space<semaphore_mem>> -> memref<1x!tpu.dma_semaphore, #tpu.memory_space<semaphore_mem>>
        %dma_start3A_977 = tpu.memref_squeeze %dma_start3A_976 : memref<1x!tpu.dma_semaphore, #tpu.memory_space<semaphore_mem>> -> memref<!tpu.dma_semaphore, #tpu.memory_space<semaphore_mem>>
        tpu.enqueue_indirect_dma source(%dma_start3A_975 : memref<20000x128xf32, #tpu.memory_space<hbm>>) target(%dma_start3A_969 : memref<64x128xf32, #tpu.memory_space<vmem>>) offsets(%dma_start3A_972 : memref<64xi32, #tpu.memory_space<vmem>>) semaphore(%dma_start3A_977 : memref<!tpu.dma_semaphore, #tpu.memory_space<semaphore_mem>>)
        %mul3A_978 = arith.constant 4 : i32
        %mul3A_979 = arith.muli %scan3A_336, %mul3A_978 : i32
        %add3A_980 = arith.constant 2 : i32
        %add3A_981 = arith.addi %mul3A_979, %add3A_980 : i32
        %sub3A_982 = arith.constant 2 : i32
        %sub3A_983 = arith.subi %add3A_981, %sub3A_982 : i32
        %jit3A_984 = arith.constant 16 : i32
        %div3A_985 = arith.divsi %sub3A_983, %jit3A_984 : i32
        %sign3A_986 = arith.constant 0 : i32
        %sign3A_987 = arith.cmpi sgt, %sub3A_983, %sign3A_986 : i32
        %sign3A_988 = arith.extui %sign3A_987 : i1 to i32
        %sign3A_989 = arith.constant 0 : i32
        %sign3A_990 = arith.cmpi slt, %sub3A_983, %sign3A_989 : i32
        %sign3A_991 = arith.extui %sign3A_990 : i1 to i32
        %sign3A_992 = arith.subi %sign3A_988, %sign3A_991 : i32
        %sign3A_993 = arith.constant 0 : i32
        %sign3A_994 = arith.cmpi sgt, %jit3A_984, %sign3A_993 : i32
        %sign3A_995 = arith.extui %sign3A_994 : i1 to i32
        %sign3A_996 = arith.constant 0 : i32
        %sign3A_997 = arith.cmpi slt, %jit3A_984, %sign3A_996 : i32
        %sign3A_998 = arith.extui %sign3A_997 : i1 to i32
        %sign3A_999 = arith.subi %sign3A_995, %sign3A_998 : i32
        %ne3A_1000 = arith.cmpi ne, %sign3A_992, %sign3A_999 : i32
        %rem3A_1001 = arith.remsi %sub3A_983, %jit3A_984 : i32
        %ne3A_1002 = arith.constant 0 : i32
        %ne3A_1003 = arith.cmpi ne, %rem3A_1001, %ne3A_1002 : i32
        %and3A_1004 = arith.andi %ne3A_1000, %ne3A_1003 : i1
        %sub3A_1005 = arith.constant 1 : i32
        %sub3A_1006 = arith.subi %div3A_985, %sub3A_1005 : i32
        %select_n3A_1007 = arith.select %and3A_1004, %sub3A_1006, %div3A_985 : i32
        %jit3A_1008 = arith.constant 2 : i32
        %eq3A_1009 = arith.constant 0 : i32
        %eq3A_1010 = arith.cmpi eq, %jit3A_1008, %eq3A_1009 : i32
        %jit3A_1011 = arith.constant 1 : i32
        %select_n3A_1012 = arith.select %eq3A_1010, %jit3A_1011, %jit3A_1008 : i32
        %rem3A_1013 = arith.remsi %select_n3A_1007, %select_n3A_1012 : i32
        %ne3A_1014 = arith.constant 0 : i32
        %ne3A_1015 = arith.cmpi ne, %rem3A_1013, %ne3A_1014 : i32
        %lt3A_1016 = arith.constant 0 : i32
        %lt3A_1017 = arith.cmpi slt, %rem3A_1013, %lt3A_1016 : i32
        %lt3A_1018 = arith.constant 0 : i32
        %lt3A_1019 = arith.cmpi slt, %select_n3A_1012, %lt3A_1018 : i32
        %ne3A_1020 = arith.xori %lt3A_1017, %lt3A_1019 : i1
        %and3A_1021 = arith.andi %ne3A_1020, %ne3A_1015 : i1
        %add3A_1022 = arith.addi %rem3A_1013, %select_n3A_1012 : i32
        %select_n3A_1023 = arith.select %and3A_1021, %add3A_1022, %rem3A_1013 : i32
        %jit3A_1024 = arith.constant 16 : i32
        %eq3A_1025 = arith.constant 0 : i32
        %eq3A_1026 = arith.cmpi eq, %jit3A_1024, %eq3A_1025 : i32
        %jit3A_1027 = arith.constant 1 : i32
        %select_n3A_1028 = arith.select %eq3A_1026, %jit3A_1027, %jit3A_1024 : i32
        %rem3A_1029 = arith.remsi %sub3A_983, %select_n3A_1028 : i32
        %ne3A_1030 = arith.constant 0 : i32
        %ne3A_1031 = arith.cmpi ne, %rem3A_1029, %ne3A_1030 : i32
        %lt3A_1032 = arith.constant 0 : i32
        %lt3A_1033 = arith.cmpi slt, %rem3A_1029, %lt3A_1032 : i32
        %lt3A_1034 = arith.constant 0 : i32
        %lt3A_1035 = arith.cmpi slt, %select_n3A_1028, %lt3A_1034 : i32
        %ne3A_1036 = arith.xori %lt3A_1033, %lt3A_1035 : i1
        %and3A_1037 = arith.andi %ne3A_1036, %ne3A_1031 : i1
        %add3A_1038 = arith.addi %rem3A_1029, %select_n3A_1028 : i32
        %select_n3A_1039 = arith.select %and3A_1037, %add3A_1038, %rem3A_1029 : i32
        %dma_wait3A_1040 = arith.constant 0 : i32
        %dma_wait3A_1041 = arith.constant 0 : i32
        %dma_wait3A_1042 = arith.constant 0 : i32
        %dma_wait3A_1043 = arith.constant 0 : i32
        %dma_wait3A_1044 = tpu.memref_slice %arg11[%dma_wait3A_1040, %dma_wait3A_1042, %dma_wait3A_1043] : memref<4x64x128xf32, #tpu.memory_space<vmem>> -> memref<1x64x128xf32, #tpu.memory_space<vmem>>
        %dma_wait3A_1045 = tpu.memref_squeeze %dma_wait3A_1044 : memref<1x64x128xf32, #tpu.memory_space<vmem>> -> memref<64x128xf32, #tpu.memory_space<vmem>>
        %dma_wait3A_1046 = arith.constant 0 : i32
        %dma_wait3A_1047 = tpu.memref_slice %arg9[%select_n3A_1023, %select_n3A_1039, %dma_wait3A_1046] : memref<2x16x64xi32, #tpu.memory_space<vmem>> -> memref<1x1x64xi32, #tpu.memory_space<vmem>>
        %dma_wait3A_1048 = tpu.memref_squeeze %dma_wait3A_1047 : memref<1x1x64xi32, #tpu.memory_space<vmem>> -> memref<64xi32, #tpu.memory_space<vmem>>
        %dma_wait3A_1049 = arith.constant 0 : i32
        %dma_wait3A_1050 = arith.constant 0 : i32
        %dma_wait3A_1051 = tpu.memref_slice %arg6[%dma_wait3A_1049, %dma_wait3A_1050] : memref<20000x128xf32, #tpu.memory_space<hbm>> -> memref<20000x128xf32, #tpu.memory_space<hbm>>
        %dma_wait3A_1052 = tpu.memref_slice %arg13[%dma_wait3A_1041] : memref<4x!tpu.dma_semaphore, #tpu.memory_space<semaphore_mem>> -> memref<1x!tpu.dma_semaphore, #tpu.memory_space<semaphore_mem>>
        %dma_wait3A_1053 = tpu.memref_squeeze %dma_wait3A_1052 : memref<1x!tpu.dma_semaphore, #tpu.memory_space<semaphore_mem>> -> memref<!tpu.dma_semaphore, #tpu.memory_space<semaphore_mem>>
        tpu.wait_indirect_dma semaphore(%dma_wait3A_1053 : memref<!tpu.dma_semaphore, #tpu.memory_space<semaphore_mem>>) src(%dma_wait3A_1051 : memref<20000x128xf32, #tpu.memory_space<hbm>>) dst(%dma_wait3A_1045 : memref<64x128xf32, #tpu.memory_space<vmem>>)
        %sub3A_1054 = arith.constant 2 : i32
        %sub3A_1055 = arith.subi %add3A_981, %sub3A_1054 : i32
        %jit3A_1056 = arith.constant 16 : i32
        %div3A_1057 = arith.divsi %sub3A_1055, %jit3A_1056 : i32
        %sign3A_1058 = arith.constant 0 : i32
        %sign3A_1059 = arith.cmpi sgt, %sub3A_1055, %sign3A_1058 : i32
        %sign3A_1060 = arith.extui %sign3A_1059 : i1 to i32
        %sign3A_1061 = arith.constant 0 : i32
        %sign3A_1062 = arith.cmpi slt, %sub3A_1055, %sign3A_1061 : i32
        %sign3A_1063 = arith.extui %sign3A_1062 : i1 to i32
        %sign3A_1064 = arith.subi %sign3A_1060, %sign3A_1063 : i32
        %sign3A_1065 = arith.constant 0 : i32
        %sign3A_1066 = arith.cmpi sgt, %jit3A_1056, %sign3A_1065 : i32
        %sign3A_1067 = arith.extui %sign3A_1066 : i1 to i32
        %sign3A_1068 = arith.constant 0 : i32
        %sign3A_1069 = arith.cmpi slt, %jit3A_1056, %sign3A_1068 : i32
        %sign3A_1070 = arith.extui %sign3A_1069 : i1 to i32
        %sign3A_1071 = arith.subi %sign3A_1067, %sign3A_1070 : i32
        %ne3A_1072 = arith.cmpi ne, %sign3A_1064, %sign3A_1071 : i32
        %rem3A_1073 = arith.remsi %sub3A_1055, %jit3A_1056 : i32
        %ne3A_1074 = arith.constant 0 : i32
        %ne3A_1075 = arith.cmpi ne, %rem3A_1073, %ne3A_1074 : i32
        %and3A_1076 = arith.andi %ne3A_1072, %ne3A_1075 : i1
        %sub3A_1077 = arith.constant 1 : i32
        %sub3A_1078 = arith.subi %div3A_1057, %sub3A_1077 : i32
        %select_n3A_1079 = arith.select %and3A_1076, %sub3A_1078, %div3A_1057 : i32
        %jit3A_1080 = arith.constant 2 : i32
        %eq3A_1081 = arith.constant 0 : i32
        %eq3A_1082 = arith.cmpi eq, %jit3A_1080, %eq3A_1081 : i32
        %jit3A_1083 = arith.constant 1 : i32
        %select_n3A_1084 = arith.select %eq3A_1082, %jit3A_1083, %jit3A_1080 : i32
        %rem3A_1085 = arith.remsi %select_n3A_1079, %select_n3A_1084 : i32
        %ne3A_1086 = arith.constant 0 : i32
        %ne3A_1087 = arith.cmpi ne, %rem3A_1085, %ne3A_1086 : i32
        %lt3A_1088 = arith.constant 0 : i32
        %lt3A_1089 = arith.cmpi slt, %rem3A_1085, %lt3A_1088 : i32
        %lt3A_1090 = arith.constant 0 : i32
        %lt3A_1091 = arith.cmpi slt, %select_n3A_1084, %lt3A_1090 : i32
        %ne3A_1092 = arith.xori %lt3A_1089, %lt3A_1091 : i1
        %and3A_1093 = arith.andi %ne3A_1092, %ne3A_1087 : i1
        %add3A_1094 = arith.addi %rem3A_1085, %select_n3A_1084 : i32
        %select_n3A_1095 = arith.select %and3A_1093, %add3A_1094, %rem3A_1085 : i32
        %jit3A_1096 = arith.constant 16 : i32
        %eq3A_1097 = arith.constant 0 : i32
        %eq3A_1098 = arith.cmpi eq, %jit3A_1096, %eq3A_1097 : i32
        %jit3A_1099 = arith.constant 1 : i32
        %select_n3A_1100 = arith.select %eq3A_1098, %jit3A_1099, %jit3A_1096 : i32
        %rem3A_1101 = arith.remsi %sub3A_1055, %select_n3A_1100 : i32
        %ne3A_1102 = arith.constant 0 : i32
        %ne3A_1103 = arith.cmpi ne, %rem3A_1101, %ne3A_1102 : i32
        %lt3A_1104 = arith.constant 0 : i32
        %lt3A_1105 = arith.cmpi slt, %rem3A_1101, %lt3A_1104 : i32
        %lt3A_1106 = arith.constant 0 : i32
        %lt3A_1107 = arith.cmpi slt, %select_n3A_1100, %lt3A_1106 : i32
        %ne3A_1108 = arith.xori %lt3A_1105, %lt3A_1107 : i1
        %and3A_1109 = arith.andi %ne3A_1108, %ne3A_1103 : i1
        %add3A_1110 = arith.addi %rem3A_1101, %select_n3A_1100 : i32
        %select_n3A_1111 = arith.select %and3A_1109, %add3A_1110, %rem3A_1101 : i32
        %dma_start3A_1112 = arith.constant 0 : i32
        %dma_start3A_1113 = arith.constant 0 : i32
        %dma_start3A_1114 = arith.constant 0 : i32
        %dma_start3A_1115 = arith.constant 0 : i32
        %dma_start3A_1116 = tpu.memref_slice %arg11[%dma_start3A_1112, %dma_start3A_1114, %dma_start3A_1115] : memref<4x64x128xf32, #tpu.memory_space<vmem>> -> memref<1x64x128xf32, #tpu.memory_space<vmem>>
        %dma_start3A_1117 = tpu.memref_squeeze %dma_start3A_1116 : memref<1x64x128xf32, #tpu.memory_space<vmem>> -> memref<64x128xf32, #tpu.memory_space<vmem>>
        %dma_start3A_1118 = arith.constant 0 : i32
        %dma_start3A_1119 = tpu.memref_slice %arg10[%select_n3A_1095, %select_n3A_1111, %dma_start3A_1118] : memref<2x16x64xi32, #tpu.memory_space<vmem>> -> memref<1x1x64xi32, #tpu.memory_space<vmem>>
        %dma_start3A_1120 = tpu.memref_squeeze %dma_start3A_1119 : memref<1x1x64xi32, #tpu.memory_space<vmem>> -> memref<64xi32, #tpu.memory_space<vmem>>
        %dma_start3A_1121 = arith.constant 0 : i32
        %dma_start3A_1122 = arith.constant 0 : i32
        %dma_start3A_1123 = tpu.memref_slice %arg12[%dma_start3A_1121, %dma_start3A_1122] : memref<10112x128xf32, #tpu.memory_space<vmem_shared>> -> memref<10112x128xf32, #tpu.memory_space<vmem_shared>>
        %dma_start3A_1124 = tpu.memref_slice %arg14[%dma_start3A_1113] : memref<4x!tpu.dma_semaphore, #tpu.memory_space<semaphore_mem>> -> memref<1x!tpu.dma_semaphore, #tpu.memory_space<semaphore_mem>>
        %dma_start3A_1125 = tpu.memref_squeeze %dma_start3A_1124 : memref<1x!tpu.dma_semaphore, #tpu.memory_space<semaphore_mem>> -> memref<!tpu.dma_semaphore, #tpu.memory_space<semaphore_mem>>
        tpu.enqueue_indirect_dma source(%dma_start3A_1117 : memref<64x128xf32, #tpu.memory_space<vmem>>) target(%dma_start3A_1123 : memref<10112x128xf32, #tpu.memory_space<vmem_shared>>) offsets(%dma_start3A_1120 : memref<64xi32, #tpu.memory_space<vmem>>) semaphore(%dma_start3A_1125 : memref<!tpu.dma_semaphore, #tpu.memory_space<semaphore_mem>>) {add = true}
        %sub3A_1126 = arith.constant 4 : i32
        %sub3A_1127 = arith.subi %add3A_981, %sub3A_1126 : i32
        %jit3A_1128 = arith.constant 16 : i32
        %div3A_1129 = arith.divsi %sub3A_1127, %jit3A_1128 : i32
        %sign3A_1130 = arith.constant 0 : i32
        %sign3A_1131 = arith.cmpi sgt, %sub3A_1127, %sign3A_1130 : i32
        %sign3A_1132 = arith.extui %sign3A_1131 : i1 to i32
        %sign3A_1133 = arith.constant 0 : i32
        %sign3A_1134 = arith.cmpi slt, %sub3A_1127, %sign3A_1133 : i32
        %sign3A_1135 = arith.extui %sign3A_1134 : i1 to i32
        %sign3A_1136 = arith.subi %sign3A_1132, %sign3A_1135 : i32
        %sign3A_1137 = arith.constant 0 : i32
        %sign3A_1138 = arith.cmpi sgt, %jit3A_1128, %sign3A_1137 : i32
        %sign3A_1139 = arith.extui %sign3A_1138 : i1 to i32
        %sign3A_1140 = arith.constant 0 : i32
        %sign3A_1141 = arith.cmpi slt, %jit3A_1128, %sign3A_1140 : i32
        %sign3A_1142 = arith.extui %sign3A_1141 : i1 to i32
        %sign3A_1143 = arith.subi %sign3A_1139, %sign3A_1142 : i32
        %ne3A_1144 = arith.cmpi ne, %sign3A_1136, %sign3A_1143 : i32
        %rem3A_1145 = arith.remsi %sub3A_1127, %jit3A_1128 : i32
        %ne3A_1146 = arith.constant 0 : i32
        %ne3A_1147 = arith.cmpi ne, %rem3A_1145, %ne3A_1146 : i32
        %and3A_1148 = arith.andi %ne3A_1144, %ne3A_1147 : i1
        %sub3A_1149 = arith.constant 1 : i32
        %sub3A_1150 = arith.subi %div3A_1129, %sub3A_1149 : i32
        %select_n3A_1151 = arith.select %and3A_1148, %sub3A_1150, %div3A_1129 : i32
        %jit3A_1152 = arith.constant 2 : i32
        %eq3A_1153 = arith.constant 0 : i32
        %eq3A_1154 = arith.cmpi eq, %jit3A_1152, %eq3A_1153 : i32
        %jit3A_1155 = arith.constant 1 : i32
        %select_n3A_1156 = arith.select %eq3A_1154, %jit3A_1155, %jit3A_1152 : i32
        %rem3A_1157 = arith.remsi %select_n3A_1151, %select_n3A_1156 : i32
        %ne3A_1158 = arith.constant 0 : i32
        %ne3A_1159 = arith.cmpi ne, %rem3A_1157, %ne3A_1158 : i32
        %lt3A_1160 = arith.constant 0 : i32
        %lt3A_1161 = arith.cmpi slt, %rem3A_1157, %lt3A_1160 : i32
        %lt3A_1162 = arith.constant 0 : i32
        %lt3A_1163 = arith.cmpi slt, %select_n3A_1156, %lt3A_1162 : i32
        %ne3A_1164 = arith.xori %lt3A_1161, %lt3A_1163 : i1
        %and3A_1165 = arith.andi %ne3A_1164, %ne3A_1159 : i1
        %add3A_1166 = arith.addi %rem3A_1157, %select_n3A_1156 : i32
        %select_n3A_1167 = arith.select %and3A_1165, %add3A_1166, %rem3A_1157 : i32
        %jit3A_1168 = arith.constant 16 : i32
        %eq3A_1169 = arith.constant 0 : i32
        %eq3A_1170 = arith.cmpi eq, %jit3A_1168, %eq3A_1169 : i32
        %jit3A_1171 = arith.constant 1 : i32
        %select_n3A_1172 = arith.select %eq3A_1170, %jit3A_1171, %jit3A_1168 : i32
        %rem3A_1173 = arith.remsi %sub3A_1127, %select_n3A_1172 : i32
        %ne3A_1174 = arith.constant 0 : i32
        %ne3A_1175 = arith.cmpi ne, %rem3A_1173, %ne3A_1174 : i32
        %lt3A_1176 = arith.constant 0 : i32
        %lt3A_1177 = arith.cmpi slt, %rem3A_1173, %lt3A_1176 : i32
        %lt3A_1178 = arith.constant 0 : i32
        %lt3A_1179 = arith.cmpi slt, %select_n3A_1172, %lt3A_1178 : i32
        %ne3A_1180 = arith.xori %lt3A_1177, %lt3A_1179 : i1
        %and3A_1181 = arith.andi %ne3A_1180, %ne3A_1175 : i1
        %add3A_1182 = arith.addi %rem3A_1173, %select_n3A_1172 : i32
        %select_n3A_1183 = arith.select %and3A_1181, %add3A_1182, %rem3A_1173 : i32
        %dma_wait3A_1184 = arith.constant 2 : i32
        %dma_wait3A_1185 = arith.constant 2 : i32
        %dma_wait3A_1186 = arith.constant 0 : i32
        %dma_wait3A_1187 = arith.constant 0 : i32
        %dma_wait3A_1188 = tpu.memref_slice %arg11[%dma_wait3A_1184, %dma_wait3A_1186, %dma_wait3A_1187] : memref<4x64x128xf32, #tpu.memory_space<vmem>> -> memref<1x64x128xf32, #tpu.memory_space<vmem>>
        %dma_wait3A_1189 = tpu.memref_squeeze %dma_wait3A_1188 : memref<1x64x128xf32, #tpu.memory_space<vmem>> -> memref<64x128xf32, #tpu.memory_space<vmem>>
        %dma_wait3A_1190 = arith.constant 0 : i32
        %dma_wait3A_1191 = tpu.memref_slice %arg10[%select_n3A_1167, %select_n3A_1183, %dma_wait3A_1190] : memref<2x16x64xi32, #tpu.memory_space<vmem>> -> memref<1x1x64xi32, #tpu.memory_space<vmem>>
        %dma_wait3A_1192 = tpu.memref_squeeze %dma_wait3A_1191 : memref<1x1x64xi32, #tpu.memory_space<vmem>> -> memref<64xi32, #tpu.memory_space<vmem>>
        %dma_wait3A_1193 = arith.constant 0 : i32
        %dma_wait3A_1194 = arith.constant 0 : i32
        %dma_wait3A_1195 = tpu.memref_slice %arg12[%dma_wait3A_1193, %dma_wait3A_1194] : memref<10112x128xf32, #tpu.memory_space<vmem_shared>> -> memref<10112x128xf32, #tpu.memory_space<vmem_shared>>
        %dma_wait3A_1196 = tpu.memref_slice %arg14[%dma_wait3A_1185] : memref<4x!tpu.dma_semaphore, #tpu.memory_space<semaphore_mem>> -> memref<1x!tpu.dma_semaphore, #tpu.memory_space<semaphore_mem>>
        %dma_wait3A_1197 = tpu.memref_squeeze %dma_wait3A_1196 : memref<1x!tpu.dma_semaphore, #tpu.memory_space<semaphore_mem>> -> memref<!tpu.dma_semaphore, #tpu.memory_space<semaphore_mem>>
        tpu.wait_indirect_dma semaphore(%dma_wait3A_1197 : memref<!tpu.dma_semaphore, #tpu.memory_space<semaphore_mem>>) src(%dma_wait3A_1189 : memref<64x128xf32, #tpu.memory_space<vmem>>) dst(%dma_wait3A_1195 : memref<10112x128xf32, #tpu.memory_space<vmem_shared>>)
        %jit3A_1198 = arith.constant 16 : i32
        %div3A_1199 = arith.divsi %add3A_981, %jit3A_1198 : i32
        %sign3A_1200 = arith.constant 0 : i32
        %sign3A_1201 = arith.cmpi sgt, %add3A_981, %sign3A_1200 : i32
        %sign3A_1202 = arith.extui %sign3A_1201 : i1 to i32
        %sign3A_1203 = arith.constant 0 : i32
        %sign3A_1204 = arith.cmpi slt, %add3A_981, %sign3A_1203 : i32
        %sign3A_1205 = arith.extui %sign3A_1204 : i1 to i32
        %sign3A_1206 = arith.subi %sign3A_1202, %sign3A_1205 : i32
        %sign3A_1207 = arith.constant 0 : i32
        %sign3A_1208 = arith.cmpi sgt, %jit3A_1198, %sign3A_1207 : i32
        %sign3A_1209 = arith.extui %sign3A_1208 : i1 to i32
        %sign3A_1210 = arith.constant 0 : i32
        %sign3A_1211 = arith.cmpi slt, %jit3A_1198, %sign3A_1210 : i32
        %sign3A_1212 = arith.extui %sign3A_1211 : i1 to i32
        %sign3A_1213 = arith.subi %sign3A_1209, %sign3A_1212 : i32
        %ne3A_1214 = arith.cmpi ne, %sign3A_1206, %sign3A_1213 : i32
        %rem3A_1215 = arith.remsi %add3A_981, %jit3A_1198 : i32
        %ne3A_1216 = arith.constant 0 : i32
        %ne3A_1217 = arith.cmpi ne, %rem3A_1215, %ne3A_1216 : i32
        %and3A_1218 = arith.andi %ne3A_1214, %ne3A_1217 : i1
        %sub3A_1219 = arith.constant 1 : i32
        %sub3A_1220 = arith.subi %div3A_1199, %sub3A_1219 : i32
        %select_n3A_1221 = arith.select %and3A_1218, %sub3A_1220, %div3A_1199 : i32
        %jit3A_1222 = arith.constant 2 : i32
        %eq3A_1223 = arith.constant 0 : i32
        %eq3A_1224 = arith.cmpi eq, %jit3A_1222, %eq3A_1223 : i32
        %jit3A_1225 = arith.constant 1 : i32
        %select_n3A_1226 = arith.select %eq3A_1224, %jit3A_1225, %jit3A_1222 : i32
        %rem3A_1227 = arith.remsi %select_n3A_1221, %select_n3A_1226 : i32
        %ne3A_1228 = arith.constant 0 : i32
        %ne3A_1229 = arith.cmpi ne, %rem3A_1227, %ne3A_1228 : i32
        %lt3A_1230 = arith.constant 0 : i32
        %lt3A_1231 = arith.cmpi slt, %rem3A_1227, %lt3A_1230 : i32
        %lt3A_1232 = arith.constant 0 : i32
        %lt3A_1233 = arith.cmpi slt, %select_n3A_1226, %lt3A_1232 : i32
        %ne3A_1234 = arith.xori %lt3A_1231, %lt3A_1233 : i1
        %and3A_1235 = arith.andi %ne3A_1234, %ne3A_1229 : i1
        %add3A_1236 = arith.addi %rem3A_1227, %select_n3A_1226 : i32
        %select_n3A_1237 = arith.select %and3A_1235, %add3A_1236, %rem3A_1227 : i32
        %jit3A_1238 = arith.constant 16 : i32
        %eq3A_1239 = arith.constant 0 : i32
        %eq3A_1240 = arith.cmpi eq, %jit3A_1238, %eq3A_1239 : i32
        %jit3A_1241 = arith.constant 1 : i32
        %select_n3A_1242 = arith.select %eq3A_1240, %jit3A_1241, %jit3A_1238 : i32
        %rem3A_1243 = arith.remsi %add3A_981, %select_n3A_1242 : i32
        %ne3A_1244 = arith.constant 0 : i32
        %ne3A_1245 = arith.cmpi ne, %rem3A_1243, %ne3A_1244 : i32
        %lt3A_1246 = arith.constant 0 : i32
        %lt3A_1247 = arith.cmpi slt, %rem3A_1243, %lt3A_1246 : i32
        %lt3A_1248 = arith.constant 0 : i32
        %lt3A_1249 = arith.cmpi slt, %select_n3A_1242, %lt3A_1248 : i32
        %ne3A_1250 = arith.xori %lt3A_1247, %lt3A_1249 : i1
        %and3A_1251 = arith.andi %ne3A_1250, %ne3A_1245 : i1
        %add3A_1252 = arith.addi %rem3A_1243, %select_n3A_1242 : i32
        %select_n3A_1253 = arith.select %and3A_1251, %add3A_1252, %rem3A_1243 : i32
        %dma_start3A_1254 = arith.constant 2 : i32
        %dma_start3A_1255 = arith.constant 2 : i32
        %dma_start3A_1256 = arith.constant 0 : i32
        %dma_start3A_1257 = arith.constant 0 : i32
        %dma_start3A_1258 = tpu.memref_slice %arg11[%dma_start3A_1254, %dma_start3A_1256, %dma_start3A_1257] : memref<4x64x128xf32, #tpu.memory_space<vmem>> -> memref<1x64x128xf32, #tpu.memory_space<vmem>>
        %dma_start3A_1259 = tpu.memref_squeeze %dma_start3A_1258 : memref<1x64x128xf32, #tpu.memory_space<vmem>> -> memref<64x128xf32, #tpu.memory_space<vmem>>
        %dma_start3A_1260 = arith.constant 0 : i32
        %dma_start3A_1261 = tpu.memref_slice %arg9[%select_n3A_1237, %select_n3A_1253, %dma_start3A_1260] : memref<2x16x64xi32, #tpu.memory_space<vmem>> -> memref<1x1x64xi32, #tpu.memory_space<vmem>>
        %dma_start3A_1262 = tpu.memref_squeeze %dma_start3A_1261 : memref<1x1x64xi32, #tpu.memory_space<vmem>> -> memref<64xi32, #tpu.memory_space<vmem>>
        %dma_start3A_1263 = arith.constant 0 : i32
        %dma_start3A_1264 = arith.constant 0 : i32
        %dma_start3A_1265 = tpu.memref_slice %arg6[%dma_start3A_1263, %dma_start3A_1264] : memref<20000x128xf32, #tpu.memory_space<hbm>> -> memref<20000x128xf32, #tpu.memory_space<hbm>>
        %dma_start3A_1266 = tpu.memref_slice %arg13[%dma_start3A_1255] : memref<4x!tpu.dma_semaphore, #tpu.memory_space<semaphore_mem>> -> memref<1x!tpu.dma_semaphore, #tpu.memory_space<semaphore_mem>>
        %dma_start3A_1267 = tpu.memref_squeeze %dma_start3A_1266 : memref<1x!tpu.dma_semaphore, #tpu.memory_space<semaphore_mem>> -> memref<!tpu.dma_semaphore, #tpu.memory_space<semaphore_mem>>
        tpu.enqueue_indirect_dma source(%dma_start3A_1265 : memref<20000x128xf32, #tpu.memory_space<hbm>>) target(%dma_start3A_1259 : memref<64x128xf32, #tpu.memory_space<vmem>>) offsets(%dma_start3A_1262 : memref<64xi32, #tpu.memory_space<vmem>>) semaphore(%dma_start3A_1267 : memref<!tpu.dma_semaphore, #tpu.memory_space<semaphore_mem>>)
        %mul3A_1268 = arith.constant 4 : i32
        %mul3A_1269 = arith.muli %scan3A_336, %mul3A_1268 : i32
        %add3A_1270 = arith.constant 3 : i32
        %add3A_1271 = arith.addi %mul3A_1269, %add3A_1270 : i32
        %sub3A_1272 = arith.constant 2 : i32
        %sub3A_1273 = arith.subi %add3A_1271, %sub3A_1272 : i32
        %jit3A_1274 = arith.constant 16 : i32
        %div3A_1275 = arith.divsi %sub3A_1273, %jit3A_1274 : i32
        %sign3A_1276 = arith.constant 0 : i32
        %sign3A_1277 = arith.cmpi sgt, %sub3A_1273, %sign3A_1276 : i32
        %sign3A_1278 = arith.extui %sign3A_1277 : i1 to i32
        %sign3A_1279 = arith.constant 0 : i32
        %sign3A_1280 = arith.cmpi slt, %sub3A_1273, %sign3A_1279 : i32
        %sign3A_1281 = arith.extui %sign3A_1280 : i1 to i32
        %sign3A_1282 = arith.subi %sign3A_1278, %sign3A_1281 : i32
        %sign3A_1283 = arith.constant 0 : i32
        %sign3A_1284 = arith.cmpi sgt, %jit3A_1274, %sign3A_1283 : i32
        %sign3A_1285 = arith.extui %sign3A_1284 : i1 to i32
        %sign3A_1286 = arith.constant 0 : i32
        %sign3A_1287 = arith.cmpi slt, %jit3A_1274, %sign3A_1286 : i32
        %sign3A_1288 = arith.extui %sign3A_1287 : i1 to i32
        %sign3A_1289 = arith.subi %sign3A_1285, %sign3A_1288 : i32
        %ne3A_1290 = arith.cmpi ne, %sign3A_1282, %sign3A_1289 : i32
        %rem3A_1291 = arith.remsi %sub3A_1273, %jit3A_1274 : i32
        %ne3A_1292 = arith.constant 0 : i32
        %ne3A_1293 = arith.cmpi ne, %rem3A_1291, %ne3A_1292 : i32
        %and3A_1294 = arith.andi %ne3A_1290, %ne3A_1293 : i1
        %sub3A_1295 = arith.constant 1 : i32
        %sub3A_1296 = arith.subi %div3A_1275, %sub3A_1295 : i32
        %select_n3A_1297 = arith.select %and3A_1294, %sub3A_1296, %div3A_1275 : i32
        %jit3A_1298 = arith.constant 2 : i32
        %eq3A_1299 = arith.constant 0 : i32
        %eq3A_1300 = arith.cmpi eq, %jit3A_1298, %eq3A_1299 : i32
        %jit3A_1301 = arith.constant 1 : i32
        %select_n3A_1302 = arith.select %eq3A_1300, %jit3A_1301, %jit3A_1298 : i32
        %rem3A_1303 = arith.remsi %select_n3A_1297, %select_n3A_1302 : i32
        %ne3A_1304 = arith.constant 0 : i32
        %ne3A_1305 = arith.cmpi ne, %rem3A_1303, %ne3A_1304 : i32
        %lt3A_1306 = arith.constant 0 : i32
        %lt3A_1307 = arith.cmpi slt, %rem3A_1303, %lt3A_1306 : i32
        %lt3A_1308 = arith.constant 0 : i32
        %lt3A_1309 = arith.cmpi slt, %select_n3A_1302, %lt3A_1308 : i32
        %ne3A_1310 = arith.xori %lt3A_1307, %lt3A_1309 : i1
        %and3A_1311 = arith.andi %ne3A_1310, %ne3A_1305 : i1
        %add3A_1312 = arith.addi %rem3A_1303, %select_n3A_1302 : i32
        %select_n3A_1313 = arith.select %and3A_1311, %add3A_1312, %rem3A_1303 : i32
        %jit3A_1314 = arith.constant 16 : i32
        %eq3A_1315 = arith.constant 0 : i32
        %eq3A_1316 = arith.cmpi eq, %jit3A_1314, %eq3A_1315 : i32
        %jit3A_1317 = arith.constant 1 : i32
        %select_n3A_1318 = arith.select %eq3A_1316, %jit3A_1317, %jit3A_1314 : i32
        %rem3A_1319 = arith.remsi %sub3A_1273, %select_n3A_1318 : i32
        %ne3A_1320 = arith.constant 0 : i32
        %ne3A_1321 = arith.cmpi ne, %rem3A_1319, %ne3A_1320 : i32
        %lt3A_1322 = arith.constant 0 : i32
        %lt3A_1323 = arith.cmpi slt, %rem3A_1319, %lt3A_1322 : i32
        %lt3A_1324 = arith.constant 0 : i32
        %lt3A_1325 = arith.cmpi slt, %select_n3A_1318, %lt3A_1324 : i32
        %ne3A_1326 = arith.xori %lt3A_1323, %lt3A_1325 : i1
        %and3A_1327 = arith.andi %ne3A_1326, %ne3A_1321 : i1
        %add3A_1328 = arith.addi %rem3A_1319, %select_n3A_1318 : i32
        %select_n3A_1329 = arith.select %and3A_1327, %add3A_1328, %rem3A_1319 : i32
        %dma_wait3A_1330 = arith.constant 1 : i32
        %dma_wait3A_1331 = arith.constant 1 : i32
        %dma_wait3A_1332 = arith.constant 0 : i32
        %dma_wait3A_1333 = arith.constant 0 : i32
        %dma_wait3A_1334 = tpu.memref_slice %arg11[%dma_wait3A_1330, %dma_wait3A_1332, %dma_wait3A_1333] : memref<4x64x128xf32, #tpu.memory_space<vmem>> -> memref<1x64x128xf32, #tpu.memory_space<vmem>>
        %dma_wait3A_1335 = tpu.memref_squeeze %dma_wait3A_1334 : memref<1x64x128xf32, #tpu.memory_space<vmem>> -> memref<64x128xf32, #tpu.memory_space<vmem>>
        %dma_wait3A_1336 = arith.constant 0 : i32
        %dma_wait3A_1337 = tpu.memref_slice %arg9[%select_n3A_1313, %select_n3A_1329, %dma_wait3A_1336] : memref<2x16x64xi32, #tpu.memory_space<vmem>> -> memref<1x1x64xi32, #tpu.memory_space<vmem>>
        %dma_wait3A_1338 = tpu.memref_squeeze %dma_wait3A_1337 : memref<1x1x64xi32, #tpu.memory_space<vmem>> -> memref<64xi32, #tpu.memory_space<vmem>>
        %dma_wait3A_1339 = arith.constant 0 : i32
        %dma_wait3A_1340 = arith.constant 0 : i32
        %dma_wait3A_1341 = tpu.memref_slice %arg6[%dma_wait3A_1339, %dma_wait3A_1340] : memref<20000x128xf32, #tpu.memory_space<hbm>> -> memref<20000x128xf32, #tpu.memory_space<hbm>>
        %dma_wait3A_1342 = tpu.memref_slice %arg13[%dma_wait3A_1331] : memref<4x!tpu.dma_semaphore, #tpu.memory_space<semaphore_mem>> -> memref<1x!tpu.dma_semaphore, #tpu.memory_space<semaphore_mem>>
        %dma_wait3A_1343 = tpu.memref_squeeze %dma_wait3A_1342 : memref<1x!tpu.dma_semaphore, #tpu.memory_space<semaphore_mem>> -> memref<!tpu.dma_semaphore, #tpu.memory_space<semaphore_mem>>
        tpu.wait_indirect_dma semaphore(%dma_wait3A_1343 : memref<!tpu.dma_semaphore, #tpu.memory_space<semaphore_mem>>) src(%dma_wait3A_1341 : memref<20000x128xf32, #tpu.memory_space<hbm>>) dst(%dma_wait3A_1335 : memref<64x128xf32, #tpu.memory_space<vmem>>)
        %sub3A_1344 = arith.constant 2 : i32
        %sub3A_1345 = arith.subi %add3A_1271, %sub3A_1344 : i32
        %jit3A_1346 = arith.constant 16 : i32
        %div3A_1347 = arith.divsi %sub3A_1345, %jit3A_1346 : i32
        %sign3A_1348 = arith.constant 0 : i32
        %sign3A_1349 = arith.cmpi sgt, %sub3A_1345, %sign3A_1348 : i32
        %sign3A_1350 = arith.extui %sign3A_1349 : i1 to i32
        %sign3A_1351 = arith.constant 0 : i32
        %sign3A_1352 = arith.cmpi slt, %sub3A_1345, %sign3A_1351 : i32
        %sign3A_1353 = arith.extui %sign3A_1352 : i1 to i32
        %sign3A_1354 = arith.subi %sign3A_1350, %sign3A_1353 : i32
        %sign3A_1355 = arith.constant 0 : i32
        %sign3A_1356 = arith.cmpi sgt, %jit3A_1346, %sign3A_1355 : i32
        %sign3A_1357 = arith.extui %sign3A_1356 : i1 to i32
        %sign3A_1358 = arith.constant 0 : i32
        %sign3A_1359 = arith.cmpi slt, %jit3A_1346, %sign3A_1358 : i32
        %sign3A_1360 = arith.extui %sign3A_1359 : i1 to i32
        %sign3A_1361 = arith.subi %sign3A_1357, %sign3A_1360 : i32
        %ne3A_1362 = arith.cmpi ne, %sign3A_1354, %sign3A_1361 : i32
        %rem3A_1363 = arith.remsi %sub3A_1345, %jit3A_1346 : i32
        %ne3A_1364 = arith.constant 0 : i32
        %ne3A_1365 = arith.cmpi ne, %rem3A_1363, %ne3A_1364 : i32
        %and3A_1366 = arith.andi %ne3A_1362, %ne3A_1365 : i1
        %sub3A_1367 = arith.constant 1 : i32
        %sub3A_1368 = arith.subi %div3A_1347, %sub3A_1367 : i32
        %select_n3A_1369 = arith.select %and3A_1366, %sub3A_1368, %div3A_1347 : i32
        %jit3A_1370 = arith.constant 2 : i32
        %eq3A_1371 = arith.constant 0 : i32
        %eq3A_1372 = arith.cmpi eq, %jit3A_1370, %eq3A_1371 : i32
        %jit3A_1373 = arith.constant 1 : i32
        %select_n3A_1374 = arith.select %eq3A_1372, %jit3A_1373, %jit3A_1370 : i32
        %rem3A_1375 = arith.remsi %select_n3A_1369, %select_n3A_1374 : i32
        %ne3A_1376 = arith.constant 0 : i32
        %ne3A_1377 = arith.cmpi ne, %rem3A_1375, %ne3A_1376 : i32
        %lt3A_1378 = arith.constant 0 : i32
        %lt3A_1379 = arith.cmpi slt, %rem3A_1375, %lt3A_1378 : i32
        %lt3A_1380 = arith.constant 0 : i32
        %lt3A_1381 = arith.cmpi slt, %select_n3A_1374, %lt3A_1380 : i32
        %ne3A_1382 = arith.xori %lt3A_1379, %lt3A_1381 : i1
        %and3A_1383 = arith.andi %ne3A_1382, %ne3A_1377 : i1
        %add3A_1384 = arith.addi %rem3A_1375, %select_n3A_1374 : i32
        %select_n3A_1385 = arith.select %and3A_1383, %add3A_1384, %rem3A_1375 : i32
        %jit3A_1386 = arith.constant 16 : i32
        %eq3A_1387 = arith.constant 0 : i32
        %eq3A_1388 = arith.cmpi eq, %jit3A_1386, %eq3A_1387 : i32
        %jit3A_1389 = arith.constant 1 : i32
        %select_n3A_1390 = arith.select %eq3A_1388, %jit3A_1389, %jit3A_1386 : i32
        %rem3A_1391 = arith.remsi %sub3A_1345, %select_n3A_1390 : i32
        %ne3A_1392 = arith.constant 0 : i32
        %ne3A_1393 = arith.cmpi ne, %rem3A_1391, %ne3A_1392 : i32
        %lt3A_1394 = arith.constant 0 : i32
        %lt3A_1395 = arith.cmpi slt, %rem3A_1391, %lt3A_1394 : i32
        %lt3A_1396 = arith.constant 0 : i32
        %lt3A_1397 = arith.cmpi slt, %select_n3A_1390, %lt3A_1396 : i32
        %ne3A_1398 = arith.xori %lt3A_1395, %lt3A_1397 : i1
        %and3A_1399 = arith.andi %ne3A_1398, %ne3A_1393 : i1
        %add3A_1400 = arith.addi %rem3A_1391, %select_n3A_1390 : i32
        %select_n3A_1401 = arith.select %and3A_1399, %add3A_1400, %rem3A_1391 : i32
        %dma_start3A_1402 = arith.constant 1 : i32
        %dma_start3A_1403 = arith.constant 1 : i32
        %dma_start3A_1404 = arith.constant 0 : i32
        %dma_start3A_1405 = arith.constant 0 : i32
        %dma_start3A_1406 = tpu.memref_slice %arg11[%dma_start3A_1402, %dma_start3A_1404, %dma_start3A_1405] : memref<4x64x128xf32, #tpu.memory_space<vmem>> -> memref<1x64x128xf32, #tpu.memory_space<vmem>>
        %dma_start3A_1407 = tpu.memref_squeeze %dma_start3A_1406 : memref<1x64x128xf32, #tpu.memory_space<vmem>> -> memref<64x128xf32, #tpu.memory_space<vmem>>
        %dma_start3A_1408 = arith.constant 0 : i32
        %dma_start3A_1409 = tpu.memref_slice %arg10[%select_n3A_1385, %select_n3A_1401, %dma_start3A_1408] : memref<2x16x64xi32, #tpu.memory_space<vmem>> -> memref<1x1x64xi32, #tpu.memory_space<vmem>>
        %dma_start3A_1410 = tpu.memref_squeeze %dma_start3A_1409 : memref<1x1x64xi32, #tpu.memory_space<vmem>> -> memref<64xi32, #tpu.memory_space<vmem>>
        %dma_start3A_1411 = arith.constant 0 : i32
        %dma_start3A_1412 = arith.constant 0 : i32
        %dma_start3A_1413 = tpu.memref_slice %arg12[%dma_start3A_1411, %dma_start3A_1412] : memref<10112x128xf32, #tpu.memory_space<vmem_shared>> -> memref<10112x128xf32, #tpu.memory_space<vmem_shared>>
        %dma_start3A_1414 = tpu.memref_slice %arg14[%dma_start3A_1403] : memref<4x!tpu.dma_semaphore, #tpu.memory_space<semaphore_mem>> -> memref<1x!tpu.dma_semaphore, #tpu.memory_space<semaphore_mem>>
        %dma_start3A_1415 = tpu.memref_squeeze %dma_start3A_1414 : memref<1x!tpu.dma_semaphore, #tpu.memory_space<semaphore_mem>> -> memref<!tpu.dma_semaphore, #tpu.memory_space<semaphore_mem>>
        tpu.enqueue_indirect_dma source(%dma_start3A_1407 : memref<64x128xf32, #tpu.memory_space<vmem>>) target(%dma_start3A_1413 : memref<10112x128xf32, #tpu.memory_space<vmem_shared>>) offsets(%dma_start3A_1410 : memref<64xi32, #tpu.memory_space<vmem>>) semaphore(%dma_start3A_1415 : memref<!tpu.dma_semaphore, #tpu.memory_space<semaphore_mem>>) {add = true}
        %sub3A_1416 = arith.constant 4 : i32
        %sub3A_1417 = arith.subi %add3A_1271, %sub3A_1416 : i32
        %jit3A_1418 = arith.constant 16 : i32
        %div3A_1419 = arith.divsi %sub3A_1417, %jit3A_1418 : i32
        %sign3A_1420 = arith.constant 0 : i32
        %sign3A_1421 = arith.cmpi sgt, %sub3A_1417, %sign3A_1420 : i32
        %sign3A_1422 = arith.extui %sign3A_1421 : i1 to i32
        %sign3A_1423 = arith.constant 0 : i32
        %sign3A_1424 = arith.cmpi slt, %sub3A_1417, %sign3A_1423 : i32
        %sign3A_1425 = arith.extui %sign3A_1424 : i1 to i32
        %sign3A_1426 = arith.subi %sign3A_1422, %sign3A_1425 : i32
        %sign3A_1427 = arith.constant 0 : i32
        %sign3A_1428 = arith.cmpi sgt, %jit3A_1418, %sign3A_1427 : i32
        %sign3A_1429 = arith.extui %sign3A_1428 : i1 to i32
        %sign3A_1430 = arith.constant 0 : i32
        %sign3A_1431 = arith.cmpi slt, %jit3A_1418, %sign3A_1430 : i32
        %sign3A_1432 = arith.extui %sign3A_1431 : i1 to i32
        %sign3A_1433 = arith.subi %sign3A_1429, %sign3A_1432 : i32
        %ne3A_1434 = arith.cmpi ne, %sign3A_1426, %sign3A_1433 : i32
        %rem3A_1435 = arith.remsi %sub3A_1417, %jit3A_1418 : i32
        %ne3A_1436 = arith.constant 0 : i32
        %ne3A_1437 = arith.cmpi ne, %rem3A_1435, %ne3A_1436 : i32
        %and3A_1438 = arith.andi %ne3A_1434, %ne3A_1437 : i1
        %sub3A_1439 = arith.constant 1 : i32
        %sub3A_1440 = arith.subi %div3A_1419, %sub3A_1439 : i32
        %select_n3A_1441 = arith.select %and3A_1438, %sub3A_1440, %div3A_1419 : i32
        %jit3A_1442 = arith.constant 2 : i32
        %eq3A_1443 = arith.constant 0 : i32
        %eq3A_1444 = arith.cmpi eq, %jit3A_1442, %eq3A_1443 : i32
        %jit3A_1445 = arith.constant 1 : i32
        %select_n3A_1446 = arith.select %eq3A_1444, %jit3A_1445, %jit3A_1442 : i32
        %rem3A_1447 = arith.remsi %select_n3A_1441, %select_n3A_1446 : i32
        %ne3A_1448 = arith.constant 0 : i32
        %ne3A_1449 = arith.cmpi ne, %rem3A_1447, %ne3A_1448 : i32
        %lt3A_1450 = arith.constant 0 : i32
        %lt3A_1451 = arith.cmpi slt, %rem3A_1447, %lt3A_1450 : i32
        %lt3A_1452 = arith.constant 0 : i32
        %lt3A_1453 = arith.cmpi slt, %select_n3A_1446, %lt3A_1452 : i32
        %ne3A_1454 = arith.xori %lt3A_1451, %lt3A_1453 : i1
        %and3A_1455 = arith.andi %ne3A_1454, %ne3A_1449 : i1
        %add3A_1456 = arith.addi %rem3A_1447, %select_n3A_1446 : i32
        %select_n3A_1457 = arith.select %and3A_1455, %add3A_1456, %rem3A_1447 : i32
        %jit3A_1458 = arith.constant 16 : i32
        %eq3A_1459 = arith.constant 0 : i32
        %eq3A_1460 = arith.cmpi eq, %jit3A_1458, %eq3A_1459 : i32
        %jit3A_1461 = arith.constant 1 : i32
        %select_n3A_1462 = arith.select %eq3A_1460, %jit3A_1461, %jit3A_1458 : i32
        %rem3A_1463 = arith.remsi %sub3A_1417, %select_n3A_1462 : i32
        %ne3A_1464 = arith.constant 0 : i32
        %ne3A_1465 = arith.cmpi ne, %rem3A_1463, %ne3A_1464 : i32
        %lt3A_1466 = arith.constant 0 : i32
        %lt3A_1467 = arith.cmpi slt, %rem3A_1463, %lt3A_1466 : i32
        %lt3A_1468 = arith.constant 0 : i32
        %lt3A_1469 = arith.cmpi slt, %select_n3A_1462, %lt3A_1468 : i32
        %ne3A_1470 = arith.xori %lt3A_1467, %lt3A_1469 : i1
        %and3A_1471 = arith.andi %ne3A_1470, %ne3A_1465 : i1
        %add3A_1472 = arith.addi %rem3A_1463, %select_n3A_1462 : i32
        %select_n3A_1473 = arith.select %and3A_1471, %add3A_1472, %rem3A_1463 : i32
        %dma_wait3A_1474 = arith.constant 3 : i32
        %dma_wait3A_1475 = arith.constant 3 : i32
        %dma_wait3A_1476 = arith.constant 0 : i32
        %dma_wait3A_1477 = arith.constant 0 : i32
        %dma_wait3A_1478 = tpu.memref_slice %arg11[%dma_wait3A_1474, %dma_wait3A_1476, %dma_wait3A_1477] : memref<4x64x128xf32, #tpu.memory_space<vmem>> -> memref<1x64x128xf32, #tpu.memory_space<vmem>>
        %dma_wait3A_1479 = tpu.memref_squeeze %dma_wait3A_1478 : memref<1x64x128xf32, #tpu.memory_space<vmem>> -> memref<64x128xf32, #tpu.memory_space<vmem>>
        %dma_wait3A_1480 = arith.constant 0 : i32
        %dma_wait3A_1481 = tpu.memref_slice %arg10[%select_n3A_1457, %select_n3A_1473, %dma_wait3A_1480] : memref<2x16x64xi32, #tpu.memory_space<vmem>> -> memref<1x1x64xi32, #tpu.memory_space<vmem>>
        %dma_wait3A_1482 = tpu.memref_squeeze %dma_wait3A_1481 : memref<1x1x64xi32, #tpu.memory_space<vmem>> -> memref<64xi32, #tpu.memory_space<vmem>>
        %dma_wait3A_1483 = arith.constant 0 : i32
        %dma_wait3A_1484 = arith.constant 0 : i32
        %dma_wait3A_1485 = tpu.memref_slice %arg12[%dma_wait3A_1483, %dma_wait3A_1484] : memref<10112x128xf32, #tpu.memory_space<vmem_shared>> -> memref<10112x128xf32, #tpu.memory_space<vmem_shared>>
        %dma_wait3A_1486 = tpu.memref_slice %arg14[%dma_wait3A_1475] : memref<4x!tpu.dma_semaphore, #tpu.memory_space<semaphore_mem>> -> memref<1x!tpu.dma_semaphore, #tpu.memory_space<semaphore_mem>>
        %dma_wait3A_1487 = tpu.memref_squeeze %dma_wait3A_1486 : memref<1x!tpu.dma_semaphore, #tpu.memory_space<semaphore_mem>> -> memref<!tpu.dma_semaphore, #tpu.memory_space<semaphore_mem>>
        tpu.wait_indirect_dma semaphore(%dma_wait3A_1487 : memref<!tpu.dma_semaphore, #tpu.memory_space<semaphore_mem>>) src(%dma_wait3A_1479 : memref<64x128xf32, #tpu.memory_space<vmem>>) dst(%dma_wait3A_1485 : memref<10112x128xf32, #tpu.memory_space<vmem_shared>>)
        %jit3A_1488 = arith.constant 16 : i32
        %div3A_1489 = arith.divsi %add3A_1271, %jit3A_1488 : i32
        %sign3A_1490 = arith.constant 0 : i32
        %sign3A_1491 = arith.cmpi sgt, %add3A_1271, %sign3A_1490 : i32
        %sign3A_1492 = arith.extui %sign3A_1491 : i1 to i32
        %sign3A_1493 = arith.constant 0 : i32
        %sign3A_1494 = arith.cmpi slt, %add3A_1271, %sign3A_1493 : i32
        %sign3A_1495 = arith.extui %sign3A_1494 : i1 to i32
        %sign3A_1496 = arith.subi %sign3A_1492, %sign3A_1495 : i32
        %sign3A_1497 = arith.constant 0 : i32
        %sign3A_1498 = arith.cmpi sgt, %jit3A_1488, %sign3A_1497 : i32
        %sign3A_1499 = arith.extui %sign3A_1498 : i1 to i32
        %sign3A_1500 = arith.constant 0 : i32
        %sign3A_1501 = arith.cmpi slt, %jit3A_1488, %sign3A_1500 : i32
        %sign3A_1502 = arith.extui %sign3A_1501 : i1 to i32
        %sign3A_1503 = arith.subi %sign3A_1499, %sign3A_1502 : i32
        %ne3A_1504 = arith.cmpi ne, %sign3A_1496, %sign3A_1503 : i32
        %rem3A_1505 = arith.remsi %add3A_1271, %jit3A_1488 : i32
        %ne3A_1506 = arith.constant 0 : i32
        %ne3A_1507 = arith.cmpi ne, %rem3A_1505, %ne3A_1506 : i32
        %and3A_1508 = arith.andi %ne3A_1504, %ne3A_1507 : i1
        %sub3A_1509 = arith.constant 1 : i32
        %sub3A_1510 = arith.subi %div3A_1489, %sub3A_1509 : i32
        %select_n3A_1511 = arith.select %and3A_1508, %sub3A_1510, %div3A_1489 : i32
        %jit3A_1512 = arith.constant 2 : i32
        %eq3A_1513 = arith.constant 0 : i32
        %eq3A_1514 = arith.cmpi eq, %jit3A_1512, %eq3A_1513 : i32
        %jit3A_1515 = arith.constant 1 : i32
        %select_n3A_1516 = arith.select %eq3A_1514, %jit3A_1515, %jit3A_1512 : i32
        %rem3A_1517 = arith.remsi %select_n3A_1511, %select_n3A_1516 : i32
        %ne3A_1518 = arith.constant 0 : i32
        %ne3A_1519 = arith.cmpi ne, %rem3A_1517, %ne3A_1518 : i32
        %lt3A_1520 = arith.constant 0 : i32
        %lt3A_1521 = arith.cmpi slt, %rem3A_1517, %lt3A_1520 : i32
        %lt3A_1522 = arith.constant 0 : i32
        %lt3A_1523 = arith.cmpi slt, %select_n3A_1516, %lt3A_1522 : i32
        %ne3A_1524 = arith.xori %lt3A_1521, %lt3A_1523 : i1
        %and3A_1525 = arith.andi %ne3A_1524, %ne3A_1519 : i1
        %add3A_1526 = arith.addi %rem3A_1517, %select_n3A_1516 : i32
        %select_n3A_1527 = arith.select %and3A_1525, %add3A_1526, %rem3A_1517 : i32
        %jit3A_1528 = arith.constant 16 : i32
        %eq3A_1529 = arith.constant 0 : i32
        %eq3A_1530 = arith.cmpi eq, %jit3A_1528, %eq3A_1529 : i32
        %jit3A_1531 = arith.constant 1 : i32
        %select_n3A_1532 = arith.select %eq3A_1530, %jit3A_1531, %jit3A_1528 : i32
        %rem3A_1533 = arith.remsi %add3A_1271, %select_n3A_1532 : i32
        %ne3A_1534 = arith.constant 0 : i32
        %ne3A_1535 = arith.cmpi ne, %rem3A_1533, %ne3A_1534 : i32
        %lt3A_1536 = arith.constant 0 : i32
        %lt3A_1537 = arith.cmpi slt, %rem3A_1533, %lt3A_1536 : i32
        %lt3A_1538 = arith.constant 0 : i32
        %lt3A_1539 = arith.cmpi slt, %select_n3A_1532, %lt3A_1538 : i32
        %ne3A_1540 = arith.xori %lt3A_1537, %lt3A_1539 : i1
        %and3A_1541 = arith.andi %ne3A_1540, %ne3A_1535 : i1
        %add3A_1542 = arith.addi %rem3A_1533, %select_n3A_1532 : i32
        %select_n3A_1543 = arith.select %and3A_1541, %add3A_1542, %rem3A_1533 : i32
        %dma_start3A_1544 = arith.constant 3 : i32
        %dma_start3A_1545 = arith.constant 3 : i32
        %dma_start3A_1546 = arith.constant 0 : i32
        %dma_start3A_1547 = arith.constant 0 : i32
        %dma_start3A_1548 = tpu.memref_slice %arg11[%dma_start3A_1544, %dma_start3A_1546, %dma_start3A_1547] : memref<4x64x128xf32, #tpu.memory_space<vmem>> -> memref<1x64x128xf32, #tpu.memory_space<vmem>>
        %dma_start3A_1549 = tpu.memref_squeeze %dma_start3A_1548 : memref<1x64x128xf32, #tpu.memory_space<vmem>> -> memref<64x128xf32, #tpu.memory_space<vmem>>
        %dma_start3A_1550 = arith.constant 0 : i32
        %dma_start3A_1551 = tpu.memref_slice %arg9[%select_n3A_1527, %select_n3A_1543, %dma_start3A_1550] : memref<2x16x64xi32, #tpu.memory_space<vmem>> -> memref<1x1x64xi32, #tpu.memory_space<vmem>>
        %dma_start3A_1552 = tpu.memref_squeeze %dma_start3A_1551 : memref<1x1x64xi32, #tpu.memory_space<vmem>> -> memref<64xi32, #tpu.memory_space<vmem>>
        %dma_start3A_1553 = arith.constant 0 : i32
        %dma_start3A_1554 = arith.constant 0 : i32
        %dma_start3A_1555 = tpu.memref_slice %arg6[%dma_start3A_1553, %dma_start3A_1554] : memref<20000x128xf32, #tpu.memory_space<hbm>> -> memref<20000x128xf32, #tpu.memory_space<hbm>>
        %dma_start3A_1556 = tpu.memref_slice %arg13[%dma_start3A_1545] : memref<4x!tpu.dma_semaphore, #tpu.memory_space<semaphore_mem>> -> memref<1x!tpu.dma_semaphore, #tpu.memory_space<semaphore_mem>>
        %dma_start3A_1557 = tpu.memref_squeeze %dma_start3A_1556 : memref<1x!tpu.dma_semaphore, #tpu.memory_space<semaphore_mem>> -> memref<!tpu.dma_semaphore, #tpu.memory_space<semaphore_mem>>
        tpu.enqueue_indirect_dma source(%dma_start3A_1555 : memref<20000x128xf32, #tpu.memory_space<hbm>>) target(%dma_start3A_1549 : memref<64x128xf32, #tpu.memory_space<vmem>>) offsets(%dma_start3A_1552 : memref<64xi32, #tpu.memory_space<vmem>>) semaphore(%dma_start3A_1557 : memref<!tpu.dma_semaphore, #tpu.memory_space<semaphore_mem>>)
      }
      %scan3A_207 = arith.constant 39 : i32
      %dma_wait3A_208 = arith.constant 1 : i32
      %dma_wait3A_209 = arith.constant 14 : i32
      %dma_wait3A_210 = arith.constant 2 : i32
      %dma_wait3A_211 = arith.constant 2 : i32
      %dma_wait3A_212 = arith.constant 0 : i32
      %dma_wait3A_213 = arith.constant 0 : i32
      %dma_wait3A_214 = tpu.memref_slice %arg11[%dma_wait3A_210, %dma_wait3A_212, %dma_wait3A_213] : memref<4x64x128xf32, #tpu.memory_space<vmem>> -> memref<1x64x128xf32, #tpu.memory_space<vmem>>
      %dma_wait3A_215 = tpu.memref_squeeze %dma_wait3A_214 : memref<1x64x128xf32, #tpu.memory_space<vmem>> -> memref<64x128xf32, #tpu.memory_space<vmem>>
      %dma_wait3A_216 = arith.constant 0 : i32
      %dma_wait3A_217 = tpu.memref_slice %arg9[%dma_wait3A_208, %dma_wait3A_209, %dma_wait3A_216] : memref<2x16x64xi32, #tpu.memory_space<vmem>> -> memref<1x1x64xi32, #tpu.memory_space<vmem>>
      %dma_wait3A_218 = tpu.memref_squeeze %dma_wait3A_217 : memref<1x1x64xi32, #tpu.memory_space<vmem>> -> memref<64xi32, #tpu.memory_space<vmem>>
      %dma_wait3A_219 = arith.constant 0 : i32
      %dma_wait3A_220 = arith.constant 0 : i32
      %dma_wait3A_221 = tpu.memref_slice %arg6[%dma_wait3A_219, %dma_wait3A_220] : memref<20000x128xf32, #tpu.memory_space<hbm>> -> memref<20000x128xf32, #tpu.memory_space<hbm>>
      %dma_wait3A_222 = tpu.memref_slice %arg13[%dma_wait3A_211] : memref<4x!tpu.dma_semaphore, #tpu.memory_space<semaphore_mem>> -> memref<1x!tpu.dma_semaphore, #tpu.memory_space<semaphore_mem>>
      %dma_wait3A_223 = tpu.memref_squeeze %dma_wait3A_222 : memref<1x!tpu.dma_semaphore, #tpu.memory_space<semaphore_mem>> -> memref<!tpu.dma_semaphore, #tpu.memory_space<semaphore_mem>>
      tpu.wait_indirect_dma semaphore(%dma_wait3A_223 : memref<!tpu.dma_semaphore, #tpu.memory_space<semaphore_mem>>) src(%dma_wait3A_221 : memref<20000x128xf32, #tpu.memory_space<hbm>>) dst(%dma_wait3A_215 : memref<64x128xf32, #tpu.memory_space<vmem>>)
      %dma_start3A_224 = arith.constant 2 : i32
      %dma_start3A_225 = arith.constant 1 : i32
      %dma_start3A_226 = arith.constant 14 : i32
      %dma_start3A_227 = arith.constant 2 : i32
      %dma_start3A_228 = arith.constant 0 : i32
      %dma_start3A_229 = arith.constant 0 : i32
      %dma_start3A_230 = tpu.memref_slice %arg11[%dma_start3A_224, %dma_start3A_228, %dma_start3A_229] : memref<4x64x128xf32, #tpu.memory_space<vmem>> -> memref<1x64x128xf32, #tpu.memory_space<vmem>>
      %dma_start3A_231 = tpu.memref_squeeze %dma_start3A_230 : memref<1x64x128xf32, #tpu.memory_space<vmem>> -> memref<64x128xf32, #tpu.memory_space<vmem>>
      %dma_start3A_232 = arith.constant 0 : i32
      %dma_start3A_233 = tpu.memref_slice %arg10[%dma_start3A_225, %dma_start3A_226, %dma_start3A_232] : memref<2x16x64xi32, #tpu.memory_space<vmem>> -> memref<1x1x64xi32, #tpu.memory_space<vmem>>
      %dma_start3A_234 = tpu.memref_squeeze %dma_start3A_233 : memref<1x1x64xi32, #tpu.memory_space<vmem>> -> memref<64xi32, #tpu.memory_space<vmem>>
      %dma_start3A_235 = arith.constant 0 : i32
      %dma_start3A_236 = arith.constant 0 : i32
      %dma_start3A_237 = tpu.memref_slice %arg12[%dma_start3A_235, %dma_start3A_236] : memref<10112x128xf32, #tpu.memory_space<vmem_shared>> -> memref<10112x128xf32, #tpu.memory_space<vmem_shared>>
      %dma_start3A_238 = tpu.memref_slice %arg14[%dma_start3A_227] : memref<4x!tpu.dma_semaphore, #tpu.memory_space<semaphore_mem>> -> memref<1x!tpu.dma_semaphore, #tpu.memory_space<semaphore_mem>>
      %dma_start3A_239 = tpu.memref_squeeze %dma_start3A_238 : memref<1x!tpu.dma_semaphore, #tpu.memory_space<semaphore_mem>> -> memref<!tpu.dma_semaphore, #tpu.memory_space<semaphore_mem>>
      tpu.enqueue_indirect_dma source(%dma_start3A_231 : memref<64x128xf32, #tpu.memory_space<vmem>>) target(%dma_start3A_237 : memref<10112x128xf32, #tpu.memory_space<vmem_shared>>) offsets(%dma_start3A_234 : memref<64xi32, #tpu.memory_space<vmem>>) semaphore(%dma_start3A_239 : memref<!tpu.dma_semaphore, #tpu.memory_space<semaphore_mem>>) {add = true}
      %dma_wait3A_240 = arith.constant 0 : i32
      %dma_wait3A_241 = arith.constant 1 : i32
      %dma_wait3A_242 = arith.constant 12 : i32
      %dma_wait3A_243 = arith.constant 0 : i32
      %dma_wait3A_244 = arith.constant 0 : i32
      %dma_wait3A_245 = arith.constant 0 : i32
      %dma_wait3A_246 = tpu.memref_slice %arg11[%dma_wait3A_240, %dma_wait3A_244, %dma_wait3A_245] : memref<4x64x128xf32, #tpu.memory_space<vmem>> -> memref<1x64x128xf32, #tpu.memory_space<vmem>>
      %dma_wait3A_247 = tpu.memref_squeeze %dma_wait3A_246 : memref<1x64x128xf32, #tpu.memory_space<vmem>> -> memref<64x128xf32, #tpu.memory_space<vmem>>
      %dma_wait3A_248 = arith.constant 0 : i32
      %dma_wait3A_249 = tpu.memref_slice %arg10[%dma_wait3A_241, %dma_wait3A_242, %dma_wait3A_248] : memref<2x16x64xi32, #tpu.memory_space<vmem>> -> memref<1x1x64xi32, #tpu.memory_space<vmem>>
      %dma_wait3A_250 = tpu.memref_squeeze %dma_wait3A_249 : memref<1x1x64xi32, #tpu.memory_space<vmem>> -> memref<64xi32, #tpu.memory_space<vmem>>
      %dma_wait3A_251 = arith.constant 0 : i32
      %dma_wait3A_252 = arith.constant 0 : i32
      %dma_wait3A_253 = tpu.memref_slice %arg12[%dma_wait3A_251, %dma_wait3A_252] : memref<10112x128xf32, #tpu.memory_space<vmem_shared>> -> memref<10112x128xf32, #tpu.memory_space<vmem_shared>>
      %dma_wait3A_254 = tpu.memref_slice %arg14[%dma_wait3A_243] : memref<4x!tpu.dma_semaphore, #tpu.memory_space<semaphore_mem>> -> memref<1x!tpu.dma_semaphore, #tpu.memory_space<semaphore_mem>>
      %dma_wait3A_255 = tpu.memref_squeeze %dma_wait3A_254 : memref<1x!tpu.dma_semaphore, #tpu.memory_space<semaphore_mem>> -> memref<!tpu.dma_semaphore, #tpu.memory_space<semaphore_mem>>
      tpu.wait_indirect_dma semaphore(%dma_wait3A_255 : memref<!tpu.dma_semaphore, #tpu.memory_space<semaphore_mem>>) src(%dma_wait3A_247 : memref<64x128xf32, #tpu.memory_space<vmem>>) dst(%dma_wait3A_253 : memref<10112x128xf32, #tpu.memory_space<vmem_shared>>)
      %dma_wait3A_256 = arith.constant 1 : i32
      %dma_wait3A_257 = arith.constant 15 : i32
      %dma_wait3A_258 = arith.constant 3 : i32
      %dma_wait3A_259 = arith.constant 3 : i32
      %dma_wait3A_260 = arith.constant 0 : i32
      %dma_wait3A_261 = arith.constant 0 : i32
      %dma_wait3A_262 = tpu.memref_slice %arg11[%dma_wait3A_258, %dma_wait3A_260, %dma_wait3A_261] : memref<4x64x128xf32, #tpu.memory_space<vmem>> -> memref<1x64x128xf32, #tpu.memory_space<vmem>>
      %dma_wait3A_263 = tpu.memref_squeeze %dma_wait3A_262 : memref<1x64x128xf32, #tpu.memory_space<vmem>> -> memref<64x128xf32, #tpu.memory_space<vmem>>
      %dma_wait3A_264 = arith.constant 0 : i32
      %dma_wait3A_265 = tpu.memref_slice %arg9[%dma_wait3A_256, %dma_wait3A_257, %dma_wait3A_264] : memref<2x16x64xi32, #tpu.memory_space<vmem>> -> memref<1x1x64xi32, #tpu.memory_space<vmem>>
      %dma_wait3A_266 = tpu.memref_squeeze %dma_wait3A_265 : memref<1x1x64xi32, #tpu.memory_space<vmem>> -> memref<64xi32, #tpu.memory_space<vmem>>
      %dma_wait3A_267 = arith.constant 0 : i32
      %dma_wait3A_268 = arith.constant 0 : i32
      %dma_wait3A_269 = tpu.memref_slice %arg6[%dma_wait3A_267, %dma_wait3A_268] : memref<20000x128xf32, #tpu.memory_space<hbm>> -> memref<20000x128xf32, #tpu.memory_space<hbm>>
      %dma_wait3A_270 = tpu.memref_slice %arg13[%dma_wait3A_259] : memref<4x!tpu.dma_semaphore, #tpu.memory_space<semaphore_mem>> -> memref<1x!tpu.dma_semaphore, #tpu.memory_space<semaphore_mem>>
      %dma_wait3A_271 = tpu.memref_squeeze %dma_wait3A_270 : memref<1x!tpu.dma_semaphore, #tpu.memory_space<semaphore_mem>> -> memref<!tpu.dma_semaphore, #tpu.memory_space<semaphore_mem>>
      tpu.wait_indirect_dma semaphore(%dma_wait3A_271 : memref<!tpu.dma_semaphore, #tpu.memory_space<semaphore_mem>>) src(%dma_wait3A_269 : memref<20000x128xf32, #tpu.memory_space<hbm>>) dst(%dma_wait3A_263 : memref<64x128xf32, #tpu.memory_space<vmem>>)
      %dma_start3A_272 = arith.constant 3 : i32
      %dma_start3A_273 = arith.constant 1 : i32
      %dma_start3A_274 = arith.constant 15 : i32
      %dma_start3A_275 = arith.constant 3 : i32
      %dma_start3A_276 = arith.constant 0 : i32
      %dma_start3A_277 = arith.constant 0 : i32
      %dma_start3A_278 = tpu.memref_slice %arg11[%dma_start3A_272, %dma_start3A_276, %dma_start3A_277] : memref<4x64x128xf32, #tpu.memory_space<vmem>> -> memref<1x64x128xf32, #tpu.memory_space<vmem>>
      %dma_start3A_279 = tpu.memref_squeeze %dma_start3A_278 : memref<1x64x128xf32, #tpu.memory_space<vmem>> -> memref<64x128xf32, #tpu.memory_space<vmem>>
      %dma_start3A_280 = arith.constant 0 : i32
      %dma_start3A_281 = tpu.memref_slice %arg10[%dma_start3A_273, %dma_start3A_274, %dma_start3A_280] : memref<2x16x64xi32, #tpu.memory_space<vmem>> -> memref<1x1x64xi32, #tpu.memory_space<vmem>>
      %dma_start3A_282 = tpu.memref_squeeze %dma_start3A_281 : memref<1x1x64xi32, #tpu.memory_space<vmem>> -> memref<64xi32, #tpu.memory_space<vmem>>
      %dma_start3A_283 = arith.constant 0 : i32
      %dma_start3A_284 = arith.constant 0 : i32
      %dma_start3A_285 = tpu.memref_slice %arg12[%dma_start3A_283, %dma_start3A_284] : memref<10112x128xf32, #tpu.memory_space<vmem_shared>> -> memref<10112x128xf32, #tpu.memory_space<vmem_shared>>
      %dma_start3A_286 = tpu.memref_slice %arg14[%dma_start3A_275] : memref<4x!tpu.dma_semaphore, #tpu.memory_space<semaphore_mem>> -> memref<1x!tpu.dma_semaphore, #tpu.memory_space<semaphore_mem>>
      %dma_start3A_287 = tpu.memref_squeeze %dma_start3A_286 : memref<1x!tpu.dma_semaphore, #tpu.memory_space<semaphore_mem>> -> memref<!tpu.dma_semaphore, #tpu.memory_space<semaphore_mem>>
      tpu.enqueue_indirect_dma source(%dma_start3A_279 : memref<64x128xf32, #tpu.memory_space<vmem>>) target(%dma_start3A_285 : memref<10112x128xf32, #tpu.memory_space<vmem_shared>>) offsets(%dma_start3A_282 : memref<64xi32, #tpu.memory_space<vmem>>) semaphore(%dma_start3A_287 : memref<!tpu.dma_semaphore, #tpu.memory_space<semaphore_mem>>) {add = true}
      %dma_wait3A_288 = arith.constant 1 : i32
      %dma_wait3A_289 = arith.constant 1 : i32
      %dma_wait3A_290 = arith.constant 13 : i32
      %dma_wait3A_291 = arith.constant 1 : i32
      %dma_wait3A_292 = arith.constant 0 : i32
      %dma_wait3A_293 = arith.constant 0 : i32
      %dma_wait3A_294 = tpu.memref_slice %arg11[%dma_wait3A_288, %dma_wait3A_292, %dma_wait3A_293] : memref<4x64x128xf32, #tpu.memory_space<vmem>> -> memref<1x64x128xf32, #tpu.memory_space<vmem>>
      %dma_wait3A_295 = tpu.memref_squeeze %dma_wait3A_294 : memref<1x64x128xf32, #tpu.memory_space<vmem>> -> memref<64x128xf32, #tpu.memory_space<vmem>>
      %dma_wait3A_296 = arith.constant 0 : i32
      %dma_wait3A_297 = tpu.memref_slice %arg10[%dma_wait3A_289, %dma_wait3A_290, %dma_wait3A_296] : memref<2x16x64xi32, #tpu.memory_space<vmem>> -> memref<1x1x64xi32, #tpu.memory_space<vmem>>
      %dma_wait3A_298 = tpu.memref_squeeze %dma_wait3A_297 : memref<1x1x64xi32, #tpu.memory_space<vmem>> -> memref<64xi32, #tpu.memory_space<vmem>>
      %dma_wait3A_299 = arith.constant 0 : i32
      %dma_wait3A_300 = arith.constant 0 : i32
      %dma_wait3A_301 = tpu.memref_slice %arg12[%dma_wait3A_299, %dma_wait3A_300] : memref<10112x128xf32, #tpu.memory_space<vmem_shared>> -> memref<10112x128xf32, #tpu.memory_space<vmem_shared>>
      %dma_wait3A_302 = tpu.memref_slice %arg14[%dma_wait3A_291] : memref<4x!tpu.dma_semaphore, #tpu.memory_space<semaphore_mem>> -> memref<1x!tpu.dma_semaphore, #tpu.memory_space<semaphore_mem>>
      %dma_wait3A_303 = tpu.memref_squeeze %dma_wait3A_302 : memref<1x!tpu.dma_semaphore, #tpu.memory_space<semaphore_mem>> -> memref<!tpu.dma_semaphore, #tpu.memory_space<semaphore_mem>>
      tpu.wait_indirect_dma semaphore(%dma_wait3A_303 : memref<!tpu.dma_semaphore, #tpu.memory_space<semaphore_mem>>) src(%dma_wait3A_295 : memref<64x128xf32, #tpu.memory_space<vmem>>) dst(%dma_wait3A_301 : memref<10112x128xf32, #tpu.memory_space<vmem_shared>>)
      %dma_wait3A_304 = arith.constant 2 : i32
      %dma_wait3A_305 = arith.constant 1 : i32
      %dma_wait3A_306 = arith.constant 14 : i32
      %dma_wait3A_307 = arith.constant 2 : i32
      %dma_wait3A_308 = arith.constant 0 : i32
      %dma_wait3A_309 = arith.constant 0 : i32
      %dma_wait3A_310 = tpu.memref_slice %arg11[%dma_wait3A_304, %dma_wait3A_308, %dma_wait3A_309] : memref<4x64x128xf32, #tpu.memory_space<vmem>> -> memref<1x64x128xf32, #tpu.memory_space<vmem>>
      %dma_wait3A_311 = tpu.memref_squeeze %dma_wait3A_310 : memref<1x64x128xf32, #tpu.memory_space<vmem>> -> memref<64x128xf32, #tpu.memory_space<vmem>>
      %dma_wait3A_312 = arith.constant 0 : i32
      %dma_wait3A_313 = tpu.memref_slice %arg10[%dma_wait3A_305, %dma_wait3A_306, %dma_wait3A_312] : memref<2x16x64xi32, #tpu.memory_space<vmem>> -> memref<1x1x64xi32, #tpu.memory_space<vmem>>
      %dma_wait3A_314 = tpu.memref_squeeze %dma_wait3A_313 : memref<1x1x64xi32, #tpu.memory_space<vmem>> -> memref<64xi32, #tpu.memory_space<vmem>>
      %dma_wait3A_315 = arith.constant 0 : i32
      %dma_wait3A_316 = arith.constant 0 : i32
      %dma_wait3A_317 = tpu.memref_slice %arg12[%dma_wait3A_315, %dma_wait3A_316] : memref<10112x128xf32, #tpu.memory_space<vmem_shared>> -> memref<10112x128xf32, #tpu.memory_space<vmem_shared>>
      %dma_wait3A_318 = tpu.memref_slice %arg14[%dma_wait3A_307] : memref<4x!tpu.dma_semaphore, #tpu.memory_space<semaphore_mem>> -> memref<1x!tpu.dma_semaphore, #tpu.memory_space<semaphore_mem>>
      %dma_wait3A_319 = tpu.memref_squeeze %dma_wait3A_318 : memref<1x!tpu.dma_semaphore, #tpu.memory_space<semaphore_mem>> -> memref<!tpu.dma_semaphore, #tpu.memory_space<semaphore_mem>>
      tpu.wait_indirect_dma semaphore(%dma_wait3A_319 : memref<!tpu.dma_semaphore, #tpu.memory_space<semaphore_mem>>) src(%dma_wait3A_311 : memref<64x128xf32, #tpu.memory_space<vmem>>) dst(%dma_wait3A_317 : memref<10112x128xf32, #tpu.memory_space<vmem_shared>>)
      %dma_wait3A_320 = arith.constant 3 : i32
      %dma_wait3A_321 = arith.constant 1 : i32
      %dma_wait3A_322 = arith.constant 15 : i32
      %dma_wait3A_323 = arith.constant 3 : i32
      %dma_wait3A_324 = arith.constant 0 : i32
      %dma_wait3A_325 = arith.constant 0 : i32
      %dma_wait3A_326 = tpu.memref_slice %arg11[%dma_wait3A_320, %dma_wait3A_324, %dma_wait3A_325] : memref<4x64x128xf32, #tpu.memory_space<vmem>> -> memref<1x64x128xf32, #tpu.memory_space<vmem>>
      %dma_wait3A_327 = tpu.memref_squeeze %dma_wait3A_326 : memref<1x64x128xf32, #tpu.memory_space<vmem>> -> memref<64x128xf32, #tpu.memory_space<vmem>>
      %dma_wait3A_328 = arith.constant 0 : i32
      %dma_wait3A_329 = tpu.memref_slice %arg10[%dma_wait3A_321, %dma_wait3A_322, %dma_wait3A_328] : memref<2x16x64xi32, #tpu.memory_space<vmem>> -> memref<1x1x64xi32, #tpu.memory_space<vmem>>
      %dma_wait3A_330 = tpu.memref_squeeze %dma_wait3A_329 : memref<1x1x64xi32, #tpu.memory_space<vmem>> -> memref<64xi32, #tpu.memory_space<vmem>>
      %dma_wait3A_331 = arith.constant 0 : i32
      %dma_wait3A_332 = arith.constant 0 : i32
      %dma_wait3A_333 = tpu.memref_slice %arg12[%dma_wait3A_331, %dma_wait3A_332] : memref<10112x128xf32, #tpu.memory_space<vmem_shared>> -> memref<10112x128xf32, #tpu.memory_space<vmem_shared>>
      %dma_wait3A_334 = tpu.memref_slice %arg14[%dma_wait3A_323] : memref<4x!tpu.dma_semaphore, #tpu.memory_space<semaphore_mem>> -> memref<1x!tpu.dma_semaphore, #tpu.memory_space<semaphore_mem>>
      %dma_wait3A_335 = tpu.memref_squeeze %dma_wait3A_334 : memref<1x!tpu.dma_semaphore, #tpu.memory_space<semaphore_mem>> -> memref<!tpu.dma_semaphore, #tpu.memory_space<semaphore_mem>>
      tpu.wait_indirect_dma semaphore(%dma_wait3A_335 : memref<!tpu.dma_semaphore, #tpu.memory_space<semaphore_mem>>) src(%dma_wait3A_327 : memref<64x128xf32, #tpu.memory_space<vmem>>) dst(%dma_wait3A_333 : memref<10112x128xf32, #tpu.memory_space<vmem_shared>>)
    } else {
    }
    %barrier3A_8 = arith.constant 0 : index
    tpu.barrier barrier_id(%barrier3A_8)
    "tpu.region"() ({
      %run_scoped3A = tpu.sem_alloc : memref<!tpu.dma_semaphore, #tpu.memory_space<semaphore_mem>>
      %dma_start3A = arith.constant 0 : i32
      %dma_start3A_9 = tpu.memref_slice %arg8[%arg0, %mul3A_0, %dma_start3A] : memref<2x10112x128xf32, #tpu.memory_space<hbm>> -> memref<1x632x128xf32, #tpu.memory_space<hbm>>
      %dma_start3A_10 = tpu.memref_squeeze %dma_start3A_9 : memref<1x632x128xf32, #tpu.memory_space<hbm>> -> memref<632x128xf32, #tpu.memory_space<hbm>>
      %dma_start3A_11 = arith.constant 0 : i32
      %dma_start3A_12 = tpu.memref_slice %arg12[%mul3A_0, %dma_start3A_11] : memref<10112x128xf32, #tpu.memory_space<vmem_shared>> -> memref<632x128xf32, #tpu.memory_space<vmem_shared>>
      tpu.enqueue_dma source(%dma_start3A_12 : memref<632x128xf32, #tpu.memory_space<vmem_shared>>) target(%dma_start3A_10 : memref<632x128xf32, #tpu.memory_space<hbm>>) target_semaphore(%run_scoped3A : memref<!tpu.dma_semaphore, #tpu.memory_space<semaphore_mem>>)
      %dma_wait3A = arith.constant 0 : i32
      %dma_wait3A_13 = tpu.memref_slice %arg8[%arg0, %mul3A_0, %dma_wait3A] : memref<2x10112x128xf32, #tpu.memory_space<hbm>> -> memref<1x632x128xf32, #tpu.memory_space<hbm>>
      %dma_wait3A_14 = tpu.memref_squeeze %dma_wait3A_13 : memref<1x632x128xf32, #tpu.memory_space<hbm>> -> memref<632x128xf32, #tpu.memory_space<hbm>>
      %dma_wait3A_15 = arith.constant 0 : i32
      %dma_wait3A_16 = tpu.memref_slice %arg12[%mul3A_0, %dma_wait3A_15] : memref<10112x128xf32, #tpu.memory_space<vmem_shared>> -> memref<632x128xf32, #tpu.memory_space<vmem_shared>>
      tpu.wait_dma2 semaphore(%run_scoped3A : memref<!tpu.dma_semaphore, #tpu.memory_space<semaphore_mem>>) src(%dma_wait3A_16 : memref<632x128xf32, #tpu.memory_space<vmem_shared>>) dst(%dma_wait3A_14 : memref<632x128xf32, #tpu.memory_space<hbm>>)
      tpu.yield
    }) : () -> ()
    return
  }
}

module attributes {stable_mosaic.version = 14 : i64} {
  func.func @_linear_body(%arg0: i32, %arg1: memref<2x1000x128xf32, #tpu.memory_space<vmem>>, %arg2: memref<128x128xf32, #tpu.memory_space<vmem>>, %arg3: memref<1x128xf32, #tpu.memory_space<vmem>>, %arg4: memref<1000x128xf32, #tpu.memory_space<vmem>>) attributes {dimension_semantics = [#tpu.dimension_semantics<arbitrary>], iteration_bounds = array<i64: 10>, scalar_prefetch = 0 : i64, scratch_operands = 0 : i64, tpu.core_type = #tpu.core_type<tc>, window_params = [{transform_indices = @transform_0, window_bounds = array<i64: 2, 1000, 128>}, {pipeline_mode = #tpu.pipeline_mode<synchronous>, transform_indices = @transform_1, window_bounds = array<i64: 128, 128>}, {pipeline_mode = #tpu.pipeline_mode<synchronous>, transform_indices = @transform_2, window_bounds = array<i64: 1, 128>}, {transform_indices = @transform_3, window_bounds = array<i64: 1000, 128>}]} {
    %get3A = arith.constant 0 : index
    %get3A_0 = arith.constant 0 : index
    %get3A_1 = arith.constant 0 : index
    %get3A_2 = vector.load %arg1[%get3A, %get3A_0, %get3A_1] : memref<2x1000x128xf32, #tpu.memory_space<vmem>>, vector<1x1000x128xf32>
    %get3A_3 = vector.shape_cast %get3A_2 : vector<1x1000x128xf32> to vector<1000x128xf32>
    %get3A_4 = arith.constant 1 : index
    %get3A_5 = arith.constant 0 : index
    %get3A_6 = arith.constant 0 : index
    %get3A_7 = vector.load %arg1[%get3A_4, %get3A_5, %get3A_6] : memref<2x1000x128xf32, #tpu.memory_space<vmem>>, vector<1x1000x128xf32>
    %get3A_8 = vector.shape_cast %get3A_7 : vector<1x1000x128xf32> to vector<1000x128xf32>
    %add3A = arith.addf %get3A_3, %get3A_8 : vector<1000x128xf32>
    %get3A_9 = arith.constant 0 : index
    %get3A_10 = arith.constant 0 : index
    %get3A_11 = vector.load %arg2[%get3A_9, %get3A_10] : memref<128x128xf32, #tpu.memory_space<vmem>>, vector<128x128xf32>
    %dot_general3A = arith.constant dense<0.000000e+00> : vector<1000x128xf32>
    %dot_general3A_12 = tpu.matmul %add3A, %get3A_11, %dot_general3A {dimension_numbers = #tpu.dot_dimension_numbers<[1], [0], [0], [1], [0, 0, 1, 1], [], []>, transpose_lhs_hint = false} : vector<1000x128xf32>, vector<128x128xf32>, vector<1000x128xf32> -> vector<1000x128xf32>
    %get3A_13 = arith.constant 0 : index
    %get3A_14 = arith.constant 0 : index
    %get3A_15 = vector.load %arg3[%get3A_13, %get3A_14] : memref<1x128xf32, #tpu.memory_space<vmem>>, vector<1x128xf32>
    %add3A_16 = vector.broadcast %get3A_15 : vector<1x128xf32> to vector<1000x128xf32>
    %add3A_17 = arith.addf %dot_general3A_12, %add3A_16 : vector<1000x128xf32>
    %max3A = arith.constant 0.000000e+00 : f32
    %max3A_18 = vector.broadcast %max3A : f32 to vector<1000x128xf32>
    %max3A_19 = arith.maximumf %add3A_17, %max3A_18 : vector<1000x128xf32>
    %swap3A = arith.constant 0 : index
    %swap3A_20 = arith.constant 0 : index
    %swap3A_21 = vector.load %arg4[%swap3A, %swap3A_20] : memref<1000x128xf32, #tpu.memory_space<vmem>>, vector<1000x128xf32>
    tpu.vector_store %arg4[%swap3A, %swap3A_20], %max3A_19 {strides = array<i32>} : memref<1000x128xf32, #tpu.memory_space<vmem>>, vector<1000x128xf32>,
    return
  }
  func.func @transform_0(%arg0: i32) -> (i32, i32, i32) {
    %c0_i32 = arith.constant 0 : i32
    %c0_i32_0 = arith.constant 0 : i32
    %c0_i32_1 = arith.constant 0 : i32
    return %c0_i32, %arg0, %c0_i32_0 : i32, i32, i32
  }
  func.func @transform_1(%arg0: i32) -> (i32, i32) {
    %c0_i32 = arith.constant 0 : i32
    %c0_i32_0 = arith.constant 0 : i32
    %c0_i32_1 = arith.constant 0 : i32
    return %c0_i32, %c0_i32_0 : i32, i32
  }
  func.func @transform_2(%arg0: i32) -> (i32, i32) {
    %c0_i32 = arith.constant 0 : i32
    %c0_i32_0 = arith.constant 0 : i32
    %c0_i32_1 = arith.constant 0 : i32
    return %c0_i32, %c0_i32_0 : i32, i32
  }
  func.func @transform_3(%arg0: i32) -> (i32, i32) {
    %c0_i32 = arith.constant 0 : i32
    %c0_i32_0 = arith.constant 0 : i32
    return %arg0, %c0_i32 : i32, i32
  }
}

</mosaic_0001>

<sc_bundles>
// kernel: kernel.4.cloned.1.call-start
scs
__scs_entry_jumppad:
0x0: {  	(pc) =	sbr.rel $0x88, $3  }
0x1: {  	(tag) =	ssettag $0x0;
	lr =	simm.s32 $0x1  }
0x2: {  	[smem:$0x3F9D] =	sst lr;
	_ =	strace $0xD0000000  }
0x3: {  	_ = 	snop  }
0x4: {  	_ = 	snop  }
0x5: {  	_ = 	snop  }
0x6: {  	_ = 	snop  }
0x7: {  	_ = 	snop  }
__scs_overlays_trampoline_lowered:
0x8: {  	[smem:$0x3FAC] =	sst s0  }
0x9: {  	[smem:$0x3FAD] =	sst s1  }
0xa: {  	[smem:$0x3FAE] =	sst s2  }
0xb: {  	[smem:$0x3FAF] =	sst s3  }
0xc: {  	[smem:$0x3FB0] =	sst s4  }
0xd: {  	[smem:$0x3FB1] =	sst s5  }
0xe: {  	[smem:$0x3FB2] =	sst s6  }
0xf: {  	[smem:$0x3FB3] =	sst s7  }
0x10: {  	[smem:$0x3FB4] =	sst s8  }
0x11: {  	[smem:$0x3FB5] =	sst s9;
	s0 =	simm.s32 @!p0 $0x0  }
0x12: {  	s1 =	sld [smem:$0x3F9B];
	s0 =	simm.s32 @p0 $0x1  }
0x13: {  	[smem:$0x3FB6] =	sst s0;
	s0 =	simm.s32 @!p1 $0x0  }
0x14: {  	s2 =	sld [smem:$0x3F9A];
	s0 =	simm.s32 @p1 $0x1  }
0x15: {  	[smem:$0x3FB7] =	sst s0;
	s0 =	simm.s32 @!p2 $0x0  }
0x16: {  	s3 =	sld [smem:$0x3FDB];
	s0 =	simm.s32 @p2 $0x1  }
0x17: {  	s4 =	simm.s32 $0x1BF5;
	[smem:$0x3FB9] =	sst s0  }
0x18: {  	s0 =	sld [smem:$0x3F9C];
	_ =	swait.ge [sflag:s4], $0x0  }
0x19: {  	s7 =	sld [smem:$0x3F9D]  }
0x1a: {  	s8 =	sadd.s32 $0xFFFFE003, lr  }
0x1b: {  	s9 =	sadd.s32 $0xFFFFFEF7, lr;
	s5 =	simm.s32 $0xFFFFFFFF;
	p2 =	slt.u32 s8, $0xFFFFF086  }
0x1c: {  	p1 =	slt.u32 s9, $0xF7A;
	s5 =	simm.s32 @!p2 $0x0  }
0x1d: {  	s5 =	simm.s32 @p1 $0x1;
	p0 =	seq.s32 s7, s2  }
0x1e: {  	s7 =	smul.u32 @!p0 $0xF7A, s2;
	p2 =	seq.s32 @!p0 s5, $0x0  }
0x1f: {  	s9 =	smul.u32 $0xF7A, s1;
	s8 =	simm.s32 @!p0 $0x1BF5;
	p2 =	por !p2, p0  }
0x20: {  	[sflag:s8] =	ssyncset.s32 @!p0 $0xFFFFF086;
	s6 =	sadd.s32 @!p0 s3, s7;
	s7 =	simm.s32 @!p0 $0x108  }
0x21: {  	s3 =	sadd.s32 s3, s9;
	s6 =	sadd.s32 @!p0 $0x88, s6;
	s7 =	simm.s32 @p2 $0x1082  }
0x22: {  	[simem:s7], [sflag:s8] =	dma.local @!p0 [hbm:s6], $0xF7A  }
0x23: {  	s9 =	sor.u32 $0xD0000000, s2;
	s6 =	simm.s32 $0x108;
	_ =	swait.ge @!p0 [sflag:s8], $0x0  }
0x24: {  	s3 =	sadd.s32 $0x88, s3;
	s6 =	simm.s32 @!p1 $0x1082;
	[sflag:s4] =	ssyncset.s32 $0xFFFFF086  }
0x25: {  	[simem:s6], [sflag:s4] =	dma.local [hbm:s3], $0xF7A  }
0x26: {  	[smem:$0x3F9D] =	sst s1;
	(tag) =	ssettag s2;
	_ =	strace s9  }
0x27: {  	s1 =	sld [smem:$0x3FAD]  }
0x28: {  	s2 =	sld [smem:$0x3FAE]  }
0x29: {  	s4 =	sld [smem:$0x3FB0]  }
0x2a: {  	p0 =	seq.s32 s5, $0x0;
	s5 =	sld [smem:$0x3FB1]  }
0x2b: {  	s6 =	sld [smem:$0x3FB2]  }
0x2c: {  	s7 =	sld [smem:$0x3FB3]  }
0x2d: {  	s3 =	simm.s32 $0x108;
	s8 =	sld [smem:$0x3FB4]  }
0x2e: {  	s3 =	simm.s32 @!p0 $0x1082;
	s9 =	sld [smem:$0x3FB5]  }
0x2f: {  	lr =	sadd.s32 s0, s3;
	s0 =	sld [smem:$0x3FAC]  }
0x30: {  	s3 =	sld [smem:$0x3FAF]  }
0x31: {  	[smem:$0x3FB8] =	sst s10  }
0x32: {  	s10 =	sld [smem:$0x3FB6];
	_ =	sdelay $0x3  }
0x33: {  	p0 =	seq.s32 s10, $0x1;
	s10 =	sld [smem:$0x3FB8];
	_ =	sdelay $0x3  }
0x34: {  	[smem:$0x3FB8] =	sst s10  }
0x35: {  	s10 =	sld [smem:$0x3FB7];
	_ =	sdelay $0x3  }
0x36: {  	p1 =	seq.s32 s10, $0x1;
	s10 =	sld [smem:$0x3FB8];
	_ =	sdelay $0x3  }
0x37: {  	[smem:$0x3FB8] =	sst s10  }
0x38: {  	s10 =	sld [smem:$0x3FB9]  }
0x39: {  	_ = 	snop;
	(pc) =	sbr.ind lr, $3  }
0x3a: {  	_ = 	snop  }
0x3b: {  	_ = 	snop  }
0x3c: {  	p2 =	seq.s32 s10, $0x1;
	s10 =	sld [smem:$0x3FB8]  }
0x3d: {  	_ =	shalt  }
0x3e: {  	_ =	shalt  }
0x3f: {  	_ =	shalt  }
0x40: {  	_ =	shalt  }
0x41: {  	_ =	shalt  }
0x42: {  	_ =	shalt  }
0x43: {  	_ =	shalt  }
0x44: {  	_ =	shalt  }
0x45: {  	_ =	shalt  }
0x46: {  	_ =	shalt  }
0x47: {  	_ =	shalt  }
0x48: {  	_ =	shalt  }
0x49: {  	_ =	shalt  }
0x4a: {  	_ =	shalt  }
0x4b: {  	_ =	shalt  }
0x4c: {  	_ =	shalt  }
0x4d: {  	_ =	shalt  }
0x4e: {  	_ =	shalt  }
0x4f: {  	_ =	shalt  }
0x50: {  	_ =	shalt  }
0x51: {  	_ =	shalt  }
0x52: {  	_ =	shalt  }
0x53: {  	_ =	shalt  }
0x54: {  	_ =	shalt  }
0x55: {  	_ =	shalt  }
0x56: {  	_ =	shalt  }
0x57: {  	_ =	shalt  }
0x58: {  	_ =	shalt  }
0x59: {  	_ =	shalt  }
0x5a: {  	_ =	shalt  }
0x5b: {  	_ =	shalt  }
0x5c: {  	_ =	shalt  }
0x5d: {  	_ =	shalt  }
0x5e: {  	_ =	shalt  }
0x5f: {  	_ =	shalt  }
0x60: {  	_ =	shalt  }
0x61: {  	_ =	shalt  }
0x62: {  	_ =	shalt  }
0x63: {  	_ =	shalt  }
0x64: {  	_ =	shalt  }
0x65: {  	_ =	shalt  }
0x66: {  	_ =	shalt  }
0x67: {  	_ =	shalt  }
0x68: {  	_ =	shalt  }
0x69: {  	_ =	shalt  }
0x6a: {  	_ =	shalt  }
0x6b: {  	_ =	shalt  }
0x6c: {  	_ =	shalt  }
0x6d: {  	_ =	shalt  }
0x6e: {  	_ =	shalt  }
0x6f: {  	_ =	shalt  }
0x70: {  	_ =	shalt  }
0x71: {  	_ =	shalt  }
0x72: {  	_ =	shalt  }
0x73: {  	_ =	shalt  }
0x74: {  	_ =	shalt  }
0x75: {  	_ =	shalt  }
0x76: {  	_ =	shalt  }
0x77: {  	_ =	shalt  }
0x78: {  	_ =	shalt  }
0x79: {  	_ =	shalt  }
0x7a: {  	_ =	shalt  }
0x7b: {  	_ =	shalt  }
0x7c: {  	_ =	shalt  }
0x7d: {  	_ =	shalt  }
0x7e: {  	_ =	shalt  }
0x7f: {  	_ =	shalt  }
0x80: {  	_ =	shalt  }
0x81: {  	_ =	shalt  }
0x82: {  	_ =	shalt  }
0x83: {  	_ =	shalt  }
0x84: {  	_ =	shalt  }
0x85: {  	_ =	shalt  }
0x86: {  	_ =	shalt  }
0x87: {  	_ =	shalt  }
.Lfunc_end0:
.L_simem_size_0:
called_computation_lowered:
.L_overlay_start_0:
0x88: {  	s2 =	sld [smem:$0x3FD9]  }
0x89: {  	s3 =	sld [smem:$0x3FFE];
	_ =	sdelay $0x1  }
0x8a: {  	s1 =	srdreg.scid  }
0x8b: {  	s0 =	sand.u32 $0x1, s1  }
0x8c: {  	s17 =	sshll.u32 s0, $0xA;
	s2 =	sadd.s32 s3, s2  }
0x8d: {  	s2 =	sadd.s32 s2, s17  }
0x8e: {  	[smem:$0x3FC4] =	sst s2  }
0x8f: {  	_ = 	snop  }
0x90: {  	s2 =	sld [smem:$0x3FD0];
	(tm) =	ssettm $0x1  }
0x91: {  	s18 =	sld [smem:$0x3FFB];
	_ =	sdelay $0x3  }
0x92: {  	_ =	strace s18  }
0x93: {  	s3 =	sld [smem:$0x3FFC];
	_ =	sdelay $0x3  }
0x94: {  	_ =	strace s3  }
0x95: {  	s3 =	sld [smem:$0x3FFD];
	_ =	sdelay $0x3  }
0x96: {  	_ =	strace s3  }
0x97: {  	_ =	strace $0x8FFFFFFF  }
0x98: {  	s19 =	sld [smem:$0x3FDB];
	_ =	sdelay $0x1  }
0x99: {  	s4 =	simm.s32 $_scs_section_size  }
0x9a: {  	s5 =	simm.s32 $_size__tile_overlayer_lowered;
	s6 =	simm.s32 $_tile_overlayer_lowered  }
0x9b: {  	s22 =	simm.s32 $0x1BFF;
	s21 =	sshll.u32 s6, $0x1;
	s3 =	sadd.s32 s4, s19  }
0x9c: {  	s7 =	simm.s32 $0x0;
	s20 =	sshll.u32 s5, $0x1;
	s5 =	sadd.s32 s21, s3  }
0x9d: {  	[timem:s7], [sflag:s22] =	dma.local [hbm:s5], s20  }
0x9e: {  	_ =	swait.ge [sflag:s22], s20  }
0x9f: {  	s4 =	ssub.s32 $0x0, s20;
	[sflag:s22] =	ssyncset.done $0x0  }
0xa0: {  	[sflag:s22] =	ssyncadd.s32 s4;
	_ =	sdelay $0x1  }
0xa1: {  	s23 =	simm.s32 $0x1B8B  }
0xa2: {  	_ =	swait.ge [sflag:s23], $0x1  }
0xa3: {  	[sflag:s23] =	ssyncset.done $0x0  }
0xa4: {  	s25 =	simm.s32 $0x1B8E;
	s24 =	sld [smem:$0x3FFE];
	[sflag:s23] =	ssyncadd.s32 $0xFFFFFFFF  }
0xa5: {  	s26 =	simm.s32 $execute0_lowered;
	[smem:$0x3FD2] =	sst s25  }
0xa6: {  	s5 =	sshll.u32 s26, $0x1;
	_ =	strace $0x80000046;
	[dreg:$0x1] =	wrdreg $0xFFFFFFFF  }
0xa7: {  	s28 =	simm.s32 $_size_execute0_lowered;
	s3 =	sadd.s32 s3, s5;
	[dreg:$0x0] =	wrdreg $0x0  }
0xa8: {  	s5 =	sshll.u32 s28, $0x1;
	[dreg:$0x2] =	wrdreg s3  }
0xa9: {  	[dreg:$0x3] =	wrdreg s5  }
0xaa: {  	[dreg:$0x4] =	wrdreg $0xC0  }
0xab: {  	_ =	task [dreg:s7], $0x5FFFF  }
0xac: {  	[dreg:$0x1] =	wrdreg $0xFFFFFFFF  }
0xad: {  	[dreg:$0x0] =	wrdreg $0x60  }
0xae: {  	[dreg:$0x2] =	wrdreg s2  }
0xaf: {  	[dreg:$0x3] =	wrdreg s24  }
0xb0: {  	[dreg:$0x4] =	wrdreg $0xA0000  }
0xb1: {  	[dreg:$0x5] =	wrdreg $0x9  }
0xb2: {  	_ =	task.clear_ibuf [dreg:s7], $0x6FFFF;
	_ =	strace $0x90000046  }
0xb3: {  	s29 =	simm.s32 $0x9;
	_ =	strace $0x80000048  }
0xb4: {  	_ =	swait.ge [sflag:s29], $0x1  }
0xb5: {  	[sflag:s29] =	ssyncadd.s32 $0xFFFFFFFF  }
0xb6: {  	_ =	strace $0x90000048  }
0xb7: {  	_ =	sfence  }
0xb8: {  	s30 =	sld [smem:$0x0];
	_ =	sdelay $0x2  }
0xb9: {  	s31 =	sshll.u32 s1, $0xD;
	s1 =	sshrl.u32 s1, $0x2  }
0xba: {  	s3 =	sand.u32 $0x4000, s31;
	s1 =	sadd.s32 s1, s30  }
0xbb: {  	s0 =	sor.u32 s3, s0;
	s1 =	sshll.u32 s1, $0x11  }
0xbc: {  	s0 =	sor.u32 s1, s0  }
0xbd: {  	s0 =	sadd.s32 $0x8F2B, s0  }
0xbe: {  	[sflag:s0] =	ssyncadd.remote.s32 $0x1  }
0xbf: {  	_ =	sfence.sel $0xFFFF  }
0xc0: {  	[dreg:$0x0] =	wrdreg $0xFFFFFFFF;
	(pc) =	sbr.abs _section_cstart, $3  }
0xc1: {  	[dreg:$0x1] =	wrdreg $0xFFFFFFFF  }
0xc2: {  	_ =	task.clear_ibuf [dreg:s7], $0x2FFFF;
	_ =	strace $0x9FFFFFFF  }
0xc3: {  	(tm) =	ssettm $0x7FFFFFFF  }
tec
execute0_lowered:
.L_overlay_start_1:
0x0: {  	(tag) =	ssettag $0x1  }
0x1: {  	s1 =	rddreg [dreg:$0x0]  }
0x2: {  	s0 =	rddreg [dreg:$0x1]  }
0x3: {  	s2 =	rddreg [dreg:$0x2];
	s3 =	srdreg.scid;
	s4 =	simm.s32 $0x0  }
0x4: {  	s13 =	stileid.u32;
	s19 =	simm.s32 $0xA;
	s28 =	simm.s32 $0x6000  }
0x5: {  	s29 =	simm.s32 $0x2;
	s14 =	simm.s32 $0x1;
	s15 =	simm.s32 $0x7  }
0x6: {  	s30 =	simm.s32 $0x0;
	s3 =	sand.u32 $0x1, s3;
	[smem:$0x7FF] =	sst s4  }
0x7: {  	s9 =	smul.u32 $0x13C00, s13;
	s5 =	sadd.s32 $0x14400, s0;
	s6 =	sadd.s32 $0xA400, s0  }
0x8: {  	s7 =	sadd.s32 $0x400, s0;
	s10 =	smul.u32 $0x4F000, s13;
	s11 =	sadd.s32 $0x6C600, s0  }
0x9: {  	s22 =	sshll.u32 s13, $0x6;
	s8 =	smul.u32 $0x13C000, s3;
	_ =	strace $0x80000047  }
0xa: {  	[dreg:$0x4] =	wrdreg s11;
	s20 =	ssub.s32 $0x2, s3;
	s11 =	sor.u32 $0x1C0A, s22  }
0xb: {  	p0 =	seq.s32 s3, $0x1;
	s22 =	simm.s32 $0x40;
	s21 =	sshrl.u32 s20, $0x1  }
0xc: {  	s12 =	sshrl.u32 s10, $0x2;
	s10 =	smul.u32 $0x5000, s13;
	s13 =	simm.s32 $0x4  }
0xd: {  	s9 =	sadd.s32 s9, s8;
	s8 =	sadd.s32 $0x1E400, s0;
	s12 =	sadd.s32 s12, s2  }
0xe: {  	s9 =	sshrl.u32 s9, $0x3;
	s23 =	sshrl.u32 s10, $0x3;
	s16 =	sshrl.u32 s12, $0x3  }
0xf: {  	s12 =	simm.s32 $0x5;
	s24 =	sadd.s32 s1, s23;
	[dreg:$0xb] =	wrdreg s16  }
0x10: {  	s0 =	sadd.s32 s9, s0;
	s25 =	sadd.s32 s5, s23;
	[dreg:$0x5] =	wrdreg s24  }
0x11: {  	s9 =	ssub.s32 s20, s21;
	s26 =	sadd.s32 s6, s23;
	[dreg:$0x6] =	wrdreg s25  }
.Ltmp0:
0x12: {  	s3 =	sadd.s32 s7, s23;
	[dreg:$0x7] =	wrdreg s26;
	(pc) =	sbr.rel .LBB2_1-.Ltmp0, $4  }
0x13: {  	s21 =	simm.s32 $0x9;
	s23 =	simm.s32 $0x2000;
	[dreg:$0x8] =	wrdreg s3  }
0x14: {  	s0 =	sadd.s32 $0x6EE00, s0;
	s31 =	smax.u32 s9, $0x1;
	s25 =	simm.s32 $0x4000  }
0x15: {  	s3 =	simm.s32 $0x3;
	s24 =	simm.s32 $0x6;
	[dreg:$0x9] =	wrdreg s0  }
0x16: {  	s26 =	simm.s32 $0x8;
	[dreg:$0xa] =	wrdreg s31;
	s0 =	simm.s32 $0x8000  }
.LBB2_12:
0x17: {  	_ =	swait.ge [sflag:s3], $0x2000  }
0x18: {  	[sflag:s3] =	ssyncset.done $0x0  }
0x19: {  	s9 =	simm.s32 $0x1F00;
	[sflag:s3] =	ssyncadd.s32 $0xFFFFE000  }
0x1a: {  	[spmem:s2] =	stream.indirect.scatter.add.f32 [tilespmem:s28], [sflag:$0x7], $0x80, s9, s22, $0xb8;
	[tilespmem:$0x1DC00] =	vst v63  }
0x1b: {  	_ =	swait.ge [sflag:s12], $0x2000  }
0x1c: {  	[sflag:s12] =	ssyncset.done $0x0  }
0x1d: {  	[sflag:s12] =	ssyncadd.s32 $0xFFFFE000  }
0x1e: {  	_ =	swait.ge [sflag:s13], $0x2000  }
0x1f: {  	[sflag:s13] =	ssyncset.done $0x0  }
0x20: {  	s17 =	simm.s32 $0x1F80;
	[sflag:s13] =	ssyncadd.s32 $0xFFFFE000  }
0x21: {  	[spmem:s2] =	stream.indirect.scatter.add.f32 [tilespmem:s0], [sflag:$0x8], $0x80, s17, s22, $0xb8;
	[tilespmem:$0x1DC00] =	vst v63  }
0x22: {  	_ =	swait.ge [sflag:s24], $0x2000  }
0x23: {  	[sflag:s24] =	ssyncset.done $0x0  }
0x24: {  	[sflag:s24] =	ssyncadd.s32 $0xFFFFE000  }
0x25: {  	_ =	swait.ge [sflag:s15], $0x2000  }
0x26: {  	[sflag:s15] =	ssyncset.done $0x0  }
0x27: {  	[sflag:s15] =	ssyncadd.s32 $0xFFFFE000  }
0x28: {  	_ =	swait.ge [sflag:s26], $0x2000  }
0x29: {  	[sflag:s26] =	ssyncset.done $0x0  }
0x2a: {  	[sflag:s26] =	ssyncadd.s32 $0xFFFFE000  }
0x2b: {  	[bflag:$0x0] =	sbarrier.arrive $0xFFFF  }
0x2c: {  	s20 =	rddreg [dreg:$0x9]  }
0x2d: {  	s16 =	rddreg [dreg:$0xb]  }
0x2e: {  	[hbm:s20], [sflag:s18] =	dma.local [spmem:s16], $0x2780  }
0x2f: {  	_ =	swait.ge [sflag:s19], $0x2780  }
0x30: {  	s30 =	sadd.s32 $0x1, s30;
	s31 =	rddreg [dreg:$0xa]  }
0x31: {  	p1 =	sne.s32 s30, s31  }
.Ltmp1:
0x32: {  	_ = 	snop;
	(pc) =	sbr.rel @!p1 .LBB2_13-.Ltmp1, $3  }
0x33: {  	_ =	sdelay $0x1  }
0x34: {  	[sflag:s19] =	ssyncset.done $0x0  }
0x35: {  	s11 =	smov.u32 s18;
	[sflag:s19] =	ssyncadd.s32 $0xFFFFD880  }
.LBB2_1:
0x36: {  	s9 =	rddreg [dreg:$0x4]  }
0x37: {  	[spmem:s16], [sflag:s11] =	dma.local [hbm:s9], $0x2780  }
.Ltmp2:
0x38: {  	_ =	swait.ge [sflag:s19], $0x2780;
	(pc) =	sbr.rel @!p0 .LBB2_2-.Ltmp2, $4  }
0x39: {  	[sflag:s19] =	ssyncset.done $0x0  }
0x3a: {  	[sflag:s19] =	ssyncadd.s32 $0xFFFFD880  }
0x3b: {  	[bflag:$0x0] =	sbarrier.arrive $0xFFFF  }
0x3c: {  	s18 =	smov.u32 s11  }
0x3d: {  	s9 =	rddreg [dreg:$0x7]  }
0x3e: {  	[tilespmem:s4], [sflag:$0x9] =	stream.linear.gather [hbm4b:s9+s4], $0x800, $0x38;
	[tilespmem:$0x1DC00] =	vst v63  }
0x3f: {  	s17 =	rddreg [dreg:$0x8];
	s11 =	simm.s32 $0x1000  }
0x40: {  	[tilespmem:s11], [sflag:$0x9] =	stream.linear.gather [hbm4b:s17+s4], $0x800, $0x38;
	[tilespmem:$0x1DC00] =	vst v63  }
0x41: {  	_ =	swait.ge [sflag:s21], $0x800  }
0x42: {  	[sflag:s21] =	ssyncset.done $0x0  }
0x43: {  	[sflag:s21] =	ssyncadd.s32 $0xFFFFF800  }
0x44: {  	_ =	swait.ge [sflag:s21], $0x800  }
0x45: {  	[sflag:s21] =	ssyncset.done $0x0  }
0x46: {  	[sflag:s21] =	ssyncadd.s32 $0xFFFFF800  }
0x47: {  	[tilespmem:s23], [sflag:$0x1] =	stream.indirect.gather [hbm4b:s8+s22], $0x80, s4, s22, $0xb8;
	[tilespmem:$0x1DC00] =	vst v63  }
0x48: {  	s20 =	simm.s32 $0x80;
	s31 =	simm.s32 $0x1  }
0x49: {  	[tilespmem:s25], [sflag:$0x2] =	stream.indirect.gather [hbm4b:s8+s22], $0x80, s20, s22, $0xb8;
	[tilespmem:$0x1DC00] =	vst v63  }
0x4a: {  	_ =	swait.ge [sflag:s31], $0x2000  }
0x4b: {  	[sflag:s31] =	ssyncset.done $0x0  }
0x4c: {  	[sflag:s31] =	ssyncadd.s32 $0xFFFFE000  }
0x4d: {  	[spmem:s2] =	stream.indirect.scatter.add.f32 [tilespmem:s23], [sflag:$0x5], $0x80, s11, s22, $0xb8;
	[tilespmem:$0x1DC00] =	vst v63  }
0x4e: {  	s16 =	simm.s32 $0x100  }
0x4f: {  	[tilespmem:s28], [sflag:$0x3] =	stream.indirect.gather [hbm4b:s8+s22], $0x80, s16, s22, $0xb8;
	[tilespmem:$0x1DC00] =	vst v63  }
0x50: {  	_ =	swait.ge [sflag:s29], $0x2000  }
0x51: {  	[sflag:s29] =	ssyncset.done $0x0  }
.Ltmp3:
0x52: {  	s17 =	simm.s32 $0x1080;
	[sflag:s29] =	ssyncadd.s32 $0xFFFFE000;
	(pc) =	sbr.rel .LBB2_8-.Ltmp3, $4  }
0x53: {  	[spmem:s2] =	stream.indirect.scatter.add.f32 [tilespmem:s25], [sflag:$0x6], $0x80, s17, s22, $0xb8;
	[tilespmem:$0x1DC00] =	vst v63  }
0x54: {  	s20 =	simm.s32 $0x180  }
0x55: {  	[tilespmem:s0], [sflag:$0x4] =	stream.indirect.gather [hbm4b:s8+s22], $0x80, s20, s22, $0xb8;
	[tilespmem:$0x1DC00] =	vst v63  }
0x56: {  	s9 =	simm.s32 $0x200;
	s20 =	simm.s32 $0x3  }
.LBB2_10:
0x57: {  	p1 =	sne.s32 s16, $0x0  }
0x58: {  	s11 =	simm.s32 @!p1 $0x9  }
0x59: {  	_ =	swait.ge @!p1 [sflag:s11], $0x800  }
0x5a: {  	[sflag:s11] =	ssyncset.done @!p1 $0x0  }
0x5b: {  	[sflag:s11] =	ssyncadd.s32 @!p1 $0xFFFFF800  }
0x5c: {  	_ =	swait.ge @!p1 [sflag:s11], $0x800  }
0x5d: {  	[sflag:s11] =	ssyncset.done @!p1 $0x0  }
0x5e: {  	[sflag:s11] =	ssyncadd.s32 @!p1 $0xFFFFF800  }
.LBB2_11:
0x5f: {  	s11 =	sadd.s32 $0xFFFFFFFF, s20  }
0x60: {  	s16 =	sshll.u32 s11, $0x10  }
0x61: {  	s16 =	sshra.s32 s16, $0x1F  }
0x62: {  	s16 =	sand.u32 $0xF, s16  }
0x63: {  	s16 =	sadd.s32 s16, s11  }
0x64: {  	s11 =	sshrl.u32 s11, $0x1F;
	s16 =	sshrl.u32 s16, $0x4  }
0x65: {  	s11 =	sadd.s32 s16, s11  }
0x66: {  	s17 =	sadd.s32 $0xFFFFFF00, s9;
	_ =	swait.ge [sflag:s3], $0x2000;
	s11 =	sshll.u32 s11, $0xB  }
0x67: {  	s16 =	sand.u32 $0x700, s17;
	s17 =	sshll.u32 s20, $0x10;
	s11 =	sand.u32 $0x800, s11  }
0x68: {  	[sflag:s3] =	ssyncset.done $0x0;
	s11 =	sor.u32 s16, s11;
	s16 =	sshra.s32 s17, $0x1F  }
0x69: {  	[sflag:s3] =	ssyncadd.s32 $0xFFFFE000;
	s11 =	sor.u32 $0x1000, s11;
	s16 =	sand.u32 $0xF, s16  }
0x6a: {  	[spmem:s2] =	stream.indirect.scatter.add.f32 [tilespmem:s28], [sflag:$0x7], $0x80, s11, s22, $0xb8;
	[tilespmem:$0x1DC00] =	vst v63  }
0x6b: {  	s16 =	sadd.s32 s16, s20  }
0x6c: {  	s17 =	sshrl.u32 s20, $0x1F;
	_ =	swait.ge [sflag:s12], $0x2000;
	s16 =	sshrl.u32 s16, $0x4  }
0x6d: {  	s11 =	sand.u32 $0xE00, s9;
	[sflag:s12] =	ssyncset.done $0x0;
	s16 =	sadd.s32 s16, s17  }
0x6e: {  	s17 =	sadd.s32 $0xFFFFFF80, s9;
	[sflag:s12] =	ssyncadd.s32 $0xFFFFE000;
	s16 =	sshll.u32 s16, $0xB  }
0x6f: {  	[tilespmem:s23], [sflag:$0x1] =	stream.indirect.gather [hbm4b:s8+s22], $0x80, s11, s22, $0xb8;
	[tilespmem:$0x1DC00] =	vst v63  }
0x70: {  	s17 =	sand.u32 $0x780, s17;
	s16 =	sand.u32 $0x800, s16;
	_ =	swait.ge [sflag:s13], $0x2000  }
0x71: {  	s16 =	sor.u32 s17, s16;
	[sflag:s13] =	ssyncset.done $0x0  }
0x72: {  	s16 =	sor.u32 $0x1000, s16;
	[sflag:s13] =	ssyncadd.s32 $0xFFFFE000  }
0x73: {  	[spmem:s2] =	stream.indirect.scatter.add.f32 [tilespmem:s0], [sflag:$0x8], $0x80, s16, s22, $0xb8;
	[tilespmem:$0x1DC00] =	vst v63  }
0x74: {  	_ =	swait.ge [sflag:s24], $0x2000  }
0x75: {  	[sflag:s24] =	ssyncset.done $0x0  }
0x76: {  	s17 =	sor.u32 $0x80, s11;
	[sflag:s24] =	ssyncadd.s32 $0xFFFFE000  }
0x77: {  	[tilespmem:s25], [sflag:$0x2] =	stream.indirect.gather [hbm4b:s8+s22], $0x80, s17, s22, $0xb8;
	[tilespmem:$0x1DC00] =	vst v63  }
0x78: {  	_ =	swait.ge [sflag:s14], $0x2000  }
0x79: {  	[sflag:s14] =	ssyncset.done $0x0  }
0x7a: {  	s17 =	sor.u32 $0x1000, s11;
	[sflag:s14] =	ssyncadd.s32 $0xFFFFE000  }
0x7b: {  	[spmem:s2] =	stream.indirect.scatter.add.f32 [tilespmem:s23], [sflag:$0x5], $0x80, s17, s22, $0xb8;
	[tilespmem:$0x1DC00] =	vst v63  }
0x7c: {  	_ =	swait.ge [sflag:s15], $0x2000  }
0x7d: {  	[sflag:s15] =	ssyncset.done $0x0  }
0x7e: {  	s17 =	sor.u32 $0x100, s11;
	[sflag:s15] =	ssyncadd.s32 $0xFFFFE000  }
0x7f: {  	[tilespmem:s28], [sflag:$0x3] =	stream.indirect.gather [hbm4b:s8+s22], $0x80, s17, s22, $0xb8;
	[tilespmem:$0x1DC00] =	vst v63  }
0x80: {  	_ =	swait.ge [sflag:s29], $0x2000  }
0x81: {  	s9 =	sadd.s32 $0x200, s9;
	[sflag:s29] =	ssyncset.done $0x0  }
0x82: {  	p1 =	sne.s32 s9, $0x5000;
	s17 =	sor.u32 $0x1080, s11;
	[sflag:s29] =	ssyncadd.s32 $0xFFFFE000  }
0x83: {  	[spmem:s2] =	stream.indirect.scatter.add.f32 [tilespmem:s25], [sflag:$0x6], $0x80, s17, s22, $0xb8;
	[tilespmem:$0x1DC00] =	vst v63  }
.Ltmp4:
0x84: {  	_ = 	snop;
	(pc) =	sbr.rel @!p1 .LBB2_12-.Ltmp4, $4  }
0x85: {  	_ =	swait.ge [sflag:s26], $0x2000  }
0x86: {  	s31 =	sadd.s32 $0x1, s31;
	[sflag:s26] =	ssyncset.done $0x0  }
0x87: {  	s20 =	sadd.s32 $0x4, s20;
	s11 =	sor.u32 $0x180, s11;
	[sflag:s26] =	ssyncadd.s32 $0xFFFFE000  }
0x88: {  	[tilespmem:s0], [sflag:$0x4] =	stream.indirect.gather [hbm4b:s8+s22], $0x80, s11, s22, $0xb8;
	[tilespmem:$0x1DC00] =	vst v63  }
.LBB2_8:
0x89: {  	s16 =	sand.u32 $0x3, s31;
	p1 =	sgt.u32 s31, $0x23  }
0x8a: {  	p2 =	sne.s32 @!p1 s16, $0x1  }
0x8b: {  	p1 =	por p1, p2  }
.Ltmp5:
0x8c: {  	_ = 	snop;
	(pc) =	sbr.rel @p1 .LBB2_10-.Ltmp5, $1  }
0x8d: {  	_ =	sdelay $0x3  }
0x8e: {  	s11 =	sand.u32 $0x7800, s9  }
0x8f: {  	s11 =	sadd.s32 $0x800, s11  }
0x90: {  	s16 =	sadd.s32 s10, s11  }
.Ltmp6:
0x91: {  	s16 =	sshrl.u32 s16, $0x3;
	(pc) =	sbr.rel .LBB2_11-.Ltmp6, $4  }
0x92: {  	s11 =	sand.u32 $0x800, s11;
	s17 =	sadd.s32 s6, s16  }
0x93: {  	[tilespmem:s11], [sflag:$0x9] =	stream.linear.gather [hbm4b:s17+s4], $0x800, $0x38;
	[tilespmem:$0x1DC00] =	vst v63  }
0x94: {  	s16 =	sadd.s32 s7, s16;
	s11 =	sor.u32 $0x1000, s11  }
0x95: {  	[tilespmem:s11], [sflag:$0x9] =	stream.linear.gather [hbm4b:s16+s4], $0x800, $0x38;
	[tilespmem:$0x1DC00] =	vst v63  }
.LBB2_2:
0x96: {  	s9 =	rddreg [dreg:$0x5]  }
0x97: {  	[tilespmem:s4], [sflag:$0x9] =	stream.linear.gather [hbm4b:s9+s4], $0x800, $0x38;
	[tilespmem:$0x1DC00] =	vst v63  }
0x98: {  	s17 =	rddreg [dreg:$0x6];
	s11 =	simm.s32 $0x1000  }
0x99: {  	[tilespmem:s11], [sflag:$0x9] =	stream.linear.gather [hbm4b:s17+s4], $0x800, $0x38;
	[tilespmem:$0x1DC00] =	vst v63  }
0x9a: {  	_ =	swait.ge [sflag:s21], $0x800  }
0x9b: {  	[sflag:s21] =	ssyncset.done $0x0  }
0x9c: {  	[sflag:s21] =	ssyncadd.s32 $0xFFFFF800  }
0x9d: {  	_ =	swait.ge [sflag:s21], $0x800  }
0x9e: {  	[sflag:s21] =	ssyncset.done $0x0  }
0x9f: {  	[sflag:s21] =	ssyncadd.s32 $0xFFFFF800  }
0xa0: {  	[tilespmem:s23], [sflag:$0x1] =	stream.indirect.gather [hbm4b:s8+s22], $0x80, s4, s22, $0xb8;
	[tilespmem:$0x1DC00] =	vst v63  }
0xa1: {  	s20 =	simm.s32 $0x80;
	s31 =	simm.s32 $0x1  }
0xa2: {  	[tilespmem:s25], [sflag:$0x2] =	stream.indirect.gather [hbm4b:s8+s22], $0x80, s20, s22, $0xb8;
	[tilespmem:$0x1DC00] =	vst v63  }
0xa3: {  	_ =	swait.ge [sflag:s31], $0x2000  }
0xa4: {  	[sflag:s31] =	ssyncset.done $0x0  }
0xa5: {  	[sflag:s31] =	ssyncadd.s32 $0xFFFFE000  }
0xa6: {  	[spmem:s2] =	stream.indirect.scatter.add.f32 [tilespmem:s23], [sflag:$0x5], $0x80, s11, s22, $0xb8;
	[tilespmem:$0x1DC00] =	vst v63  }
0xa7: {  	s16 =	simm.s32 $0x100  }
0xa8: {  	[tilespmem:s28], [sflag:$0x3] =	stream.indirect.gather [hbm4b:s8+s22], $0x80, s16, s22, $0xb8;
	[tilespmem:$0x1DC00] =	vst v63  }
0xa9: {  	_ =	swait.ge [sflag:s29], $0x2000  }
0xaa: {  	[sflag:s29] =	ssyncset.done $0x0  }
.Ltmp7:
0xab: {  	s17 =	simm.s32 $0x1080;
	[sflag:s29] =	ssyncadd.s32 $0xFFFFE000;
	(pc) =	sbr.rel .LBB2_3-.Ltmp7, $4  }
0xac: {  	[spmem:s2] =	stream.indirect.scatter.add.f32 [tilespmem:s25], [sflag:$0x6], $0x80, s17, s22, $0xb8;
	[tilespmem:$0x1DC00] =	vst v63  }
0xad: {  	s20 =	simm.s32 $0x180  }
0xae: {  	[tilespmem:s0], [sflag:$0x4] =	stream.indirect.gather [hbm4b:s8+s22], $0x80, s20, s22, $0xb8;
	[tilespmem:$0x1DC00] =	vst v63  }
0xaf: {  	s9 =	simm.s32 $0x200;
	s20 =	simm.s32 $0x3  }
.LBB2_5:
0xb0: {  	p1 =	sne.s32 s16, $0x0  }
0xb1: {  	s11 =	simm.s32 @!p1 $0x9  }
0xb2: {  	_ =	swait.ge @!p1 [sflag:s11], $0x800  }
0xb3: {  	[sflag:s11] =	ssyncset.done @!p1 $0x0  }
0xb4: {  	[sflag:s11] =	ssyncadd.s32 @!p1 $0xFFFFF800  }
0xb5: {  	_ =	swait.ge @!p1 [sflag:s11], $0x800  }
0xb6: {  	[sflag:s11] =	ssyncset.done @!p1 $0x0  }
0xb7: {  	[sflag:s11] =	ssyncadd.s32 @!p1 $0xFFFFF800  }
.LBB2_6:
0xb8: {  	s11 =	sadd.s32 $0xFFFFFFFF, s20  }
0xb9: {  	s16 =	sshll.u32 s11, $0x10  }
0xba: {  	s16 =	sshra.s32 s16, $0x1F  }
0xbb: {  	s16 =	sand.u32 $0xF, s16  }
0xbc: {  	s16 =	sadd.s32 s16, s11  }
0xbd: {  	s11 =	sshrl.u32 s11, $0x1F;
	s16 =	sshrl.u32 s16, $0x4  }
0xbe: {  	s11 =	sadd.s32 s16, s11  }
0xbf: {  	s17 =	sadd.s32 $0xFFFFFF00, s9;
	_ =	swait.ge [sflag:s3], $0x2000;
	s11 =	sshll.u32 s11, $0xB  }
0xc0: {  	s16 =	sand.u32 $0x700, s17;
	s17 =	sshll.u32 s20, $0x10;
	s11 =	sand.u32 $0x800, s11  }
0xc1: {  	[sflag:s3] =	ssyncset.done $0x0;
	s11 =	sor.u32 s16, s11;
	s16 =	sshra.s32 s17, $0x1F  }
0xc2: {  	[sflag:s3] =	ssyncadd.s32 $0xFFFFE000;
	s11 =	sor.u32 $0x1000, s11;
	s16 =	sand.u32 $0xF, s16  }
0xc3: {  	[spmem:s2] =	stream.indirect.scatter.add.f32 [tilespmem:s28], [sflag:$0x7], $0x80, s11, s22, $0xb8;
	[tilespmem:$0x1DC00] =	vst v63  }
0xc4: {  	s16 =	sadd.s32 s16, s20  }
0xc5: {  	s17 =	sshrl.u32 s20, $0x1F;
	_ =	swait.ge [sflag:s12], $0x2000;
	s16 =	sshrl.u32 s16, $0x4  }
0xc6: {  	s11 =	sand.u32 $0xE00, s9;
	[sflag:s12] =	ssyncset.done $0x0;
	s16 =	sadd.s32 s16, s17  }
0xc7: {  	s17 =	sadd.s32 $0xFFFFFF80, s9;
	[sflag:s12] =	ssyncadd.s32 $0xFFFFE000;
	s16 =	sshll.u32 s16, $0xB  }
0xc8: {  	[tilespmem:s23], [sflag:$0x1] =	stream.indirect.gather [hbm4b:s8+s22], $0x80, s11, s22, $0xb8;
	[tilespmem:$0x1DC00] =	vst v63  }
0xc9: {  	s17 =	sand.u32 $0x780, s17;
	s16 =	sand.u32 $0x800, s16;
	_ =	swait.ge [sflag:s13], $0x2000  }
0xca: {  	s16 =	sor.u32 s17, s16;
	[sflag:s13] =	ssyncset.done $0x0  }
0xcb: {  	s16 =	sor.u32 $0x1000, s16;
	[sflag:s13] =	ssyncadd.s32 $0xFFFFE000  }
0xcc: {  	[spmem:s2] =	stream.indirect.scatter.add.f32 [tilespmem:s0], [sflag:$0x8], $0x80, s16, s22, $0xb8;
	[tilespmem:$0x1DC00] =	vst v63  }
0xcd: {  	_ =	swait.ge [sflag:s24], $0x2000  }
0xce: {  	[sflag:s24] =	ssyncset.done $0x0  }
0xcf: {  	s17 =	sor.u32 $0x80, s11;
	[sflag:s24] =	ssyncadd.s32 $0xFFFFE000  }
0xd0: {  	[tilespmem:s25], [sflag:$0x2] =	stream.indirect.gather [hbm4b:s8+s22], $0x80, s17, s22, $0xb8;
	[tilespmem:$0x1DC00] =	vst v63  }
0xd1: {  	_ =	swait.ge [sflag:s14], $0x2000  }
0xd2: {  	[sflag:s14] =	ssyncset.done $0x0  }
0xd3: {  	s17 =	sor.u32 $0x1000, s11;
	[sflag:s14] =	ssyncadd.s32 $0xFFFFE000  }
0xd4: {  	[spmem:s2] =	stream.indirect.scatter.add.f32 [tilespmem:s23], [sflag:$0x5], $0x80, s17, s22, $0xb8;
	[tilespmem:$0x1DC00] =	vst v63  }
0xd5: {  	_ =	swait.ge [sflag:s15], $0x2000  }
0xd6: {  	[sflag:s15] =	ssyncset.done $0x0  }
0xd7: {  	s17 =	sor.u32 $0x100, s11;
	[sflag:s15] =	ssyncadd.s32 $0xFFFFE000  }
0xd8: {  	[tilespmem:s28], [sflag:$0x3] =	stream.indirect.gather [hbm4b:s8+s22], $0x80, s17, s22, $0xb8;
	[tilespmem:$0x1DC00] =	vst v63  }
0xd9: {  	_ =	swait.ge [sflag:s29], $0x2000  }
0xda: {  	s9 =	sadd.s32 $0x200, s9;
	[sflag:s29] =	ssyncset.done $0x0  }
0xdb: {  	p1 =	seq.s32 s9, $0x5000;
	s17 =	sor.u32 $0x1080, s11;
	[sflag:s29] =	ssyncadd.s32 $0xFFFFE000  }
0xdc: {  	[spmem:s2] =	stream.indirect.scatter.add.f32 [tilespmem:s25], [sflag:$0x6], $0x80, s17, s22, $0xb8;
	[tilespmem:$0x1DC00] =	vst v63  }
.Ltmp8:
0xdd: {  	_ = 	snop;
	(pc) =	sbr.rel @p1 .LBB2_12-.Ltmp8, $4  }
0xde: {  	_ =	swait.ge [sflag:s26], $0x2000  }
0xdf: {  	s31 =	sadd.s32 $0x1, s31;
	[sflag:s26] =	ssyncset.done $0x0  }
0xe0: {  	s20 =	sadd.s32 $0x4, s20;
	s11 =	sor.u32 $0x180, s11;
	[sflag:s26] =	ssyncadd.s32 $0xFFFFE000  }
0xe1: {  	[tilespmem:s0], [sflag:$0x4] =	stream.indirect.gather [hbm4b:s8+s22], $0x80, s11, s22, $0xb8;
	[tilespmem:$0x1DC00] =	vst v63  }
.LBB2_3:
0xe2: {  	s16 =	sand.u32 $0x3, s31;
	p1 =	sgt.u32 s31, $0x23  }
0xe3: {  	p2 =	sne.s32 @!p1 s16, $0x1  }
0xe4: {  	p1 =	por p1, p2  }
.Ltmp9:
0xe5: {  	_ = 	snop;
	(pc) =	sbr.rel @p1 .LBB2_5-.Ltmp9, $1  }
0xe6: {  	_ =	sdelay $0x3  }
0xe7: {  	s16 =	sand.u32 $0x7800, s9  }
0xe8: {  	s16 =	sadd.s32 $0x800, s16  }
0xe9: {  	s17 =	sadd.s32 s10, s16  }
.Ltmp10:
0xea: {  	s17 =	sshrl.u32 s17, $0x3;
	(pc) =	sbr.rel .LBB2_6-.Ltmp10, $4  }
0xeb: {  	s16 =	sand.u32 $0x800, s16;
	s11 =	sadd.s32 s1, s17  }
0xec: {  	[tilespmem:s16], [sflag:$0x9] =	stream.linear.gather [hbm4b:s11+s4], $0x800, $0x38;
	[tilespmem:$0x1DC00] =	vst v63  }
0xed: {  	s17 =	sadd.s32 s5, s17;
	s16 =	sor.u32 $0x1000, s16  }
0xee: {  	[tilespmem:s16], [sflag:$0x9] =	stream.linear.gather [hbm4b:s17+s4], $0x800, $0x38;
	[tilespmem:$0x1DC00] =	vst v63  }
.LBB2_13:
0xef: {  	_ =	sfence.sel $0x180000  }
0xf0: {  	[bflag:$0x0] =	sbarrier.arrive $0xFFFF  }
0xf1: {  	_ =	strace $0x90000047  }
0xf2: {  	s0 =	stileid.u32;
	[bflag:$0x2] =	sbarrier.arrive $0xFFFF  }
0xf3: {  	p0 =	sne.s32 s0, $0x0;
	s0 =	rddreg [dreg:$0x3]  }
0xf4: {  	s0 =	sadd.s32 @!p0 $0x100000, s0  }
0xf5: {  	[sflag:s0] =	ssyncadd.tile.s32 @!p0 $0x1;
	_ =	shalt  }
.Lfunc_end2:
_tile_overlayer_lowered:
.L_overlay_start_2:
0xf6: {  	(tag) =	ssettag $0x2  }
0xf7: {  	s0 =	rddreg [dreg:$0x0];
	s2 =	stileid.u32  }
0xf8: {  	s1 =	rddreg [dreg:$0x1];
	p0 =	sne.s32 s2, $0x0  }
0xf9: {  	s3 =	rddreg [dreg:$0x2];
	[bflag:$0x3] =	sbarrier.arrive $0xFFFF;
	s2 =	simm.s32 @!p0 $0x1C0A  }
0xfa: {  	[timem:s3], [sflag:s2] =	dma.local @!p0 [hbm:s0], s1  }
0xfb: {  	s0 =	simm.s32 @!p0 $0xA  }
0xfc: {  	_ =	swait.ge @!p0 [sflag:s0], s1  }
0xfd: {  	s1 =	ssub.s32 @!p0 $0x0, s1;
	[sflag:s0] =	ssyncset.done @!p0 $0x0  }
0xfe: {  	[sflag:s0] =	ssyncadd.s32 @!p0 s1  }
0xff: {  	[bflag:$0x3] =	sbarrier.arrive $0xFFFF  }
0x100: {  	_ =	shalt  }

</sc_bundles>
